<compile_context>
chip_gen: v7x
topology: tpu7x:2x2x1
jax: 0.10.2.dev20260603
libtpu: 0.0.44.dev20260713+nightly
codegen_flags: <defaults>
</compile_context>

<pallas_src>
import jax
import jax.numpy as jnp
from jax import lax
from jax.experimental import pallas as pl
from jax.experimental.pallas import tpu as pltpu
from jax.experimental.pallas import tpu_sc as plsc

N = 10000
E = 160000
NS = 16
SLICE = 640
NPAD = NS * SLICE
EPT = E // NS
OCHUNK = 1024
ONT = NPAD // OCHUNK
FULL_T = N // SLICE
REM = N - FULL_T * SLICE
OFF = SLICE - REM
H1 = 2048
H2 = 1024
H3 = 256
OUT = 124
EPS = 1e-5
NEG_SLOPE = 0.01



def _sc_body(ei_h, x_h, s2_h, t_h, hacc0, hacc2, hb2, hbz, hst2,
             src_v, dst_v, tab, tab_z, x_sv,
             acc, colbuf, tdinv, twx, tz, tmp_v, tmp2, stage_v, sem):
    tid = lax.axis_index("s")
    base_e = tid * EPT
    base_n = tid * SLICE
    zeros16 = jnp.zeros((16,), jnp.float32)
    ones16 = jnp.ones((16,), jnp.float32)

    cp_src = pltpu.async_copy(ei_h.at[pl.ds(base_e, EPT)], src_v, sem)
    cp_dst = pltpu.async_copy(ei_h.at[pl.ds(E + base_e, EPT)], dst_v, sem)

    def zero(ref, lo, n):
        @plsc.parallel_loop(lo // 16, (lo + n) // 16, unroll=8)
        def _(i):
            ref[pl.ds(i * 16, 16)] = zeros16

    def reduce_cols(cb, out_ref):
        @plsc.parallel_loop(0, SLICE // 16, unroll=4)
        def _(k):
            a = cb[0, pl.ds(k * 16, 16)]
            for j in range(1, NS):
                a = a + cb[j, pl.ds(k * 16, 16)]
            out_ref[pl.ds(k * 16, 16)] = a

    def to2d(src_ref, dst2):
        for r in range(OCHUNK // 128):
            @pl.loop(0, 8)
            def _(c):
                dst2[r, pl.ds(c * 16, 16)] = src_ref[pl.ds(r * 128 + c * 16,
                                                           16)]

    zero(acc, 0, NPAD)

    @pl.when(tid < FULL_T)
    def _():
        pltpu.sync_copy(x_h.at[pl.ds(base_n, SLICE)], x_sv)

    @pl.when(tid == FULL_T)
    def _():
        pltpu.sync_copy(x_h.at[pl.ds(N - SLICE, SLICE)], tmp_v)
        for k in range(REM // 16):
            x_sv[pl.ds(k * 16, 16)] = tmp_v[pl.ds(OFF + k * 16, 16)]
        for k in range(REM // 16, SLICE // 16):
            x_sv[pl.ds(k * 16, 16)] = zeros16

    cp_src.wait()
    cp_dst.wait()

    @plsc.parallel_loop(0, EPT // 16, unroll=4)
    def _(i):
        d16 = dst_v[pl.ds(i * 16, 16)]
        plsc.addupdate_scatter(acc, [d16], ones16)

    pltpu.sync_copy(acc.at[pl.ds(0, NPAD)], hacc0.at[tid])
    plsc.subcore_barrier()
    pltpu.sync_copy(hacc0.at[:, pl.ds(base_n, SLICE)], colbuf)
    reduce_cols(colbuf, tmp_v)

    @plsc.parallel_loop(0, SLICE // 16, unroll=2)
    def _(k):
        deg = tmp_v[pl.ds(k * 16, 16)] + 1.0
        i32 = plsc.bitcast(deg, jnp.int32)
        i32 = jnp.int32(0x5F3759DF) - lax.shift_right_logical(i32, 1)
        y = plsc.bitcast(i32, jnp.float32)
        half = deg * 0.5
        for _ in range(3):
            y = y * (1.5 - half * y * y)
        tdinv[pl.ds(k * 16, 16)] = y
        twx[pl.ds(k * 16, 16)] = y * x_sv[pl.ds(k * 16, 16)]

    @pl.when(tid < FULL_T)
    def _():
        pltpu.sync_copy(tdinv, hb2.at[pl.ds(base_n, SLICE)])
        pltpu.sync_copy(twx, hb2.at[pl.ds(N + base_n, SLICE)])

    @pl.when(tid == FULL_T)
    def _():
        pltpu.sync_copy(tdinv.at[pl.ds(0, REM)], hb2.at[pl.ds(base_n, REM)])
        pltpu.sync_copy(twx.at[pl.ds(0, REM)], hb2.at[pl.ds(N + base_n, REM)])

    plsc.subcore_barrier()
    cp_tab = pltpu.async_copy(hb2, tab, sem)
    zero(acc, 0, 2 * NPAD)
    cp_tab.wait()

    n16 = jnp.full((16,), N, jnp.int32)
    npad16 = jnp.full((16,), NPAD, jnp.int32)

    @plsc.parallel_loop(0, EPT // 16, unroll=4)
    def _(i):
        s16 = src_v[pl.ds(i * 16, 16)]
        d16 = dst_v[pl.ds(i * 16, 16)]
        g_d = plsc.load_gather(tab, [s16])
        g_wx = plsc.load_gather(tab, [s16 + n16])
        plsc.addupdate_scatter(acc, [d16], g_wx)
        plsc.addupdate_scatter(acc, [d16 + npad16], g_d)

    pltpu.sync_copy(acc, hacc2.at[tid])
    plsc.subcore_barrier()
    pltpu.sync_copy(hacc2.at[:, pl.ds(base_n, SLICE)], colbuf)
    reduce_cols(colbuf, tmp_v)

    @plsc.parallel_loop(0, SLICE // 16, unroll=2)
    def _(k):
        dv = tdinv[pl.ds(k * 16, 16)]
        s1 = dv * (tmp_v[pl.ds(k * 16, 16)] + twx[pl.ds(k * 16, 16)])
        tz[pl.ds(k * 16, 16)] = dv * s1

    @pl.when(tid < FULL_T)
    def _():
        pltpu.sync_copy(tz, hbz.at[pl.ds(base_n, SLICE)])

    @pl.when(tid == FULL_T)
    def _():
        pltpu.sync_copy(tz.at[pl.ds(0, REM)], hbz.at[pl.ds(base_n, REM)])

    plsc.subcore_barrier()
    cp_tz = pltpu.async_copy(hbz, tab_z, sem)
    cp_t = pltpu.async_copy(hacc2.at[:, pl.ds(NPAD + base_n, SLICE)],
                            colbuf, sem)
    zero(acc, 0, NPAD)
    cp_t.wait()
    reduce_cols(colbuf, tmp_v)

    @plsc.parallel_loop(0, SLICE // 16, unroll=2)
    def _(k):
        dv = tdinv[pl.ds(k * 16, 16)]
        tmp_v[pl.ds(k * 16, 16)] = dv * (tmp_v[pl.ds(k * 16, 16)] + dv)

    pltpu.sync_copy(tmp_v, hst2.at[pl.ds(base_n, SLICE)])

    cp_tz.wait()

    @plsc.parallel_loop(0, EPT // 16, unroll=4)
    def _(i):
        s16 = src_v[pl.ds(i * 16, 16)]
        d16 = dst_v[pl.ds(i * 16, 16)]
        g_z = plsc.load_gather(tab_z, [s16])
        plsc.addupdate_scatter(acc, [d16], g_z)

    pltpu.sync_copy(acc.at[pl.ds(0, NPAD)], hacc0.at[tid])
    plsc.subcore_barrier()
    pltpu.sync_copy(hacc0.at[:, pl.ds(base_n, SLICE)], colbuf)
    reduce_cols(colbuf, tmp_v)

    @plsc.parallel_loop(0, SLICE // 16, unroll=2)
    def _(k):
        dv = tdinv[pl.ds(k * 16, 16)]
        tmp_v[pl.ds(k * 16, 16)] = dv * (tmp_v[pl.ds(k * 16, 16)]
                                         + tz[pl.ds(k * 16, 16)])

    pltpu.sync_copy(tmp_v, hst2.at[pl.ds(NPAD + base_n, SLICE)])
    plsc.subcore_barrier()

    @pl.when(tid < ONT)
    def _():
        ob = tid * OCHUNK
        pltpu.sync_copy(hst2.at[pl.ds(ob, OCHUNK)], stage_v)
        to2d(stage_v, tmp2)
        pltpu.sync_copy(tmp2, t_h.at[pl.ds(tid * (OCHUNK // 128), 8), :])
        pltpu.sync_copy(hst2.at[pl.ds(NPAD + ob, OCHUNK)], stage_v)
        to2d(stage_v, tmp2)
        pltpu.sync_copy(tmp2, s2_h.at[pl.ds(tid * (OCHUNK // 128), 8), :])


_sc_graph = pl.kernel(
    _sc_body,
    out_type=(
        jax.ShapeDtypeStruct((NPAD // 128, 128), jnp.float32),
        jax.ShapeDtypeStruct((NPAD // 128, 128), jnp.float32),
        jax.ShapeDtypeStruct((NS, NPAD), jnp.float32),
        jax.ShapeDtypeStruct((NS, 2 * NPAD), jnp.float32),
        jax.ShapeDtypeStruct((2 * N,), jnp.float32),
        jax.ShapeDtypeStruct((N,), jnp.float32),
        jax.ShapeDtypeStruct((2 * NPAD,), jnp.float32),
    ),
    mesh=plsc.VectorSubcoreMesh(
        core_axis_name="c", subcore_axis_name="s", num_cores=1,
        num_subcores=NS),
    compiler_params=pltpu.CompilerParams(needs_layout_passes=False),
    scratch_types=[
        pltpu.VMEM((EPT,), jnp.int32),
        pltpu.VMEM((EPT,), jnp.int32),
        pltpu.VMEM((2 * N,), jnp.float32),
        pltpu.VMEM((N,), jnp.float32),
        pltpu.VMEM((SLICE,), jnp.float32),
        pltpu.VMEM((2 * NPAD,), jnp.float32),
        pltpu.VMEM((NS, SLICE), jnp.float32),
        pltpu.VMEM((SLICE,), jnp.float32),
        pltpu.VMEM((SLICE,), jnp.float32),
        pltpu.VMEM((SLICE,), jnp.float32),
        pltpu.VMEM((SLICE,), jnp.float32),
        pltpu.VMEM((OCHUNK // 128, 128), jnp.float32),
        pltpu.VMEM((OCHUNK,), jnp.float32),
        pltpu.SemaphoreType.DMA,
    ],
)



def _uc_body(w1_ref, b1_ref, W2_ref, u_ref, c_ref):
    u_ref[...] = jnp.dot(w1_ref[...], W2_ref[...],
                         preferred_element_type=jnp.float32)
    c_ref[...] = jnp.dot(b1_ref[...], W2_ref[...],
                         preferred_element_type=jnp.float32)


_uc = pl.pallas_call(
    _uc_body,
    out_shape=(
        jax.ShapeDtypeStruct((1, H2), jnp.float32),
        jax.ShapeDtypeStruct((1, H2), jnp.float32),
    ),
)



ROWS_BLK = 2048
RB8 = ROWS_BLK // 128


def _main_body(s2f_ref, tf_ref, u_ref, c_ref, gamma_ref, beta_ref, l1w_ref,
               l1b_ref, l2w_ref, l2b_ref, s2_ref, t_ref, o_ref,
               p_s, q_s, r_s):
    i = pl.program_id(0)

    @pl.when(i == 0)
    def _():
        rows = lax.broadcasted_iota(jnp.int32, (NPAD // 128, 128), 0)
        cols = lax.broadcasted_iota(jnp.int32, (NPAD // 128, 128), 1)
        mask = (rows * 128 + cols) < N

        s2 = jnp.where(mask, s2f_ref[...], 0.0)
        t = jnp.where(mask, tf_ref[...], 0.0)
        inv_n = 1.0 / N
        m_s = jnp.sum(s2) * inv_n
        m_t = jnp.sum(t) * inv_n
        ds = jnp.where(mask, s2 - m_s, 0.0)
        dt = jnp.where(mask, t - m_t, 0.0)
        vs = jnp.sum(ds * ds) * inv_n
        vt = jnp.sum(dt * dt) * inv_n
        cv = jnp.sum(ds * dt) * inv_n

        u = u_ref[...]
        c = c_ref[...]
        var = vs * u * u + vt * c * c + 2.0 * cv * u * c
        scale = gamma_ref[...] / jnp.sqrt(var + EPS)

        p = jnp.dot(u * scale, l1w_ref[...],
                    preferred_element_type=jnp.float32)
        q = jnp.dot(c * scale, l1w_ref[...],
                    preferred_element_type=jnp.float32)
        r = jnp.dot(beta_ref[...], l1w_ref[...],
                    preferred_element_type=jnp.float32) + l1b_ref[...]
        p_s[...] = p
        q_s[...] = q
        r_s[...] = r - m_s * p - m_t * q

    na = lax.broadcasted_iota(jnp.int32, (ROWS_BLK, RB8), 0)
    ka = lax.broadcasted_iota(jnp.int32, (ROWS_BLK, RB8), 1)
    A = jnp.where(lax.shift_right_logical(na, 7) == ka, 1.0, 0.0)
    nd = lax.broadcasted_iota(jnp.int32, (ROWS_BLK, 128), 0)
    cd = lax.broadcasted_iota(jnp.int32, (ROWS_BLK, 128), 1)
    Dm = jnp.where((nd & 127) == cd, 1.0, 0.0)
    gs = jnp.dot(A, s2_ref[...], preferred_element_type=jnp.float32)
    gt = jnp.dot(A, t_ref[...], preferred_element_type=jnp.float32)
    s2c = jnp.sum(gs * Dm, axis=1, keepdims=True)
    tc = jnp.sum(gt * Dm, axis=1, keepdims=True)
    h = s2c * p_s[...] + tc * q_s[...] + r_s[...]
    h = jnp.where(h > 0, h, NEG_SLOPE * h)
    logits = jnp.dot(h, l2w_ref[...],
                     preferred_element_type=jnp.float32) + l2b_ref[...]
    m = jnp.max(logits, axis=1, keepdims=True)
    z = logits - m
    lse = jnp.log(jnp.sum(jnp.exp(z), axis=1, keepdims=True))
    o_ref[...] = z - lse


_main = pl.pallas_call(
    _main_body,
    grid=((N + ROWS_BLK - 1) // ROWS_BLK,),
    in_specs=[
        pl.BlockSpec((NPAD // 128, 128), lambda i: (0, 0)),
        pl.BlockSpec((NPAD // 128, 128), lambda i: (0, 0)),
        pl.BlockSpec((1, H2), lambda i: (0, 0)),
        pl.BlockSpec((1, H2), lambda i: (0, 0)),
        pl.BlockSpec((1, H2), lambda i: (0, 0)),
        pl.BlockSpec((1, H2), lambda i: (0, 0)),
        pl.BlockSpec((H2, H3), lambda i: (0, 0)),
        pl.BlockSpec((1, H3), lambda i: (0, 0)),
        pl.BlockSpec((H3, OUT), lambda i: (0, 0)),
        pl.BlockSpec((1, OUT), lambda i: (0, 0)),
        pl.BlockSpec((RB8, 128), lambda i: (i, 0)),
        pl.BlockSpec((RB8, 128), lambda i: (i, 0)),
    ],
    out_specs=pl.BlockSpec((ROWS_BLK, OUT), lambda i: (i, 0)),
    out_shape=jax.ShapeDtypeStruct((N, OUT), jnp.float32),
    scratch_shapes=[
        pltpu.VMEM((1, H3), jnp.float32),
        pltpu.VMEM((1, H3), jnp.float32),
        pltpu.VMEM((1, H3), jnp.float32),
    ],
)


def kernel(x, edge_index, W1, b1, W2, b2, gamma, beta, lin1_W, lin1_b,
           lin2_W, lin2_b):
    del b2
    xf = x.reshape(N).astype(jnp.float32)

    u, c = _uc(W1.reshape(1, H1), b1.reshape(1, H1), W2)
    s2p, tp, _, _, _, _, _ = _sc_graph(edge_index.reshape(2 * E), xf)

    return _main(
        s2p,
        tp,
        u,
        c,
        gamma.reshape(1, H2),
        beta.reshape(1, H2),
        lin1_W,
        lin1_b.reshape(1, H3),
        lin2_W,
        lin2_b.reshape(1, OUT),
        s2p,
        tp,
    )

# --- scband reference (transcript-rebuilt; emitter-appended) ---
"""Pipeline reference for scband-network-2388001816887 (READ-ONLY COPY).

The authoritative reference and input builder live on the scoring server;
editing this copy changes nothing except your own understanding.
"""

import jax, jax.numpy as jnp
import numpy as np

N = 10000
E = 160000
IN = 1
H1 = 2048
H2 = 1024
H3 = 256
OUT = 124
EPS = 1e-5
NEG_SLOPE = 0.01


def setup_inputs(seed: int = 0) -> dict:
    key = jax.random.key(seed)
    ks = jax.random.split(key, 12)
    x = jax.random.normal(ks[0], (N, IN), dtype=jnp.float32)
    edge_index = jax.random.randint(ks[1], (2, E), 0, N, dtype=jnp.int32)
    def glorot(k, fan_in, fan_out):
        return jax.random.normal(k, (fan_in, fan_out), dtype=jnp.float32) * (1.0 / np.sqrt(fan_in))
    W1 = glorot(ks[2], IN, H1)
    b1 = jnp.zeros((H1,), dtype=jnp.float32)
    W2 = glorot(ks[3], H1, H2)
    b2 = jnp.zeros((H2,), dtype=jnp.float32)
    gamma = jnp.ones((H2,), dtype=jnp.float32)
    beta = jnp.zeros((H2,), dtype=jnp.float32)
    lin1_W = glorot(ks[4], H2, H3)
    lin1_b = jnp.zeros((H3,), dtype=jnp.float32)
    lin2_W = glorot(ks[5], H3, OUT)
    lin2_b = jnp.zeros((OUT,), dtype=jnp.float32)
    return {"x": x, "edge_index": edge_index, "W1": W1, "b1": b1, "W2": W2, "b2": b2,
            "gamma": gamma, "beta": beta, "lin1_W": lin1_W, "lin1_b": lin1_b,
            "lin2_W": lin2_W, "lin2_b": lin2_b}


def _gcn_conv(x, edge_index, W, b):
    # GCNConv with add_self_loops=True and symmetric normalization (PyG default)
    n = x.shape[0]
    loops = jnp.arange(n, dtype=edge_index.dtype)
    src = jnp.concatenate([edge_index[0], loops])
    dst = jnp.concatenate([edge_index[1], loops])
    deg = jax.ops.segment_sum(jnp.ones(src.shape[0], dtype=x.dtype), dst, num_segments=n)
    deg_inv_sqrt = jnp.where(deg > 0, deg ** -0.5, 0.0)
    norm = deg_inv_sqrt[src] * deg_inv_sqrt[dst]
    xw = x @ W
    msgs = xw[src] * norm[:, None]
    out = jax.ops.segment_sum(msgs, dst, num_segments=n)
    return out + b


def reference(x, edge_index, W1, b1, W2, b2, gamma, beta, lin1_W, lin1_b, lin2_W, lin2_b):
    x = x.astype(jnp.float32)
    h = _gcn_conv(x, edge_index, W1, b1)
    # dropout1: identity in eval mode
    h = _gcn_conv(h, edge_index, W2, b2)
    # dropout2: identity in eval mode
    # BatchNorm1d (training-style batch statistics, biased variance)
    mean = jnp.mean(h, axis=0)
    var = jnp.var(h, axis=0)
    h = (h - mean) / jnp.sqrt(var + EPS) * gamma + beta
    h = h @ lin1_W + lin1_b
    h = jnp.where(h > 0, h, NEG_SLOPE * h)  # LeakyReLU
    h = h @ lin2_W + lin2_b
    return jax.nn.log_softmax(h, axis=1)

if __name__ == "__main__":
    import jax
    _d = setup_inputs()
    print(jax.jit(kernel)(*tuple(_d.values())))

</pallas_src>

<mosaic_0001>
#map = affine_map<(d0, d1) -> (0)>
#map1 = affine_map<(d0, d1) -> (0, 0)>
module attributes {stable_mosaic.version = 14 : i64} {
  func.func @_sc_body(%arg0: i32, %arg1: i32, %arg2: memref<320000xi32, #tpu.memory_space<hbm>>, %arg3: memref<10000xf32, #tpu.memory_space<hbm>>, %arg4: memref<80x128xf32, #tpu.memory_space<hbm>>, %arg5: memref<80x128xf32, #tpu.memory_space<hbm>>, %arg6: memref<16x10240xf32, #tpu.memory_space<hbm>>, %arg7: memref<16x20480xf32, #tpu.memory_space<hbm>>, %arg8: memref<20000xf32, #tpu.memory_space<hbm>>, %arg9: memref<10000xf32, #tpu.memory_space<hbm>>, %arg10: memref<20480xf32, #tpu.memory_space<hbm>>, %arg11: memref<10000xi32, #tpu.memory_space<vmem>>, %arg12: memref<10000xi32, #tpu.memory_space<vmem>>, %arg13: memref<20000xf32, #tpu.memory_space<vmem>>, %arg14: memref<10000xf32, #tpu.memory_space<vmem>>, %arg15: memref<640xf32, #tpu.memory_space<vmem>>, %arg16: memref<20480xf32, #tpu.memory_space<vmem>>, %arg17: memref<16x640xf32, #tpu.memory_space<vmem>>, %arg18: memref<640xf32, #tpu.memory_space<vmem>>, %arg19: memref<640xf32, #tpu.memory_space<vmem>>, %arg20: memref<640xf32, #tpu.memory_space<vmem>>, %arg21: memref<640xf32, #tpu.memory_space<vmem>>, %arg22: memref<8x128xf32, #tpu.memory_space<vmem>>, %arg23: memref<1024xf32, #tpu.memory_space<vmem>>, %arg24: memref<!tpu.dma_semaphore, #tpu.memory_space<semaphore_mem>>) attributes {dimension_semantics = [#tpu.dimension_semantics<core_parallel>, #tpu.dimension_semantics<subcore_parallel>], iteration_bounds = array<i64: 1, 16>, scalar_prefetch = 0 : i64, scratch_operands = 14 : i64, tpu.core_type = #tpu.core_type<sc_vector_subcore>, window_params = [{transform_indices = #map}, {transform_indices = #map}, {transform_indices = #map1}, {transform_indices = #map1}, {transform_indices = #map1}, {transform_indices = #map1}, {transform_indices = #map}, {transform_indices = #map}, {transform_indices = #map}]} {
    %mul3A = arith.constant 10000 : i32
    %mul3A_0 = arith.muli %arg1, %mul3A : i32
    %mul3A_1 = arith.constant 640 : i32
    %mul3A_2 = arith.muli %arg1, %mul3A_1 : i32
    %broadcast_in_dim3A = arith.constant 0.000000e+00 : f32
    %broadcast_in_dim3A_3 = vector.broadcast %broadcast_in_dim3A : f32 to vector<16xf32>
    %broadcast_in_dim3A_4 = arith.constant 1.000000e+00 : f32
    %broadcast_in_dim3A_5 = vector.broadcast %broadcast_in_dim3A_4 : f32 to vector<16xf32>
    %dma_start3A = tpu.memref_slice %arg2[%mul3A_0] : memref<320000xi32, #tpu.memory_space<hbm>> -> memref<10000xi32, #tpu.memory_space<hbm>>
    %dma_start3A_6 = tpu.memref_slice %arg2[%mul3A_0] : memref<320000xi32, #tpu.memory_space<hbm>> -> memref<10000xi32, #tpu.memory_space<hbm>>
    tpu.enqueue_dma source(%dma_start3A_6 : memref<10000xi32, #tpu.memory_space<hbm>>) target(%arg11 : memref<10000xi32, #tpu.memory_space<vmem>>) target_semaphore(%arg24 : memref<!tpu.dma_semaphore, #tpu.memory_space<semaphore_mem>>)
    %add3A = arith.constant 160000 : i32
    %add3A_7 = arith.addi %add3A, %mul3A_0 : i32
    %dma_start3A_8 = tpu.memref_slice %arg2[%add3A_7] : memref<320000xi32, #tpu.memory_space<hbm>> -> memref<10000xi32, #tpu.memory_space<hbm>>
    %dma_start3A_9 = tpu.memref_slice %arg2[%add3A_7] : memref<320000xi32, #tpu.memory_space<hbm>> -> memref<10000xi32, #tpu.memory_space<hbm>>
    tpu.enqueue_dma source(%dma_start3A_9 : memref<10000xi32, #tpu.memory_space<hbm>>) target(%arg12 : memref<10000xi32, #tpu.memory_space<vmem>>) target_semaphore(%arg24 : memref<!tpu.dma_semaphore, #tpu.memory_space<semaphore_mem>>)
    %parallel_loop3A = arith.constant 0 : i32
    %parallel_loop3A_10 = arith.constant 640 : i32
    %parallel_loop3A_11 = arith.constant 1 : i32
    scf.for %parallel_loop3A_106 = %parallel_loop3A to %parallel_loop3A_10 step %parallel_loop3A_11  : i32 {
      %parallel_loop3A_107 = arith.constant 16 : i32
      %parallel_loop3A_108 = arith.muli %parallel_loop3A_106, %parallel_loop3A_107 : i32
      %parallel_loop3A_109 = arith.index_cast %parallel_loop3A_108 : i32 to index
      %parallel_loop3A_110 = tpu.vector_load %arg16[%parallel_loop3A_109] {strides = array<i32>} : memref<20480xf32, #tpu.memory_space<vmem>>, vector<16xf32>,
      tpu.vector_store %arg16[%parallel_loop3A_109], %broadcast_in_dim3A_3 {strides = array<i32>} : memref<20480xf32, #tpu.memory_space<vmem>>, vector<16xf32>,
    } {sc.loop_unroll_factor = 8 : i64, sc.parallel_access}
    %lt3A = arith.constant 15 : i32
    %lt3A_12 = arith.cmpi slt, %arg1, %lt3A : i32
    %convert_element_type3A = arith.extui %lt3A_12 : i1 to i32
    %cond3A = arith.constant 0 : i32
    %cond3A_13 = arith.cmpi ne, %convert_element_type3A, %cond3A : i32
    scf.if %cond3A_13 {
      "tpu.region"() ({
        %run_scoped3A = tpu.sem_alloc : memref<!tpu.dma_semaphore, #tpu.memory_space<semaphore_mem>>
        %dma_start3A_106 = tpu.memref_slice %arg3[%mul3A_2] : memref<10000xf32, #tpu.memory_space<hbm>> -> memref<640xf32, #tpu.memory_space<hbm>>
        %dma_start3A_107 = tpu.memref_slice %arg3[%mul3A_2] : memref<10000xf32, #tpu.memory_space<hbm>> -> memref<640xf32, #tpu.memory_space<hbm>>
        tpu.enqueue_dma source(%dma_start3A_107 : memref<640xf32, #tpu.memory_space<hbm>>) target(%arg15 : memref<640xf32, #tpu.memory_space<vmem>>) target_semaphore(%run_scoped3A : memref<!tpu.dma_semaphore, #tpu.memory_space<semaphore_mem>>)
        %dma_wait3A_108 = tpu.memref_slice %arg3[%mul3A_2] : memref<10000xf32, #tpu.memory_space<hbm>> -> memref<640xf32, #tpu.memory_space<hbm>>
        %dma_wait3A_109 = tpu.memref_slice %arg3[%mul3A_2] : memref<10000xf32, #tpu.memory_space<hbm>> -> memref<640xf32, #tpu.memory_space<hbm>>
        tpu.wait_dma2 semaphore(%run_scoped3A : memref<!tpu.dma_semaphore, #tpu.memory_space<semaphore_mem>>) src(%dma_wait3A_109 : memref<640xf32, #tpu.memory_space<hbm>>) dst(%arg15 : memref<640xf32, #tpu.memory_space<vmem>>)
        tpu.yield
      }) : () -> ()
    } else {
    }
    %eq3A = arith.constant 15 : i32
    %eq3A_14 = arith.cmpi eq, %arg1, %eq3A : i32
    %convert_element_type3A_15 = arith.extui %eq3A_14 : i1 to i32
    %cond3A_16 = arith.constant 0 : i32
    %cond3A_17 = arith.cmpi ne, %convert_element_type3A_15, %cond3A_16 : i32
    scf.if %cond3A_17 {
      "tpu.region"() ({
        %run_scoped3A = tpu.sem_alloc : memref<!tpu.dma_semaphore, #tpu.memory_space<semaphore_mem>>
        %dma_start3A_234 = arith.constant 9360 : i32
        %dma_start3A_235 = tpu.memref_slice %arg3[%dma_start3A_234] : memref<10000xf32, #tpu.memory_space<hbm>> -> memref<640xf32, #tpu.memory_space<hbm>>
        %dma_start3A_236 = arith.constant 9360 : i32
        %dma_start3A_237 = tpu.memref_slice %arg3[%dma_start3A_236] : memref<10000xf32, #tpu.memory_space<hbm>> -> memref<640xf32, #tpu.memory_space<hbm>>
        tpu.enqueue_dma source(%dma_start3A_237 : memref<640xf32, #tpu.memory_space<hbm>>) target(%arg21 : memref<640xf32, #tpu.memory_space<vmem>>) target_semaphore(%run_scoped3A : memref<!tpu.dma_semaphore, #tpu.memory_space<semaphore_mem>>)
        %dma_wait3A_238 = arith.constant 9360 : i32
        %dma_wait3A_239 = tpu.memref_slice %arg3[%dma_wait3A_238] : memref<10000xf32, #tpu.memory_space<hbm>> -> memref<640xf32, #tpu.memory_space<hbm>>
        %dma_wait3A_240 = arith.constant 9360 : i32
        %dma_wait3A_241 = tpu.memref_slice %arg3[%dma_wait3A_240] : memref<10000xf32, #tpu.memory_space<hbm>> -> memref<640xf32, #tpu.memory_space<hbm>>
        tpu.wait_dma2 semaphore(%run_scoped3A : memref<!tpu.dma_semaphore, #tpu.memory_space<semaphore_mem>>) src(%dma_wait3A_241 : memref<640xf32, #tpu.memory_space<hbm>>) dst(%arg21 : memref<640xf32, #tpu.memory_space<vmem>>)
        tpu.yield
      }) : () -> ()
      %get3A = arith.constant 240 : index
      %get3A_106 = tpu.vector_load %arg21[%get3A] {strides = array<i32>} : memref<640xf32, #tpu.memory_space<vmem>>, vector<16xf32>,
      %swap3A = arith.constant 0 : index
      %swap3A_107 = tpu.vector_load %arg15[%swap3A] {strides = array<i32>} : memref<640xf32, #tpu.memory_space<vmem>>, vector<16xf32>,
      tpu.vector_store %arg15[%swap3A], %get3A_106 {strides = array<i32>} : memref<640xf32, #tpu.memory_space<vmem>>, vector<16xf32>,
      %get3A_108 = arith.constant 256 : index
      %get3A_109 = tpu.vector_load %arg21[%get3A_108] {strides = array<i32>} : memref<640xf32, #tpu.memory_space<vmem>>, vector<16xf32>,
      %swap3A_110 = arith.constant 16 : index
      %swap3A_111 = tpu.vector_load %arg15[%swap3A_110] {strides = array<i32>} : memref<640xf32, #tpu.memory_space<vmem>>, vector<16xf32>,
      tpu.vector_store %arg15[%swap3A_110], %get3A_109 {strides = array<i32>} : memref<640xf32, #tpu.memory_space<vmem>>, vector<16xf32>,
      %get3A_112 = arith.constant 272 : index
      %get3A_113 = tpu.vector_load %arg21[%get3A_112] {strides = array<i32>} : memref<640xf32, #tpu.memory_space<vmem>>, vector<16xf32>,
      %swap3A_114 = arith.constant 32 : index
      %swap3A_115 = tpu.vector_load %arg15[%swap3A_114] {strides = array<i32>} : memref<640xf32, #tpu.memory_space<vmem>>, vector<16xf32>,
      tpu.vector_store %arg15[%swap3A_114], %get3A_113 {strides = array<i32>} : memref<640xf32, #tpu.memory_space<vmem>>, vector<16xf32>,
      %get3A_116 = arith.constant 288 : index
      %get3A_117 = tpu.vector_load %arg21[%get3A_116] {strides = array<i32>} : memref<640xf32, #tpu.memory_space<vmem>>, vector<16xf32>,
      %swap3A_118 = arith.constant 48 : index
      %swap3A_119 = tpu.vector_load %arg15[%swap3A_118] {strides = array<i32>} : memref<640xf32, #tpu.memory_space<vmem>>, vector<16xf32>,
      tpu.vector_store %arg15[%swap3A_118], %get3A_117 {strides = array<i32>} : memref<640xf32, #tpu.memory_space<vmem>>, vector<16xf32>,
      %get3A_120 = arith.constant 304 : index
      %get3A_121 = tpu.vector_load %arg21[%get3A_120] {strides = array<i32>} : memref<640xf32, #tpu.memory_space<vmem>>, vector<16xf32>,
      %swap3A_122 = arith.constant 64 : index
      %swap3A_123 = tpu.vector_load %arg15[%swap3A_122] {strides = array<i32>} : memref<640xf32, #tpu.memory_space<vmem>>, vector<16xf32>,
      tpu.vector_store %arg15[%swap3A_122], %get3A_121 {strides = array<i32>} : memref<640xf32, #tpu.memory_space<vmem>>, vector<16xf32>,
      %get3A_124 = arith.constant 320 : index
      %get3A_125 = tpu.vector_load %arg21[%get3A_124] {strides = array<i32>} : memref<640xf32, #tpu.memory_space<vmem>>, vector<16xf32>,
      %swap3A_126 = arith.constant 80 : index
      %swap3A_127 = tpu.vector_load %arg15[%swap3A_126] {strides = array<i32>} : memref<640xf32, #tpu.memory_space<vmem>>, vector<16xf32>,
      tpu.vector_store %arg15[%swap3A_126], %get3A_125 {strides = array<i32>} : memref<640xf32, #tpu.memory_space<vmem>>, vector<16xf32>,
      %get3A_128 = arith.constant 336 : index
      %get3A_129 = tpu.vector_load %arg21[%get3A_128] {strides = array<i32>} : memref<640xf32, #tpu.memory_space<vmem>>, vector<16xf32>,
      %swap3A_130 = arith.constant 96 : index
      %swap3A_131 = tpu.vector_load %arg15[%swap3A_130] {strides = array<i32>} : memref<640xf32, #tpu.memory_space<vmem>>, vector<16xf32>,
      tpu.vector_store %arg15[%swap3A_130], %get3A_129 {strides = array<i32>} : memref<640xf32, #tpu.memory_space<vmem>>, vector<16xf32>,
      %get3A_132 = arith.constant 352 : index
      %get3A_133 = tpu.vector_load %arg21[%get3A_132] {strides = array<i32>} : memref<640xf32, #tpu.memory_space<vmem>>, vector<16xf32>,
      %swap3A_134 = arith.constant 112 : index
      %swap3A_135 = tpu.vector_load %arg15[%swap3A_134] {strides = array<i32>} : memref<640xf32, #tpu.memory_space<vmem>>, vector<16xf32>,
      tpu.vector_store %arg15[%swap3A_134], %get3A_133 {strides = array<i32>} : memref<640xf32, #tpu.memory_space<vmem>>, vector<16xf32>,
      %get3A_136 = arith.constant 368 : index
      %get3A_137 = tpu.vector_load %arg21[%get3A_136] {strides = array<i32>} : memref<640xf32, #tpu.memory_space<vmem>>, vector<16xf32>,
      %swap3A_138 = arith.constant 128 : index
      %swap3A_139 = tpu.vector_load %arg15[%swap3A_138] {strides = array<i32>} : memref<640xf32, #tpu.memory_space<vmem>>, vector<16xf32>,
      tpu.vector_store %arg15[%swap3A_138], %get3A_137 {strides = array<i32>} : memref<640xf32, #tpu.memory_space<vmem>>, vector<16xf32>,
      %get3A_140 = arith.constant 384 : index
      %get3A_141 = tpu.vector_load %arg21[%get3A_140] {strides = array<i32>} : memref<640xf32, #tpu.memory_space<vmem>>, vector<16xf32>,
      %swap3A_142 = arith.constant 144 : index
      %swap3A_143 = tpu.vector_load %arg15[%swap3A_142] {strides = array<i32>} : memref<640xf32, #tpu.memory_space<vmem>>, vector<16xf32>,
      tpu.vector_store %arg15[%swap3A_142], %get3A_141 {strides = array<i32>} : memref<640xf32, #tpu.memory_space<vmem>>, vector<16xf32>,
      %get3A_144 = arith.constant 400 : index
      %get3A_145 = tpu.vector_load %arg21[%get3A_144] {strides = array<i32>} : memref<640xf32, #tpu.memory_space<vmem>>, vector<16xf32>,
      %swap3A_146 = arith.constant 160 : index
      %swap3A_147 = tpu.vector_load %arg15[%swap3A_146] {strides = array<i32>} : memref<640xf32, #tpu.memory_space<vmem>>, vector<16xf32>,
      tpu.vector_store %arg15[%swap3A_146], %get3A_145 {strides = array<i32>} : memref<640xf32, #tpu.memory_space<vmem>>, vector<16xf32>,
      %get3A_148 = arith.constant 416 : index
      %get3A_149 = tpu.vector_load %arg21[%get3A_148] {strides = array<i32>} : memref<640xf32, #tpu.memory_space<vmem>>, vector<16xf32>,
      %swap3A_150 = arith.constant 176 : index
      %swap3A_151 = tpu.vector_load %arg15[%swap3A_150] {strides = array<i32>} : memref<640xf32, #tpu.memory_space<vmem>>, vector<16xf32>,
      tpu.vector_store %arg15[%swap3A_150], %get3A_149 {strides = array<i32>} : memref<640xf32, #tpu.memory_space<vmem>>, vector<16xf32>,
      %get3A_152 = arith.constant 432 : index
      %get3A_153 = tpu.vector_load %arg21[%get3A_152] {strides = array<i32>} : memref<640xf32, #tpu.memory_space<vmem>>, vector<16xf32>,
      %swap3A_154 = arith.constant 192 : index
      %swap3A_155 = tpu.vector_load %arg15[%swap3A_154] {strides = array<i32>} : memref<640xf32, #tpu.memory_space<vmem>>, vector<16xf32>,
      tpu.vector_store %arg15[%swap3A_154], %get3A_153 {strides = array<i32>} : memref<640xf32, #tpu.memory_space<vmem>>, vector<16xf32>,
      %get3A_156 = arith.constant 448 : index
      %get3A_157 = tpu.vector_load %arg21[%get3A_156] {strides = array<i32>} : memref<640xf32, #tpu.memory_space<vmem>>, vector<16xf32>,
      %swap3A_158 = arith.constant 208 : index
      %swap3A_159 = tpu.vector_load %arg15[%swap3A_158] {strides = array<i32>} : memref<640xf32, #tpu.memory_space<vmem>>, vector<16xf32>,
      tpu.vector_store %arg15[%swap3A_158], %get3A_157 {strides = array<i32>} : memref<640xf32, #tpu.memory_space<vmem>>, vector<16xf32>,
      %get3A_160 = arith.constant 464 : index
      %get3A_161 = tpu.vector_load %arg21[%get3A_160] {strides = array<i32>} : memref<640xf32, #tpu.memory_space<vmem>>, vector<16xf32>,
      %swap3A_162 = arith.constant 224 : index
      %swap3A_163 = tpu.vector_load %arg15[%swap3A_162] {strides = array<i32>} : memref<640xf32, #tpu.memory_space<vmem>>, vector<16xf32>,
      tpu.vector_store %arg15[%swap3A_162], %get3A_161 {strides = array<i32>} : memref<640xf32, #tpu.memory_space<vmem>>, vector<16xf32>,
      %get3A_164 = arith.constant 480 : index
      %get3A_165 = tpu.vector_load %arg21[%get3A_164] {strides = array<i32>} : memref<640xf32, #tpu.memory_space<vmem>>, vector<16xf32>,
      %swap3A_166 = arith.constant 240 : index
      %swap3A_167 = tpu.vector_load %arg15[%swap3A_166] {strides = array<i32>} : memref<640xf32, #tpu.memory_space<vmem>>, vector<16xf32>,
      tpu.vector_store %arg15[%swap3A_166], %get3A_165 {strides = array<i32>} : memref<640xf32, #tpu.memory_space<vmem>>, vector<16xf32>,
      %get3A_168 = arith.constant 496 : index
      %get3A_169 = tpu.vector_load %arg21[%get3A_168] {strides = array<i32>} : memref<640xf32, #tpu.memory_space<vmem>>, vector<16xf32>,
      %swap3A_170 = arith.constant 256 : index
      %swap3A_171 = tpu.vector_load %arg15[%swap3A_170] {strides = array<i32>} : memref<640xf32, #tpu.memory_space<vmem>>, vector<16xf32>,
      tpu.vector_store %arg15[%swap3A_170], %get3A_169 {strides = array<i32>} : memref<640xf32, #tpu.memory_space<vmem>>, vector<16xf32>,
      %get3A_172 = arith.constant 512 : index
      %get3A_173 = tpu.vector_load %arg21[%get3A_172] {strides = array<i32>} : memref<640xf32, #tpu.memory_space<vmem>>, vector<16xf32>,
      %swap3A_174 = arith.constant 272 : index
      %swap3A_175 = tpu.vector_load %arg15[%swap3A_174] {strides = array<i32>} : memref<640xf32, #tpu.memory_space<vmem>>, vector<16xf32>,
      tpu.vector_store %arg15[%swap3A_174], %get3A_173 {strides = array<i32>} : memref<640xf32, #tpu.memory_space<vmem>>, vector<16xf32>,
      %get3A_176 = arith.constant 528 : index
      %get3A_177 = tpu.vector_load %arg21[%get3A_176] {strides = array<i32>} : memref<640xf32, #tpu.memory_space<vmem>>, vector<16xf32>,
      %swap3A_178 = arith.constant 288 : index
      %swap3A_179 = tpu.vector_load %arg15[%swap3A_178] {strides = array<i32>} : memref<640xf32, #tpu.memory_space<vmem>>, vector<16xf32>,
      tpu.vector_store %arg15[%swap3A_178], %get3A_177 {strides = array<i32>} : memref<640xf32, #tpu.memory_space<vmem>>, vector<16xf32>,
      %get3A_180 = arith.constant 544 : index
      %get3A_181 = tpu.vector_load %arg21[%get3A_180] {strides = array<i32>} : memref<640xf32, #tpu.memory_space<vmem>>, vector<16xf32>,
      %swap3A_182 = arith.constant 304 : index
      %swap3A_183 = tpu.vector_load %arg15[%swap3A_182] {strides = array<i32>} : memref<640xf32, #tpu.memory_space<vmem>>, vector<16xf32>,
      tpu.vector_store %arg15[%swap3A_182], %get3A_181 {strides = array<i32>} : memref<640xf32, #tpu.memory_space<vmem>>, vector<16xf32>,
      %get3A_184 = arith.constant 560 : index
      %get3A_185 = tpu.vector_load %arg21[%get3A_184] {strides = array<i32>} : memref<640xf32, #tpu.memory_space<vmem>>, vector<16xf32>,
      %swap3A_186 = arith.constant 320 : index
      %swap3A_187 = tpu.vector_load %arg15[%swap3A_186] {strides = array<i32>} : memref<640xf32, #tpu.memory_space<vmem>>, vector<16xf32>,
      tpu.vector_store %arg15[%swap3A_186], %get3A_185 {strides = array<i32>} : memref<640xf32, #tpu.memory_space<vmem>>, vector<16xf32>,
      %get3A_188 = arith.constant 576 : index
      %get3A_189 = tpu.vector_load %arg21[%get3A_188] {strides = array<i32>} : memref<640xf32, #tpu.memory_space<vmem>>, vector<16xf32>,
      %swap3A_190 = arith.constant 336 : index
      %swap3A_191 = tpu.vector_load %arg15[%swap3A_190] {strides = array<i32>} : memref<640xf32, #tpu.memory_space<vmem>>, vector<16xf32>,
      tpu.vector_store %arg15[%swap3A_190], %get3A_189 {strides = array<i32>} : memref<640xf32, #tpu.memory_space<vmem>>, vector<16xf32>,
      %get3A_192 = arith.constant 592 : index
      %get3A_193 = tpu.vector_load %arg21[%get3A_192] {strides = array<i32>} : memref<640xf32, #tpu.memory_space<vmem>>, vector<16xf32>,
      %swap3A_194 = arith.constant 352 : index
      %swap3A_195 = tpu.vector_load %arg15[%swap3A_194] {strides = array<i32>} : memref<640xf32, #tpu.memory_space<vmem>>, vector<16xf32>,
      tpu.vector_store %arg15[%swap3A_194], %get3A_193 {strides = array<i32>} : memref<640xf32, #tpu.memory_space<vmem>>, vector<16xf32>,
      %get3A_196 = arith.constant 608 : index
      %get3A_197 = tpu.vector_load %arg21[%get3A_196] {strides = array<i32>} : memref<640xf32, #tpu.memory_space<vmem>>, vector<16xf32>,
      %swap3A_198 = arith.constant 368 : index
      %swap3A_199 = tpu.vector_load %arg15[%swap3A_198] {strides = array<i32>} : memref<640xf32, #tpu.memory_space<vmem>>, vector<16xf32>,
      tpu.vector_store %arg15[%swap3A_198], %get3A_197 {strides = array<i32>} : memref<640xf32, #tpu.memory_space<vmem>>, vector<16xf32>,
      %get3A_200 = arith.constant 624 : index
      %get3A_201 = tpu.vector_load %arg21[%get3A_200] {strides = array<i32>} : memref<640xf32, #tpu.memory_space<vmem>>, vector<16xf32>,
      %swap3A_202 = arith.constant 384 : index
      %swap3A_203 = tpu.vector_load %arg15[%swap3A_202] {strides = array<i32>} : memref<640xf32, #tpu.memory_space<vmem>>, vector<16xf32>,
      tpu.vector_store %arg15[%swap3A_202], %get3A_201 {strides = array<i32>} : memref<640xf32, #tpu.memory_space<vmem>>, vector<16xf32>,
      %swap3A_204 = arith.constant 400 : index
      %swap3A_205 = tpu.vector_load %arg15[%swap3A_204] {strides = array<i32>} : memref<640xf32, #tpu.memory_space<vmem>>, vector<16xf32>,
      tpu.vector_store %arg15[%swap3A_204], %broadcast_in_dim3A_3 {strides = array<i32>} : memref<640xf32, #tpu.memory_space<vmem>>, vector<16xf32>,
      %swap3A_206 = arith.constant 416 : index
      %swap3A_207 = tpu.vector_load %arg15[%swap3A_206] {strides = array<i32>} : memref<640xf32, #tpu.memory_space<vmem>>, vector<16xf32>,
      tpu.vector_store %arg15[%swap3A_206], %broadcast_in_dim3A_3 {strides = array<i32>} : memref<640xf32, #tpu.memory_space<vmem>>, vector<16xf32>,
      %swap3A_208 = arith.constant 432 : index
      %swap3A_209 = tpu.vector_load %arg15[%swap3A_208] {strides = array<i32>} : memref<640xf32, #tpu.memory_space<vmem>>, vector<16xf32>,
      tpu.vector_store %arg15[%swap3A_208], %broadcast_in_dim3A_3 {strides = array<i32>} : memref<640xf32, #tpu.memory_space<vmem>>, vector<16xf32>,
      %swap3A_210 = arith.constant 448 : index
      %swap3A_211 = tpu.vector_load %arg15[%swap3A_210] {strides = array<i32>} : memref<640xf32, #tpu.memory_space<vmem>>, vector<16xf32>,
      tpu.vector_store %arg15[%swap3A_210], %broadcast_in_dim3A_3 {strides = array<i32>} : memref<640xf32, #tpu.memory_space<vmem>>, vector<16xf32>,
      %swap3A_212 = arith.constant 464 : index
      %swap3A_213 = tpu.vector_load %arg15[%swap3A_212] {strides = array<i32>} : memref<640xf32, #tpu.memory_space<vmem>>, vector<16xf32>,
      tpu.vector_store %arg15[%swap3A_212], %broadcast_in_dim3A_3 {strides = array<i32>} : memref<640xf32, #tpu.memory_space<vmem>>, vector<16xf32>,
      %swap3A_214 = arith.constant 480 : index
      %swap3A_215 = tpu.vector_load %arg15[%swap3A_214] {strides = array<i32>} : memref<640xf32, #tpu.memory_space<vmem>>, vector<16xf32>,
      tpu.vector_store %arg15[%swap3A_214], %broadcast_in_dim3A_3 {strides = array<i32>} : memref<640xf32, #tpu.memory_space<vmem>>, vector<16xf32>,
      %swap3A_216 = arith.constant 496 : index
      %swap3A_217 = tpu.vector_load %arg15[%swap3A_216] {strides = array<i32>} : memref<640xf32, #tpu.memory_space<vmem>>, vector<16xf32>,
      tpu.vector_store %arg15[%swap3A_216], %broadcast_in_dim3A_3 {strides = array<i32>} : memref<640xf32, #tpu.memory_space<vmem>>, vector<16xf32>,
      %swap3A_218 = arith.constant 512 : index
      %swap3A_219 = tpu.vector_load %arg15[%swap3A_218] {strides = array<i32>} : memref<640xf32, #tpu.memory_space<vmem>>, vector<16xf32>,
      tpu.vector_store %arg15[%swap3A_218], %broadcast_in_dim3A_3 {strides = array<i32>} : memref<640xf32, #tpu.memory_space<vmem>>, vector<16xf32>,
      %swap3A_220 = arith.constant 528 : index
      %swap3A_221 = tpu.vector_load %arg15[%swap3A_220] {strides = array<i32>} : memref<640xf32, #tpu.memory_space<vmem>>, vector<16xf32>,
      tpu.vector_store %arg15[%swap3A_220], %broadcast_in_dim3A_3 {strides = array<i32>} : memref<640xf32, #tpu.memory_space<vmem>>, vector<16xf32>,
      %swap3A_222 = arith.constant 544 : index
      %swap3A_223 = tpu.vector_load %arg15[%swap3A_222] {strides = array<i32>} : memref<640xf32, #tpu.memory_space<vmem>>, vector<16xf32>,
      tpu.vector_store %arg15[%swap3A_222], %broadcast_in_dim3A_3 {strides = array<i32>} : memref<640xf32, #tpu.memory_space<vmem>>, vector<16xf32>,
      %swap3A_224 = arith.constant 560 : index
      %swap3A_225 = tpu.vector_load %arg15[%swap3A_224] {strides = array<i32>} : memref<640xf32, #tpu.memory_space<vmem>>, vector<16xf32>,
      tpu.vector_store %arg15[%swap3A_224], %broadcast_in_dim3A_3 {strides = array<i32>} : memref<640xf32, #tpu.memory_space<vmem>>, vector<16xf32>,
      %swap3A_226 = arith.constant 576 : index
      %swap3A_227 = tpu.vector_load %arg15[%swap3A_226] {strides = array<i32>} : memref<640xf32, #tpu.memory_space<vmem>>, vector<16xf32>,
      tpu.vector_store %arg15[%swap3A_226], %broadcast_in_dim3A_3 {strides = array<i32>} : memref<640xf32, #tpu.memory_space<vmem>>, vector<16xf32>,
      %swap3A_228 = arith.constant 592 : index
      %swap3A_229 = tpu.vector_load %arg15[%swap3A_228] {strides = array<i32>} : memref<640xf32, #tpu.memory_space<vmem>>, vector<16xf32>,
      tpu.vector_store %arg15[%swap3A_228], %broadcast_in_dim3A_3 {strides = array<i32>} : memref<640xf32, #tpu.memory_space<vmem>>, vector<16xf32>,
      %swap3A_230 = arith.constant 608 : index
      %swap3A_231 = tpu.vector_load %arg15[%swap3A_230] {strides = array<i32>} : memref<640xf32, #tpu.memory_space<vmem>>, vector<16xf32>,
      tpu.vector_store %arg15[%swap3A_230], %broadcast_in_dim3A_3 {strides = array<i32>} : memref<640xf32, #tpu.memory_space<vmem>>, vector<16xf32>,
      %swap3A_232 = arith.constant 624 : index
      %swap3A_233 = tpu.vector_load %arg15[%swap3A_232] {strides = array<i32>} : memref<640xf32, #tpu.memory_space<vmem>>, vector<16xf32>,
      tpu.vector_store %arg15[%swap3A_232], %broadcast_in_dim3A_3 {strides = array<i32>} : memref<640xf32, #tpu.memory_space<vmem>>, vector<16xf32>,
    } else {
    }
    %dma_wait3A = tpu.memref_slice %arg2[%mul3A_0] : memref<320000xi32, #tpu.memory_space<hbm>> -> memref<10000xi32, #tpu.memory_space<hbm>>
    %dma_wait3A_18 = tpu.memref_slice %arg2[%mul3A_0] : memref<320000xi32, #tpu.memory_space<hbm>> -> memref<10000xi32, #tpu.memory_space<hbm>>
    tpu.wait_dma2 semaphore(%arg24 : memref<!tpu.dma_semaphore, #tpu.memory_space<semaphore_mem>>) src(%dma_wait3A_18 : memref<10000xi32, #tpu.memory_space<hbm>>) dst(%arg11 : memref<10000xi32, #tpu.memory_space<vmem>>)
    %dma_wait3A_19 = tpu.memref_slice %arg2[%add3A_7] : memref<320000xi32, #tpu.memory_space<hbm>> -> memref<10000xi32, #tpu.memory_space<hbm>>
    %dma_wait3A_20 = tpu.memref_slice %arg2[%add3A_7] : memref<320000xi32, #tpu.memory_space<hbm>> -> memref<10000xi32, #tpu.memory_space<hbm>>
    tpu.wait_dma2 semaphore(%arg24 : memref<!tpu.dma_semaphore, #tpu.memory_space<semaphore_mem>>) src(%dma_wait3A_20 : memref<10000xi32, #tpu.memory_space<hbm>>) dst(%arg12 : memref<10000xi32, #tpu.memory_space<vmem>>)
    %parallel_loop3A_21 = arith.constant 0 : i32
    %parallel_loop3A_22 = arith.constant 625 : i32
    %parallel_loop3A_23 = arith.constant 1 : i32
    scf.for %parallel_loop3A_106 = %parallel_loop3A_21 to %parallel_loop3A_22 step %parallel_loop3A_23  : i32 {
      %parallel_loop3A_107 = arith.constant 16 : i32
      %parallel_loop3A_108 = arith.muli %parallel_loop3A_106, %parallel_loop3A_107 : i32
      %parallel_loop3A_109 = arith.index_cast %parallel_loop3A_108 : i32 to index
      %parallel_loop3A_110 = tpu.vector_load %arg12[%parallel_loop3A_109] {strides = array<i32>} : memref<10000xi32, #tpu.memory_space<vmem>>, vector<16xi32>,
      tpu.vector_store_idx %arg16[%parallel_loop3A_110], %broadcast_in_dim3A_5 {add = true} : memref<20480xf32, #tpu.memory_space<vmem>>[vector<16xi32>], vector<16xf32>,
    } {sc.loop_unroll_factor = 4 : i64, sc.parallel_access}
    "tpu.region"() ({
      %run_scoped3A = tpu.sem_alloc : memref<!tpu.dma_semaphore, #tpu.memory_space<semaphore_mem>>
      %dma_start3A_106 = arith.constant 0 : i32
      %dma_start3A_107 = tpu.memref_slice %arg16[%dma_start3A_106] : memref<20480xf32, #tpu.memory_space<vmem>> -> memref<10240xf32, #tpu.memory_space<vmem>>
      %dma_start3A_108 = arith.constant 0 : i32
      %dma_start3A_109 = tpu.memref_slice %arg6[%arg1, %dma_start3A_108] : memref<16x10240xf32, #tpu.memory_space<hbm>> -> memref<1x10240xf32, #tpu.memory_space<hbm>>
      %dma_start3A_110 = tpu.memref_squeeze %dma_start3A_109 : memref<1x10240xf32, #tpu.memory_space<hbm>> -> memref<10240xf32, #tpu.memory_space<hbm>>
      %dma_start3A_111 = arith.constant 0 : i32
      %dma_start3A_112 = tpu.memref_slice %arg6[%arg1, %dma_start3A_111] : memref<16x10240xf32, #tpu.memory_space<hbm>> -> memref<1x10240xf32, #tpu.memory_space<hbm>>
      %dma_start3A_113 = tpu.memref_squeeze %dma_start3A_112 : memref<1x10240xf32, #tpu.memory_space<hbm>> -> memref<10240xf32, #tpu.memory_space<hbm>>
      %dma_start3A_114 = arith.constant 0 : i32
      %dma_start3A_115 = tpu.memref_slice %arg16[%dma_start3A_114] : memref<20480xf32, #tpu.memory_space<vmem>> -> memref<10240xf32, #tpu.memory_space<vmem>>
      tpu.enqueue_dma source(%dma_start3A_115 : memref<10240xf32, #tpu.memory_space<vmem>>) target(%dma_start3A_113 : memref<10240xf32, #tpu.memory_space<hbm>>) target_semaphore(%run_scoped3A : memref<!tpu.dma_semaphore, #tpu.memory_space<semaphore_mem>>)
      %dma_wait3A_116 = arith.constant 0 : i32
      %dma_wait3A_117 = tpu.memref_slice %arg16[%dma_wait3A_116] : memref<20480xf32, #tpu.memory_space<vmem>> -> memref<10240xf32, #tpu.memory_space<vmem>>
      %dma_wait3A_118 = arith.constant 0 : i32
      %dma_wait3A_119 = tpu.memref_slice %arg6[%arg1, %dma_wait3A_118] : memref<16x10240xf32, #tpu.memory_space<hbm>> -> memref<1x10240xf32, #tpu.memory_space<hbm>>
      %dma_wait3A_120 = tpu.memref_squeeze %dma_wait3A_119 : memref<1x10240xf32, #tpu.memory_space<hbm>> -> memref<10240xf32, #tpu.memory_space<hbm>>
      %dma_wait3A_121 = arith.constant 0 : i32
      %dma_wait3A_122 = tpu.memref_slice %arg6[%arg1, %dma_wait3A_121] : memref<16x10240xf32, #tpu.memory_space<hbm>> -> memref<1x10240xf32, #tpu.memory_space<hbm>>
      %dma_wait3A_123 = tpu.memref_squeeze %dma_wait3A_122 : memref<1x10240xf32, #tpu.memory_space<hbm>> -> memref<10240xf32, #tpu.memory_space<hbm>>
      %dma_wait3A_124 = arith.constant 0 : i32
      %dma_wait3A_125 = tpu.memref_slice %arg16[%dma_wait3A_124] : memref<20480xf32, #tpu.memory_space<vmem>> -> memref<10240xf32, #tpu.memory_space<vmem>>
      tpu.wait_dma2 semaphore(%run_scoped3A : memref<!tpu.dma_semaphore, #tpu.memory_space<semaphore_mem>>) src(%dma_wait3A_125 : memref<10240xf32, #tpu.memory_space<vmem>>) dst(%dma_wait3A_123 : memref<10240xf32, #tpu.memory_space<hbm>>)
      tpu.yield
    }) : () -> ()
    %barrier3A = arith.constant 0 : index
    tpu.barrier barrier_id(%barrier3A)
    "tpu.region"() ({
      %run_scoped3A = tpu.sem_alloc : memref<!tpu.dma_semaphore, #tpu.memory_space<semaphore_mem>>
      %dma_start3A_106 = arith.constant 0 : i32
      %dma_start3A_107 = tpu.memref_slice %arg6[%dma_start3A_106, %mul3A_2] : memref<16x10240xf32, #tpu.memory_space<hbm>> -> memref<16x640xf32, #tpu.memory_space<hbm>>
      %dma_start3A_108 = arith.constant 0 : i32
      %dma_start3A_109 = tpu.memref_slice %arg6[%dma_start3A_108, %mul3A_2] : memref<16x10240xf32, #tpu.memory_space<hbm>> -> memref<16x640xf32, #tpu.memory_space<hbm>>
      tpu.enqueue_dma source(%dma_start3A_109 : memref<16x640xf32, #tpu.memory_space<hbm>>) target(%arg17 : memref<16x640xf32, #tpu.memory_space<vmem>>) target_semaphore(%run_scoped3A : memref<!tpu.dma_semaphore, #tpu.memory_space<semaphore_mem>>)
      %dma_wait3A_110 = arith.constant 0 : i32
      %dma_wait3A_111 = tpu.memref_slice %arg6[%dma_wait3A_110, %mul3A_2] : memref<16x10240xf32, #tpu.memory_space<hbm>> -> memref<16x640xf32, #tpu.memory_space<hbm>>
      %dma_wait3A_112 = arith.constant 0 : i32
      %dma_wait3A_113 = tpu.memref_slice %arg6[%dma_wait3A_112, %mul3A_2] : memref<16x10240xf32, #tpu.memory_space<hbm>> -> memref<16x640xf32, #tpu.memory_space<hbm>>
      tpu.wait_dma2 semaphore(%run_scoped3A : memref<!tpu.dma_semaphore, #tpu.memory_space<semaphore_mem>>) src(%dma_wait3A_113 : memref<16x640xf32, #tpu.memory_space<hbm>>) dst(%arg17 : memref<16x640xf32, #tpu.memory_space<vmem>>)
      tpu.yield
    }) : () -> ()
    %parallel_loop3A_24 = arith.constant 0 : i32
    %parallel_loop3A_25 = arith.constant 40 : i32
    %parallel_loop3A_26 = arith.constant 1 : i32
    scf.for %parallel_loop3A_106 = %parallel_loop3A_24 to %parallel_loop3A_25 step %parallel_loop3A_26  : i32 {
      %parallel_loop3A_107 = arith.constant 16 : i32
      %parallel_loop3A_108 = arith.muli %parallel_loop3A_106, %parallel_loop3A_107 : i32
      %parallel_loop3A_109 = arith.constant 0 : i32
      %parallel_loop3A_110 = arith.index_cast %parallel_loop3A_109 : i32 to index
      %parallel_loop3A_111 = arith.index_cast %parallel_loop3A_108 : i32 to index
      %parallel_loop3A_112 = tpu.vector_load %arg17[%parallel_loop3A_110, %parallel_loop3A_111] {strides = array<i32>} : memref<16x640xf32, #tpu.memory_space<vmem>>, vector<16xf32>,
      %parallel_loop3A_113 = arith.constant 16 : i32
      %parallel_loop3A_114 = arith.muli %parallel_loop3A_106, %parallel_loop3A_113 : i32
      %parallel_loop3A_115 = arith.constant 1 : i32
      %parallel_loop3A_116 = arith.index_cast %parallel_loop3A_115 : i32 to index
      %parallel_loop3A_117 = arith.index_cast %parallel_loop3A_114 : i32 to index
      %parallel_loop3A_118 = tpu.vector_load %arg17[%parallel_loop3A_116, %parallel_loop3A_117] {strides = array<i32>} : memref<16x640xf32, #tpu.memory_space<vmem>>, vector<16xf32>,
      %parallel_loop3A_119 = arith.addf %parallel_loop3A_112, %parallel_loop3A_118 : vector<16xf32>
      %parallel_loop3A_120 = arith.constant 16 : i32
      %parallel_loop3A_121 = arith.muli %parallel_loop3A_106, %parallel_loop3A_120 : i32
      %parallel_loop3A_122 = arith.constant 2 : i32
      %parallel_loop3A_123 = arith.index_cast %parallel_loop3A_122 : i32 to index
      %parallel_loop3A_124 = arith.index_cast %parallel_loop3A_121 : i32 to index
      %parallel_loop3A_125 = tpu.vector_load %arg17[%parallel_loop3A_123, %parallel_loop3A_124] {strides = array<i32>} : memref<16x640xf32, #tpu.memory_space<vmem>>, vector<16xf32>,
      %parallel_loop3A_126 = arith.addf %parallel_loop3A_119, %parallel_loop3A_125 : vector<16xf32>
      %parallel_loop3A_127 = arith.constant 16 : i32
      %parallel_loop3A_128 = arith.muli %parallel_loop3A_106, %parallel_loop3A_127 : i32
      %parallel_loop3A_129 = arith.constant 3 : i32
      %parallel_loop3A_130 = arith.index_cast %parallel_loop3A_129 : i32 to index
      %parallel_loop3A_131 = arith.index_cast %parallel_loop3A_128 : i32 to index
      %parallel_loop3A_132 = tpu.vector_load %arg17[%parallel_loop3A_130, %parallel_loop3A_131] {strides = array<i32>} : memref<16x640xf32, #tpu.memory_space<vmem>>, vector<16xf32>,
      %parallel_loop3A_133 = arith.addf %parallel_loop3A_126, %parallel_loop3A_132 : vector<16xf32>
      %parallel_loop3A_134 = arith.constant 16 : i32
      %parallel_loop3A_135 = arith.muli %parallel_loop3A_106, %parallel_loop3A_134 : i32
      %parallel_loop3A_136 = arith.constant 4 : i32
      %parallel_loop3A_137 = arith.index_cast %parallel_loop3A_136 : i32 to index
      %parallel_loop3A_138 = arith.index_cast %parallel_loop3A_135 : i32 to index
      %parallel_loop3A_139 = tpu.vector_load %arg17[%parallel_loop3A_137, %parallel_loop3A_138] {strides = array<i32>} : memref<16x640xf32, #tpu.memory_space<vmem>>, vector<16xf32>,
      %parallel_loop3A_140 = arith.addf %parallel_loop3A_133, %parallel_loop3A_139 : vector<16xf32>
      %parallel_loop3A_141 = arith.constant 16 : i32
      %parallel_loop3A_142 = arith.muli %parallel_loop3A_106, %parallel_loop3A_141 : i32
      %parallel_loop3A_143 = arith.constant 5 : i32
      %parallel_loop3A_144 = arith.index_cast %parallel_loop3A_143 : i32 to index
      %parallel_loop3A_145 = arith.index_cast %parallel_loop3A_142 : i32 to index
      %parallel_loop3A_146 = tpu.vector_load %arg17[%parallel_loop3A_144, %parallel_loop3A_145] {strides = array<i32>} : memref<16x640xf32, #tpu.memory_space<vmem>>, vector<16xf32>,
      %parallel_loop3A_147 = arith.addf %parallel_loop3A_140, %parallel_loop3A_146 : vector<16xf32>
      %parallel_loop3A_148 = arith.constant 16 : i32
      %parallel_loop3A_149 = arith.muli %parallel_loop3A_106, %parallel_loop3A_148 : i32
      %parallel_loop3A_150 = arith.constant 6 : i32
      %parallel_loop3A_151 = arith.index_cast %parallel_loop3A_150 : i32 to index
      %parallel_loop3A_152 = arith.index_cast %parallel_loop3A_149 : i32 to index
      %parallel_loop3A_153 = tpu.vector_load %arg17[%parallel_loop3A_151, %parallel_loop3A_152] {strides = array<i32>} : memref<16x640xf32, #tpu.memory_space<vmem>>, vector<16xf32>,
      %parallel_loop3A_154 = arith.addf %parallel_loop3A_147, %parallel_loop3A_153 : vector<16xf32>
      %parallel_loop3A_155 = arith.constant 16 : i32
      %parallel_loop3A_156 = arith.muli %parallel_loop3A_106, %parallel_loop3A_155 : i32
      %parallel_loop3A_157 = arith.constant 7 : i32
      %parallel_loop3A_158 = arith.index_cast %parallel_loop3A_157 : i32 to index
      %parallel_loop3A_159 = arith.index_cast %parallel_loop3A_156 : i32 to index
      %parallel_loop3A_160 = tpu.vector_load %arg17[%parallel_loop3A_158, %parallel_loop3A_159] {strides = array<i32>} : memref<16x640xf32, #tpu.memory_space<vmem>>, vector<16xf32>,
      %parallel_loop3A_161 = arith.addf %parallel_loop3A_154, %parallel_loop3A_160 : vector<16xf32>
      %parallel_loop3A_162 = arith.constant 16 : i32
      %parallel_loop3A_163 = arith.muli %parallel_loop3A_106, %parallel_loop3A_162 : i32
      %parallel_loop3A_164 = arith.constant 8 : i32
      %parallel_loop3A_165 = arith.index_cast %parallel_loop3A_164 : i32 to index
      %parallel_loop3A_166 = arith.index_cast %parallel_loop3A_163 : i32 to index
      %parallel_loop3A_167 = tpu.vector_load %arg17[%parallel_loop3A_165, %parallel_loop3A_166] {strides = array<i32>} : memref<16x640xf32, #tpu.memory_space<vmem>>, vector<16xf32>,
      %parallel_loop3A_168 = arith.addf %parallel_loop3A_161, %parallel_loop3A_167 : vector<16xf32>
      %parallel_loop3A_169 = arith.constant 16 : i32
      %parallel_loop3A_170 = arith.muli %parallel_loop3A_106, %parallel_loop3A_169 : i32
      %parallel_loop3A_171 = arith.constant 9 : i32
      %parallel_loop3A_172 = arith.index_cast %parallel_loop3A_171 : i32 to index
      %parallel_loop3A_173 = arith.index_cast %parallel_loop3A_170 : i32 to index
      %parallel_loop3A_174 = tpu.vector_load %arg17[%parallel_loop3A_172, %parallel_loop3A_173] {strides = array<i32>} : memref<16x640xf32, #tpu.memory_space<vmem>>, vector<16xf32>,
      %parallel_loop3A_175 = arith.addf %parallel_loop3A_168, %parallel_loop3A_174 : vector<16xf32>
      %parallel_loop3A_176 = arith.constant 16 : i32
      %parallel_loop3A_177 = arith.muli %parallel_loop3A_106, %parallel_loop3A_176 : i32
      %parallel_loop3A_178 = arith.constant 10 : i32
      %parallel_loop3A_179 = arith.index_cast %parallel_loop3A_178 : i32 to index
      %parallel_loop3A_180 = arith.index_cast %parallel_loop3A_177 : i32 to index
      %parallel_loop3A_181 = tpu.vector_load %arg17[%parallel_loop3A_179, %parallel_loop3A_180] {strides = array<i32>} : memref<16x640xf32, #tpu.memory_space<vmem>>, vector<16xf32>,
      %parallel_loop3A_182 = arith.addf %parallel_loop3A_175, %parallel_loop3A_181 : vector<16xf32>
      %parallel_loop3A_183 = arith.constant 16 : i32
      %parallel_loop3A_184 = arith.muli %parallel_loop3A_106, %parallel_loop3A_183 : i32
      %parallel_loop3A_185 = arith.constant 11 : i32
      %parallel_loop3A_186 = arith.index_cast %parallel_loop3A_185 : i32 to index
      %parallel_loop3A_187 = arith.index_cast %parallel_loop3A_184 : i32 to index
      %parallel_loop3A_188 = tpu.vector_load %arg17[%parallel_loop3A_186, %parallel_loop3A_187] {strides = array<i32>} : memref<16x640xf32, #tpu.memory_space<vmem>>, vector<16xf32>,
      %parallel_loop3A_189 = arith.addf %parallel_loop3A_182, %parallel_loop3A_188 : vector<16xf32>
      %parallel_loop3A_190 = arith.constant 16 : i32
      %parallel_loop3A_191 = arith.muli %parallel_loop3A_106, %parallel_loop3A_190 : i32
      %parallel_loop3A_192 = arith.constant 12 : i32
      %parallel_loop3A_193 = arith.index_cast %parallel_loop3A_192 : i32 to index
      %parallel_loop3A_194 = arith.index_cast %parallel_loop3A_191 : i32 to index
      %parallel_loop3A_195 = tpu.vector_load %arg17[%parallel_loop3A_193, %parallel_loop3A_194] {strides = array<i32>} : memref<16x640xf32, #tpu.memory_space<vmem>>, vector<16xf32>,
      %parallel_loop3A_196 = arith.addf %parallel_loop3A_189, %parallel_loop3A_195 : vector<16xf32>
      %parallel_loop3A_197 = arith.constant 16 : i32
      %parallel_loop3A_198 = arith.muli %parallel_loop3A_106, %parallel_loop3A_197 : i32
      %parallel_loop3A_199 = arith.constant 13 : i32
      %parallel_loop3A_200 = arith.index_cast %parallel_loop3A_199 : i32 to index
      %parallel_loop3A_201 = arith.index_cast %parallel_loop3A_198 : i32 to index
      %parallel_loop3A_202 = tpu.vector_load %arg17[%parallel_loop3A_200, %parallel_loop3A_201] {strides = array<i32>} : memref<16x640xf32, #tpu.memory_space<vmem>>, vector<16xf32>,
      %parallel_loop3A_203 = arith.addf %parallel_loop3A_196, %parallel_loop3A_202 : vector<16xf32>
      %parallel_loop3A_204 = arith.constant 16 : i32
      %parallel_loop3A_205 = arith.muli %parallel_loop3A_106, %parallel_loop3A_204 : i32
      %parallel_loop3A_206 = arith.constant 14 : i32
      %parallel_loop3A_207 = arith.index_cast %parallel_loop3A_206 : i32 to index
      %parallel_loop3A_208 = arith.index_cast %parallel_loop3A_205 : i32 to index
      %parallel_loop3A_209 = tpu.vector_load %arg17[%parallel_loop3A_207, %parallel_loop3A_208] {strides = array<i32>} : memref<16x640xf32, #tpu.memory_space<vmem>>, vector<16xf32>,
      %parallel_loop3A_210 = arith.addf %parallel_loop3A_203, %parallel_loop3A_209 : vector<16xf32>
      %parallel_loop3A_211 = arith.constant 16 : i32
      %parallel_loop3A_212 = arith.muli %parallel_loop3A_106, %parallel_loop3A_211 : i32
      %parallel_loop3A_213 = arith.constant 15 : i32
      %parallel_loop3A_214 = arith.index_cast %parallel_loop3A_213 : i32 to index
      %parallel_loop3A_215 = arith.index_cast %parallel_loop3A_212 : i32 to index
      %parallel_loop3A_216 = tpu.vector_load %arg17[%parallel_loop3A_214, %parallel_loop3A_215] {strides = array<i32>} : memref<16x640xf32, #tpu.memory_space<vmem>>, vector<16xf32>,
      %parallel_loop3A_217 = arith.addf %parallel_loop3A_210, %parallel_loop3A_216 : vector<16xf32>
      %parallel_loop3A_218 = arith.constant 16 : i32
      %parallel_loop3A_219 = arith.muli %parallel_loop3A_106, %parallel_loop3A_218 : i32
      %parallel_loop3A_220 = arith.index_cast %parallel_loop3A_219 : i32 to index
      %parallel_loop3A_221 = tpu.vector_load %arg21[%parallel_loop3A_220] {strides = array<i32>} : memref<640xf32, #tpu.memory_space<vmem>>, vector<16xf32>,
      tpu.vector_store %arg21[%parallel_loop3A_220], %parallel_loop3A_217 {strides = array<i32>} : memref<640xf32, #tpu.memory_space<vmem>>, vector<16xf32>,
    } {sc.loop_unroll_factor = 4 : i64, sc.parallel_access}
    %parallel_loop3A_27 = arith.constant 0 : i32
    %parallel_loop3A_28 = arith.constant 40 : i32
    %parallel_loop3A_29 = arith.constant 1 : i32
    scf.for %parallel_loop3A_106 = %parallel_loop3A_27 to %parallel_loop3A_28 step %parallel_loop3A_29  : i32 {
      %parallel_loop3A_107 = arith.constant 16 : i32
      %parallel_loop3A_108 = arith.muli %parallel_loop3A_106, %parallel_loop3A_107 : i32
      %parallel_loop3A_109 = arith.index_cast %parallel_loop3A_108 : i32 to index
      %parallel_loop3A_110 = tpu.vector_load %arg21[%parallel_loop3A_109] {strides = array<i32>} : memref<640xf32, #tpu.memory_space<vmem>>, vector<16xf32>,
      %parallel_loop3A_111 = arith.constant 1.000000e+00 : f32
      %parallel_loop3A_112 = vector.broadcast %parallel_loop3A_111 : f32 to vector<16xf32>
      %parallel_loop3A_113 = arith.addf %parallel_loop3A_110, %parallel_loop3A_112 : vector<16xf32>
      %parallel_loop3A_114 = vector.bitcast %parallel_loop3A_113 : vector<16xf32> to vector<16xi32>
      %parallel_loop3A_115 = arith.constant 1 : i32
      %parallel_loop3A_116 = vector.broadcast %parallel_loop3A_115 : i32 to vector<16xi32>
      %parallel_loop3A_117 = arith.shrui %parallel_loop3A_114, %parallel_loop3A_116 : vector<16xi32>
      %parallel_loop3A_118 = arith.constant 1597463007 : i32
      %parallel_loop3A_119 = vector.broadcast %parallel_loop3A_118 : i32 to vector<16xi32>
      %parallel_loop3A_120 = arith.subi %parallel_loop3A_119, %parallel_loop3A_117 : vector<16xi32>
      %parallel_loop3A_121 = vector.bitcast %parallel_loop3A_120 : vector<16xi32> to vector<16xf32>
      %parallel_loop3A_122 = arith.constant 5.000000e-01 : f32
      %parallel_loop3A_123 = vector.broadcast %parallel_loop3A_122 : f32 to vector<16xf32>
      %parallel_loop3A_124 = arith.mulf %parallel_loop3A_113, %parallel_loop3A_123 : vector<16xf32>
      %parallel_loop3A_125 = arith.mulf %parallel_loop3A_124, %parallel_loop3A_121 : vector<16xf32>
      %parallel_loop3A_126 = arith.mulf %parallel_loop3A_125, %parallel_loop3A_121 : vector<16xf32>
      %parallel_loop3A_127 = arith.constant 1.500000e+00 : f32
      %parallel_loop3A_128 = vector.broadcast %parallel_loop3A_127 : f32 to vector<16xf32>
      %parallel_loop3A_129 = arith.subf %parallel_loop3A_128, %parallel_loop3A_126 : vector<16xf32>
      %parallel_loop3A_130 = arith.mulf %parallel_loop3A_121, %parallel_loop3A_129 : vector<16xf32>
      %parallel_loop3A_131 = arith.mulf %parallel_loop3A_124, %parallel_loop3A_130 : vector<16xf32>
      %parallel_loop3A_132 = arith.mulf %parallel_loop3A_131, %parallel_loop3A_130 : vector<16xf32>
      %parallel_loop3A_133 = arith.constant 1.500000e+00 : f32
      %parallel_loop3A_134 = vector.broadcast %parallel_loop3A_133 : f32 to vector<16xf32>
      %parallel_loop3A_135 = arith.subf %parallel_loop3A_134, %parallel_loop3A_132 : vector<16xf32>
      %parallel_loop3A_136 = arith.mulf %parallel_loop3A_130, %parallel_loop3A_135 : vector<16xf32>
      %parallel_loop3A_137 = arith.mulf %parallel_loop3A_124, %parallel_loop3A_136 : vector<16xf32>
      %parallel_loop3A_138 = arith.mulf %parallel_loop3A_137, %parallel_loop3A_136 : vector<16xf32>
      %parallel_loop3A_139 = arith.constant 1.500000e+00 : f32
      %parallel_loop3A_140 = vector.broadcast %parallel_loop3A_139 : f32 to vector<16xf32>
      %parallel_loop3A_141 = arith.subf %parallel_loop3A_140, %parallel_loop3A_138 : vector<16xf32>
      %parallel_loop3A_142 = arith.mulf %parallel_loop3A_136, %parallel_loop3A_141 : vector<16xf32>
      %parallel_loop3A_143 = arith.constant 16 : i32
      %parallel_loop3A_144 = arith.muli %parallel_loop3A_106, %parallel_loop3A_143 : i32
      %parallel_loop3A_145 = arith.index_cast %parallel_loop3A_144 : i32 to index
      %parallel_loop3A_146 = tpu.vector_load %arg18[%parallel_loop3A_145] {strides = array<i32>} : memref<640xf32, #tpu.memory_space<vmem>>, vector<16xf32>,
      tpu.vector_store %arg18[%parallel_loop3A_145], %parallel_loop3A_142 {strides = array<i32>} : memref<640xf32, #tpu.memory_space<vmem>>, vector<16xf32>,
      %parallel_loop3A_147 = arith.constant 16 : i32
      %parallel_loop3A_148 = arith.muli %parallel_loop3A_106, %parallel_loop3A_147 : i32
      %parallel_loop3A_149 = arith.index_cast %parallel_loop3A_148 : i32 to index
      %parallel_loop3A_150 = tpu.vector_load %arg15[%parallel_loop3A_149] {strides = array<i32>} : memref<640xf32, #tpu.memory_space<vmem>>, vector<16xf32>,
      %parallel_loop3A_151 = arith.mulf %parallel_loop3A_142, %parallel_loop3A_150 : vector<16xf32>
      %parallel_loop3A_152 = arith.constant 16 : i32
      %parallel_loop3A_153 = arith.muli %parallel_loop3A_106, %parallel_loop3A_152 : i32
      %parallel_loop3A_154 = arith.index_cast %parallel_loop3A_153 : i32 to index
      %parallel_loop3A_155 = tpu.vector_load %arg19[%parallel_loop3A_154] {strides = array<i32>} : memref<640xf32, #tpu.memory_space<vmem>>, vector<16xf32>,
      tpu.vector_store %arg19[%parallel_loop3A_154], %parallel_loop3A_151 {strides = array<i32>} : memref<640xf32, #tpu.memory_space<vmem>>, vector<16xf32>,
    } {sc.loop_unroll_factor = 2 : i64, sc.parallel_access}
    %lt3A_30 = arith.constant 15 : i32
    %lt3A_31 = arith.cmpi slt, %arg1, %lt3A_30 : i32
    %convert_element_type3A_32 = arith.extui %lt3A_31 : i1 to i32
    %cond3A_33 = arith.constant 0 : i32
    %cond3A_34 = arith.cmpi ne, %convert_element_type3A_32, %cond3A_33 : i32
    scf.if %cond3A_34 {
      "tpu.region"() ({
        %run_scoped3A = tpu.sem_alloc : memref<!tpu.dma_semaphore, #tpu.memory_space<semaphore_mem>>
        %dma_start3A_108 = tpu.memref_slice %arg8[%mul3A_2] : memref<20000xf32, #tpu.memory_space<hbm>> -> memref<640xf32, #tpu.memory_space<hbm>>
        %dma_start3A_109 = tpu.memref_slice %arg8[%mul3A_2] : memref<20000xf32, #tpu.memory_space<hbm>> -> memref<640xf32, #tpu.memory_space<hbm>>
        tpu.enqueue_dma source(%arg18 : memref<640xf32, #tpu.memory_space<vmem>>) target(%dma_start3A_109 : memref<640xf32, #tpu.memory_space<hbm>>) target_semaphore(%run_scoped3A : memref<!tpu.dma_semaphore, #tpu.memory_space<semaphore_mem>>)
        %dma_wait3A_110 = tpu.memref_slice %arg8[%mul3A_2] : memref<20000xf32, #tpu.memory_space<hbm>> -> memref<640xf32, #tpu.memory_space<hbm>>
        %dma_wait3A_111 = tpu.memref_slice %arg8[%mul3A_2] : memref<20000xf32, #tpu.memory_space<hbm>> -> memref<640xf32, #tpu.memory_space<hbm>>
        tpu.wait_dma2 semaphore(%run_scoped3A : memref<!tpu.dma_semaphore, #tpu.memory_space<semaphore_mem>>) src(%arg18 : memref<640xf32, #tpu.memory_space<vmem>>) dst(%dma_wait3A_111 : memref<640xf32, #tpu.memory_space<hbm>>)
        tpu.yield
      }) : () -> ()
      %add3A_106 = arith.constant 10000 : i32
      %add3A_107 = arith.addi %add3A_106, %mul3A_2 : i32
      "tpu.region"() ({
        %run_scoped3A = tpu.sem_alloc : memref<!tpu.dma_semaphore, #tpu.memory_space<semaphore_mem>>
        %dma_start3A_108 = tpu.memref_slice %arg8[%add3A_107] : memref<20000xf32, #tpu.memory_space<hbm>> -> memref<640xf32, #tpu.memory_space<hbm>>
        %dma_start3A_109 = tpu.memref_slice %arg8[%add3A_107] : memref<20000xf32, #tpu.memory_space<hbm>> -> memref<640xf32, #tpu.memory_space<hbm>>
        tpu.enqueue_dma source(%arg19 : memref<640xf32, #tpu.memory_space<vmem>>) target(%dma_start3A_109 : memref<640xf32, #tpu.memory_space<hbm>>) target_semaphore(%run_scoped3A : memref<!tpu.dma_semaphore, #tpu.memory_space<semaphore_mem>>)
        %dma_wait3A_110 = tpu.memref_slice %arg8[%add3A_107] : memref<20000xf32, #tpu.memory_space<hbm>> -> memref<640xf32, #tpu.memory_space<hbm>>
        %dma_wait3A_111 = tpu.memref_slice %arg8[%add3A_107] : memref<20000xf32, #tpu.memory_space<hbm>> -> memref<640xf32, #tpu.memory_space<hbm>>
        tpu.wait_dma2 semaphore(%run_scoped3A : memref<!tpu.dma_semaphore, #tpu.memory_space<semaphore_mem>>) src(%arg19 : memref<640xf32, #tpu.memory_space<vmem>>) dst(%dma_wait3A_111 : memref<640xf32, #tpu.memory_space<hbm>>)
        tpu.yield
      }) : () -> ()
    } else {
    }
    %eq3A_35 = arith.constant 15 : i32
    %eq3A_36 = arith.cmpi eq, %arg1, %eq3A_35 : i32
    %convert_element_type3A_37 = arith.extui %eq3A_36 : i1 to i32
    %cond3A_38 = arith.constant 0 : i32
    %cond3A_39 = arith.cmpi ne, %convert_element_type3A_37, %cond3A_38 : i32
    scf.if %cond3A_39 {
      "tpu.region"() ({
        %run_scoped3A = tpu.sem_alloc : memref<!tpu.dma_semaphore, #tpu.memory_space<semaphore_mem>>
        %dma_start3A_108 = arith.constant 0 : i32
        %dma_start3A_109 = tpu.memref_slice %arg18[%dma_start3A_108] : memref<640xf32, #tpu.memory_space<vmem>> -> memref<400xf32, #tpu.memory_space<vmem>>
        %dma_start3A_110 = tpu.memref_slice %arg8[%mul3A_2] : memref<20000xf32, #tpu.memory_space<hbm>> -> memref<400xf32, #tpu.memory_space<hbm>>
        %dma_start3A_111 = tpu.memref_slice %arg8[%mul3A_2] : memref<20000xf32, #tpu.memory_space<hbm>> -> memref<400xf32, #tpu.memory_space<hbm>>
        %dma_start3A_112 = arith.constant 0 : i32
        %dma_start3A_113 = tpu.memref_slice %arg18[%dma_start3A_112] : memref<640xf32, #tpu.memory_space<vmem>> -> memref<400xf32, #tpu.memory_space<vmem>>
        tpu.enqueue_dma source(%dma_start3A_113 : memref<400xf32, #tpu.memory_space<vmem>>) target(%dma_start3A_111 : memref<400xf32, #tpu.memory_space<hbm>>) target_semaphore(%run_scoped3A : memref<!tpu.dma_semaphore, #tpu.memory_space<semaphore_mem>>)
        %dma_wait3A_114 = arith.constant 0 : i32
        %dma_wait3A_115 = tpu.memref_slice %arg18[%dma_wait3A_114] : memref<640xf32, #tpu.memory_space<vmem>> -> memref<400xf32, #tpu.memory_space<vmem>>
        %dma_wait3A_116 = tpu.memref_slice %arg8[%mul3A_2] : memref<20000xf32, #tpu.memory_space<hbm>> -> memref<400xf32, #tpu.memory_space<hbm>>
        %dma_wait3A_117 = tpu.memref_slice %arg8[%mul3A_2] : memref<20000xf32, #tpu.memory_space<hbm>> -> memref<400xf32, #tpu.memory_space<hbm>>
        %dma_wait3A_118 = arith.constant 0 : i32
        %dma_wait3A_119 = tpu.memref_slice %arg18[%dma_wait3A_118] : memref<640xf32, #tpu.memory_space<vmem>> -> memref<400xf32, #tpu.memory_space<vmem>>
        tpu.wait_dma2 semaphore(%run_scoped3A : memref<!tpu.dma_semaphore, #tpu.memory_space<semaphore_mem>>) src(%dma_wait3A_119 : memref<400xf32, #tpu.memory_space<vmem>>) dst(%dma_wait3A_117 : memref<400xf32, #tpu.memory_space<hbm>>)
        tpu.yield
      }) : () -> ()
      %add3A_106 = arith.constant 10000 : i32
      %add3A_107 = arith.addi %add3A_106, %mul3A_2 : i32
      "tpu.region"() ({
        %run_scoped3A = tpu.sem_alloc : memref<!tpu.dma_semaphore, #tpu.memory_space<semaphore_mem>>
        %dma_start3A_108 = arith.constant 0 : i32
        %dma_start3A_109 = tpu.memref_slice %arg19[%dma_start3A_108] : memref<640xf32, #tpu.memory_space<vmem>> -> memref<400xf32, #tpu.memory_space<vmem>>
        %dma_start3A_110 = tpu.memref_slice %arg8[%add3A_107] : memref<20000xf32, #tpu.memory_space<hbm>> -> memref<400xf32, #tpu.memory_space<hbm>>
        %dma_start3A_111 = tpu.memref_slice %arg8[%add3A_107] : memref<20000xf32, #tpu.memory_space<hbm>> -> memref<400xf32, #tpu.memory_space<hbm>>
        %dma_start3A_112 = arith.constant 0 : i32
        %dma_start3A_113 = tpu.memref_slice %arg19[%dma_start3A_112] : memref<640xf32, #tpu.memory_space<vmem>> -> memref<400xf32, #tpu.memory_space<vmem>>
        tpu.enqueue_dma source(%dma_start3A_113 : memref<400xf32, #tpu.memory_space<vmem>>) target(%dma_start3A_111 : memref<400xf32, #tpu.memory_space<hbm>>) target_semaphore(%run_scoped3A : memref<!tpu.dma_semaphore, #tpu.memory_space<semaphore_mem>>)
        %dma_wait3A_114 = arith.constant 0 : i32
        %dma_wait3A_115 = tpu.memref_slice %arg19[%dma_wait3A_114] : memref<640xf32, #tpu.memory_space<vmem>> -> memref<400xf32, #tpu.memory_space<vmem>>
        %dma_wait3A_116 = tpu.memref_slice %arg8[%add3A_107] : memref<20000xf32, #tpu.memory_space<hbm>> -> memref<400xf32, #tpu.memory_space<hbm>>
        %dma_wait3A_117 = tpu.memref_slice %arg8[%add3A_107] : memref<20000xf32, #tpu.memory_space<hbm>> -> memref<400xf32, #tpu.memory_space<hbm>>
        %dma_wait3A_118 = arith.constant 0 : i32
        %dma_wait3A_119 = tpu.memref_slice %arg19[%dma_wait3A_118] : memref<640xf32, #tpu.memory_space<vmem>> -> memref<400xf32, #tpu.memory_space<vmem>>
        tpu.wait_dma2 semaphore(%run_scoped3A : memref<!tpu.dma_semaphore, #tpu.memory_space<semaphore_mem>>) src(%dma_wait3A_119 : memref<400xf32, #tpu.memory_space<vmem>>) dst(%dma_wait3A_117 : memref<400xf32, #tpu.memory_space<hbm>>)
        tpu.yield
      }) : () -> ()
    } else {
    }
    %barrier3A_40 = arith.constant 0 : index
    tpu.barrier barrier_id(%barrier3A_40)
    tpu.enqueue_dma source(%arg8 : memref<20000xf32, #tpu.memory_space<hbm>>) target(%arg13 : memref<20000xf32, #tpu.memory_space<vmem>>) target_semaphore(%arg24 : memref<!tpu.dma_semaphore, #tpu.memory_space<semaphore_mem>>)
    %parallel_loop3A_41 = arith.constant 0 : i32
    %parallel_loop3A_42 = arith.constant 1280 : i32
    %parallel_loop3A_43 = arith.constant 1 : i32
    scf.for %parallel_loop3A_106 = %parallel_loop3A_41 to %parallel_loop3A_42 step %parallel_loop3A_43  : i32 {
      %parallel_loop3A_107 = arith.constant 16 : i32
      %parallel_loop3A_108 = arith.muli %parallel_loop3A_106, %parallel_loop3A_107 : i32
      %parallel_loop3A_109 = arith.index_cast %parallel_loop3A_108 : i32 to index
      %parallel_loop3A_110 = tpu.vector_load %arg16[%parallel_loop3A_109] {strides = array<i32>} : memref<20480xf32, #tpu.memory_space<vmem>>, vector<16xf32>,
      tpu.vector_store %arg16[%parallel_loop3A_109], %broadcast_in_dim3A_3 {strides = array<i32>} : memref<20480xf32, #tpu.memory_space<vmem>>, vector<16xf32>,
    } {sc.loop_unroll_factor = 8 : i64, sc.parallel_access}
    tpu.wait_dma2 semaphore(%arg24 : memref<!tpu.dma_semaphore, #tpu.memory_space<semaphore_mem>>) src(%arg8 : memref<20000xf32, #tpu.memory_space<hbm>>) dst(%arg13 : memref<20000xf32, #tpu.memory_space<vmem>>)
    %broadcast_in_dim3A_44 = arith.constant 10000 : i32
    %broadcast_in_dim3A_45 = vector.broadcast %broadcast_in_dim3A_44 : i32 to vector<16xi32>
    %broadcast_in_dim3A_46 = arith.constant 10240 : i32
    %broadcast_in_dim3A_47 = vector.broadcast %broadcast_in_dim3A_46 : i32 to vector<16xi32>
    %parallel_loop3A_48 = arith.constant 0 : i32
    %parallel_loop3A_49 = arith.constant 625 : i32
    %parallel_loop3A_50 = arith.constant 1 : i32
    scf.for %parallel_loop3A_106 = %parallel_loop3A_48 to %parallel_loop3A_49 step %parallel_loop3A_50  : i32 {
      %parallel_loop3A_107 = arith.constant 16 : i32
      %parallel_loop3A_108 = arith.muli %parallel_loop3A_106, %parallel_loop3A_107 : i32
      %parallel_loop3A_109 = arith.index_cast %parallel_loop3A_108 : i32 to index
      %parallel_loop3A_110 = tpu.vector_load %arg11[%parallel_loop3A_109] {strides = array<i32>} : memref<10000xi32, #tpu.memory_space<vmem>>, vector<16xi32>,
      %parallel_loop3A_111 = arith.constant 16 : i32
      %parallel_loop3A_112 = arith.muli %parallel_loop3A_106, %parallel_loop3A_111 : i32
      %parallel_loop3A_113 = arith.index_cast %parallel_loop3A_112 : i32 to index
      %parallel_loop3A_114 = tpu.vector_load %arg12[%parallel_loop3A_113] {strides = array<i32>} : memref<10000xi32, #tpu.memory_space<vmem>>, vector<16xi32>,
      %parallel_loop3A_115 = tpu.vector_load_idx %arg13[%parallel_loop3A_110] : memref<20000xf32, #tpu.memory_space<vmem>>[vector<16xi32>], vector<16xf32>,
      %parallel_loop3A_116 = arith.addi %parallel_loop3A_110, %broadcast_in_dim3A_45 : vector<16xi32>
      %parallel_loop3A_117 = tpu.vector_load_idx %arg13[%parallel_loop3A_116] : memref<20000xf32, #tpu.memory_space<vmem>>[vector<16xi32>], vector<16xf32>,
      tpu.vector_store_idx %arg16[%parallel_loop3A_114], %parallel_loop3A_117 {add = true} : memref<20480xf32, #tpu.memory_space<vmem>>[vector<16xi32>], vector<16xf32>,
      %parallel_loop3A_118 = arith.addi %parallel_loop3A_114, %broadcast_in_dim3A_47 : vector<16xi32>
      tpu.vector_store_idx %arg16[%parallel_loop3A_118], %parallel_loop3A_115 {add = true} : memref<20480xf32, #tpu.memory_space<vmem>>[vector<16xi32>], vector<16xf32>,
    } {sc.loop_unroll_factor = 4 : i64, sc.parallel_access}
    "tpu.region"() ({
      %run_scoped3A = tpu.sem_alloc : memref<!tpu.dma_semaphore, #tpu.memory_space<semaphore_mem>>
      %dma_start3A_106 = arith.constant 0 : i32
      %dma_start3A_107 = tpu.memref_slice %arg7[%arg1, %dma_start3A_106] : memref<16x20480xf32, #tpu.memory_space<hbm>> -> memref<1x20480xf32, #tpu.memory_space<hbm>>
      %dma_start3A_108 = tpu.memref_squeeze %dma_start3A_107 : memref<1x20480xf32, #tpu.memory_space<hbm>> -> memref<20480xf32, #tpu.memory_space<hbm>>
      %dma_start3A_109 = arith.constant 0 : i32
      %dma_start3A_110 = tpu.memref_slice %arg7[%arg1, %dma_start3A_109] : memref<16x20480xf32, #tpu.memory_space<hbm>> -> memref<1x20480xf32, #tpu.memory_space<hbm>>
      %dma_start3A_111 = tpu.memref_squeeze %dma_start3A_110 : memref<1x20480xf32, #tpu.memory_space<hbm>> -> memref<20480xf32, #tpu.memory_space<hbm>>
      tpu.enqueue_dma source(%arg16 : memref<20480xf32, #tpu.memory_space<vmem>>) target(%dma_start3A_111 : memref<20480xf32, #tpu.memory_space<hbm>>) target_semaphore(%run_scoped3A : memref<!tpu.dma_semaphore, #tpu.memory_space<semaphore_mem>>)
      %dma_wait3A_112 = arith.constant 0 : i32
      %dma_wait3A_113 = tpu.memref_slice %arg7[%arg1, %dma_wait3A_112] : memref<16x20480xf32, #tpu.memory_space<hbm>> -> memref<1x20480xf32, #tpu.memory_space<hbm>>
      %dma_wait3A_114 = tpu.memref_squeeze %dma_wait3A_113 : memref<1x20480xf32, #tpu.memory_space<hbm>> -> memref<20480xf32, #tpu.memory_space<hbm>>
      %dma_wait3A_115 = arith.constant 0 : i32
      %dma_wait3A_116 = tpu.memref_slice %arg7[%arg1, %dma_wait3A_115] : memref<16x20480xf32, #tpu.memory_space<hbm>> -> memref<1x20480xf32, #tpu.memory_space<hbm>>
      %dma_wait3A_117 = tpu.memref_squeeze %dma_wait3A_116 : memref<1x20480xf32, #tpu.memory_space<hbm>> -> memref<20480xf32, #tpu.memory_space<hbm>>
      tpu.wait_dma2 semaphore(%run_scoped3A : memref<!tpu.dma_semaphore, #tpu.memory_space<semaphore_mem>>) src(%arg16 : memref<20480xf32, #tpu.memory_space<vmem>>) dst(%dma_wait3A_117 : memref<20480xf32, #tpu.memory_space<hbm>>)
      tpu.yield
    }) : () -> ()
    %barrier3A_51 = arith.constant 0 : index
    tpu.barrier barrier_id(%barrier3A_51)
    "tpu.region"() ({
      %run_scoped3A = tpu.sem_alloc : memref<!tpu.dma_semaphore, #tpu.memory_space<semaphore_mem>>
      %dma_start3A_106 = arith.constant 0 : i32
      %dma_start3A_107 = tpu.memref_slice %arg7[%dma_start3A_106, %mul3A_2] : memref<16x20480xf32, #tpu.memory_space<hbm>> -> memref<16x640xf32, #tpu.memory_space<hbm>>
      %dma_start3A_108 = arith.constant 0 : i32
      %dma_start3A_109 = tpu.memref_slice %arg7[%dma_start3A_108, %mul3A_2] : memref<16x20480xf32, #tpu.memory_space<hbm>> -> memref<16x640xf32, #tpu.memory_space<hbm>>
      tpu.enqueue_dma source(%dma_start3A_109 : memref<16x640xf32, #tpu.memory_space<hbm>>) target(%arg17 : memref<16x640xf32, #tpu.memory_space<vmem>>) target_semaphore(%run_scoped3A : memref<!tpu.dma_semaphore, #tpu.memory_space<semaphore_mem>>)
      %dma_wait3A_110 = arith.constant 0 : i32
      %dma_wait3A_111 = tpu.memref_slice %arg7[%dma_wait3A_110, %mul3A_2] : memref<16x20480xf32, #tpu.memory_space<hbm>> -> memref<16x640xf32, #tpu.memory_space<hbm>>
      %dma_wait3A_112 = arith.constant 0 : i32
      %dma_wait3A_113 = tpu.memref_slice %arg7[%dma_wait3A_112, %mul3A_2] : memref<16x20480xf32, #tpu.memory_space<hbm>> -> memref<16x640xf32, #tpu.memory_space<hbm>>
      tpu.wait_dma2 semaphore(%run_scoped3A : memref<!tpu.dma_semaphore, #tpu.memory_space<semaphore_mem>>) src(%dma_wait3A_113 : memref<16x640xf32, #tpu.memory_space<hbm>>) dst(%arg17 : memref<16x640xf32, #tpu.memory_space<vmem>>)
      tpu.yield
    }) : () -> ()
    %parallel_loop3A_52 = arith.constant 0 : i32
    %parallel_loop3A_53 = arith.constant 40 : i32
    %parallel_loop3A_54 = arith.constant 1 : i32
    scf.for %parallel_loop3A_106 = %parallel_loop3A_52 to %parallel_loop3A_53 step %parallel_loop3A_54  : i32 {
      %parallel_loop3A_107 = arith.constant 16 : i32
      %parallel_loop3A_108 = arith.muli %parallel_loop3A_106, %parallel_loop3A_107 : i32
      %parallel_loop3A_109 = arith.constant 0 : i32
      %parallel_loop3A_110 = arith.index_cast %parallel_loop3A_109 : i32 to index
      %parallel_loop3A_111 = arith.index_cast %parallel_loop3A_108 : i32 to index
      %parallel_loop3A_112 = tpu.vector_load %arg17[%parallel_loop3A_110, %parallel_loop3A_111] {strides = array<i32>} : memref<16x640xf32, #tpu.memory_space<vmem>>, vector<16xf32>,
      %parallel_loop3A_113 = arith.constant 16 : i32
      %parallel_loop3A_114 = arith.muli %parallel_loop3A_106, %parallel_loop3A_113 : i32
      %parallel_loop3A_115 = arith.constant 1 : i32
      %parallel_loop3A_116 = arith.index_cast %parallel_loop3A_115 : i32 to index
      %parallel_loop3A_117 = arith.index_cast %parallel_loop3A_114 : i32 to index
      %parallel_loop3A_118 = tpu.vector_load %arg17[%parallel_loop3A_116, %parallel_loop3A_117] {strides = array<i32>} : memref<16x640xf32, #tpu.memory_space<vmem>>, vector<16xf32>,
      %parallel_loop3A_119 = arith.addf %parallel_loop3A_112, %parallel_loop3A_118 : vector<16xf32>
      %parallel_loop3A_120 = arith.constant 16 : i32
      %parallel_loop3A_121 = arith.muli %parallel_loop3A_106, %parallel_loop3A_120 : i32
      %parallel_loop3A_122 = arith.constant 2 : i32
      %parallel_loop3A_123 = arith.index_cast %parallel_loop3A_122 : i32 to index
      %parallel_loop3A_124 = arith.index_cast %parallel_loop3A_121 : i32 to index
      %parallel_loop3A_125 = tpu.vector_load %arg17[%parallel_loop3A_123, %parallel_loop3A_124] {strides = array<i32>} : memref<16x640xf32, #tpu.memory_space<vmem>>, vector<16xf32>,
      %parallel_loop3A_126 = arith.addf %parallel_loop3A_119, %parallel_loop3A_125 : vector<16xf32>
      %parallel_loop3A_127 = arith.constant 16 : i32
      %parallel_loop3A_128 = arith.muli %parallel_loop3A_106, %parallel_loop3A_127 : i32
      %parallel_loop3A_129 = arith.constant 3 : i32
      %parallel_loop3A_130 = arith.index_cast %parallel_loop3A_129 : i32 to index
      %parallel_loop3A_131 = arith.index_cast %parallel_loop3A_128 : i32 to index
      %parallel_loop3A_132 = tpu.vector_load %arg17[%parallel_loop3A_130, %parallel_loop3A_131] {strides = array<i32>} : memref<16x640xf32, #tpu.memory_space<vmem>>, vector<16xf32>,
      %parallel_loop3A_133 = arith.addf %parallel_loop3A_126, %parallel_loop3A_132 : vector<16xf32>
      %parallel_loop3A_134 = arith.constant 16 : i32
      %parallel_loop3A_135 = arith.muli %parallel_loop3A_106, %parallel_loop3A_134 : i32
      %parallel_loop3A_136 = arith.constant 4 : i32
      %parallel_loop3A_137 = arith.index_cast %parallel_loop3A_136 : i32 to index
      %parallel_loop3A_138 = arith.index_cast %parallel_loop3A_135 : i32 to index
      %parallel_loop3A_139 = tpu.vector_load %arg17[%parallel_loop3A_137, %parallel_loop3A_138] {strides = array<i32>} : memref<16x640xf32, #tpu.memory_space<vmem>>, vector<16xf32>,
      %parallel_loop3A_140 = arith.addf %parallel_loop3A_133, %parallel_loop3A_139 : vector<16xf32>
      %parallel_loop3A_141 = arith.constant 16 : i32
      %parallel_loop3A_142 = arith.muli %parallel_loop3A_106, %parallel_loop3A_141 : i32
      %parallel_loop3A_143 = arith.constant 5 : i32
      %parallel_loop3A_144 = arith.index_cast %parallel_loop3A_143 : i32 to index
      %parallel_loop3A_145 = arith.index_cast %parallel_loop3A_142 : i32 to index
      %parallel_loop3A_146 = tpu.vector_load %arg17[%parallel_loop3A_144, %parallel_loop3A_145] {strides = array<i32>} : memref<16x640xf32, #tpu.memory_space<vmem>>, vector<16xf32>,
      %parallel_loop3A_147 = arith.addf %parallel_loop3A_140, %parallel_loop3A_146 : vector<16xf32>
      %parallel_loop3A_148 = arith.constant 16 : i32
      %parallel_loop3A_149 = arith.muli %parallel_loop3A_106, %parallel_loop3A_148 : i32
      %parallel_loop3A_150 = arith.constant 6 : i32
      %parallel_loop3A_151 = arith.index_cast %parallel_loop3A_150 : i32 to index
      %parallel_loop3A_152 = arith.index_cast %parallel_loop3A_149 : i32 to index
      %parallel_loop3A_153 = tpu.vector_load %arg17[%parallel_loop3A_151, %parallel_loop3A_152] {strides = array<i32>} : memref<16x640xf32, #tpu.memory_space<vmem>>, vector<16xf32>,
      %parallel_loop3A_154 = arith.addf %parallel_loop3A_147, %parallel_loop3A_153 : vector<16xf32>
      %parallel_loop3A_155 = arith.constant 16 : i32
      %parallel_loop3A_156 = arith.muli %parallel_loop3A_106, %parallel_loop3A_155 : i32
      %parallel_loop3A_157 = arith.constant 7 : i32
      %parallel_loop3A_158 = arith.index_cast %parallel_loop3A_157 : i32 to index
      %parallel_loop3A_159 = arith.index_cast %parallel_loop3A_156 : i32 to index
      %parallel_loop3A_160 = tpu.vector_load %arg17[%parallel_loop3A_158, %parallel_loop3A_159] {strides = array<i32>} : memref<16x640xf32, #tpu.memory_space<vmem>>, vector<16xf32>,
      %parallel_loop3A_161 = arith.addf %parallel_loop3A_154, %parallel_loop3A_160 : vector<16xf32>
      %parallel_loop3A_162 = arith.constant 16 : i32
      %parallel_loop3A_163 = arith.muli %parallel_loop3A_106, %parallel_loop3A_162 : i32
      %parallel_loop3A_164 = arith.constant 8 : i32
      %parallel_loop3A_165 = arith.index_cast %parallel_loop3A_164 : i32 to index
      %parallel_loop3A_166 = arith.index_cast %parallel_loop3A_163 : i32 to index
      %parallel_loop3A_167 = tpu.vector_load %arg17[%parallel_loop3A_165, %parallel_loop3A_166] {strides = array<i32>} : memref<16x640xf32, #tpu.memory_space<vmem>>, vector<16xf32>,
      %parallel_loop3A_168 = arith.addf %parallel_loop3A_161, %parallel_loop3A_167 : vector<16xf32>
      %parallel_loop3A_169 = arith.constant 16 : i32
      %parallel_loop3A_170 = arith.muli %parallel_loop3A_106, %parallel_loop3A_169 : i32
      %parallel_loop3A_171 = arith.constant 9 : i32
      %parallel_loop3A_172 = arith.index_cast %parallel_loop3A_171 : i32 to index
      %parallel_loop3A_173 = arith.index_cast %parallel_loop3A_170 : i32 to index
      %parallel_loop3A_174 = tpu.vector_load %arg17[%parallel_loop3A_172, %parallel_loop3A_173] {strides = array<i32>} : memref<16x640xf32, #tpu.memory_space<vmem>>, vector<16xf32>,
      %parallel_loop3A_175 = arith.addf %parallel_loop3A_168, %parallel_loop3A_174 : vector<16xf32>
      %parallel_loop3A_176 = arith.constant 16 : i32
      %parallel_loop3A_177 = arith.muli %parallel_loop3A_106, %parallel_loop3A_176 : i32
      %parallel_loop3A_178 = arith.constant 10 : i32
      %parallel_loop3A_179 = arith.index_cast %parallel_loop3A_178 : i32 to index
      %parallel_loop3A_180 = arith.index_cast %parallel_loop3A_177 : i32 to index
      %parallel_loop3A_181 = tpu.vector_load %arg17[%parallel_loop3A_179, %parallel_loop3A_180] {strides = array<i32>} : memref<16x640xf32, #tpu.memory_space<vmem>>, vector<16xf32>,
      %parallel_loop3A_182 = arith.addf %parallel_loop3A_175, %parallel_loop3A_181 : vector<16xf32>
      %parallel_loop3A_183 = arith.constant 16 : i32
      %parallel_loop3A_184 = arith.muli %parallel_loop3A_106, %parallel_loop3A_183 : i32
      %parallel_loop3A_185 = arith.constant 11 : i32
      %parallel_loop3A_186 = arith.index_cast %parallel_loop3A_185 : i32 to index
      %parallel_loop3A_187 = arith.index_cast %parallel_loop3A_184 : i32 to index
      %parallel_loop3A_188 = tpu.vector_load %arg17[%parallel_loop3A_186, %parallel_loop3A_187] {strides = array<i32>} : memref<16x640xf32, #tpu.memory_space<vmem>>, vector<16xf32>,
      %parallel_loop3A_189 = arith.addf %parallel_loop3A_182, %parallel_loop3A_188 : vector<16xf32>
      %parallel_loop3A_190 = arith.constant 16 : i32
      %parallel_loop3A_191 = arith.muli %parallel_loop3A_106, %parallel_loop3A_190 : i32
      %parallel_loop3A_192 = arith.constant 12 : i32
      %parallel_loop3A_193 = arith.index_cast %parallel_loop3A_192 : i32 to index
      %parallel_loop3A_194 = arith.index_cast %parallel_loop3A_191 : i32 to index
      %parallel_loop3A_195 = tpu.vector_load %arg17[%parallel_loop3A_193, %parallel_loop3A_194] {strides = array<i32>} : memref<16x640xf32, #tpu.memory_space<vmem>>, vector<16xf32>,
      %parallel_loop3A_196 = arith.addf %parallel_loop3A_189, %parallel_loop3A_195 : vector<16xf32>
      %parallel_loop3A_197 = arith.constant 16 : i32
      %parallel_loop3A_198 = arith.muli %parallel_loop3A_106, %parallel_loop3A_197 : i32
      %parallel_loop3A_199 = arith.constant 13 : i32
      %parallel_loop3A_200 = arith.index_cast %parallel_loop3A_199 : i32 to index
      %parallel_loop3A_201 = arith.index_cast %parallel_loop3A_198 : i32 to index
      %parallel_loop3A_202 = tpu.vector_load %arg17[%parallel_loop3A_200, %parallel_loop3A_201] {strides = array<i32>} : memref<16x640xf32, #tpu.memory_space<vmem>>, vector<16xf32>,
      %parallel_loop3A_203 = arith.addf %parallel_loop3A_196, %parallel_loop3A_202 : vector<16xf32>
      %parallel_loop3A_204 = arith.constant 16 : i32
      %parallel_loop3A_205 = arith.muli %parallel_loop3A_106, %parallel_loop3A_204 : i32
      %parallel_loop3A_206 = arith.constant 14 : i32
      %parallel_loop3A_207 = arith.index_cast %parallel_loop3A_206 : i32 to index
      %parallel_loop3A_208 = arith.index_cast %parallel_loop3A_205 : i32 to index
      %parallel_loop3A_209 = tpu.vector_load %arg17[%parallel_loop3A_207, %parallel_loop3A_208] {strides = array<i32>} : memref<16x640xf32, #tpu.memory_space<vmem>>, vector<16xf32>,
      %parallel_loop3A_210 = arith.addf %parallel_loop3A_203, %parallel_loop3A_209 : vector<16xf32>
      %parallel_loop3A_211 = arith.constant 16 : i32
      %parallel_loop3A_212 = arith.muli %parallel_loop3A_106, %parallel_loop3A_211 : i32
      %parallel_loop3A_213 = arith.constant 15 : i32
      %parallel_loop3A_214 = arith.index_cast %parallel_loop3A_213 : i32 to index
      %parallel_loop3A_215 = arith.index_cast %parallel_loop3A_212 : i32 to index
      %parallel_loop3A_216 = tpu.vector_load %arg17[%parallel_loop3A_214, %parallel_loop3A_215] {strides = array<i32>} : memref<16x640xf32, #tpu.memory_space<vmem>>, vector<16xf32>,
      %parallel_loop3A_217 = arith.addf %parallel_loop3A_210, %parallel_loop3A_216 : vector<16xf32>
      %parallel_loop3A_218 = arith.constant 16 : i32
      %parallel_loop3A_219 = arith.muli %parallel_loop3A_106, %parallel_loop3A_218 : i32
      %parallel_loop3A_220 = arith.index_cast %parallel_loop3A_219 : i32 to index
      %parallel_loop3A_221 = tpu.vector_load %arg21[%parallel_loop3A_220] {strides = array<i32>} : memref<640xf32, #tpu.memory_space<vmem>>, vector<16xf32>,
      tpu.vector_store %arg21[%parallel_loop3A_220], %parallel_loop3A_217 {strides = array<i32>} : memref<640xf32, #tpu.memory_space<vmem>>, vector<16xf32>,
    } {sc.loop_unroll_factor = 4 : i64, sc.parallel_access}
    %parallel_loop3A_55 = arith.constant 0 : i32
    %parallel_loop3A_56 = arith.constant 40 : i32
    %parallel_loop3A_57 = arith.constant 1 : i32
    scf.for %parallel_loop3A_106 = %parallel_loop3A_55 to %parallel_loop3A_56 step %parallel_loop3A_57  : i32 {
      %parallel_loop3A_107 = arith.constant 16 : i32
      %parallel_loop3A_108 = arith.muli %parallel_loop3A_106, %parallel_loop3A_107 : i32
      %parallel_loop3A_109 = arith.index_cast %parallel_loop3A_108 : i32 to index
      %parallel_loop3A_110 = tpu.vector_load %arg18[%parallel_loop3A_109] {strides = array<i32>} : memref<640xf32, #tpu.memory_space<vmem>>, vector<16xf32>,
      %parallel_loop3A_111 = arith.constant 16 : i32
      %parallel_loop3A_112 = arith.muli %parallel_loop3A_106, %parallel_loop3A_111 : i32
      %parallel_loop3A_113 = arith.index_cast %parallel_loop3A_112 : i32 to index
      %parallel_loop3A_114 = tpu.vector_load %arg21[%parallel_loop3A_113] {strides = array<i32>} : memref<640xf32, #tpu.memory_space<vmem>>, vector<16xf32>,
      %parallel_loop3A_115 = arith.constant 16 : i32
      %parallel_loop3A_116 = arith.muli %parallel_loop3A_106, %parallel_loop3A_115 : i32
      %parallel_loop3A_117 = arith.index_cast %parallel_loop3A_116 : i32 to index
      %parallel_loop3A_118 = tpu.vector_load %arg19[%parallel_loop3A_117] {strides = array<i32>} : memref<640xf32, #tpu.memory_space<vmem>>, vector<16xf32>,
      %parallel_loop3A_119 = arith.addf %parallel_loop3A_114, %parallel_loop3A_118 : vector<16xf32>
      %parallel_loop3A_120 = arith.mulf %parallel_loop3A_110, %parallel_loop3A_119 : vector<16xf32>
      %parallel_loop3A_121 = arith.mulf %parallel_loop3A_110, %parallel_loop3A_120 : vector<16xf32>
      %parallel_loop3A_122 = arith.constant 16 : i32
      %parallel_loop3A_123 = arith.muli %parallel_loop3A_106, %parallel_loop3A_122 : i32
      %parallel_loop3A_124 = arith.index_cast %parallel_loop3A_123 : i32 to index
      %parallel_loop3A_125 = tpu.vector_load %arg20[%parallel_loop3A_124] {strides = array<i32>} : memref<640xf32, #tpu.memory_space<vmem>>, vector<16xf32>,
      tpu.vector_store %arg20[%parallel_loop3A_124], %parallel_loop3A_121 {strides = array<i32>} : memref<640xf32, #tpu.memory_space<vmem>>, vector<16xf32>,
    } {sc.loop_unroll_factor = 2 : i64, sc.parallel_access}
    %lt3A_58 = arith.constant 15 : i32
    %lt3A_59 = arith.cmpi slt, %arg1, %lt3A_58 : i32
    %convert_element_type3A_60 = arith.extui %lt3A_59 : i1 to i32
    %cond3A_61 = arith.constant 0 : i32
    %cond3A_62 = arith.cmpi ne, %convert_element_type3A_60, %cond3A_61 : i32
    scf.if %cond3A_62 {
      "tpu.region"() ({
        %run_scoped3A = tpu.sem_alloc : memref<!tpu.dma_semaphore, #tpu.memory_space<semaphore_mem>>
        %dma_start3A_106 = tpu.memref_slice %arg9[%mul3A_2] : memref<10000xf32, #tpu.memory_space<hbm>> -> memref<640xf32, #tpu.memory_space<hbm>>
        %dma_start3A_107 = tpu.memref_slice %arg9[%mul3A_2] : memref<10000xf32, #tpu.memory_space<hbm>> -> memref<640xf32, #tpu.memory_space<hbm>>
        tpu.enqueue_dma source(%arg20 : memref<640xf32, #tpu.memory_space<vmem>>) target(%dma_start3A_107 : memref<640xf32, #tpu.memory_space<hbm>>) target_semaphore(%run_scoped3A : memref<!tpu.dma_semaphore, #tpu.memory_space<semaphore_mem>>)
        %dma_wait3A_108 = tpu.memref_slice %arg9[%mul3A_2] : memref<10000xf32, #tpu.memory_space<hbm>> -> memref<640xf32, #tpu.memory_space<hbm>>
        %dma_wait3A_109 = tpu.memref_slice %arg9[%mul3A_2] : memref<10000xf32, #tpu.memory_space<hbm>> -> memref<640xf32, #tpu.memory_space<hbm>>
        tpu.wait_dma2 semaphore(%run_scoped3A : memref<!tpu.dma_semaphore, #tpu.memory_space<semaphore_mem>>) src(%arg20 : memref<640xf32, #tpu.memory_space<vmem>>) dst(%dma_wait3A_109 : memref<640xf32, #tpu.memory_space<hbm>>)
        tpu.yield
      }) : () -> ()
    } else {
    }
    %eq3A_63 = arith.constant 15 : i32
    %eq3A_64 = arith.cmpi eq, %arg1, %eq3A_63 : i32
    %convert_element_type3A_65 = arith.extui %eq3A_64 : i1 to i32
    %cond3A_66 = arith.constant 0 : i32
    %cond3A_67 = arith.cmpi ne, %convert_element_type3A_65, %cond3A_66 : i32
    scf.if %cond3A_67 {
      "tpu.region"() ({
        %run_scoped3A = tpu.sem_alloc : memref<!tpu.dma_semaphore, #tpu.memory_space<semaphore_mem>>
        %dma_start3A_106 = arith.constant 0 : i32
        %dma_start3A_107 = tpu.memref_slice %arg20[%dma_start3A_106] : memref<640xf32, #tpu.memory_space<vmem>> -> memref<400xf32, #tpu.memory_space<vmem>>
        %dma_start3A_108 = tpu.memref_slice %arg9[%mul3A_2] : memref<10000xf32, #tpu.memory_space<hbm>> -> memref<400xf32, #tpu.memory_space<hbm>>
        %dma_start3A_109 = tpu.memref_slice %arg9[%mul3A_2] : memref<10000xf32, #tpu.memory_space<hbm>> -> memref<400xf32, #tpu.memory_space<hbm>>
        %dma_start3A_110 = arith.constant 0 : i32
        %dma_start3A_111 = tpu.memref_slice %arg20[%dma_start3A_110] : memref<640xf32, #tpu.memory_space<vmem>> -> memref<400xf32, #tpu.memory_space<vmem>>
        tpu.enqueue_dma source(%dma_start3A_111 : memref<400xf32, #tpu.memory_space<vmem>>) target(%dma_start3A_109 : memref<400xf32, #tpu.memory_space<hbm>>) target_semaphore(%run_scoped3A : memref<!tpu.dma_semaphore, #tpu.memory_space<semaphore_mem>>)
        %dma_wait3A_112 = arith.constant 0 : i32
        %dma_wait3A_113 = tpu.memref_slice %arg20[%dma_wait3A_112] : memref<640xf32, #tpu.memory_space<vmem>> -> memref<400xf32, #tpu.memory_space<vmem>>
        %dma_wait3A_114 = tpu.memref_slice %arg9[%mul3A_2] : memref<10000xf32, #tpu.memory_space<hbm>> -> memref<400xf32, #tpu.memory_space<hbm>>
        %dma_wait3A_115 = tpu.memref_slice %arg9[%mul3A_2] : memref<10000xf32, #tpu.memory_space<hbm>> -> memref<400xf32, #tpu.memory_space<hbm>>
        %dma_wait3A_116 = arith.constant 0 : i32
        %dma_wait3A_117 = tpu.memref_slice %arg20[%dma_wait3A_116] : memref<640xf32, #tpu.memory_space<vmem>> -> memref<400xf32, #tpu.memory_space<vmem>>
        tpu.wait_dma2 semaphore(%run_scoped3A : memref<!tpu.dma_semaphore, #tpu.memory_space<semaphore_mem>>) src(%dma_wait3A_117 : memref<400xf32, #tpu.memory_space<vmem>>) dst(%dma_wait3A_115 : memref<400xf32, #tpu.memory_space<hbm>>)
        tpu.yield
      }) : () -> ()
    } else {
    }
    %barrier3A_68 = arith.constant 0 : index
    tpu.barrier barrier_id(%barrier3A_68)
    tpu.enqueue_dma source(%arg9 : memref<10000xf32, #tpu.memory_space<hbm>>) target(%arg14 : memref<10000xf32, #tpu.memory_space<vmem>>) target_semaphore(%arg24 : memref<!tpu.dma_semaphore, #tpu.memory_space<semaphore_mem>>)
    %add3A_69 = arith.constant 10240 : i32
    %add3A_70 = arith.addi %add3A_69, %mul3A_2 : i32
    %dma_start3A_71 = arith.constant 0 : i32
    %dma_start3A_72 = tpu.memref_slice %arg7[%dma_start3A_71, %add3A_70] : memref<16x20480xf32, #tpu.memory_space<hbm>> -> memref<16x640xf32, #tpu.memory_space<hbm>>
    %dma_start3A_73 = arith.constant 0 : i32
    %dma_start3A_74 = tpu.memref_slice %arg7[%dma_start3A_73, %add3A_70] : memref<16x20480xf32, #tpu.memory_space<hbm>> -> memref<16x640xf32, #tpu.memory_space<hbm>>
    tpu.enqueue_dma source(%dma_start3A_74 : memref<16x640xf32, #tpu.memory_space<hbm>>) target(%arg17 : memref<16x640xf32, #tpu.memory_space<vmem>>) target_semaphore(%arg24 : memref<!tpu.dma_semaphore, #tpu.memory_space<semaphore_mem>>)
    %parallel_loop3A_75 = arith.constant 0 : i32
    %parallel_loop3A_76 = arith.constant 640 : i32
    %parallel_loop3A_77 = arith.constant 1 : i32
    scf.for %parallel_loop3A_106 = %parallel_loop3A_75 to %parallel_loop3A_76 step %parallel_loop3A_77  : i32 {
      %parallel_loop3A_107 = arith.constant 16 : i32
      %parallel_loop3A_108 = arith.muli %parallel_loop3A_106, %parallel_loop3A_107 : i32
      %parallel_loop3A_109 = arith.index_cast %parallel_loop3A_108 : i32 to index
      %parallel_loop3A_110 = tpu.vector_load %arg16[%parallel_loop3A_109] {strides = array<i32>} : memref<20480xf32, #tpu.memory_space<vmem>>, vector<16xf32>,
      tpu.vector_store %arg16[%parallel_loop3A_109], %broadcast_in_dim3A_3 {strides = array<i32>} : memref<20480xf32, #tpu.memory_space<vmem>>, vector<16xf32>,
    } {sc.loop_unroll_factor = 8 : i64, sc.parallel_access}
    %dma_wait3A_78 = arith.constant 0 : i32
    %dma_wait3A_79 = tpu.memref_slice %arg7[%dma_wait3A_78, %add3A_70] : memref<16x20480xf32, #tpu.memory_space<hbm>> -> memref<16x640xf32, #tpu.memory_space<hbm>>
    %dma_wait3A_80 = arith.constant 0 : i32
    %dma_wait3A_81 = tpu.memref_slice %arg7[%dma_wait3A_80, %add3A_70] : memref<16x20480xf32, #tpu.memory_space<hbm>> -> memref<16x640xf32, #tpu.memory_space<hbm>>
    tpu.wait_dma2 semaphore(%arg24 : memref<!tpu.dma_semaphore, #tpu.memory_space<semaphore_mem>>) src(%dma_wait3A_81 : memref<16x640xf32, #tpu.memory_space<hbm>>) dst(%arg17 : memref<16x640xf32, #tpu.memory_space<vmem>>)
    %parallel_loop3A_82 = arith.constant 0 : i32
    %parallel_loop3A_83 = arith.constant 40 : i32
    %parallel_loop3A_84 = arith.constant 1 : i32
    scf.for %parallel_loop3A_106 = %parallel_loop3A_82 to %parallel_loop3A_83 step %parallel_loop3A_84  : i32 {
      %parallel_loop3A_107 = arith.constant 16 : i32
      %parallel_loop3A_108 = arith.muli %parallel_loop3A_106, %parallel_loop3A_107 : i32
      %parallel_loop3A_109 = arith.constant 0 : i32
      %parallel_loop3A_110 = arith.index_cast %parallel_loop3A_109 : i32 to index
      %parallel_loop3A_111 = arith.index_cast %parallel_loop3A_108 : i32 to index
      %parallel_loop3A_112 = tpu.vector_load %arg17[%parallel_loop3A_110, %parallel_loop3A_111] {strides = array<i32>} : memref<16x640xf32, #tpu.memory_space<vmem>>, vector<16xf32>,
      %parallel_loop3A_113 = arith.constant 16 : i32
      %parallel_loop3A_114 = arith.muli %parallel_loop3A_106, %parallel_loop3A_113 : i32
      %parallel_loop3A_115 = arith.constant 1 : i32
      %parallel_loop3A_116 = arith.index_cast %parallel_loop3A_115 : i32 to index
      %parallel_loop3A_117 = arith.index_cast %parallel_loop3A_114 : i32 to index
      %parallel_loop3A_118 = tpu.vector_load %arg17[%parallel_loop3A_116, %parallel_loop3A_117] {strides = array<i32>} : memref<16x640xf32, #tpu.memory_space<vmem>>, vector<16xf32>,
      %parallel_loop3A_119 = arith.addf %parallel_loop3A_112, %parallel_loop3A_118 : vector<16xf32>
      %parallel_loop3A_120 = arith.constant 16 : i32
      %parallel_loop3A_121 = arith.muli %parallel_loop3A_106, %parallel_loop3A_120 : i32
      %parallel_loop3A_122 = arith.constant 2 : i32
      %parallel_loop3A_123 = arith.index_cast %parallel_loop3A_122 : i32 to index
      %parallel_loop3A_124 = arith.index_cast %parallel_loop3A_121 : i32 to index
      %parallel_loop3A_125 = tpu.vector_load %arg17[%parallel_loop3A_123, %parallel_loop3A_124] {strides = array<i32>} : memref<16x640xf32, #tpu.memory_space<vmem>>, vector<16xf32>,
      %parallel_loop3A_126 = arith.addf %parallel_loop3A_119, %parallel_loop3A_125 : vector<16xf32>
      %parallel_loop3A_127 = arith.constant 16 : i32
      %parallel_loop3A_128 = arith.muli %parallel_loop3A_106, %parallel_loop3A_127 : i32
      %parallel_loop3A_129 = arith.constant 3 : i32
      %parallel_loop3A_130 = arith.index_cast %parallel_loop3A_129 : i32 to index
      %parallel_loop3A_131 = arith.index_cast %parallel_loop3A_128 : i32 to index
      %parallel_loop3A_132 = tpu.vector_load %arg17[%parallel_loop3A_130, %parallel_loop3A_131] {strides = array<i32>} : memref<16x640xf32, #tpu.memory_space<vmem>>, vector<16xf32>,
      %parallel_loop3A_133 = arith.addf %parallel_loop3A_126, %parallel_loop3A_132 : vector<16xf32>
      %parallel_loop3A_134 = arith.constant 16 : i32
      %parallel_loop3A_135 = arith.muli %parallel_loop3A_106, %parallel_loop3A_134 : i32
      %parallel_loop3A_136 = arith.constant 4 : i32
      %parallel_loop3A_137 = arith.index_cast %parallel_loop3A_136 : i32 to index
      %parallel_loop3A_138 = arith.index_cast %parallel_loop3A_135 : i32 to index
      %parallel_loop3A_139 = tpu.vector_load %arg17[%parallel_loop3A_137, %parallel_loop3A_138] {strides = array<i32>} : memref<16x640xf32, #tpu.memory_space<vmem>>, vector<16xf32>,
      %parallel_loop3A_140 = arith.addf %parallel_loop3A_133, %parallel_loop3A_139 : vector<16xf32>
      %parallel_loop3A_141 = arith.constant 16 : i32
      %parallel_loop3A_142 = arith.muli %parallel_loop3A_106, %parallel_loop3A_141 : i32
      %parallel_loop3A_143 = arith.constant 5 : i32
      %parallel_loop3A_144 = arith.index_cast %parallel_loop3A_143 : i32 to index
      %parallel_loop3A_145 = arith.index_cast %parallel_loop3A_142 : i32 to index
      %parallel_loop3A_146 = tpu.vector_load %arg17[%parallel_loop3A_144, %parallel_loop3A_145] {strides = array<i32>} : memref<16x640xf32, #tpu.memory_space<vmem>>, vector<16xf32>,
      %parallel_loop3A_147 = arith.addf %parallel_loop3A_140, %parallel_loop3A_146 : vector<16xf32>
      %parallel_loop3A_148 = arith.constant 16 : i32
      %parallel_loop3A_149 = arith.muli %parallel_loop3A_106, %parallel_loop3A_148 : i32
      %parallel_loop3A_150 = arith.constant 6 : i32
      %parallel_loop3A_151 = arith.index_cast %parallel_loop3A_150 : i32 to index
      %parallel_loop3A_152 = arith.index_cast %parallel_loop3A_149 : i32 to index
      %parallel_loop3A_153 = tpu.vector_load %arg17[%parallel_loop3A_151, %parallel_loop3A_152] {strides = array<i32>} : memref<16x640xf32, #tpu.memory_space<vmem>>, vector<16xf32>,
      %parallel_loop3A_154 = arith.addf %parallel_loop3A_147, %parallel_loop3A_153 : vector<16xf32>
      %parallel_loop3A_155 = arith.constant 16 : i32
      %parallel_loop3A_156 = arith.muli %parallel_loop3A_106, %parallel_loop3A_155 : i32
      %parallel_loop3A_157 = arith.constant 7 : i32
      %parallel_loop3A_158 = arith.index_cast %parallel_loop3A_157 : i32 to index
      %parallel_loop3A_159 = arith.index_cast %parallel_loop3A_156 : i32 to index
      %parallel_loop3A_160 = tpu.vector_load %arg17[%parallel_loop3A_158, %parallel_loop3A_159] {strides = array<i32>} : memref<16x640xf32, #tpu.memory_space<vmem>>, vector<16xf32>,
      %parallel_loop3A_161 = arith.addf %parallel_loop3A_154, %parallel_loop3A_160 : vector<16xf32>
      %parallel_loop3A_162 = arith.constant 16 : i32
      %parallel_loop3A_163 = arith.muli %parallel_loop3A_106, %parallel_loop3A_162 : i32
      %parallel_loop3A_164 = arith.constant 8 : i32
      %parallel_loop3A_165 = arith.index_cast %parallel_loop3A_164 : i32 to index
      %parallel_loop3A_166 = arith.index_cast %parallel_loop3A_163 : i32 to index
      %parallel_loop3A_167 = tpu.vector_load %arg17[%parallel_loop3A_165, %parallel_loop3A_166] {strides = array<i32>} : memref<16x640xf32, #tpu.memory_space<vmem>>, vector<16xf32>,
      %parallel_loop3A_168 = arith.addf %parallel_loop3A_161, %parallel_loop3A_167 : vector<16xf32>
      %parallel_loop3A_169 = arith.constant 16 : i32
      %parallel_loop3A_170 = arith.muli %parallel_loop3A_106, %parallel_loop3A_169 : i32
      %parallel_loop3A_171 = arith.constant 9 : i32
      %parallel_loop3A_172 = arith.index_cast %parallel_loop3A_171 : i32 to index
      %parallel_loop3A_173 = arith.index_cast %parallel_loop3A_170 : i32 to index
      %parallel_loop3A_174 = tpu.vector_load %arg17[%parallel_loop3A_172, %parallel_loop3A_173] {strides = array<i32>} : memref<16x640xf32, #tpu.memory_space<vmem>>, vector<16xf32>,
      %parallel_loop3A_175 = arith.addf %parallel_loop3A_168, %parallel_loop3A_174 : vector<16xf32>
      %parallel_loop3A_176 = arith.constant 16 : i32
      %parallel_loop3A_177 = arith.muli %parallel_loop3A_106, %parallel_loop3A_176 : i32
      %parallel_loop3A_178 = arith.constant 10 : i32
      %parallel_loop3A_179 = arith.index_cast %parallel_loop3A_178 : i32 to index
      %parallel_loop3A_180 = arith.index_cast %parallel_loop3A_177 : i32 to index
      %parallel_loop3A_181 = tpu.vector_load %arg17[%parallel_loop3A_179, %parallel_loop3A_180] {strides = array<i32>} : memref<16x640xf32, #tpu.memory_space<vmem>>, vector<16xf32>,
      %parallel_loop3A_182 = arith.addf %parallel_loop3A_175, %parallel_loop3A_181 : vector<16xf32>
      %parallel_loop3A_183 = arith.constant 16 : i32
      %parallel_loop3A_184 = arith.muli %parallel_loop3A_106, %parallel_loop3A_183 : i32
      %parallel_loop3A_185 = arith.constant 11 : i32
      %parallel_loop3A_186 = arith.index_cast %parallel_loop3A_185 : i32 to index
      %parallel_loop3A_187 = arith.index_cast %parallel_loop3A_184 : i32 to index
      %parallel_loop3A_188 = tpu.vector_load %arg17[%parallel_loop3A_186, %parallel_loop3A_187] {strides = array<i32>} : memref<16x640xf32, #tpu.memory_space<vmem>>, vector<16xf32>,
      %parallel_loop3A_189 = arith.addf %parallel_loop3A_182, %parallel_loop3A_188 : vector<16xf32>
      %parallel_loop3A_190 = arith.constant 16 : i32
      %parallel_loop3A_191 = arith.muli %parallel_loop3A_106, %parallel_loop3A_190 : i32
      %parallel_loop3A_192 = arith.constant 12 : i32
      %parallel_loop3A_193 = arith.index_cast %parallel_loop3A_192 : i32 to index
      %parallel_loop3A_194 = arith.index_cast %parallel_loop3A_191 : i32 to index
      %parallel_loop3A_195 = tpu.vector_load %arg17[%parallel_loop3A_193, %parallel_loop3A_194] {strides = array<i32>} : memref<16x640xf32, #tpu.memory_space<vmem>>, vector<16xf32>,
      %parallel_loop3A_196 = arith.addf %parallel_loop3A_189, %parallel_loop3A_195 : vector<16xf32>
      %parallel_loop3A_197 = arith.constant 16 : i32
      %parallel_loop3A_198 = arith.muli %parallel_loop3A_106, %parallel_loop3A_197 : i32
      %parallel_loop3A_199 = arith.constant 13 : i32
      %parallel_loop3A_200 = arith.index_cast %parallel_loop3A_199 : i32 to index
      %parallel_loop3A_201 = arith.index_cast %parallel_loop3A_198 : i32 to index
      %parallel_loop3A_202 = tpu.vector_load %arg17[%parallel_loop3A_200, %parallel_loop3A_201] {strides = array<i32>} : memref<16x640xf32, #tpu.memory_space<vmem>>, vector<16xf32>,
      %parallel_loop3A_203 = arith.addf %parallel_loop3A_196, %parallel_loop3A_202 : vector<16xf32>
      %parallel_loop3A_204 = arith.constant 16 : i32
      %parallel_loop3A_205 = arith.muli %parallel_loop3A_106, %parallel_loop3A_204 : i32
      %parallel_loop3A_206 = arith.constant 14 : i32
      %parallel_loop3A_207 = arith.index_cast %parallel_loop3A_206 : i32 to index
      %parallel_loop3A_208 = arith.index_cast %parallel_loop3A_205 : i32 to index
      %parallel_loop3A_209 = tpu.vector_load %arg17[%parallel_loop3A_207, %parallel_loop3A_208] {strides = array<i32>} : memref<16x640xf32, #tpu.memory_space<vmem>>, vector<16xf32>,
      %parallel_loop3A_210 = arith.addf %parallel_loop3A_203, %parallel_loop3A_209 : vector<16xf32>
      %parallel_loop3A_211 = arith.constant 16 : i32
      %parallel_loop3A_212 = arith.muli %parallel_loop3A_106, %parallel_loop3A_211 : i32
      %parallel_loop3A_213 = arith.constant 15 : i32
      %parallel_loop3A_214 = arith.index_cast %parallel_loop3A_213 : i32 to index
      %parallel_loop3A_215 = arith.index_cast %parallel_loop3A_212 : i32 to index
      %parallel_loop3A_216 = tpu.vector_load %arg17[%parallel_loop3A_214, %parallel_loop3A_215] {strides = array<i32>} : memref<16x640xf32, #tpu.memory_space<vmem>>, vector<16xf32>,
      %parallel_loop3A_217 = arith.addf %parallel_loop3A_210, %parallel_loop3A_216 : vector<16xf32>
      %parallel_loop3A_218 = arith.constant 16 : i32
      %parallel_loop3A_219 = arith.muli %parallel_loop3A_106, %parallel_loop3A_218 : i32
      %parallel_loop3A_220 = arith.index_cast %parallel_loop3A_219 : i32 to index
      %parallel_loop3A_221 = tpu.vector_load %arg21[%parallel_loop3A_220] {strides = array<i32>} : memref<640xf32, #tpu.memory_space<vmem>>, vector<16xf32>,
      tpu.vector_store %arg21[%parallel_loop3A_220], %parallel_loop3A_217 {strides = array<i32>} : memref<640xf32, #tpu.memory_space<vmem>>, vector<16xf32>,
    } {sc.loop_unroll_factor = 4 : i64, sc.parallel_access}
    %parallel_loop3A_85 = arith.constant 0 : i32
    %parallel_loop3A_86 = arith.constant 40 : i32
    %parallel_loop3A_87 = arith.constant 1 : i32
    scf.for %parallel_loop3A_106 = %parallel_loop3A_85 to %parallel_loop3A_86 step %parallel_loop3A_87  : i32 {
      %parallel_loop3A_107 = arith.constant 16 : i32
      %parallel_loop3A_108 = arith.muli %parallel_loop3A_106, %parallel_loop3A_107 : i32
      %parallel_loop3A_109 = arith.index_cast %parallel_loop3A_108 : i32 to index
      %parallel_loop3A_110 = tpu.vector_load %arg18[%parallel_loop3A_109] {strides = array<i32>} : memref<640xf32, #tpu.memory_space<vmem>>, vector<16xf32>,
      %parallel_loop3A_111 = arith.constant 16 : i32
      %parallel_loop3A_112 = arith.muli %parallel_loop3A_106, %parallel_loop3A_111 : i32
      %parallel_loop3A_113 = arith.index_cast %parallel_loop3A_112 : i32 to index
      %parallel_loop3A_114 = tpu.vector_load %arg21[%parallel_loop3A_113] {strides = array<i32>} : memref<640xf32, #tpu.memory_space<vmem>>, vector<16xf32>,
      %parallel_loop3A_115 = arith.addf %parallel_loop3A_114, %parallel_loop3A_110 : vector<16xf32>
      %parallel_loop3A_116 = arith.mulf %parallel_loop3A_110, %parallel_loop3A_115 : vector<16xf32>
      %parallel_loop3A_117 = arith.constant 16 : i32
      %parallel_loop3A_118 = arith.muli %parallel_loop3A_106, %parallel_loop3A_117 : i32
      %parallel_loop3A_119 = arith.index_cast %parallel_loop3A_118 : i32 to index
      %parallel_loop3A_120 = tpu.vector_load %arg21[%parallel_loop3A_119] {strides = array<i32>} : memref<640xf32, #tpu.memory_space<vmem>>, vector<16xf32>,
      tpu.vector_store %arg21[%parallel_loop3A_119], %parallel_loop3A_116 {strides = array<i32>} : memref<640xf32, #tpu.memory_space<vmem>>, vector<16xf32>,
    } {sc.loop_unroll_factor = 2 : i64, sc.parallel_access}
    "tpu.region"() ({
      %run_scoped3A = tpu.sem_alloc : memref<!tpu.dma_semaphore, #tpu.memory_space<semaphore_mem>>
      %dma_start3A_106 = tpu.memref_slice %arg10[%mul3A_2] : memref<20480xf32, #tpu.memory_space<hbm>> -> memref<640xf32, #tpu.memory_space<hbm>>
      %dma_start3A_107 = tpu.memref_slice %arg10[%mul3A_2] : memref<20480xf32, #tpu.memory_space<hbm>> -> memref<640xf32, #tpu.memory_space<hbm>>
      tpu.enqueue_dma source(%arg21 : memref<640xf32, #tpu.memory_space<vmem>>) target(%dma_start3A_107 : memref<640xf32, #tpu.memory_space<hbm>>) target_semaphore(%run_scoped3A : memref<!tpu.dma_semaphore, #tpu.memory_space<semaphore_mem>>)
      %dma_wait3A_108 = tpu.memref_slice %arg10[%mul3A_2] : memref<20480xf32, #tpu.memory_space<hbm>> -> memref<640xf32, #tpu.memory_space<hbm>>
      %dma_wait3A_109 = tpu.memref_slice %arg10[%mul3A_2] : memref<20480xf32, #tpu.memory_space<hbm>> -> memref<640xf32, #tpu.memory_space<hbm>>
      tpu.wait_dma2 semaphore(%run_scoped3A : memref<!tpu.dma_semaphore, #tpu.memory_space<semaphore_mem>>) src(%arg21 : memref<640xf32, #tpu.memory_space<vmem>>) dst(%dma_wait3A_109 : memref<640xf32, #tpu.memory_space<hbm>>)
      tpu.yield
    }) : () -> ()
    tpu.wait_dma2 semaphore(%arg24 : memref<!tpu.dma_semaphore, #tpu.memory_space<semaphore_mem>>) src(%arg9 : memref<10000xf32, #tpu.memory_space<hbm>>) dst(%arg14 : memref<10000xf32, #tpu.memory_space<vmem>>)
    %parallel_loop3A_88 = arith.constant 0 : i32
    %parallel_loop3A_89 = arith.constant 625 : i32
    %parallel_loop3A_90 = arith.constant 1 : i32
    scf.for %parallel_loop3A_106 = %parallel_loop3A_88 to %parallel_loop3A_89 step %parallel_loop3A_90  : i32 {
      %parallel_loop3A_107 = arith.constant 16 : i32
      %parallel_loop3A_108 = arith.muli %parallel_loop3A_106, %parallel_loop3A_107 : i32
      %parallel_loop3A_109 = arith.index_cast %parallel_loop3A_108 : i32 to index
      %parallel_loop3A_110 = tpu.vector_load %arg11[%parallel_loop3A_109] {strides = array<i32>} : memref<10000xi32, #tpu.memory_space<vmem>>, vector<16xi32>,
      %parallel_loop3A_111 = arith.constant 16 : i32
      %parallel_loop3A_112 = arith.muli %parallel_loop3A_106, %parallel_loop3A_111 : i32
      %parallel_loop3A_113 = arith.index_cast %parallel_loop3A_112 : i32 to index
      %parallel_loop3A_114 = tpu.vector_load %arg12[%parallel_loop3A_113] {strides = array<i32>} : memref<10000xi32, #tpu.memory_space<vmem>>, vector<16xi32>,
      %parallel_loop3A_115 = tpu.vector_load_idx %arg14[%parallel_loop3A_110] : memref<10000xf32, #tpu.memory_space<vmem>>[vector<16xi32>], vector<16xf32>,
      tpu.vector_store_idx %arg16[%parallel_loop3A_114], %parallel_loop3A_115 {add = true} : memref<20480xf32, #tpu.memory_space<vmem>>[vector<16xi32>], vector<16xf32>,
    } {sc.loop_unroll_factor = 4 : i64, sc.parallel_access}
    "tpu.region"() ({
      %run_scoped3A = tpu.sem_alloc : memref<!tpu.dma_semaphore, #tpu.memory_space<semaphore_mem>>
      %dma_start3A_106 = arith.constant 0 : i32
      %dma_start3A_107 = tpu.memref_slice %arg16[%dma_start3A_106] : memref<20480xf32, #tpu.memory_space<vmem>> -> memref<10240xf32, #tpu.memory_space<vmem>>
      %dma_start3A_108 = arith.constant 0 : i32
      %dma_start3A_109 = tpu.memref_slice %arg6[%arg1, %dma_start3A_108] : memref<16x10240xf32, #tpu.memory_space<hbm>> -> memref<1x10240xf32, #tpu.memory_space<hbm>>
      %dma_start3A_110 = tpu.memref_squeeze %dma_start3A_109 : memref<1x10240xf32, #tpu.memory_space<hbm>> -> memref<10240xf32, #tpu.memory_space<hbm>>
      %dma_start3A_111 = arith.constant 0 : i32
      %dma_start3A_112 = tpu.memref_slice %arg6[%arg1, %dma_start3A_111] : memref<16x10240xf32, #tpu.memory_space<hbm>> -> memref<1x10240xf32, #tpu.memory_space<hbm>>
      %dma_start3A_113 = tpu.memref_squeeze %dma_start3A_112 : memref<1x10240xf32, #tpu.memory_space<hbm>> -> memref<10240xf32, #tpu.memory_space<hbm>>
      %dma_start3A_114 = arith.constant 0 : i32
      %dma_start3A_115 = tpu.memref_slice %arg16[%dma_start3A_114] : memref<20480xf32, #tpu.memory_space<vmem>> -> memref<10240xf32, #tpu.memory_space<vmem>>
      tpu.enqueue_dma source(%dma_start3A_115 : memref<10240xf32, #tpu.memory_space<vmem>>) target(%dma_start3A_113 : memref<10240xf32, #tpu.memory_space<hbm>>) target_semaphore(%run_scoped3A : memref<!tpu.dma_semaphore, #tpu.memory_space<semaphore_mem>>)
      %dma_wait3A_116 = arith.constant 0 : i32
      %dma_wait3A_117 = tpu.memref_slice %arg16[%dma_wait3A_116] : memref<20480xf32, #tpu.memory_space<vmem>> -> memref<10240xf32, #tpu.memory_space<vmem>>
      %dma_wait3A_118 = arith.constant 0 : i32
      %dma_wait3A_119 = tpu.memref_slice %arg6[%arg1, %dma_wait3A_118] : memref<16x10240xf32, #tpu.memory_space<hbm>> -> memref<1x10240xf32, #tpu.memory_space<hbm>>
      %dma_wait3A_120 = tpu.memref_squeeze %dma_wait3A_119 : memref<1x10240xf32, #tpu.memory_space<hbm>> -> memref<10240xf32, #tpu.memory_space<hbm>>
      %dma_wait3A_121 = arith.constant 0 : i32
      %dma_wait3A_122 = tpu.memref_slice %arg6[%arg1, %dma_wait3A_121] : memref<16x10240xf32, #tpu.memory_space<hbm>> -> memref<1x10240xf32, #tpu.memory_space<hbm>>
      %dma_wait3A_123 = tpu.memref_squeeze %dma_wait3A_122 : memref<1x10240xf32, #tpu.memory_space<hbm>> -> memref<10240xf32, #tpu.memory_space<hbm>>
      %dma_wait3A_124 = arith.constant 0 : i32
      %dma_wait3A_125 = tpu.memref_slice %arg16[%dma_wait3A_124] : memref<20480xf32, #tpu.memory_space<vmem>> -> memref<10240xf32, #tpu.memory_space<vmem>>
      tpu.wait_dma2 semaphore(%run_scoped3A : memref<!tpu.dma_semaphore, #tpu.memory_space<semaphore_mem>>) src(%dma_wait3A_125 : memref<10240xf32, #tpu.memory_space<vmem>>) dst(%dma_wait3A_123 : memref<10240xf32, #tpu.memory_space<hbm>>)
      tpu.yield
    }) : () -> ()
    %barrier3A_91 = arith.constant 0 : index
    tpu.barrier barrier_id(%barrier3A_91)
    "tpu.region"() ({
      %run_scoped3A = tpu.sem_alloc : memref<!tpu.dma_semaphore, #tpu.memory_space<semaphore_mem>>
      %dma_start3A_106 = arith.constant 0 : i32
      %dma_start3A_107 = tpu.memref_slice %arg6[%dma_start3A_106, %mul3A_2] : memref<16x10240xf32, #tpu.memory_space<hbm>> -> memref<16x640xf32, #tpu.memory_space<hbm>>
      %dma_start3A_108 = arith.constant 0 : i32
      %dma_start3A_109 = tpu.memref_slice %arg6[%dma_start3A_108, %mul3A_2] : memref<16x10240xf32, #tpu.memory_space<hbm>> -> memref<16x640xf32, #tpu.memory_space<hbm>>
      tpu.enqueue_dma source(%dma_start3A_109 : memref<16x640xf32, #tpu.memory_space<hbm>>) target(%arg17 : memref<16x640xf32, #tpu.memory_space<vmem>>) target_semaphore(%run_scoped3A : memref<!tpu.dma_semaphore, #tpu.memory_space<semaphore_mem>>)
      %dma_wait3A_110 = arith.constant 0 : i32
      %dma_wait3A_111 = tpu.memref_slice %arg6[%dma_wait3A_110, %mul3A_2] : memref<16x10240xf32, #tpu.memory_space<hbm>> -> memref<16x640xf32, #tpu.memory_space<hbm>>
      %dma_wait3A_112 = arith.constant 0 : i32
      %dma_wait3A_113 = tpu.memref_slice %arg6[%dma_wait3A_112, %mul3A_2] : memref<16x10240xf32, #tpu.memory_space<hbm>> -> memref<16x640xf32, #tpu.memory_space<hbm>>
      tpu.wait_dma2 semaphore(%run_scoped3A : memref<!tpu.dma_semaphore, #tpu.memory_space<semaphore_mem>>) src(%dma_wait3A_113 : memref<16x640xf32, #tpu.memory_space<hbm>>) dst(%arg17 : memref<16x640xf32, #tpu.memory_space<vmem>>)
      tpu.yield
    }) : () -> ()
    %parallel_loop3A_92 = arith.constant 0 : i32
    %parallel_loop3A_93 = arith.constant 40 : i32
    %parallel_loop3A_94 = arith.constant 1 : i32
    scf.for %parallel_loop3A_106 = %parallel_loop3A_92 to %parallel_loop3A_93 step %parallel_loop3A_94  : i32 {
      %parallel_loop3A_107 = arith.constant 16 : i32
      %parallel_loop3A_108 = arith.muli %parallel_loop3A_106, %parallel_loop3A_107 : i32
      %parallel_loop3A_109 = arith.constant 0 : i32
      %parallel_loop3A_110 = arith.index_cast %parallel_loop3A_109 : i32 to index
      %parallel_loop3A_111 = arith.index_cast %parallel_loop3A_108 : i32 to index
      %parallel_loop3A_112 = tpu.vector_load %arg17[%parallel_loop3A_110, %parallel_loop3A_111] {strides = array<i32>} : memref<16x640xf32, #tpu.memory_space<vmem>>, vector<16xf32>,
      %parallel_loop3A_113 = arith.constant 16 : i32
      %parallel_loop3A_114 = arith.muli %parallel_loop3A_106, %parallel_loop3A_113 : i32
      %parallel_loop3A_115 = arith.constant 1 : i32
      %parallel_loop3A_116 = arith.index_cast %parallel_loop3A_115 : i32 to index
      %parallel_loop3A_117 = arith.index_cast %parallel_loop3A_114 : i32 to index
      %parallel_loop3A_118 = tpu.vector_load %arg17[%parallel_loop3A_116, %parallel_loop3A_117] {strides = array<i32>} : memref<16x640xf32, #tpu.memory_space<vmem>>, vector<16xf32>,
      %parallel_loop3A_119 = arith.addf %parallel_loop3A_112, %parallel_loop3A_118 : vector<16xf32>
      %parallel_loop3A_120 = arith.constant 16 : i32
      %parallel_loop3A_121 = arith.muli %parallel_loop3A_106, %parallel_loop3A_120 : i32
      %parallel_loop3A_122 = arith.constant 2 : i32
      %parallel_loop3A_123 = arith.index_cast %parallel_loop3A_122 : i32 to index
      %parallel_loop3A_124 = arith.index_cast %parallel_loop3A_121 : i32 to index
      %parallel_loop3A_125 = tpu.vector_load %arg17[%parallel_loop3A_123, %parallel_loop3A_124] {strides = array<i32>} : memref<16x640xf32, #tpu.memory_space<vmem>>, vector<16xf32>,
      %parallel_loop3A_126 = arith.addf %parallel_loop3A_119, %parallel_loop3A_125 : vector<16xf32>
      %parallel_loop3A_127 = arith.constant 16 : i32
      %parallel_loop3A_128 = arith.muli %parallel_loop3A_106, %parallel_loop3A_127 : i32
      %parallel_loop3A_129 = arith.constant 3 : i32
      %parallel_loop3A_130 = arith.index_cast %parallel_loop3A_129 : i32 to index
      %parallel_loop3A_131 = arith.index_cast %parallel_loop3A_128 : i32 to index
      %parallel_loop3A_132 = tpu.vector_load %arg17[%parallel_loop3A_130, %parallel_loop3A_131] {strides = array<i32>} : memref<16x640xf32, #tpu.memory_space<vmem>>, vector<16xf32>,
      %parallel_loop3A_133 = arith.addf %parallel_loop3A_126, %parallel_loop3A_132 : vector<16xf32>
      %parallel_loop3A_134 = arith.constant 16 : i32
      %parallel_loop3A_135 = arith.muli %parallel_loop3A_106, %parallel_loop3A_134 : i32
      %parallel_loop3A_136 = arith.constant 4 : i32
      %parallel_loop3A_137 = arith.index_cast %parallel_loop3A_136 : i32 to index
      %parallel_loop3A_138 = arith.index_cast %parallel_loop3A_135 : i32 to index
      %parallel_loop3A_139 = tpu.vector_load %arg17[%parallel_loop3A_137, %parallel_loop3A_138] {strides = array<i32>} : memref<16x640xf32, #tpu.memory_space<vmem>>, vector<16xf32>,
      %parallel_loop3A_140 = arith.addf %parallel_loop3A_133, %parallel_loop3A_139 : vector<16xf32>
      %parallel_loop3A_141 = arith.constant 16 : i32
      %parallel_loop3A_142 = arith.muli %parallel_loop3A_106, %parallel_loop3A_141 : i32
      %parallel_loop3A_143 = arith.constant 5 : i32
      %parallel_loop3A_144 = arith.index_cast %parallel_loop3A_143 : i32 to index
      %parallel_loop3A_145 = arith.index_cast %parallel_loop3A_142 : i32 to index
      %parallel_loop3A_146 = tpu.vector_load %arg17[%parallel_loop3A_144, %parallel_loop3A_145] {strides = array<i32>} : memref<16x640xf32, #tpu.memory_space<vmem>>, vector<16xf32>,
      %parallel_loop3A_147 = arith.addf %parallel_loop3A_140, %parallel_loop3A_146 : vector<16xf32>
      %parallel_loop3A_148 = arith.constant 16 : i32
      %parallel_loop3A_149 = arith.muli %parallel_loop3A_106, %parallel_loop3A_148 : i32
      %parallel_loop3A_150 = arith.constant 6 : i32
      %parallel_loop3A_151 = arith.index_cast %parallel_loop3A_150 : i32 to index
      %parallel_loop3A_152 = arith.index_cast %parallel_loop3A_149 : i32 to index
      %parallel_loop3A_153 = tpu.vector_load %arg17[%parallel_loop3A_151, %parallel_loop3A_152] {strides = array<i32>} : memref<16x640xf32, #tpu.memory_space<vmem>>, vector<16xf32>,
      %parallel_loop3A_154 = arith.addf %parallel_loop3A_147, %parallel_loop3A_153 : vector<16xf32>
      %parallel_loop3A_155 = arith.constant 16 : i32
      %parallel_loop3A_156 = arith.muli %parallel_loop3A_106, %parallel_loop3A_155 : i32
      %parallel_loop3A_157 = arith.constant 7 : i32
      %parallel_loop3A_158 = arith.index_cast %parallel_loop3A_157 : i32 to index
      %parallel_loop3A_159 = arith.index_cast %parallel_loop3A_156 : i32 to index
      %parallel_loop3A_160 = tpu.vector_load %arg17[%parallel_loop3A_158, %parallel_loop3A_159] {strides = array<i32>} : memref<16x640xf32, #tpu.memory_space<vmem>>, vector<16xf32>,
      %parallel_loop3A_161 = arith.addf %parallel_loop3A_154, %parallel_loop3A_160 : vector<16xf32>
      %parallel_loop3A_162 = arith.constant 16 : i32
      %parallel_loop3A_163 = arith.muli %parallel_loop3A_106, %parallel_loop3A_162 : i32
      %parallel_loop3A_164 = arith.constant 8 : i32
      %parallel_loop3A_165 = arith.index_cast %parallel_loop3A_164 : i32 to index
      %parallel_loop3A_166 = arith.index_cast %parallel_loop3A_163 : i32 to index
      %parallel_loop3A_167 = tpu.vector_load %arg17[%parallel_loop3A_165, %parallel_loop3A_166] {strides = array<i32>} : memref<16x640xf32, #tpu.memory_space<vmem>>, vector<16xf32>,
      %parallel_loop3A_168 = arith.addf %parallel_loop3A_161, %parallel_loop3A_167 : vector<16xf32>
      %parallel_loop3A_169 = arith.constant 16 : i32
      %parallel_loop3A_170 = arith.muli %parallel_loop3A_106, %parallel_loop3A_169 : i32
      %parallel_loop3A_171 = arith.constant 9 : i32
      %parallel_loop3A_172 = arith.index_cast %parallel_loop3A_171 : i32 to index
      %parallel_loop3A_173 = arith.index_cast %parallel_loop3A_170 : i32 to index
      %parallel_loop3A_174 = tpu.vector_load %arg17[%parallel_loop3A_172, %parallel_loop3A_173] {strides = array<i32>} : memref<16x640xf32, #tpu.memory_space<vmem>>, vector<16xf32>,
      %parallel_loop3A_175 = arith.addf %parallel_loop3A_168, %parallel_loop3A_174 : vector<16xf32>
      %parallel_loop3A_176 = arith.constant 16 : i32
      %parallel_loop3A_177 = arith.muli %parallel_loop3A_106, %parallel_loop3A_176 : i32
      %parallel_loop3A_178 = arith.constant 10 : i32
      %parallel_loop3A_179 = arith.index_cast %parallel_loop3A_178 : i32 to index
      %parallel_loop3A_180 = arith.index_cast %parallel_loop3A_177 : i32 to index
      %parallel_loop3A_181 = tpu.vector_load %arg17[%parallel_loop3A_179, %parallel_loop3A_180] {strides = array<i32>} : memref<16x640xf32, #tpu.memory_space<vmem>>, vector<16xf32>,
      %parallel_loop3A_182 = arith.addf %parallel_loop3A_175, %parallel_loop3A_181 : vector<16xf32>
      %parallel_loop3A_183 = arith.constant 16 : i32
      %parallel_loop3A_184 = arith.muli %parallel_loop3A_106, %parallel_loop3A_183 : i32
      %parallel_loop3A_185 = arith.constant 11 : i32
      %parallel_loop3A_186 = arith.index_cast %parallel_loop3A_185 : i32 to index
      %parallel_loop3A_187 = arith.index_cast %parallel_loop3A_184 : i32 to index
      %parallel_loop3A_188 = tpu.vector_load %arg17[%parallel_loop3A_186, %parallel_loop3A_187] {strides = array<i32>} : memref<16x640xf32, #tpu.memory_space<vmem>>, vector<16xf32>,
      %parallel_loop3A_189 = arith.addf %parallel_loop3A_182, %parallel_loop3A_188 : vector<16xf32>
      %parallel_loop3A_190 = arith.constant 16 : i32
      %parallel_loop3A_191 = arith.muli %parallel_loop3A_106, %parallel_loop3A_190 : i32
      %parallel_loop3A_192 = arith.constant 12 : i32
      %parallel_loop3A_193 = arith.index_cast %parallel_loop3A_192 : i32 to index
      %parallel_loop3A_194 = arith.index_cast %parallel_loop3A_191 : i32 to index
      %parallel_loop3A_195 = tpu.vector_load %arg17[%parallel_loop3A_193, %parallel_loop3A_194] {strides = array<i32>} : memref<16x640xf32, #tpu.memory_space<vmem>>, vector<16xf32>,
      %parallel_loop3A_196 = arith.addf %parallel_loop3A_189, %parallel_loop3A_195 : vector<16xf32>
      %parallel_loop3A_197 = arith.constant 16 : i32
      %parallel_loop3A_198 = arith.muli %parallel_loop3A_106, %parallel_loop3A_197 : i32
      %parallel_loop3A_199 = arith.constant 13 : i32
      %parallel_loop3A_200 = arith.index_cast %parallel_loop3A_199 : i32 to index
      %parallel_loop3A_201 = arith.index_cast %parallel_loop3A_198 : i32 to index
      %parallel_loop3A_202 = tpu.vector_load %arg17[%parallel_loop3A_200, %parallel_loop3A_201] {strides = array<i32>} : memref<16x640xf32, #tpu.memory_space<vmem>>, vector<16xf32>,
      %parallel_loop3A_203 = arith.addf %parallel_loop3A_196, %parallel_loop3A_202 : vector<16xf32>
      %parallel_loop3A_204 = arith.constant 16 : i32
      %parallel_loop3A_205 = arith.muli %parallel_loop3A_106, %parallel_loop3A_204 : i32
      %parallel_loop3A_206 = arith.constant 14 : i32
      %parallel_loop3A_207 = arith.index_cast %parallel_loop3A_206 : i32 to index
      %parallel_loop3A_208 = arith.index_cast %parallel_loop3A_205 : i32 to index
      %parallel_loop3A_209 = tpu.vector_load %arg17[%parallel_loop3A_207, %parallel_loop3A_208] {strides = array<i32>} : memref<16x640xf32, #tpu.memory_space<vmem>>, vector<16xf32>,
      %parallel_loop3A_210 = arith.addf %parallel_loop3A_203, %parallel_loop3A_209 : vector<16xf32>
      %parallel_loop3A_211 = arith.constant 16 : i32
      %parallel_loop3A_212 = arith.muli %parallel_loop3A_106, %parallel_loop3A_211 : i32
      %parallel_loop3A_213 = arith.constant 15 : i32
      %parallel_loop3A_214 = arith.index_cast %parallel_loop3A_213 : i32 to index
      %parallel_loop3A_215 = arith.index_cast %parallel_loop3A_212 : i32 to index
      %parallel_loop3A_216 = tpu.vector_load %arg17[%parallel_loop3A_214, %parallel_loop3A_215] {strides = array<i32>} : memref<16x640xf32, #tpu.memory_space<vmem>>, vector<16xf32>,
      %parallel_loop3A_217 = arith.addf %parallel_loop3A_210, %parallel_loop3A_216 : vector<16xf32>
      %parallel_loop3A_218 = arith.constant 16 : i32
      %parallel_loop3A_219 = arith.muli %parallel_loop3A_106, %parallel_loop3A_218 : i32
      %parallel_loop3A_220 = arith.index_cast %parallel_loop3A_219 : i32 to index
      %parallel_loop3A_221 = tpu.vector_load %arg21[%parallel_loop3A_220] {strides = array<i32>} : memref<640xf32, #tpu.memory_space<vmem>>, vector<16xf32>,
      tpu.vector_store %arg21[%parallel_loop3A_220], %parallel_loop3A_217 {strides = array<i32>} : memref<640xf32, #tpu.memory_space<vmem>>, vector<16xf32>,
    } {sc.loop_unroll_factor = 4 : i64, sc.parallel_access}
    %parallel_loop3A_95 = arith.constant 0 : i32
    %parallel_loop3A_96 = arith.constant 40 : i32
    %parallel_loop3A_97 = arith.constant 1 : i32
    scf.for %parallel_loop3A_106 = %parallel_loop3A_95 to %parallel_loop3A_96 step %parallel_loop3A_97  : i32 {
      %parallel_loop3A_107 = arith.constant 16 : i32
      %parallel_loop3A_108 = arith.muli %parallel_loop3A_106, %parallel_loop3A_107 : i32
      %parallel_loop3A_109 = arith.index_cast %parallel_loop3A_108 : i32 to index
      %parallel_loop3A_110 = tpu.vector_load %arg18[%parallel_loop3A_109] {strides = array<i32>} : memref<640xf32, #tpu.memory_space<vmem>>, vector<16xf32>,
      %parallel_loop3A_111 = arith.constant 16 : i32
      %parallel_loop3A_112 = arith.muli %parallel_loop3A_106, %parallel_loop3A_111 : i32
      %parallel_loop3A_113 = arith.index_cast %parallel_loop3A_112 : i32 to index
      %parallel_loop3A_114 = tpu.vector_load %arg21[%parallel_loop3A_113] {strides = array<i32>} : memref<640xf32, #tpu.memory_space<vmem>>, vector<16xf32>,
      %parallel_loop3A_115 = arith.constant 16 : i32
      %parallel_loop3A_116 = arith.muli %parallel_loop3A_106, %parallel_loop3A_115 : i32
      %parallel_loop3A_117 = arith.index_cast %parallel_loop3A_116 : i32 to index
      %parallel_loop3A_118 = tpu.vector_load %arg20[%parallel_loop3A_117] {strides = array<i32>} : memref<640xf32, #tpu.memory_space<vmem>>, vector<16xf32>,
      %parallel_loop3A_119 = arith.addf %parallel_loop3A_114, %parallel_loop3A_118 : vector<16xf32>
      %parallel_loop3A_120 = arith.mulf %parallel_loop3A_110, %parallel_loop3A_119 : vector<16xf32>
      %parallel_loop3A_121 = arith.constant 16 : i32
      %parallel_loop3A_122 = arith.muli %parallel_loop3A_106, %parallel_loop3A_121 : i32
      %parallel_loop3A_123 = arith.index_cast %parallel_loop3A_122 : i32 to index
      %parallel_loop3A_124 = tpu.vector_load %arg21[%parallel_loop3A_123] {strides = array<i32>} : memref<640xf32, #tpu.memory_space<vmem>>, vector<16xf32>,
      tpu.vector_store %arg21[%parallel_loop3A_123], %parallel_loop3A_120 {strides = array<i32>} : memref<640xf32, #tpu.memory_space<vmem>>, vector<16xf32>,
    } {sc.loop_unroll_factor = 2 : i64, sc.parallel_access}
    %add3A_98 = arith.constant 10240 : i32
    %add3A_99 = arith.addi %add3A_98, %mul3A_2 : i32
    "tpu.region"() ({
      %run_scoped3A = tpu.sem_alloc : memref<!tpu.dma_semaphore, #tpu.memory_space<semaphore_mem>>
      %dma_start3A_106 = tpu.memref_slice %arg10[%add3A_99] : memref<20480xf32, #tpu.memory_space<hbm>> -> memref<640xf32, #tpu.memory_space<hbm>>
      %dma_start3A_107 = tpu.memref_slice %arg10[%add3A_99] : memref<20480xf32, #tpu.memory_space<hbm>> -> memref<640xf32, #tpu.memory_space<hbm>>
      tpu.enqueue_dma source(%arg21 : memref<640xf32, #tpu.memory_space<vmem>>) target(%dma_start3A_107 : memref<640xf32, #tpu.memory_space<hbm>>) target_semaphore(%run_scoped3A : memref<!tpu.dma_semaphore, #tpu.memory_space<semaphore_mem>>)
      %dma_wait3A_108 = tpu.memref_slice %arg10[%add3A_99] : memref<20480xf32, #tpu.memory_space<hbm>> -> memref<640xf32, #tpu.memory_space<hbm>>
      %dma_wait3A_109 = tpu.memref_slice %arg10[%add3A_99] : memref<20480xf32, #tpu.memory_space<hbm>> -> memref<640xf32, #tpu.memory_space<hbm>>
      tpu.wait_dma2 semaphore(%run_scoped3A : memref<!tpu.dma_semaphore, #tpu.memory_space<semaphore_mem>>) src(%arg21 : memref<640xf32, #tpu.memory_space<vmem>>) dst(%dma_wait3A_109 : memref<640xf32, #tpu.memory_space<hbm>>)
      tpu.yield
    }) : () -> ()
    %barrier3A_100 = arith.constant 0 : index
    tpu.barrier barrier_id(%barrier3A_100)
    %lt3A_101 = arith.constant 10 : i32
    %lt3A_102 = arith.cmpi slt, %arg1, %lt3A_101 : i32
    %convert_element_type3A_103 = arith.extui %lt3A_102 : i1 to i32
    %cond3A_104 = arith.constant 0 : i32
    %cond3A_105 = arith.cmpi ne, %convert_element_type3A_103, %cond3A_104 : i32
    scf.if %cond3A_105 {
      %mul3A_106 = arith.constant 1024 : i32
      %mul3A_107 = arith.muli %arg1, %mul3A_106 : i32
      "tpu.region"() ({
        %run_scoped3A = tpu.sem_alloc : memref<!tpu.dma_semaphore, #tpu.memory_space<semaphore_mem>>
        %dma_start3A_193 = tpu.memref_slice %arg10[%mul3A_107] : memref<20480xf32, #tpu.memory_space<hbm>> -> memref<1024xf32, #tpu.memory_space<hbm>>
        %dma_start3A_194 = tpu.memref_slice %arg10[%mul3A_107] : memref<20480xf32, #tpu.memory_space<hbm>> -> memref<1024xf32, #tpu.memory_space<hbm>>
        tpu.enqueue_dma source(%dma_start3A_194 : memref<1024xf32, #tpu.memory_space<hbm>>) target(%arg23 : memref<1024xf32, #tpu.memory_space<vmem>>) target_semaphore(%run_scoped3A : memref<!tpu.dma_semaphore, #tpu.memory_space<semaphore_mem>>)
        %dma_wait3A_195 = tpu.memref_slice %arg10[%mul3A_107] : memref<20480xf32, #tpu.memory_space<hbm>> -> memref<1024xf32, #tpu.memory_space<hbm>>
        %dma_wait3A_196 = tpu.memref_slice %arg10[%mul3A_107] : memref<20480xf32, #tpu.memory_space<hbm>> -> memref<1024xf32, #tpu.memory_space<hbm>>
        tpu.wait_dma2 semaphore(%run_scoped3A : memref<!tpu.dma_semaphore, #tpu.memory_space<semaphore_mem>>) src(%dma_wait3A_196 : memref<1024xf32, #tpu.memory_space<hbm>>) dst(%arg23 : memref<1024xf32, #tpu.memory_space<vmem>>)
        tpu.yield
      }) : () -> ()
      %scan3A = arith.constant 0 : i32
      %scan3A_108 = arith.constant 8 : i32
      %scan3A_109 = arith.addi %scan3A, %scan3A_108 : i32
      %scan3A_110 = arith.constant 1 : i32
      scf.for %scan3A_193 = %scan3A to %scan3A_109 step %scan3A_110  : i32 {
        %mul3A_194 = arith.constant 1 : i32
        %mul3A_195 = arith.muli %scan3A_193, %mul3A_194 : i32
        %add3A_196 = arith.constant 0 : i32
        %add3A_197 = arith.addi %add3A_196, %mul3A_195 : i32
        %mul3A_198 = arith.constant 16 : i32
        %mul3A_199 = arith.muli %add3A_197, %mul3A_198 : i32
        %add3A_200 = arith.constant 0 : i32
        %add3A_201 = arith.addi %add3A_200, %mul3A_199 : i32
        %get3A = arith.index_cast %add3A_201 : i32 to index
        %get3A_202 = tpu.vector_load %arg23[%get3A] {strides = array<i32>} : memref<1024xf32, #tpu.memory_space<vmem>>, vector<16xf32>,
        %mul3A_203 = arith.constant 16 : i32
        %mul3A_204 = arith.muli %add3A_197, %mul3A_203 : i32
        %swap3A = arith.constant 0 : i32
        %swap3A_205 = arith.index_cast %swap3A : i32 to index
        %swap3A_206 = arith.index_cast %mul3A_204 : i32 to index
        %swap3A_207 = tpu.vector_load %arg22[%swap3A_205, %swap3A_206] {strides = array<i32>} : memref<8x128xf32, #tpu.memory_space<vmem>>, vector<16xf32>,
        tpu.vector_store %arg22[%swap3A_205, %swap3A_206], %get3A_202 {strides = array<i32>} : memref<8x128xf32, #tpu.memory_space<vmem>>, vector<16xf32>,
      }
      %scan3A_111 = arith.constant 8 : i32
      %scan3A_112 = arith.constant 0 : i32
      %scan3A_113 = arith.constant 8 : i32
      %scan3A_114 = arith.addi %scan3A_112, %scan3A_113 : i32
      %scan3A_115 = arith.constant 1 : i32
      scf.for %scan3A_193 = %scan3A_112 to %scan3A_114 step %scan3A_115  : i32 {
        %mul3A_194 = arith.constant 1 : i32
        %mul3A_195 = arith.muli %scan3A_193, %mul3A_194 : i32
        %add3A_196 = arith.constant 0 : i32
        %add3A_197 = arith.addi %add3A_196, %mul3A_195 : i32
        %mul3A_198 = arith.constant 16 : i32
        %mul3A_199 = arith.muli %add3A_197, %mul3A_198 : i32
        %add3A_200 = arith.constant 128 : i32
        %add3A_201 = arith.addi %add3A_200, %mul3A_199 : i32
        %get3A = arith.index_cast %add3A_201 : i32 to index
        %get3A_202 = tpu.vector_load %arg23[%get3A] {strides = array<i32>} : memref<1024xf32, #tpu.memory_space<vmem>>, vector<16xf32>,
        %mul3A_203 = arith.constant 16 : i32
        %mul3A_204 = arith.muli %add3A_197, %mul3A_203 : i32
        %swap3A = arith.constant 1 : i32
        %swap3A_205 = arith.index_cast %swap3A : i32 to index
        %swap3A_206 = arith.index_cast %mul3A_204 : i32 to index
        %swap3A_207 = tpu.vector_load %arg22[%swap3A_205, %swap3A_206] {strides = array<i32>} : memref<8x128xf32, #tpu.memory_space<vmem>>, vector<16xf32>,
        tpu.vector_store %arg22[%swap3A_205, %swap3A_206], %get3A_202 {strides = array<i32>} : memref<8x128xf32, #tpu.memory_space<vmem>>, vector<16xf32>,
      }
      %scan3A_116 = arith.constant 8 : i32
      %scan3A_117 = arith.constant 0 : i32
      %scan3A_118 = arith.constant 8 : i32
      %scan3A_119 = arith.addi %scan3A_117, %scan3A_118 : i32
      %scan3A_120 = arith.constant 1 : i32
      scf.for %scan3A_193 = %scan3A_117 to %scan3A_119 step %scan3A_120  : i32 {
        %mul3A_194 = arith.constant 1 : i32
        %mul3A_195 = arith.muli %scan3A_193, %mul3A_194 : i32
        %add3A_196 = arith.constant 0 : i32
        %add3A_197 = arith.addi %add3A_196, %mul3A_195 : i32
        %mul3A_198 = arith.constant 16 : i32
        %mul3A_199 = arith.muli %add3A_197, %mul3A_198 : i32
        %add3A_200 = arith.constant 256 : i32
        %add3A_201 = arith.addi %add3A_200, %mul3A_199 : i32
        %get3A = arith.index_cast %add3A_201 : i32 to index
        %get3A_202 = tpu.vector_load %arg23[%get3A] {strides = array<i32>} : memref<1024xf32, #tpu.memory_space<vmem>>, vector<16xf32>,
        %mul3A_203 = arith.constant 16 : i32
        %mul3A_204 = arith.muli %add3A_197, %mul3A_203 : i32
        %swap3A = arith.constant 2 : i32
        %swap3A_205 = arith.index_cast %swap3A : i32 to index
        %swap3A_206 = arith.index_cast %mul3A_204 : i32 to index
        %swap3A_207 = tpu.vector_load %arg22[%swap3A_205, %swap3A_206] {strides = array<i32>} : memref<8x128xf32, #tpu.memory_space<vmem>>, vector<16xf32>,
        tpu.vector_store %arg22[%swap3A_205, %swap3A_206], %get3A_202 {strides = array<i32>} : memref<8x128xf32, #tpu.memory_space<vmem>>, vector<16xf32>,
      }
      %scan3A_121 = arith.constant 8 : i32
      %scan3A_122 = arith.constant 0 : i32
      %scan3A_123 = arith.constant 8 : i32
      %scan3A_124 = arith.addi %scan3A_122, %scan3A_123 : i32
      %scan3A_125 = arith.constant 1 : i32
      scf.for %scan3A_193 = %scan3A_122 to %scan3A_124 step %scan3A_125  : i32 {
        %mul3A_194 = arith.constant 1 : i32
        %mul3A_195 = arith.muli %scan3A_193, %mul3A_194 : i32
        %add3A_196 = arith.constant 0 : i32
        %add3A_197 = arith.addi %add3A_196, %mul3A_195 : i32
        %mul3A_198 = arith.constant 16 : i32
        %mul3A_199 = arith.muli %add3A_197, %mul3A_198 : i32
        %add3A_200 = arith.constant 384 : i32
        %add3A_201 = arith.addi %add3A_200, %mul3A_199 : i32
        %get3A = arith.index_cast %add3A_201 : i32 to index
        %get3A_202 = tpu.vector_load %arg23[%get3A] {strides = array<i32>} : memref<1024xf32, #tpu.memory_space<vmem>>, vector<16xf32>,
        %mul3A_203 = arith.constant 16 : i32
        %mul3A_204 = arith.muli %add3A_197, %mul3A_203 : i32
        %swap3A = arith.constant 3 : i32
        %swap3A_205 = arith.index_cast %swap3A : i32 to index
        %swap3A_206 = arith.index_cast %mul3A_204 : i32 to index
        %swap3A_207 = tpu.vector_load %arg22[%swap3A_205, %swap3A_206] {strides = array<i32>} : memref<8x128xf32, #tpu.memory_space<vmem>>, vector<16xf32>,
        tpu.vector_store %arg22[%swap3A_205, %swap3A_206], %get3A_202 {strides = array<i32>} : memref<8x128xf32, #tpu.memory_space<vmem>>, vector<16xf32>,
      }
      %scan3A_126 = arith.constant 8 : i32
      %scan3A_127 = arith.constant 0 : i32
      %scan3A_128 = arith.constant 8 : i32
      %scan3A_129 = arith.addi %scan3A_127, %scan3A_128 : i32
      %scan3A_130 = arith.constant 1 : i32
      scf.for %scan3A_193 = %scan3A_127 to %scan3A_129 step %scan3A_130  : i32 {
        %mul3A_194 = arith.constant 1 : i32
        %mul3A_195 = arith.muli %scan3A_193, %mul3A_194 : i32
        %add3A_196 = arith.constant 0 : i32
        %add3A_197 = arith.addi %add3A_196, %mul3A_195 : i32
        %mul3A_198 = arith.constant 16 : i32
        %mul3A_199 = arith.muli %add3A_197, %mul3A_198 : i32
        %add3A_200 = arith.constant 512 : i32
        %add3A_201 = arith.addi %add3A_200, %mul3A_199 : i32
        %get3A = arith.index_cast %add3A_201 : i32 to index
        %get3A_202 = tpu.vector_load %arg23[%get3A] {strides = array<i32>} : memref<1024xf32, #tpu.memory_space<vmem>>, vector<16xf32>,
        %mul3A_203 = arith.constant 16 : i32
        %mul3A_204 = arith.muli %add3A_197, %mul3A_203 : i32
        %swap3A = arith.constant 4 : i32
        %swap3A_205 = arith.index_cast %swap3A : i32 to index
        %swap3A_206 = arith.index_cast %mul3A_204 : i32 to index
        %swap3A_207 = tpu.vector_load %arg22[%swap3A_205, %swap3A_206] {strides = array<i32>} : memref<8x128xf32, #tpu.memory_space<vmem>>, vector<16xf32>,
        tpu.vector_store %arg22[%swap3A_205, %swap3A_206], %get3A_202 {strides = array<i32>} : memref<8x128xf32, #tpu.memory_space<vmem>>, vector<16xf32>,
      }
      %scan3A_131 = arith.constant 8 : i32
      %scan3A_132 = arith.constant 0 : i32
      %scan3A_133 = arith.constant 8 : i32
      %scan3A_134 = arith.addi %scan3A_132, %scan3A_133 : i32
      %scan3A_135 = arith.constant 1 : i32
      scf.for %scan3A_193 = %scan3A_132 to %scan3A_134 step %scan3A_135  : i32 {
        %mul3A_194 = arith.constant 1 : i32
        %mul3A_195 = arith.muli %scan3A_193, %mul3A_194 : i32
        %add3A_196 = arith.constant 0 : i32
        %add3A_197 = arith.addi %add3A_196, %mul3A_195 : i32
        %mul3A_198 = arith.constant 16 : i32
        %mul3A_199 = arith.muli %add3A_197, %mul3A_198 : i32
        %add3A_200 = arith.constant 640 : i32
        %add3A_201 = arith.addi %add3A_200, %mul3A_199 : i32
        %get3A = arith.index_cast %add3A_201 : i32 to index
        %get3A_202 = tpu.vector_load %arg23[%get3A] {strides = array<i32>} : memref<1024xf32, #tpu.memory_space<vmem>>, vector<16xf32>,
        %mul3A_203 = arith.constant 16 : i32
        %mul3A_204 = arith.muli %add3A_197, %mul3A_203 : i32
        %swap3A = arith.constant 5 : i32
        %swap3A_205 = arith.index_cast %swap3A : i32 to index
        %swap3A_206 = arith.index_cast %mul3A_204 : i32 to index
        %swap3A_207 = tpu.vector_load %arg22[%swap3A_205, %swap3A_206] {strides = array<i32>} : memref<8x128xf32, #tpu.memory_space<vmem>>, vector<16xf32>,
        tpu.vector_store %arg22[%swap3A_205, %swap3A_206], %get3A_202 {strides = array<i32>} : memref<8x128xf32, #tpu.memory_space<vmem>>, vector<16xf32>,
      }
      %scan3A_136 = arith.constant 8 : i32
      %scan3A_137 = arith.constant 0 : i32
      %scan3A_138 = arith.constant 8 : i32
      %scan3A_139 = arith.addi %scan3A_137, %scan3A_138 : i32
      %scan3A_140 = arith.constant 1 : i32
      scf.for %scan3A_193 = %scan3A_137 to %scan3A_139 step %scan3A_140  : i32 {
        %mul3A_194 = arith.constant 1 : i32
        %mul3A_195 = arith.muli %scan3A_193, %mul3A_194 : i32
        %add3A_196 = arith.constant 0 : i32
        %add3A_197 = arith.addi %add3A_196, %mul3A_195 : i32
        %mul3A_198 = arith.constant 16 : i32
        %mul3A_199 = arith.muli %add3A_197, %mul3A_198 : i32
        %add3A_200 = arith.constant 768 : i32
        %add3A_201 = arith.addi %add3A_200, %mul3A_199 : i32
        %get3A = arith.index_cast %add3A_201 : i32 to index
        %get3A_202 = tpu.vector_load %arg23[%get3A] {strides = array<i32>} : memref<1024xf32, #tpu.memory_space<vmem>>, vector<16xf32>,
        %mul3A_203 = arith.constant 16 : i32
        %mul3A_204 = arith.muli %add3A_197, %mul3A_203 : i32
        %swap3A = arith.constant 6 : i32
        %swap3A_205 = arith.index_cast %swap3A : i32 to index
        %swap3A_206 = arith.index_cast %mul3A_204 : i32 to index
        %swap3A_207 = tpu.vector_load %arg22[%swap3A_205, %swap3A_206] {strides = array<i32>} : memref<8x128xf32, #tpu.memory_space<vmem>>, vector<16xf32>,
        tpu.vector_store %arg22[%swap3A_205, %swap3A_206], %get3A_202 {strides = array<i32>} : memref<8x128xf32, #tpu.memory_space<vmem>>, vector<16xf32>,
      }
      %scan3A_141 = arith.constant 8 : i32
      %scan3A_142 = arith.constant 0 : i32
      %scan3A_143 = arith.constant 8 : i32
      %scan3A_144 = arith.addi %scan3A_142, %scan3A_143 : i32
      %scan3A_145 = arith.constant 1 : i32
      scf.for %scan3A_193 = %scan3A_142 to %scan3A_144 step %scan3A_145  : i32 {
        %mul3A_194 = arith.constant 1 : i32
        %mul3A_195 = arith.muli %scan3A_193, %mul3A_194 : i32
        %add3A_196 = arith.constant 0 : i32
        %add3A_197 = arith.addi %add3A_196, %mul3A_195 : i32
        %mul3A_198 = arith.constant 16 : i32
        %mul3A_199 = arith.muli %add3A_197, %mul3A_198 : i32
        %add3A_200 = arith.constant 896 : i32
        %add3A_201 = arith.addi %add3A_200, %mul3A_199 : i32
        %get3A = arith.index_cast %add3A_201 : i32 to index
        %get3A_202 = tpu.vector_load %arg23[%get3A] {strides = array<i32>} : memref<1024xf32, #tpu.memory_space<vmem>>, vector<16xf32>,
        %mul3A_203 = arith.constant 16 : i32
        %mul3A_204 = arith.muli %add3A_197, %mul3A_203 : i32
        %swap3A = arith.constant 7 : i32
        %swap3A_205 = arith.index_cast %swap3A : i32 to index
        %swap3A_206 = arith.index_cast %mul3A_204 : i32 to index
        %swap3A_207 = tpu.vector_load %arg22[%swap3A_205, %swap3A_206] {strides = array<i32>} : memref<8x128xf32, #tpu.memory_space<vmem>>, vector<16xf32>,
        tpu.vector_store %arg22[%swap3A_205, %swap3A_206], %get3A_202 {strides = array<i32>} : memref<8x128xf32, #tpu.memory_space<vmem>>, vector<16xf32>,
      }
      %scan3A_146 = arith.constant 8 : i32
      %mul3A_147 = arith.constant 8 : i32
      %mul3A_148 = arith.muli %arg1, %mul3A_147 : i32
      "tpu.region"() ({
        %run_scoped3A = tpu.sem_alloc : memref<!tpu.dma_semaphore, #tpu.memory_space<semaphore_mem>>
        %dma_start3A_193 = arith.constant 0 : i32
        %dma_start3A_194 = tpu.memref_slice %arg5[%mul3A_148, %dma_start3A_193] : memref<80x128xf32, #tpu.memory_space<hbm>> -> memref<8x128xf32, #tpu.memory_space<hbm>>
        %dma_start3A_195 = arith.constant 0 : i32
        %dma_start3A_196 = tpu.memref_slice %arg5[%mul3A_148, %dma_start3A_195] : memref<80x128xf32, #tpu.memory_space<hbm>> -> memref<8x128xf32, #tpu.memory_space<hbm>>
        tpu.enqueue_dma source(%arg22 : memref<8x128xf32, #tpu.memory_space<vmem>>) target(%dma_start3A_196 : memref<8x128xf32, #tpu.memory_space<hbm>>) target_semaphore(%run_scoped3A : memref<!tpu.dma_semaphore, #tpu.memory_space<semaphore_mem>>)
        %dma_wait3A_197 = arith.constant 0 : i32
        %dma_wait3A_198 = tpu.memref_slice %arg5[%mul3A_148, %dma_wait3A_197] : memref<80x128xf32, #tpu.memory_space<hbm>> -> memref<8x128xf32, #tpu.memory_space<hbm>>
        %dma_wait3A_199 = arith.constant 0 : i32
        %dma_wait3A_200 = tpu.memref_slice %arg5[%mul3A_148, %dma_wait3A_199] : memref<80x128xf32, #tpu.memory_space<hbm>> -> memref<8x128xf32, #tpu.memory_space<hbm>>
        tpu.wait_dma2 semaphore(%run_scoped3A : memref<!tpu.dma_semaphore, #tpu.memory_space<semaphore_mem>>) src(%arg22 : memref<8x128xf32, #tpu.memory_space<vmem>>) dst(%dma_wait3A_200 : memref<8x128xf32, #tpu.memory_space<hbm>>)
        tpu.yield
      }) : () -> ()
      %add3A_149 = arith.constant 10240 : i32
      %add3A_150 = arith.addi %add3A_149, %mul3A_107 : i32
      "tpu.region"() ({
        %run_scoped3A = tpu.sem_alloc : memref<!tpu.dma_semaphore, #tpu.memory_space<semaphore_mem>>
        %dma_start3A_193 = tpu.memref_slice %arg10[%add3A_150] : memref<20480xf32, #tpu.memory_space<hbm>> -> memref<1024xf32, #tpu.memory_space<hbm>>
        %dma_start3A_194 = tpu.memref_slice %arg10[%add3A_150] : memref<20480xf32, #tpu.memory_space<hbm>> -> memref<1024xf32, #tpu.memory_space<hbm>>
        tpu.enqueue_dma source(%dma_start3A_194 : memref<1024xf32, #tpu.memory_space<hbm>>) target(%arg23 : memref<1024xf32, #tpu.memory_space<vmem>>) target_semaphore(%run_scoped3A : memref<!tpu.dma_semaphore, #tpu.memory_space<semaphore_mem>>)
        %dma_wait3A_195 = tpu.memref_slice %arg10[%add3A_150] : memref<20480xf32, #tpu.memory_space<hbm>> -> memref<1024xf32, #tpu.memory_space<hbm>>
        %dma_wait3A_196 = tpu.memref_slice %arg10[%add3A_150] : memref<20480xf32, #tpu.memory_space<hbm>> -> memref<1024xf32, #tpu.memory_space<hbm>>
        tpu.wait_dma2 semaphore(%run_scoped3A : memref<!tpu.dma_semaphore, #tpu.memory_space<semaphore_mem>>) src(%dma_wait3A_196 : memref<1024xf32, #tpu.memory_space<hbm>>) dst(%arg23 : memref<1024xf32, #tpu.memory_space<vmem>>)
        tpu.yield
      }) : () -> ()
      %scan3A_151 = arith.constant 0 : i32
      %scan3A_152 = arith.constant 8 : i32
      %scan3A_153 = arith.addi %scan3A_151, %scan3A_152 : i32
      %scan3A_154 = arith.constant 1 : i32
      scf.for %scan3A_193 = %scan3A_151 to %scan3A_153 step %scan3A_154  : i32 {
        %mul3A_194 = arith.constant 1 : i32
        %mul3A_195 = arith.muli %scan3A_193, %mul3A_194 : i32
        %add3A_196 = arith.constant 0 : i32
        %add3A_197 = arith.addi %add3A_196, %mul3A_195 : i32
        %mul3A_198 = arith.constant 16 : i32
        %mul3A_199 = arith.muli %add3A_197, %mul3A_198 : i32
        %add3A_200 = arith.constant 0 : i32
        %add3A_201 = arith.addi %add3A_200, %mul3A_199 : i32
        %get3A = arith.index_cast %add3A_201 : i32 to index
        %get3A_202 = tpu.vector_load %arg23[%get3A] {strides = array<i32>} : memref<1024xf32, #tpu.memory_space<vmem>>, vector<16xf32>,
        %mul3A_203 = arith.constant 16 : i32
        %mul3A_204 = arith.muli %add3A_197, %mul3A_203 : i32
        %swap3A = arith.constant 0 : i32
        %swap3A_205 = arith.index_cast %swap3A : i32 to index
        %swap3A_206 = arith.index_cast %mul3A_204 : i32 to index
        %swap3A_207 = tpu.vector_load %arg22[%swap3A_205, %swap3A_206] {strides = array<i32>} : memref<8x128xf32, #tpu.memory_space<vmem>>, vector<16xf32>,
        tpu.vector_store %arg22[%swap3A_205, %swap3A_206], %get3A_202 {strides = array<i32>} : memref<8x128xf32, #tpu.memory_space<vmem>>, vector<16xf32>,
      }
      %scan3A_155 = arith.constant 8 : i32
      %scan3A_156 = arith.constant 0 : i32
      %scan3A_157 = arith.constant 8 : i32
      %scan3A_158 = arith.addi %scan3A_156, %scan3A_157 : i32
      %scan3A_159 = arith.constant 1 : i32
      scf.for %scan3A_193 = %scan3A_156 to %scan3A_158 step %scan3A_159  : i32 {
        %mul3A_194 = arith.constant 1 : i32
        %mul3A_195 = arith.muli %scan3A_193, %mul3A_194 : i32
        %add3A_196 = arith.constant 0 : i32
        %add3A_197 = arith.addi %add3A_196, %mul3A_195 : i32
        %mul3A_198 = arith.constant 16 : i32
        %mul3A_199 = arith.muli %add3A_197, %mul3A_198 : i32
        %add3A_200 = arith.constant 128 : i32
        %add3A_201 = arith.addi %add3A_200, %mul3A_199 : i32
        %get3A = arith.index_cast %add3A_201 : i32 to index
        %get3A_202 = tpu.vector_load %arg23[%get3A] {strides = array<i32>} : memref<1024xf32, #tpu.memory_space<vmem>>, vector<16xf32>,
        %mul3A_203 = arith.constant 16 : i32
        %mul3A_204 = arith.muli %add3A_197, %mul3A_203 : i32
        %swap3A = arith.constant 1 : i32
        %swap3A_205 = arith.index_cast %swap3A : i32 to index
        %swap3A_206 = arith.index_cast %mul3A_204 : i32 to index
        %swap3A_207 = tpu.vector_load %arg22[%swap3A_205, %swap3A_206] {strides = array<i32>} : memref<8x128xf32, #tpu.memory_space<vmem>>, vector<16xf32>,
        tpu.vector_store %arg22[%swap3A_205, %swap3A_206], %get3A_202 {strides = array<i32>} : memref<8x128xf32, #tpu.memory_space<vmem>>, vector<16xf32>,
      }
      %scan3A_160 = arith.constant 8 : i32
      %scan3A_161 = arith.constant 0 : i32
      %scan3A_162 = arith.constant 8 : i32
      %scan3A_163 = arith.addi %scan3A_161, %scan3A_162 : i32
      %scan3A_164 = arith.constant 1 : i32
      scf.for %scan3A_193 = %scan3A_161 to %scan3A_163 step %scan3A_164  : i32 {
        %mul3A_194 = arith.constant 1 : i32
        %mul3A_195 = arith.muli %scan3A_193, %mul3A_194 : i32
        %add3A_196 = arith.constant 0 : i32
        %add3A_197 = arith.addi %add3A_196, %mul3A_195 : i32
        %mul3A_198 = arith.constant 16 : i32
        %mul3A_199 = arith.muli %add3A_197, %mul3A_198 : i32
        %add3A_200 = arith.constant 256 : i32
        %add3A_201 = arith.addi %add3A_200, %mul3A_199 : i32
        %get3A = arith.index_cast %add3A_201 : i32 to index
        %get3A_202 = tpu.vector_load %arg23[%get3A] {strides = array<i32>} : memref<1024xf32, #tpu.memory_space<vmem>>, vector<16xf32>,
        %mul3A_203 = arith.constant 16 : i32
        %mul3A_204 = arith.muli %add3A_197, %mul3A_203 : i32
        %swap3A = arith.constant 2 : i32
        %swap3A_205 = arith.index_cast %swap3A : i32 to index
        %swap3A_206 = arith.index_cast %mul3A_204 : i32 to index
        %swap3A_207 = tpu.vector_load %arg22[%swap3A_205, %swap3A_206] {strides = array<i32>} : memref<8x128xf32, #tpu.memory_space<vmem>>, vector<16xf32>,
        tpu.vector_store %arg22[%swap3A_205, %swap3A_206], %get3A_202 {strides = array<i32>} : memref<8x128xf32, #tpu.memory_space<vmem>>, vector<16xf32>,
      }
      %scan3A_165 = arith.constant 8 : i32
      %scan3A_166 = arith.constant 0 : i32
      %scan3A_167 = arith.constant 8 : i32
      %scan3A_168 = arith.addi %scan3A_166, %scan3A_167 : i32
      %scan3A_169 = arith.constant 1 : i32
      scf.for %scan3A_193 = %scan3A_166 to %scan3A_168 step %scan3A_169  : i32 {
        %mul3A_194 = arith.constant 1 : i32
        %mul3A_195 = arith.muli %scan3A_193, %mul3A_194 : i32
        %add3A_196 = arith.constant 0 : i32
        %add3A_197 = arith.addi %add3A_196, %mul3A_195 : i32
        %mul3A_198 = arith.constant 16 : i32
        %mul3A_199 = arith.muli %add3A_197, %mul3A_198 : i32
        %add3A_200 = arith.constant 384 : i32
        %add3A_201 = arith.addi %add3A_200, %mul3A_199 : i32
        %get3A = arith.index_cast %add3A_201 : i32 to index
        %get3A_202 = tpu.vector_load %arg23[%get3A] {strides = array<i32>} : memref<1024xf32, #tpu.memory_space<vmem>>, vector<16xf32>,
        %mul3A_203 = arith.constant 16 : i32
        %mul3A_204 = arith.muli %add3A_197, %mul3A_203 : i32
        %swap3A = arith.constant 3 : i32
        %swap3A_205 = arith.index_cast %swap3A : i32 to index
        %swap3A_206 = arith.index_cast %mul3A_204 : i32 to index
        %swap3A_207 = tpu.vector_load %arg22[%swap3A_205, %swap3A_206] {strides = array<i32>} : memref<8x128xf32, #tpu.memory_space<vmem>>, vector<16xf32>,
        tpu.vector_store %arg22[%swap3A_205, %swap3A_206], %get3A_202 {strides = array<i32>} : memref<8x128xf32, #tpu.memory_space<vmem>>, vector<16xf32>,
      }
      %scan3A_170 = arith.constant 8 : i32
      %scan3A_171 = arith.constant 0 : i32
      %scan3A_172 = arith.constant 8 : i32
      %scan3A_173 = arith.addi %scan3A_171, %scan3A_172 : i32
      %scan3A_174 = arith.constant 1 : i32
      scf.for %scan3A_193 = %scan3A_171 to %scan3A_173 step %scan3A_174  : i32 {
        %mul3A_194 = arith.constant 1 : i32
        %mul3A_195 = arith.muli %scan3A_193, %mul3A_194 : i32
        %add3A_196 = arith.constant 0 : i32
        %add3A_197 = arith.addi %add3A_196, %mul3A_195 : i32
        %mul3A_198 = arith.constant 16 : i32
        %mul3A_199 = arith.muli %add3A_197, %mul3A_198 : i32
        %add3A_200 = arith.constant 512 : i32
        %add3A_201 = arith.addi %add3A_200, %mul3A_199 : i32
        %get3A = arith.index_cast %add3A_201 : i32 to index
        %get3A_202 = tpu.vector_load %arg23[%get3A] {strides = array<i32>} : memref<1024xf32, #tpu.memory_space<vmem>>, vector<16xf32>,
        %mul3A_203 = arith.constant 16 : i32
        %mul3A_204 = arith.muli %add3A_197, %mul3A_203 : i32
        %swap3A = arith.constant 4 : i32
        %swap3A_205 = arith.index_cast %swap3A : i32 to index
        %swap3A_206 = arith.index_cast %mul3A_204 : i32 to index
        %swap3A_207 = tpu.vector_load %arg22[%swap3A_205, %swap3A_206] {strides = array<i32>} : memref<8x128xf32, #tpu.memory_space<vmem>>, vector<16xf32>,
        tpu.vector_store %arg22[%swap3A_205, %swap3A_206], %get3A_202 {strides = array<i32>} : memref<8x128xf32, #tpu.memory_space<vmem>>, vector<16xf32>,
      }
      %scan3A_175 = arith.constant 8 : i32
      %scan3A_176 = arith.constant 0 : i32
      %scan3A_177 = arith.constant 8 : i32
      %scan3A_178 = arith.addi %scan3A_176, %scan3A_177 : i32
      %scan3A_179 = arith.constant 1 : i32
      scf.for %scan3A_193 = %scan3A_176 to %scan3A_178 step %scan3A_179  : i32 {
        %mul3A_194 = arith.constant 1 : i32
        %mul3A_195 = arith.muli %scan3A_193, %mul3A_194 : i32
        %add3A_196 = arith.constant 0 : i32
        %add3A_197 = arith.addi %add3A_196, %mul3A_195 : i32
        %mul3A_198 = arith.constant 16 : i32
        %mul3A_199 = arith.muli %add3A_197, %mul3A_198 : i32
        %add3A_200 = arith.constant 640 : i32
        %add3A_201 = arith.addi %add3A_200, %mul3A_199 : i32
        %get3A = arith.index_cast %add3A_201 : i32 to index
        %get3A_202 = tpu.vector_load %arg23[%get3A] {strides = array<i32>} : memref<1024xf32, #tpu.memory_space<vmem>>, vector<16xf32>,
        %mul3A_203 = arith.constant 16 : i32
        %mul3A_204 = arith.muli %add3A_197, %mul3A_203 : i32
        %swap3A = arith.constant 5 : i32
        %swap3A_205 = arith.index_cast %swap3A : i32 to index
        %swap3A_206 = arith.index_cast %mul3A_204 : i32 to index
        %swap3A_207 = tpu.vector_load %arg22[%swap3A_205, %swap3A_206] {strides = array<i32>} : memref<8x128xf32, #tpu.memory_space<vmem>>, vector<16xf32>,
        tpu.vector_store %arg22[%swap3A_205, %swap3A_206], %get3A_202 {strides = array<i32>} : memref<8x128xf32, #tpu.memory_space<vmem>>, vector<16xf32>,
      }
      %scan3A_180 = arith.constant 8 : i32
      %scan3A_181 = arith.constant 0 : i32
      %scan3A_182 = arith.constant 8 : i32
      %scan3A_183 = arith.addi %scan3A_181, %scan3A_182 : i32
      %scan3A_184 = arith.constant 1 : i32
      scf.for %scan3A_193 = %scan3A_181 to %scan3A_183 step %scan3A_184  : i32 {
        %mul3A_194 = arith.constant 1 : i32
        %mul3A_195 = arith.muli %scan3A_193, %mul3A_194 : i32
        %add3A_196 = arith.constant 0 : i32
        %add3A_197 = arith.addi %add3A_196, %mul3A_195 : i32
        %mul3A_198 = arith.constant 16 : i32
        %mul3A_199 = arith.muli %add3A_197, %mul3A_198 : i32
        %add3A_200 = arith.constant 768 : i32
        %add3A_201 = arith.addi %add3A_200, %mul3A_199 : i32
        %get3A = arith.index_cast %add3A_201 : i32 to index
        %get3A_202 = tpu.vector_load %arg23[%get3A] {strides = array<i32>} : memref<1024xf32, #tpu.memory_space<vmem>>, vector<16xf32>,
        %mul3A_203 = arith.constant 16 : i32
        %mul3A_204 = arith.muli %add3A_197, %mul3A_203 : i32
        %swap3A = arith.constant 6 : i32
        %swap3A_205 = arith.index_cast %swap3A : i32 to index
        %swap3A_206 = arith.index_cast %mul3A_204 : i32 to index
        %swap3A_207 = tpu.vector_load %arg22[%swap3A_205, %swap3A_206] {strides = array<i32>} : memref<8x128xf32, #tpu.memory_space<vmem>>, vector<16xf32>,
        tpu.vector_store %arg22[%swap3A_205, %swap3A_206], %get3A_202 {strides = array<i32>} : memref<8x128xf32, #tpu.memory_space<vmem>>, vector<16xf32>,
      }
      %scan3A_185 = arith.constant 8 : i32
      %scan3A_186 = arith.constant 0 : i32
      %scan3A_187 = arith.constant 8 : i32
      %scan3A_188 = arith.addi %scan3A_186, %scan3A_187 : i32
      %scan3A_189 = arith.constant 1 : i32
      scf.for %scan3A_193 = %scan3A_186 to %scan3A_188 step %scan3A_189  : i32 {
        %mul3A_194 = arith.constant 1 : i32
        %mul3A_195 = arith.muli %scan3A_193, %mul3A_194 : i32
        %add3A_196 = arith.constant 0 : i32
        %add3A_197 = arith.addi %add3A_196, %mul3A_195 : i32
        %mul3A_198 = arith.constant 16 : i32
        %mul3A_199 = arith.muli %add3A_197, %mul3A_198 : i32
        %add3A_200 = arith.constant 896 : i32
        %add3A_201 = arith.addi %add3A_200, %mul3A_199 : i32
        %get3A = arith.index_cast %add3A_201 : i32 to index
        %get3A_202 = tpu.vector_load %arg23[%get3A] {strides = array<i32>} : memref<1024xf32, #tpu.memory_space<vmem>>, vector<16xf32>,
        %mul3A_203 = arith.constant 16 : i32
        %mul3A_204 = arith.muli %add3A_197, %mul3A_203 : i32
        %swap3A = arith.constant 7 : i32
        %swap3A_205 = arith.index_cast %swap3A : i32 to index
        %swap3A_206 = arith.index_cast %mul3A_204 : i32 to index
        %swap3A_207 = tpu.vector_load %arg22[%swap3A_205, %swap3A_206] {strides = array<i32>} : memref<8x128xf32, #tpu.memory_space<vmem>>, vector<16xf32>,
        tpu.vector_store %arg22[%swap3A_205, %swap3A_206], %get3A_202 {strides = array<i32>} : memref<8x128xf32, #tpu.memory_space<vmem>>, vector<16xf32>,
      }
      %scan3A_190 = arith.constant 8 : i32
      %mul3A_191 = arith.constant 8 : i32
      %mul3A_192 = arith.muli %arg1, %mul3A_191 : i32
      "tpu.region"() ({
        %run_scoped3A = tpu.sem_alloc : memref<!tpu.dma_semaphore, #tpu.memory_space<semaphore_mem>>
        %dma_start3A_193 = arith.constant 0 : i32
        %dma_start3A_194 = tpu.memref_slice %arg4[%mul3A_192, %dma_start3A_193] : memref<80x128xf32, #tpu.memory_space<hbm>> -> memref<8x128xf32, #tpu.memory_space<hbm>>
        %dma_start3A_195 = arith.constant 0 : i32
        %dma_start3A_196 = tpu.memref_slice %arg4[%mul3A_192, %dma_start3A_195] : memref<80x128xf32, #tpu.memory_space<hbm>> -> memref<8x128xf32, #tpu.memory_space<hbm>>
        tpu.enqueue_dma source(%arg22 : memref<8x128xf32, #tpu.memory_space<vmem>>) target(%dma_start3A_196 : memref<8x128xf32, #tpu.memory_space<hbm>>) target_semaphore(%run_scoped3A : memref<!tpu.dma_semaphore, #tpu.memory_space<semaphore_mem>>)
        %dma_wait3A_197 = arith.constant 0 : i32
        %dma_wait3A_198 = tpu.memref_slice %arg4[%mul3A_192, %dma_wait3A_197] : memref<80x128xf32, #tpu.memory_space<hbm>> -> memref<8x128xf32, #tpu.memory_space<hbm>>
        %dma_wait3A_199 = arith.constant 0 : i32
        %dma_wait3A_200 = tpu.memref_slice %arg4[%mul3A_192, %dma_wait3A_199] : memref<80x128xf32, #tpu.memory_space<hbm>> -> memref<8x128xf32, #tpu.memory_space<hbm>>
        tpu.wait_dma2 semaphore(%run_scoped3A : memref<!tpu.dma_semaphore, #tpu.memory_space<semaphore_mem>>) src(%arg22 : memref<8x128xf32, #tpu.memory_space<vmem>>) dst(%dma_wait3A_200 : memref<8x128xf32, #tpu.memory_space<hbm>>)
        tpu.yield
      }) : () -> ()
    } else {
    }
    return
  }
}

module attributes {stable_mosaic.version = 14 : i64} {
  func.func @_uc_body(%arg0: memref<1x2048xf32, #tpu.memory_space<vmem>>, %arg1: memref<1x2048xf32, #tpu.memory_space<vmem>>, %arg2: memref<2048x1024xf32, #tpu.memory_space<vmem>>, %arg3: memref<1x1024xf32, #tpu.memory_space<vmem>>, %arg4: memref<1x1024xf32, #tpu.memory_space<vmem>>) attributes {dimension_semantics = [], scalar_prefetch = 0 : i64, scratch_operands = 0 : i64, tpu.core_type = #tpu.core_type<tc>} {
    %get3A = arith.constant 0 : index
    %get3A_0 = arith.constant 0 : index
    %get3A_1 = vector.load %arg0[%get3A, %get3A_0] : memref<1x2048xf32, #tpu.memory_space<vmem>>, vector<1x2048xf32>
    %get3A_2 = arith.constant 0 : index
    %get3A_3 = arith.constant 0 : index
    %get3A_4 = vector.load %arg2[%get3A_2, %get3A_3] : memref<2048x1024xf32, #tpu.memory_space<vmem>>, vector<2048x1024xf32>
    %dot_general3A = arith.constant dense<0.000000e+00> : vector<1x1024xf32>
    %dot_general3A_5 = tpu.matmul %get3A_1, %get3A_4, %dot_general3A {dimension_numbers = #tpu.dot_dimension_numbers<[1], [0], [0], [1], [0, 0, 1, 1], [], []>, transpose_lhs_hint = false} : vector<1x2048xf32>, vector<2048x1024xf32>, vector<1x1024xf32> -> vector<1x1024xf32>
    %swap3A = arith.constant 0 : index
    %swap3A_6 = arith.constant 0 : index
    %swap3A_7 = vector.load %arg3[%swap3A, %swap3A_6] : memref<1x1024xf32, #tpu.memory_space<vmem>>, vector<1x1024xf32>
    tpu.vector_store %arg3[%swap3A, %swap3A_6], %dot_general3A_5 {strides = array<i32>} : memref<1x1024xf32, #tpu.memory_space<vmem>>, vector<1x1024xf32>,
    %get3A_8 = arith.constant 0 : index
    %get3A_9 = arith.constant 0 : index
    %get3A_10 = vector.load %arg1[%get3A_8, %get3A_9] : memref<1x2048xf32, #tpu.memory_space<vmem>>, vector<1x2048xf32>
    %get3A_11 = arith.constant 0 : index
    %get3A_12 = arith.constant 0 : index
    %get3A_13 = vector.load %arg2[%get3A_11, %get3A_12] : memref<2048x1024xf32, #tpu.memory_space<vmem>>, vector<2048x1024xf32>
    %dot_general3A_14 = arith.constant dense<0.000000e+00> : vector<1x1024xf32>
    %dot_general3A_15 = tpu.matmul %get3A_10, %get3A_13, %dot_general3A_14 {dimension_numbers = #tpu.dot_dimension_numbers<[1], [0], [0], [1], [0, 0, 1, 1], [], []>, transpose_lhs_hint = false} : vector<1x2048xf32>, vector<2048x1024xf32>, vector<1x1024xf32> -> vector<1x1024xf32>
    %swap3A_16 = arith.constant 0 : index
    %swap3A_17 = arith.constant 0 : index
    %swap3A_18 = vector.load %arg4[%swap3A_16, %swap3A_17] : memref<1x1024xf32, #tpu.memory_space<vmem>>, vector<1x1024xf32>
    tpu.vector_store %arg4[%swap3A_16, %swap3A_17], %dot_general3A_15 {strides = array<i32>} : memref<1x1024xf32, #tpu.memory_space<vmem>>, vector<1x1024xf32>,
    return
  }
}

module attributes {stable_mosaic.version = 14 : i64} {
  func.func @_main_body(%arg0: i32, %arg1: memref<80x128xf32, #tpu.memory_space<vmem>>, %arg2: memref<80x128xf32, #tpu.memory_space<vmem>>, %arg3: memref<1x1024xf32, #tpu.memory_space<vmem>>, %arg4: memref<1x1024xf32, #tpu.memory_space<vmem>>, %arg5: memref<1x1024xf32, #tpu.memory_space<vmem>>, %arg6: memref<1x1024xf32, #tpu.memory_space<vmem>>, %arg7: memref<1024x256xf32, #tpu.memory_space<vmem>>, %arg8: memref<1x256xf32, #tpu.memory_space<vmem>>, %arg9: memref<256x124xf32, #tpu.memory_space<vmem>>, %arg10: memref<1x124xf32, #tpu.memory_space<vmem>>, %arg11: memref<16x128xf32, #tpu.memory_space<vmem>>, %arg12: memref<16x128xf32, #tpu.memory_space<vmem>>, %arg13: memref<2048x124xf32, #tpu.memory_space<vmem>>, %arg14: memref<1x256xf32, #tpu.memory_space<vmem>>, %arg15: memref<1x256xf32, #tpu.memory_space<vmem>>, %arg16: memref<1x256xf32, #tpu.memory_space<vmem>>) attributes {dimension_semantics = [#tpu.dimension_semantics<arbitrary>], iteration_bounds = array<i64: 5>, scalar_prefetch = 0 : i64, scratch_operands = 3 : i64, tpu.core_type = #tpu.core_type<tc>, window_params = [{pipeline_mode = #tpu.pipeline_mode<synchronous>, transform_indices = @transform_0, window_bounds = array<i64: 80, 128>}, {pipeline_mode = #tpu.pipeline_mode<synchronous>, transform_indices = @transform_1, window_bounds = array<i64: 80, 128>}, {pipeline_mode = #tpu.pipeline_mode<synchronous>, transform_indices = @transform_2, window_bounds = array<i64: 1, 1024>}, {pipeline_mode = #tpu.pipeline_mode<synchronous>, transform_indices = @transform_3, window_bounds = array<i64: 1, 1024>}, {pipeline_mode = #tpu.pipeline_mode<synchronous>, transform_indices = @transform_4, window_bounds = array<i64: 1, 1024>}, {pipeline_mode = #tpu.pipeline_mode<synchronous>, transform_indices = @transform_5, window_bounds = array<i64: 1, 1024>}, {pipeline_mode = #tpu.pipeline_mode<synchronous>, transform_indices = @transform_6, window_bounds = array<i64: 1024, 256>}, {pipeline_mode = #tpu.pipeline_mode<synchronous>, transform_indices = @transform_7, window_bounds = array<i64: 1, 256>}, {pipeline_mode = #tpu.pipeline_mode<synchronous>, transform_indices = @transform_8, window_bounds = array<i64: 256, 124>}, {pipeline_mode = #tpu.pipeline_mode<synchronous>, transform_indices = @transform_9, window_bounds = array<i64: 1, 124>}, {transform_indices = @transform_10, window_bounds = array<i64: 16, 128>}, {transform_indices = @transform_11, window_bounds = array<i64: 16, 128>}, {transform_indices = @transform_12, window_bounds = array<i64: 2048, 124>}]} {
    %eq3A = arith.constant 0 : i32
    %eq3A_0 = arith.cmpi eq, %arg0, %eq3A : i32
    %convert_element_type3A = arith.extui %eq3A_0 : i1 to i32
    %cond3A = arith.constant 0 : i32
    %cond3A_1 = arith.cmpi ne, %convert_element_type3A, %cond3A : i32
    scf.if %cond3A_1 {
      %iota3A_75 = tpu.iota {dimensions = array<i32: 0>} : vector<80x128xi32>
      %iota3A_76 = tpu.iota {dimensions = array<i32: 1>} : vector<80x128xi32>
      %mul3A_77 = arith.constant 128 : i32
      %mul3A_78 = vector.broadcast %mul3A_77 : i32 to vector<80x128xi32>
      %mul3A_79 = arith.muli %iota3A_75, %mul3A_78 : vector<80x128xi32>
      %add3A_80 = arith.addi %mul3A_79, %iota3A_76 : vector<80x128xi32>
      %lt3A = arith.constant 10000 : i32
      %lt3A_81 = vector.broadcast %lt3A : i32 to vector<80x128xi32>
      %lt3A_82 = arith.cmpi slt, %add3A_80, %lt3A_81 : vector<80x128xi32>
      %get3A_83 = arith.constant 0 : index
      %get3A_84 = arith.constant 0 : index
      %get3A_85 = vector.load %arg1[%get3A_83, %get3A_84] : memref<80x128xf32, #tpu.memory_space<vmem>>, vector<80x128xf32>
      %jit3A_86 = arith.constant 0.000000e+00 : f32
      %broadcast_in_dim3A_87 = vector.broadcast %jit3A_86 : f32 to vector<80x128xf32>
      %select_n3A_88 = arith.select %lt3A_82, %get3A_85, %broadcast_in_dim3A_87 : vector<80x128xi1>, vector<80x128xf32>
      %get3A_89 = arith.constant 0 : index
      %get3A_90 = arith.constant 0 : index
      %get3A_91 = vector.load %arg2[%get3A_89, %get3A_90] : memref<80x128xf32, #tpu.memory_space<vmem>>, vector<80x128xf32>
      %jit3A_92 = arith.constant 0.000000e+00 : f32
      %broadcast_in_dim3A_93 = vector.broadcast %jit3A_92 : f32 to vector<80x128xf32>
      %select_n3A_94 = arith.select %lt3A_82, %get3A_91, %broadcast_in_dim3A_93 : vector<80x128xi1>, vector<80x128xf32>
      %reduce_sum3A_95 = vector.shape_cast %select_n3A_88 : vector<80x128xf32> to vector<1x80x128xf32>
      %reduce_sum3A_96 = arith.constant dense<0.000000e+00> : vector<1xf32>
      %reduce_sum3A_97 = vector.multi_reduction <add>, %reduce_sum3A_95, %reduce_sum3A_96 [1, 2] : vector<1x80x128xf32> to vector<1xf32>
      %reduce_sum3A_98 = vector.shape_cast %reduce_sum3A_97 : vector<1xf32> to vector<1x1x1xf32>
      %reduce_sum3A_99 = vector.extract %reduce_sum3A_98[0, 0, 0] : f32 from vector<1x1x1xf32>
      %mul3A_100 = arith.constant 9.99999974E-5 : f32
      %mul3A_101 = arith.mulf %reduce_sum3A_99, %mul3A_100 : f32
      %reduce_sum3A_102 = vector.shape_cast %select_n3A_94 : vector<80x128xf32> to vector<1x80x128xf32>
      %reduce_sum3A_103 = arith.constant dense<0.000000e+00> : vector<1xf32>
      %reduce_sum3A_104 = vector.multi_reduction <add>, %reduce_sum3A_102, %reduce_sum3A_103 [1, 2] : vector<1x80x128xf32> to vector<1xf32>
      %reduce_sum3A_105 = vector.shape_cast %reduce_sum3A_104 : vector<1xf32> to vector<1x1x1xf32>
      %reduce_sum3A_106 = vector.extract %reduce_sum3A_105[0, 0, 0] : f32 from vector<1x1x1xf32>
      %mul3A_107 = arith.constant 9.99999974E-5 : f32
      %mul3A_108 = arith.mulf %reduce_sum3A_106, %mul3A_107 : f32
      %sub3A_109 = vector.broadcast %mul3A_101 : f32 to vector<80x128xf32>
      %sub3A_110 = arith.subf %select_n3A_88, %sub3A_109 : vector<80x128xf32>
      %jit3A_111 = arith.constant 0.000000e+00 : f32
      %broadcast_in_dim3A_112 = vector.broadcast %jit3A_111 : f32 to vector<80x128xf32>
      %select_n3A_113 = arith.select %lt3A_82, %sub3A_110, %broadcast_in_dim3A_112 : vector<80x128xi1>, vector<80x128xf32>
      %sub3A_114 = vector.broadcast %mul3A_108 : f32 to vector<80x128xf32>
      %sub3A_115 = arith.subf %select_n3A_94, %sub3A_114 : vector<80x128xf32>
      %jit3A_116 = arith.constant 0.000000e+00 : f32
      %broadcast_in_dim3A_117 = vector.broadcast %jit3A_116 : f32 to vector<80x128xf32>
      %select_n3A_118 = arith.select %lt3A_82, %sub3A_115, %broadcast_in_dim3A_117 : vector<80x128xi1>, vector<80x128xf32>
      %mul3A_119 = arith.mulf %select_n3A_113, %select_n3A_113 : vector<80x128xf32>
      %reduce_sum3A_120 = vector.shape_cast %mul3A_119 : vector<80x128xf32> to vector<1x80x128xf32>
      %reduce_sum3A_121 = arith.constant dense<0.000000e+00> : vector<1xf32>
      %reduce_sum3A_122 = vector.multi_reduction <add>, %reduce_sum3A_120, %reduce_sum3A_121 [1, 2] : vector<1x80x128xf32> to vector<1xf32>
      %reduce_sum3A_123 = vector.shape_cast %reduce_sum3A_122 : vector<1xf32> to vector<1x1x1xf32>
      %reduce_sum3A_124 = vector.extract %reduce_sum3A_123[0, 0, 0] : f32 from vector<1x1x1xf32>
      %mul3A_125 = arith.constant 9.99999974E-5 : f32
      %mul3A_126 = arith.mulf %reduce_sum3A_124, %mul3A_125 : f32
      %mul3A_127 = arith.mulf %select_n3A_118, %select_n3A_118 : vector<80x128xf32>
      %reduce_sum3A_128 = vector.shape_cast %mul3A_127 : vector<80x128xf32> to vector<1x80x128xf32>
      %reduce_sum3A_129 = arith.constant dense<0.000000e+00> : vector<1xf32>
      %reduce_sum3A_130 = vector.multi_reduction <add>, %reduce_sum3A_128, %reduce_sum3A_129 [1, 2] : vector<1x80x128xf32> to vector<1xf32>
      %reduce_sum3A_131 = vector.shape_cast %reduce_sum3A_130 : vector<1xf32> to vector<1x1x1xf32>
      %reduce_sum3A_132 = vector.extract %reduce_sum3A_131[0, 0, 0] : f32 from vector<1x1x1xf32>
      %mul3A_133 = arith.constant 9.99999974E-5 : f32
      %mul3A_134 = arith.mulf %reduce_sum3A_132, %mul3A_133 : f32
      %mul3A_135 = arith.mulf %select_n3A_113, %select_n3A_118 : vector<80x128xf32>
      %reduce_sum3A_136 = vector.shape_cast %mul3A_135 : vector<80x128xf32> to vector<1x80x128xf32>
      %reduce_sum3A_137 = arith.constant dense<0.000000e+00> : vector<1xf32>
      %reduce_sum3A_138 = vector.multi_reduction <add>, %reduce_sum3A_136, %reduce_sum3A_137 [1, 2] : vector<1x80x128xf32> to vector<1xf32>
      %reduce_sum3A_139 = vector.shape_cast %reduce_sum3A_138 : vector<1xf32> to vector<1x1x1xf32>
      %reduce_sum3A_140 = vector.extract %reduce_sum3A_139[0, 0, 0] : f32 from vector<1x1x1xf32>
      %mul3A_141 = arith.constant 9.99999974E-5 : f32
      %mul3A_142 = arith.mulf %reduce_sum3A_140, %mul3A_141 : f32
      %get3A_143 = arith.constant 0 : index
      %get3A_144 = arith.constant 0 : index
      %get3A_145 = vector.load %arg3[%get3A_143, %get3A_144] : memref<1x1024xf32, #tpu.memory_space<vmem>>, vector<1x1024xf32>
      %get3A_146 = arith.constant 0 : index
      %get3A_147 = arith.constant 0 : index
      %get3A_148 = vector.load %arg4[%get3A_146, %get3A_147] : memref<1x1024xf32, #tpu.memory_space<vmem>>, vector<1x1024xf32>
      %mul3A_149 = vector.broadcast %mul3A_126 : f32 to vector<1x1024xf32>
      %mul3A_150 = arith.mulf %mul3A_149, %get3A_145 : vector<1x1024xf32>
      %mul3A_151 = arith.mulf %mul3A_150, %get3A_145 : vector<1x1024xf32>
      %mul3A_152 = vector.broadcast %mul3A_134 : f32 to vector<1x1024xf32>
      %mul3A_153 = arith.mulf %mul3A_152, %get3A_148 : vector<1x1024xf32>
      %mul3A_154 = arith.mulf %mul3A_153, %get3A_148 : vector<1x1024xf32>
      %add3A_155 = arith.addf %mul3A_151, %mul3A_154 : vector<1x1024xf32>
      %mul3A_156 = arith.constant 2.000000e+00 : f32
      %mul3A_157 = arith.mulf %mul3A_156, %mul3A_142 : f32
      %mul3A_158 = vector.broadcast %mul3A_157 : f32 to vector<1x1024xf32>
      %mul3A_159 = arith.mulf %mul3A_158, %get3A_145 : vector<1x1024xf32>
      %mul3A_160 = arith.mulf %mul3A_159, %get3A_148 : vector<1x1024xf32>
      %add3A_161 = arith.addf %add3A_155, %mul3A_160 : vector<1x1024xf32>
      %get3A_162 = arith.constant 0 : index
      %get3A_163 = arith.constant 0 : index
      %get3A_164 = vector.load %arg5[%get3A_162, %get3A_163] : memref<1x1024xf32, #tpu.memory_space<vmem>>, vector<1x1024xf32>
      %add3A_165 = arith.constant 9.99999974E-6 : f32
      %add3A_166 = vector.broadcast %add3A_165 : f32 to vector<1x1024xf32>
      %add3A_167 = arith.addf %add3A_161, %add3A_166 : vector<1x1024xf32>
      %sqrt3A = math.sqrt %add3A_167 : vector<1x1024xf32>
      %div3A = arith.divf %get3A_164, %sqrt3A : vector<1x1024xf32>
      %mul3A_168 = arith.mulf %get3A_145, %div3A : vector<1x1024xf32>
      %get3A_169 = arith.constant 0 : index
      %get3A_170 = arith.constant 0 : index
      %get3A_171 = vector.load %arg7[%get3A_169, %get3A_170] : memref<1024x256xf32, #tpu.memory_space<vmem>>, vector<1024x256xf32>
      %dot_general3A_172 = arith.constant dense<0.000000e+00> : vector<1x256xf32>
      %dot_general3A_173 = tpu.matmul %mul3A_168, %get3A_171, %dot_general3A_172 {dimension_numbers = #tpu.dot_dimension_numbers<[1], [0], [0], [1], [0, 0, 1, 1], [], []>, transpose_lhs_hint = false} : vector<1x1024xf32>, vector<1024x256xf32>, vector<1x256xf32> -> vector<1x256xf32>
      %mul3A_174 = arith.mulf %get3A_148, %div3A : vector<1x1024xf32>
      %get3A_175 = arith.constant 0 : index
      %get3A_176 = arith.constant 0 : index
      %get3A_177 = vector.load %arg7[%get3A_175, %get3A_176] : memref<1024x256xf32, #tpu.memory_space<vmem>>, vector<1024x256xf32>
      %dot_general3A_178 = arith.constant dense<0.000000e+00> : vector<1x256xf32>
      %dot_general3A_179 = tpu.matmul %mul3A_174, %get3A_177, %dot_general3A_178 {dimension_numbers = #tpu.dot_dimension_numbers<[1], [0], [0], [1], [0, 0, 1, 1], [], []>, transpose_lhs_hint = false} : vector<1x1024xf32>, vector<1024x256xf32>, vector<1x256xf32> -> vector<1x256xf32>
      %get3A_180 = arith.constant 0 : index
      %get3A_181 = arith.constant 0 : index
      %get3A_182 = vector.load %arg6[%get3A_180, %get3A_181] : memref<1x1024xf32, #tpu.memory_space<vmem>>, vector<1x1024xf32>
      %get3A_183 = arith.constant 0 : index
      %get3A_184 = arith.constant 0 : index
      %get3A_185 = vector.load %arg7[%get3A_183, %get3A_184] : memref<1024x256xf32, #tpu.memory_space<vmem>>, vector<1024x256xf32>
      %dot_general3A_186 = arith.constant dense<0.000000e+00> : vector<1x256xf32>
      %dot_general3A_187 = tpu.matmul %get3A_182, %get3A_185, %dot_general3A_186 {dimension_numbers = #tpu.dot_dimension_numbers<[1], [0], [0], [1], [0, 0, 1, 1], [], []>, transpose_lhs_hint = false} : vector<1x1024xf32>, vector<1024x256xf32>, vector<1x256xf32> -> vector<1x256xf32>
      %get3A_188 = arith.constant 0 : index
      %get3A_189 = arith.constant 0 : index
      %get3A_190 = vector.load %arg8[%get3A_188, %get3A_189] : memref<1x256xf32, #tpu.memory_space<vmem>>, vector<1x256xf32>
      %add3A_191 = arith.addf %dot_general3A_187, %get3A_190 : vector<1x256xf32>
      %swap3A_192 = arith.constant 0 : index
      %swap3A_193 = arith.constant 0 : index
      %swap3A_194 = vector.load %arg14[%swap3A_192, %swap3A_193] : memref<1x256xf32, #tpu.memory_space<vmem>>, vector<1x256xf32>
      tpu.vector_store %arg14[%swap3A_192, %swap3A_193], %dot_general3A_173 {strides = array<i32>} : memref<1x256xf32, #tpu.memory_space<vmem>>, vector<1x256xf32>,
      %swap3A_195 = arith.constant 0 : index
      %swap3A_196 = arith.constant 0 : index
      %swap3A_197 = vector.load %arg15[%swap3A_195, %swap3A_196] : memref<1x256xf32, #tpu.memory_space<vmem>>, vector<1x256xf32>
      tpu.vector_store %arg15[%swap3A_195, %swap3A_196], %dot_general3A_179 {strides = array<i32>} : memref<1x256xf32, #tpu.memory_space<vmem>>, vector<1x256xf32>,
      %mul3A_198 = vector.broadcast %mul3A_101 : f32 to vector<1x256xf32>
      %mul3A_199 = arith.mulf %mul3A_198, %dot_general3A_173 : vector<1x256xf32>
      %sub3A_200 = arith.subf %add3A_191, %mul3A_199 : vector<1x256xf32>
      %mul3A_201 = vector.broadcast %mul3A_108 : f32 to vector<1x256xf32>
      %mul3A_202 = arith.mulf %mul3A_201, %dot_general3A_179 : vector<1x256xf32>
      %sub3A_203 = arith.subf %sub3A_200, %mul3A_202 : vector<1x256xf32>
      %swap3A_204 = arith.constant 0 : index
      %swap3A_205 = arith.constant 0 : index
      %swap3A_206 = vector.load %arg16[%swap3A_204, %swap3A_205] : memref<1x256xf32, #tpu.memory_space<vmem>>, vector<1x256xf32>
      tpu.vector_store %arg16[%swap3A_204, %swap3A_205], %sub3A_203 {strides = array<i32>} : memref<1x256xf32, #tpu.memory_space<vmem>>, vector<1x256xf32>,
    } else {
    }
    %iota3A = tpu.iota {dimensions = array<i32: 0>} : vector<2048x16xi32>
    %iota3A_2 = tpu.iota {dimensions = array<i32: 1>} : vector<2048x16xi32>
    %shift_right_logical3A = arith.constant 7 : i32
    %shift_right_logical3A_3 = vector.broadcast %shift_right_logical3A : i32 to vector<2048x16xi32>
    %shift_right_logical3A_4 = arith.shrui %iota3A, %shift_right_logical3A_3 : vector<2048x16xi32>
    %eq3A_5 = arith.cmpi eq, %shift_right_logical3A_4, %iota3A_2 : vector<2048x16xi32>
    %jit3A = arith.constant 1.000000e+00 : f32
    %jit3A_6 = arith.constant 0.000000e+00 : f32
    %broadcast_in_dim3A = vector.broadcast %jit3A : f32 to vector<2048x16xf32>
    %broadcast_in_dim3A_7 = vector.broadcast %jit3A_6 : f32 to vector<2048x16xf32>
    %select_n3A = arith.select %eq3A_5, %broadcast_in_dim3A, %broadcast_in_dim3A_7 : vector<2048x16xi1>, vector<2048x16xf32>
    %iota3A_8 = tpu.iota {dimensions = array<i32: 0>} : vector<2048x128xi32>
    %iota3A_9 = tpu.iota {dimensions = array<i32: 1>} : vector<2048x128xi32>
    %and3A = arith.constant 127 : i32
    %and3A_10 = vector.broadcast %and3A : i32 to vector<2048x128xi32>
    %and3A_11 = arith.andi %iota3A_8, %and3A_10 : vector<2048x128xi32>
    %eq3A_12 = arith.cmpi eq, %and3A_11, %iota3A_9 : vector<2048x128xi32>
    %jit3A_13 = arith.constant 1.000000e+00 : f32
    %jit3A_14 = arith.constant 0.000000e+00 : f32
    %broadcast_in_dim3A_15 = vector.broadcast %jit3A_13 : f32 to vector<2048x128xf32>
    %broadcast_in_dim3A_16 = vector.broadcast %jit3A_14 : f32 to vector<2048x128xf32>
    %select_n3A_17 = arith.select %eq3A_12, %broadcast_in_dim3A_15, %broadcast_in_dim3A_16 : vector<2048x128xi1>, vector<2048x128xf32>
    %get3A = arith.constant 0 : index
    %get3A_18 = arith.constant 0 : index
    %get3A_19 = vector.load %arg11[%get3A, %get3A_18] : memref<16x128xf32, #tpu.memory_space<vmem>>, vector<16x128xf32>
    %dot_general3A = arith.constant dense<0.000000e+00> : vector<2048x128xf32>
    %dot_general3A_20 = tpu.matmul %select_n3A, %get3A_19, %dot_general3A {dimension_numbers = #tpu.dot_dimension_numbers<[1], [0], [0], [1], [0, 0, 1, 1], [], []>, transpose_lhs_hint = false} : vector<2048x16xf32>, vector<16x128xf32>, vector<2048x128xf32> -> vector<2048x128xf32>
    %get3A_21 = arith.constant 0 : index
    %get3A_22 = arith.constant 0 : index
    %get3A_23 = vector.load %arg12[%get3A_21, %get3A_22] : memref<16x128xf32, #tpu.memory_space<vmem>>, vector<16x128xf32>
    %dot_general3A_24 = arith.constant dense<0.000000e+00> : vector<2048x128xf32>
    %dot_general3A_25 = tpu.matmul %select_n3A, %get3A_23, %dot_general3A_24 {dimension_numbers = #tpu.dot_dimension_numbers<[1], [0], [0], [1], [0, 0, 1, 1], [], []>, transpose_lhs_hint = false} : vector<2048x16xf32>, vector<16x128xf32>, vector<2048x128xf32> -> vector<2048x128xf32>
    %mul3A = arith.mulf %dot_general3A_20, %select_n3A_17 : vector<2048x128xf32>
    %reduce_sum3A = arith.constant dense<0.000000e+00> : vector<2048xf32>
    %reduce_sum3A_26 = vector.multi_reduction <add>, %mul3A, %reduce_sum3A [1] : vector<2048x128xf32> to vector<2048xf32>
    %broadcast_in_dim3A_27 = vector.shape_cast %reduce_sum3A_26 : vector<2048xf32> to vector<2048x1xf32>
    %mul3A_28 = arith.mulf %dot_general3A_25, %select_n3A_17 : vector<2048x128xf32>
    %reduce_sum3A_29 = arith.constant dense<0.000000e+00> : vector<2048xf32>
    %reduce_sum3A_30 = vector.multi_reduction <add>, %mul3A_28, %reduce_sum3A_29 [1] : vector<2048x128xf32> to vector<2048xf32>
    %broadcast_in_dim3A_31 = vector.shape_cast %reduce_sum3A_30 : vector<2048xf32> to vector<2048x1xf32>
    %get3A_32 = arith.constant 0 : index
    %get3A_33 = arith.constant 0 : index
    %get3A_34 = vector.load %arg14[%get3A_32, %get3A_33] : memref<1x256xf32, #tpu.memory_space<vmem>>, vector<1x256xf32>
    %mul3A_35 = vector.broadcast %broadcast_in_dim3A_27 : vector<2048x1xf32> to vector<2048x256xf32>
    %mul3A_36 = vector.broadcast %get3A_34 : vector<1x256xf32> to vector<2048x256xf32>
    %mul3A_37 = arith.mulf %mul3A_35, %mul3A_36 : vector<2048x256xf32>
    %get3A_38 = arith.constant 0 : index
    %get3A_39 = arith.constant 0 : index
    %get3A_40 = vector.load %arg15[%get3A_38, %get3A_39] : memref<1x256xf32, #tpu.memory_space<vmem>>, vector<1x256xf32>
    %mul3A_41 = vector.broadcast %broadcast_in_dim3A_31 : vector<2048x1xf32> to vector<2048x256xf32>
    %mul3A_42 = vector.broadcast %get3A_40 : vector<1x256xf32> to vector<2048x256xf32>
    %mul3A_43 = arith.mulf %mul3A_41, %mul3A_42 : vector<2048x256xf32>
    %add3A = arith.addf %mul3A_37, %mul3A_43 : vector<2048x256xf32>
    %get3A_44 = arith.constant 0 : index
    %get3A_45 = arith.constant 0 : index
    %get3A_46 = vector.load %arg16[%get3A_44, %get3A_45] : memref<1x256xf32, #tpu.memory_space<vmem>>, vector<1x256xf32>
    %add3A_47 = vector.broadcast %get3A_46 : vector<1x256xf32> to vector<2048x256xf32>
    %add3A_48 = arith.addf %add3A, %add3A_47 : vector<2048x256xf32>
    %gt3A = arith.constant 0.000000e+00 : f32
    %gt3A_49 = vector.broadcast %gt3A : f32 to vector<2048x256xf32>
    %gt3A_50 = arith.cmpf ogt, %add3A_48, %gt3A_49 : vector<2048x256xf32>
    %mul3A_51 = arith.constant 0.00999999977 : f32
    %mul3A_52 = vector.broadcast %mul3A_51 : f32 to vector<2048x256xf32>
    %mul3A_53 = arith.mulf %mul3A_52, %add3A_48 : vector<2048x256xf32>
    %select_n3A_54 = arith.select %gt3A_50, %add3A_48, %mul3A_53 : vector<2048x256xi1>, vector<2048x256xf32>
    %get3A_55 = arith.constant 0 : index
    %get3A_56 = arith.constant 0 : index
    %get3A_57 = vector.load %arg9[%get3A_55, %get3A_56] : memref<256x124xf32, #tpu.memory_space<vmem>>, vector<256x124xf32>
    %dot_general3A_58 = arith.constant dense<0.000000e+00> : vector<2048x124xf32>
    %dot_general3A_59 = tpu.matmul %select_n3A_54, %get3A_57, %dot_general3A_58 {dimension_numbers = #tpu.dot_dimension_numbers<[1], [0], [0], [1], [0, 0, 1, 1], [], []>, transpose_lhs_hint = false} : vector<2048x256xf32>, vector<256x124xf32>, vector<2048x124xf32> -> vector<2048x124xf32>
    %get3A_60 = arith.constant 0 : index
    %get3A_61 = arith.constant 0 : index
    %get3A_62 = vector.load %arg10[%get3A_60, %get3A_61] : memref<1x124xf32, #tpu.memory_space<vmem>>, vector<1x124xf32>
    %add3A_63 = vector.broadcast %get3A_62 : vector<1x124xf32> to vector<2048x124xf32>
    %add3A_64 = arith.addf %dot_general3A_59, %add3A_63 : vector<2048x124xf32>
    %reduce_max3A = arith.constant dense<0xFF800000> : vector<2048xf32>
    %reduce_max3A_65 = vector.multi_reduction <maximumf>, %add3A_64, %reduce_max3A [1] : vector<2048x124xf32> to vector<2048xf32>
    %broadcast_in_dim3A_66 = vector.shape_cast %reduce_max3A_65 : vector<2048xf32> to vector<2048x1xf32>
    %sub3A = vector.broadcast %broadcast_in_dim3A_66 : vector<2048x1xf32> to vector<2048x124xf32>
    %sub3A_67 = arith.subf %add3A_64, %sub3A : vector<2048x124xf32>
    %exp3A = math.exp %sub3A_67 : vector<2048x124xf32>
    %reduce_sum3A_68 = arith.constant dense<0.000000e+00> : vector<2048xf32>
    %reduce_sum3A_69 = vector.multi_reduction <add>, %exp3A, %reduce_sum3A_68 [1] : vector<2048x124xf32> to vector<2048xf32>
    %broadcast_in_dim3A_70 = vector.shape_cast %reduce_sum3A_69 : vector<2048xf32> to vector<2048x1xf32>
    %log3A = math.log %broadcast_in_dim3A_70 : vector<2048x1xf32>
    %sub3A_71 = vector.broadcast %log3A : vector<2048x1xf32> to vector<2048x124xf32>
    %sub3A_72 = arith.subf %sub3A_67, %sub3A_71 : vector<2048x124xf32>
    %swap3A = arith.constant 0 : index
    %swap3A_73 = arith.constant 0 : index
    %swap3A_74 = vector.load %arg13[%swap3A, %swap3A_73] : memref<2048x124xf32, #tpu.memory_space<vmem>>, vector<2048x124xf32>
    tpu.vector_store %arg13[%swap3A, %swap3A_73], %sub3A_72 {strides = array<i32>} : memref<2048x124xf32, #tpu.memory_space<vmem>>, vector<2048x124xf32>,
    return
  }
  func.func @transform_0(%arg0: i32) -> (i32, i32) {
    %c0_i32 = arith.constant 0 : i32
    %c0_i32_0 = arith.constant 0 : i32
    %c0_i32_1 = arith.constant 0 : i32
    return %c0_i32, %c0_i32_0 : i32, i32
  }
  func.func @transform_1(%arg0: i32) -> (i32, i32) {
    %c0_i32 = arith.constant 0 : i32
    %c0_i32_0 = arith.constant 0 : i32
    %c0_i32_1 = arith.constant 0 : i32
    return %c0_i32, %c0_i32_0 : i32, i32
  }
  func.func @transform_2(%arg0: i32) -> (i32, i32) {
    %c0_i32 = arith.constant 0 : i32
    %c0_i32_0 = arith.constant 0 : i32
    %c0_i32_1 = arith.constant 0 : i32
    return %c0_i32, %c0_i32_0 : i32, i32
  }
  func.func @transform_3(%arg0: i32) -> (i32, i32) {
    %c0_i32 = arith.constant 0 : i32
    %c0_i32_0 = arith.constant 0 : i32
    %c0_i32_1 = arith.constant 0 : i32
    return %c0_i32, %c0_i32_0 : i32, i32
  }
  func.func @transform_4(%arg0: i32) -> (i32, i32) {
    %c0_i32 = arith.constant 0 : i32
    %c0_i32_0 = arith.constant 0 : i32
    %c0_i32_1 = arith.constant 0 : i32
    return %c0_i32, %c0_i32_0 : i32, i32
  }
  func.func @transform_5(%arg0: i32) -> (i32, i32) {
    %c0_i32 = arith.constant 0 : i32
    %c0_i32_0 = arith.constant 0 : i32
    %c0_i32_1 = arith.constant 0 : i32
    return %c0_i32, %c0_i32_0 : i32, i32
  }
  func.func @transform_6(%arg0: i32) -> (i32, i32) {
    %c0_i32 = arith.constant 0 : i32
    %c0_i32_0 = arith.constant 0 : i32
    %c0_i32_1 = arith.constant 0 : i32
    return %c0_i32, %c0_i32_0 : i32, i32
  }
  func.func @transform_7(%arg0: i32) -> (i32, i32) {
    %c0_i32 = arith.constant 0 : i32
    %c0_i32_0 = arith.constant 0 : i32
    %c0_i32_1 = arith.constant 0 : i32
    return %c0_i32, %c0_i32_0 : i32, i32
  }
  func.func @transform_8(%arg0: i32) -> (i32, i32) {
    %c0_i32 = arith.constant 0 : i32
    %c0_i32_0 = arith.constant 0 : i32
    %c0_i32_1 = arith.constant 0 : i32
    return %c0_i32, %c0_i32_0 : i32, i32
  }
  func.func @transform_9(%arg0: i32) -> (i32, i32) {
    %c0_i32 = arith.constant 0 : i32
    %c0_i32_0 = arith.constant 0 : i32
    %c0_i32_1 = arith.constant 0 : i32
    return %c0_i32, %c0_i32_0 : i32, i32
  }
  func.func @transform_10(%arg0: i32) -> (i32, i32) {
    %c0_i32 = arith.constant 0 : i32
    %c0_i32_0 = arith.constant 0 : i32
    return %arg0, %c0_i32 : i32, i32
  }
  func.func @transform_11(%arg0: i32) -> (i32, i32) {
    %c0_i32 = arith.constant 0 : i32
    %c0_i32_0 = arith.constant 0 : i32
    return %arg0, %c0_i32 : i32, i32
  }
  func.func @transform_12(%arg0: i32) -> (i32, i32) {
    %c0_i32 = arith.constant 0 : i32
    %c0_i32_0 = arith.constant 0 : i32
    return %arg0, %c0_i32 : i32, i32
  }
}

</mosaic_0001>

<sc_bundles>
// kernel: kernel.5.cloned.1.call-start
scs
__scs_entry_jumppad:
0x0: {  	(pc) =	sbr.rel $0x88, $3  }
0x1: {  	(tag) =	ssettag $0x0;
	lr =	simm.s32 $0x1  }
0x2: {  	[smem:$0x3F96] =	sst lr;
	_ =	strace $0xD0000000  }
0x3: {  	_ = 	snop  }
0x4: {  	_ = 	snop  }
0x5: {  	_ = 	snop  }
0x6: {  	_ = 	snop  }
0x7: {  	_ = 	snop  }
__scs_overlays_trampoline_lowered:
0x8: {  	[smem:$0x3FA5] =	sst s0  }
0x9: {  	[smem:$0x3FA6] =	sst s1  }
0xa: {  	[smem:$0x3FA7] =	sst s2  }
0xb: {  	[smem:$0x3FA8] =	sst s3  }
0xc: {  	[smem:$0x3FA9] =	sst s4  }
0xd: {  	[smem:$0x3FAA] =	sst s5  }
0xe: {  	[smem:$0x3FAB] =	sst s6  }
0xf: {  	[smem:$0x3FAC] =	sst s7  }
0x10: {  	[smem:$0x3FAD] =	sst s8  }
0x11: {  	[smem:$0x3FAE] =	sst s9;
	s0 =	simm.s32 @!p0 $0x0  }
0x12: {  	s1 =	sld [smem:$0x3F94];
	s0 =	simm.s32 @p0 $0x1  }
0x13: {  	[smem:$0x3FAF] =	sst s0;
	s0 =	simm.s32 @!p1 $0x0  }
0x14: {  	s2 =	sld [smem:$0x3F93];
	s0 =	simm.s32 @p1 $0x1  }
0x15: {  	[smem:$0x3FB0] =	sst s0;
	s0 =	simm.s32 @!p2 $0x0  }
0x16: {  	s3 =	sld [smem:$0x3FDB];
	s0 =	simm.s32 @p2 $0x1  }
0x17: {  	s4 =	simm.s32 $0x1BF5;
	[smem:$0x3FB2] =	sst s0  }
0x18: {  	s0 =	sld [smem:$0x3F95];
	_ =	swait.ge [sflag:s4], $0x0  }
0x19: {  	s7 =	sld [smem:$0x3F96]  }
0x1a: {  	s8 =	sadd.s32 $0xFFFFE003, lr  }
0x1b: {  	s9 =	sadd.s32 $0xFFFFFEF7, lr;
	s5 =	simm.s32 $0xFFFFFFFF;
	p2 =	slt.u32 s8, $0xFFFFF086  }
0x1c: {  	p1 =	slt.u32 s9, $0xF7A;
	s5 =	simm.s32 @!p2 $0x0  }
0x1d: {  	s5 =	simm.s32 @p1 $0x1;
	p0 =	seq.s32 s7, s2  }
0x1e: {  	s7 =	smul.u32 @!p0 $0xF7A, s2;
	p2 =	seq.s32 @!p0 s5, $0x0  }
0x1f: {  	s9 =	smul.u32 $0xF7A, s1;
	s8 =	simm.s32 @!p0 $0x1BF5;
	p2 =	por !p2, p0  }
0x20: {  	[sflag:s8] =	ssyncset.s32 @!p0 $0xFFFFF086;
	s6 =	sadd.s32 @!p0 s3, s7;
	s7 =	simm.s32 @!p0 $0x108  }
0x21: {  	s3 =	sadd.s32 s3, s9;
	s6 =	sadd.s32 @!p0 $0x88, s6;
	s7 =	simm.s32 @p2 $0x1082  }
0x22: {  	[simem:s7], [sflag:s8] =	dma.local @!p0 [hbm:s6], $0xF7A  }
0x23: {  	s9 =	sor.u32 $0xD0000000, s2;
	s6 =	simm.s32 $0x108;
	_ =	swait.ge @!p0 [sflag:s8], $0x0  }
0x24: {  	s3 =	sadd.s32 $0x88, s3;
	s6 =	simm.s32 @!p1 $0x1082;
	[sflag:s4] =	ssyncset.s32 $0xFFFFF086  }
0x25: {  	[simem:s6], [sflag:s4] =	dma.local [hbm:s3], $0xF7A  }
0x26: {  	[smem:$0x3F96] =	sst s1;
	(tag) =	ssettag s2;
	_ =	strace s9  }
0x27: {  	s1 =	sld [smem:$0x3FA6]  }
0x28: {  	s2 =	sld [smem:$0x3FA7]  }
0x29: {  	s4 =	sld [smem:$0x3FA9]  }
0x2a: {  	p0 =	seq.s32 s5, $0x0;
	s5 =	sld [smem:$0x3FAA]  }
0x2b: {  	s6 =	sld [smem:$0x3FAB]  }
0x2c: {  	s7 =	sld [smem:$0x3FAC]  }
0x2d: {  	s3 =	simm.s32 $0x108;
	s8 =	sld [smem:$0x3FAD]  }
0x2e: {  	s3 =	simm.s32 @!p0 $0x1082;
	s9 =	sld [smem:$0x3FAE]  }
0x2f: {  	lr =	sadd.s32 s0, s3;
	s0 =	sld [smem:$0x3FA5]  }
0x30: {  	s3 =	sld [smem:$0x3FA8]  }
0x31: {  	[smem:$0x3FB1] =	sst s10  }
0x32: {  	s10 =	sld [smem:$0x3FAF];
	_ =	sdelay $0x3  }
0x33: {  	p0 =	seq.s32 s10, $0x1;
	s10 =	sld [smem:$0x3FB1];
	_ =	sdelay $0x3  }
0x34: {  	[smem:$0x3FB1] =	sst s10  }
0x35: {  	s10 =	sld [smem:$0x3FB0];
	_ =	sdelay $0x3  }
0x36: {  	p1 =	seq.s32 s10, $0x1;
	s10 =	sld [smem:$0x3FB1];
	_ =	sdelay $0x3  }
0x37: {  	[smem:$0x3FB1] =	sst s10  }
0x38: {  	s10 =	sld [smem:$0x3FB2]  }
0x39: {  	_ = 	snop;
	(pc) =	sbr.ind lr, $3  }
0x3a: {  	_ = 	snop  }
0x3b: {  	_ = 	snop  }
0x3c: {  	p2 =	seq.s32 s10, $0x1;
	s10 =	sld [smem:$0x3FB1]  }
0x3d: {  	_ =	shalt  }
0x3e: {  	_ =	shalt  }
0x3f: {  	_ =	shalt  }
0x40: {  	_ =	shalt  }
0x41: {  	_ =	shalt  }
0x42: {  	_ =	shalt  }
0x43: {  	_ =	shalt  }
0x44: {  	_ =	shalt  }
0x45: {  	_ =	shalt  }
0x46: {  	_ =	shalt  }
0x47: {  	_ =	shalt  }
0x48: {  	_ =	shalt  }
0x49: {  	_ =	shalt  }
0x4a: {  	_ =	shalt  }
0x4b: {  	_ =	shalt  }
0x4c: {  	_ =	shalt  }
0x4d: {  	_ =	shalt  }
0x4e: {  	_ =	shalt  }
0x4f: {  	_ =	shalt  }
0x50: {  	_ =	shalt  }
0x51: {  	_ =	shalt  }
0x52: {  	_ =	shalt  }
0x53: {  	_ =	shalt  }
0x54: {  	_ =	shalt  }
0x55: {  	_ =	shalt  }
0x56: {  	_ =	shalt  }
0x57: {  	_ =	shalt  }
0x58: {  	_ =	shalt  }
0x59: {  	_ =	shalt  }
0x5a: {  	_ =	shalt  }
0x5b: {  	_ =	shalt  }
0x5c: {  	_ =	shalt  }
0x5d: {  	_ =	shalt  }
0x5e: {  	_ =	shalt  }
0x5f: {  	_ =	shalt  }
0x60: {  	_ =	shalt  }
0x61: {  	_ =	shalt  }
0x62: {  	_ =	shalt  }
0x63: {  	_ =	shalt  }
0x64: {  	_ =	shalt  }
0x65: {  	_ =	shalt  }
0x66: {  	_ =	shalt  }
0x67: {  	_ =	shalt  }
0x68: {  	_ =	shalt  }
0x69: {  	_ =	shalt  }
0x6a: {  	_ =	shalt  }
0x6b: {  	_ =	shalt  }
0x6c: {  	_ =	shalt  }
0x6d: {  	_ =	shalt  }
0x6e: {  	_ =	shalt  }
0x6f: {  	_ =	shalt  }
0x70: {  	_ =	shalt  }
0x71: {  	_ =	shalt  }
0x72: {  	_ =	shalt  }
0x73: {  	_ =	shalt  }
0x74: {  	_ =	shalt  }
0x75: {  	_ =	shalt  }
0x76: {  	_ =	shalt  }
0x77: {  	_ =	shalt  }
0x78: {  	_ =	shalt  }
0x79: {  	_ =	shalt  }
0x7a: {  	_ =	shalt  }
0x7b: {  	_ =	shalt  }
0x7c: {  	_ =	shalt  }
0x7d: {  	_ =	shalt  }
0x7e: {  	_ =	shalt  }
0x7f: {  	_ =	shalt  }
0x80: {  	_ =	shalt  }
0x81: {  	_ =	shalt  }
0x82: {  	_ =	shalt  }
0x83: {  	_ =	shalt  }
0x84: {  	_ =	shalt  }
0x85: {  	_ =	shalt  }
0x86: {  	_ =	shalt  }
0x87: {  	_ =	shalt  }
.Lfunc_end0:
.L_simem_size_0:
called_computation_lowered:
.L_overlay_start_0:
0x88: {  	s0 =	sld [smem:$0x3FD9]  }
0x89: {  	s1 =	sld [smem:$0x3FFE];
	_ =	sdelay $0x3  }
0x8a: {  	s0 =	sadd.s32 s1, s0  }
0x8b: {  	[smem:$0x3FBD] =	sst s0  }
0x8c: {  	_ = 	snop  }
0x8d: {  	s0 =	sld [smem:$0x3FD0];
	(tm) =	ssettm $0x1  }
0x8e: {  	s16 =	sld [smem:$0x3FFB];
	_ =	sdelay $0x3  }
0x8f: {  	_ =	strace s16  }
0x90: {  	s1 =	sld [smem:$0x3FFC];
	_ =	sdelay $0x3  }
0x91: {  	_ =	strace s1  }
0x92: {  	s1 =	sld [smem:$0x3FFD];
	_ =	sdelay $0x3  }
0x93: {  	_ =	strace s1  }
0x94: {  	_ =	strace $0x8FFFFFFF  }
0x95: {  	s17 =	sld [smem:$0x3FDB];
	_ =	sdelay $0x1  }
0x96: {  	s2 =	simm.s32 $_scs_section_size  }
0x97: {  	s3 =	simm.s32 $_size__tile_overlayer_lowered;
	s4 =	simm.s32 $_tile_overlayer_lowered  }
0x98: {  	s20 =	simm.s32 $0x1BFF;
	s19 =	sshll.u32 s4, $0x1;
	s1 =	sadd.s32 s2, s17  }
0x99: {  	s5 =	simm.s32 $0x0;
	s18 =	sshll.u32 s3, $0x1;
	s3 =	sadd.s32 s19, s1  }
0x9a: {  	[timem:s5], [sflag:s20] =	dma.local [hbm:s3], s18  }
0x9b: {  	_ =	swait.ge [sflag:s20], s18  }
0x9c: {  	s2 =	ssub.s32 $0x0, s18;
	[sflag:s20] =	ssyncset.done $0x0  }
0x9d: {  	[sflag:s20] =	ssyncadd.s32 s2;
	_ =	sdelay $0x1  }
0x9e: {  	s21 =	simm.s32 $0x1B8B  }
0x9f: {  	_ =	swait.ge [sflag:s21], $0x1  }
0xa0: {  	[sflag:s21] =	ssyncset.done $0x0  }
0xa1: {  	s23 =	simm.s32 $0x1B8E;
	s22 =	sld [smem:$0x3FFE];
	[sflag:s21] =	ssyncadd.s32 $0xFFFFFFFF  }
0xa2: {  	s24 =	simm.s32 $execute0_lowered;
	[smem:$0x3FD2] =	sst s23  }
0xa3: {  	s3 =	sshll.u32 s24, $0x1;
	_ =	strace $0x80000046;
	[dreg:$0x1] =	wrdreg $0xFFFFFFFF  }
0xa4: {  	s25 =	simm.s32 $_size_execute0_lowered;
	s1 =	sadd.s32 s1, s3;
	[dreg:$0x0] =	wrdreg $0x0  }
0xa5: {  	s3 =	sshll.u32 s25, $0x1;
	[dreg:$0x2] =	wrdreg s1  }
0xa6: {  	[dreg:$0x3] =	wrdreg s3  }
0xa7: {  	[dreg:$0x4] =	wrdreg $0xC0  }
0xa8: {  	_ =	task [dreg:s5], $0x5FFFF  }
0xa9: {  	[dreg:$0x1] =	wrdreg $0xFFFFFFFF  }
0xaa: {  	[dreg:$0x0] =	wrdreg $0x60  }
0xab: {  	[dreg:$0x2] =	wrdreg s22  }
0xac: {  	[dreg:$0x3] =	wrdreg s0  }
0xad: {  	[dreg:$0x4] =	wrdreg $0x9  }
0xae: {  	_ =	task.clear_ibuf [dreg:s5], $0x5FFFF;
	_ =	strace $0x90000046  }
0xaf: {  	s26 =	simm.s32 $0x9;
	_ =	strace $0x80000048  }
0xb0: {  	_ =	swait.ge [sflag:s26], $0x1  }
0xb1: {  	[sflag:s26] =	ssyncadd.s32 $0xFFFFFFFF  }
0xb2: {  	_ =	strace $0x90000048  }
0xb3: {  	_ =	sfence  }
0xb4: {  	s28 =	sld [smem:$0x0];
	_ =	sdelay $0x1  }
0xb5: {  	s29 =	srdreg.scid  }
0xb6: {  	s30 =	sshll.u32 s29, $0xD;
	s31 =	sshrl.u32 s29, $0x2  }
0xb7: {  	s2 =	sand.u32 $0x4000, s30;
	s1 =	sand.u32 $0x1, s29;
	s0 =	sadd.s32 s31, s28  }
0xb8: {  	s1 =	sor.u32 s2, s1;
	s0 =	sshll.u32 s0, $0x11  }
0xb9: {  	s0 =	sor.u32 s0, s1  }
0xba: {  	s0 =	sadd.s32 $0x8F2B, s0  }
0xbb: {  	[sflag:s0] =	ssyncadd.remote.s32 $0x1  }
0xbc: {  	_ =	sfence.sel $0xFFFF  }
0xbd: {  	[dreg:$0x0] =	wrdreg $0xFFFFFFFF;
	(pc) =	sbr.abs _section_cstart, $3  }
0xbe: {  	[dreg:$0x1] =	wrdreg $0xFFFFFFFF  }
0xbf: {  	_ =	task.clear_ibuf [dreg:s5], $0x2FFFF;
	_ =	strace $0x9FFFFFFF  }
0xc0: {  	(tm) =	ssettm $0x7FFFFFFF  }
0xc1: {  	_ =	shalt  }
tec
execute0_lowered:
.L_overlay_start_1:
0x0: {  	(tag) =	ssettag $0x1  }
0x1: {  	s9 =	stileid.u32  }
0x2: {  	s1 =	smul.u32 $0x2710, s9;
	_ =	sdelay $0x1  }
0x3: {  	s0 =	rddreg [dreg:$0x0];
	s3 =	simm.s32 $0x0;
	s1 =	sshrl.u32 s1, $0x3  }
0x4: {  	[smem:$0x7FF] =	sst s3;
	s1 =	sadd.s32 s1, s0  }
0x5: {  	s2 =	rddreg [dreg:$0x1];
	_ =	strace $0x80000047;
	s4 =	sadd.s32 $0x1E00, s1  }
0x6: {  	[tilespmem:s3], [sflag:$0x1] =	stream.linear.gather [hbm4b:s4+s3], $0x2710, $0x38;
	[tilespmem:$0x15180] =	vst v63  }
0x7: {  	s31 =	simm.s32 $0x2780;
	s8 =	simm.s32 $0xC7C0;
	s1 =	sadd.s32 $0x6C20, s1  }
0x8: {  	v0 =	vimm.f32 $0.0e+00;
	[tilespmem:s31], [sflag:$0x1] =	stream.linear.gather [hbm4b:s1+s3], $0x2710, $0x38;
	[tilespmem:$0x15180] =	vst v63  }
0x9: {  	[tilespmem:s8+$0xFFFFFFC0] =	vst v0  }
0xa: {  	[tilespmem:s8+$0x30] =	vst v0  }
0xb: {  	[tilespmem:s8+$0x20] =	vst v0  }
0xc: {  	[tilespmem:s8+$0x10] =	vst v0  }
0xd: {  	s11 =	sadd.s32 $0xBC00, s0;
	s21 =	sadd.s32 $0x12C00, s0;
	[tilespmem:s8+$0x0] =	vst v0  }
0xe: {  	s16 =	sadd.s32 $0x11200, s0;
	s15 =	sadd.s32 $0x11C00, s0;
	s4 =	sadd.s32 $0xC200, s0;
	[tilespmem:s8+$0xFFFFFFF0] =	vst v0  }
0xf: {  	s1 =	sadd.s32 $0x13200, s0;
	s3 =	sadd.s32 $0x12200, s0;
	s0 =	simm.s32 $0x0;
	[tilespmem:s8+$0xFFFFFFE0] =	vst v0  }
.LBB2_1:
0x10: {  	s0 =	sadd.s32 $0x8, s0;
	[tilespmem:s8+$0xFFFFFFD0] =	vst v0;
	s8 =	sadd.s32 $0x80, s8  }
0x11: {  	[tilespmem:s8+$0xFFFFFFC0] =	vst v0;
	p0 =	slt.u32 s0, $0x278  }
0x12: {  	[tilespmem:s8+$0x30] =	vst v0  }
.Ltmp0:
0x13: {  	[tilespmem:s8+$0x20] =	vst v0;
	(pc) =	sbr.rel @p0 .LBB2_1-.Ltmp0, $4  }
0x14: {  	[tilespmem:s8+$0x10] =	vst v0  }
0x15: {  	[tilespmem:s8+$0x0] =	vst v0  }
0x16: {  	[tilespmem:s8+$0xFFFFFFF0] =	vst v0  }
0x17: {  	[tilespmem:s8+$0xFFFFFFE0] =	vst v0  }
0x18: {  	s0 =	sshrl.u32 s9, $0x3;
	s6 =	smul.u32 $0x280, s9  }
0x19: {  	p0 =	seq.s32 s9, $0xF;
	s7 =	smul.u32 $0x14000, s0  }
.Ltmp1:
0x1a: {  	s5 =	sshll.u32 s9, $0x7;
	(pc) =	sbr.rel @!p0 .LBB2_3-.Ltmp1, $4  }
0x1b: {  	s10 =	sand.u32 $0x380, s5;
	s12 =	smul.u32 $0x28000, s0  }
0x1c: {  	s14 =	sadd.s32 s3, s5;
	s0 =	sshrl.u32 s6, $0x3;
	s7 =	sor.u32 s10, s7  }
0x1d: {  	s10 =	sor.u32 s10, s12;
	s9 =	sshrl.u32 s7, $0x3;
	s7 =	sadd.s32 $0x2800, s6  }
0x1e: {  	[tilespmem:s8+$0xFFFFFFD0] =	vst v0;
	s17 =	sadd.s32 s16, s0;
	s10 =	sshrl.u32 s10, $0x3;
	s8 =	sshrl.u32 s7, $0x3  }
0x1f: {  	s11 =	sadd.s32 $0x492, s11  }
0x20: {  	s12 =	simm.s32 $0x0;
	s13 =	simm.s32 $0x14700;
	s31 =	simm.s32 $0x2  }
0x21: {  	[tilespmem:s13], [sflag:$0x2] =	stream.linear.gather [hbm4b:s11+s12], $0x280, $0x38;
	[tilespmem:$0x15180] =	vst v63  }
0x22: {  	_ =	swait.ge [sflag:s31], $0x280  }
0x23: {  	[sflag:s31] =	ssyncset.done $0x0  }
0x24: {  	v63 =	vimm.f32 $0.0e+00;
	[sflag:s31] =	ssyncadd.s32 $0xFFFFFD80  }
0x25: {  	[tilespmem:$0xC690] =	vst v63  }
0x26: {  	[tilespmem:$0xC6A0] =	vst v63  }
0x27: {  	[tilespmem:$0xC6B0] =	vst v63  }
0x28: {  	[tilespmem:$0xC6C0] =	vst v63  }
0x29: {  	[tilespmem:$0xC6D0] =	vst v63  }
0x2a: {  	[tilespmem:$0xC6E0] =	vst v63  }
0x2b: {  	[tilespmem:$0xC6F0] =	vst v63  }
0x2c: {  	[tilespmem:$0xC700] =	vst v63  }
0x2d: {  	[tilespmem:$0xC710] =	vst v63  }
0x2e: {  	[tilespmem:$0xC720] =	vst v63  }
0x2f: {  	v0 =	vld [tilespmem:$0x147F0];
	[tilespmem:$0xC730] =	vst v63  }
0x30: {  	v1 =	vld [tilespmem:$0x14800];
	[tilespmem:$0xC740] =	vst v63  }
0x31: {  	v2 =	vld [tilespmem:$0x14810];
	[tilespmem:$0xC750] =	vst v63  }
0x32: {  	v3 =	vld [tilespmem:$0x14820];
	[tilespmem:$0xC760] =	vst v63  }
0x33: {  	v4 =	vld [tilespmem:$0x14830];
	[tilespmem:$0xC770] =	vst v63  }
0x34: {  	v43 =	vld [tilespmem:$0x14840];
	[tilespmem:$0xC500] =	vst v0  }
0x35: {  	v44 =	vld [tilespmem:$0x14850];
	[tilespmem:$0xC510] =	vst v1  }
0x36: {  	v45 =	vld [tilespmem:$0x14860];
	[tilespmem:$0xC520] =	vst v2  }
0x37: {  	v46 =	vld [tilespmem:$0x14870];
	[tilespmem:$0xC530] =	vst v3  }
0x38: {  	v47 =	vld [tilespmem:$0x14880];
	[tilespmem:$0xC540] =	vst v4  }
0x39: {  	v48 =	vld [tilespmem:$0x14890];
	[tilespmem:$0xC550] =	vst v43  }
0x3a: {  	v49 =	vld [tilespmem:$0x148A0];
	[tilespmem:$0xC560] =	vst v44  }
0x3b: {  	v50 =	vld [tilespmem:$0x148B0];
	[tilespmem:$0xC570] =	vst v45  }
0x3c: {  	v51 =	vld [tilespmem:$0x148C0];
	[tilespmem:$0xC580] =	vst v46  }
0x3d: {  	v52 =	vld [tilespmem:$0x148D0];
	[tilespmem:$0xC590] =	vst v47  }
0x3e: {  	v53 =	vld [tilespmem:$0x148E0];
	[tilespmem:$0xC5A0] =	vst v48  }
0x3f: {  	v54 =	vld [tilespmem:$0x148F0];
	[tilespmem:$0xC5B0] =	vst v49  }
0x40: {  	v55 =	vld [tilespmem:$0x14900];
	[tilespmem:$0xC5C0] =	vst v50  }
0x41: {  	v56 =	vld [tilespmem:$0x14910];
	[tilespmem:$0xC5D0] =	vst v51  }
0x42: {  	v57 =	vld [tilespmem:$0x14920];
	[tilespmem:$0xC5E0] =	vst v52  }
0x43: {  	v58 =	vld [tilespmem:$0x14930];
	[tilespmem:$0xC5F0] =	vst v53  }
0x44: {  	v59 =	vld [tilespmem:$0x14940];
	[tilespmem:$0xC600] =	vst v54  }
0x45: {  	v60 =	vld [tilespmem:$0x14950];
	[tilespmem:$0xC610] =	vst v55  }
0x46: {  	v61 =	vld [tilespmem:$0x14960];
	[tilespmem:$0xC620] =	vst v56  }
0x47: {  	v62 =	vld [tilespmem:$0x14970];
	[tilespmem:$0xC630] =	vst v57  }
.Ltmp2:
0x48: {  	[tilespmem:$0xC640] =	vst v58;
	(pc) =	sbr.rel .LBB2_5-.Ltmp2, $4  }
0x49: {  	[tilespmem:$0xC650] =	vst v59  }
0x4a: {  	[tilespmem:$0xC660] =	vst v60  }
0x4b: {  	[tilespmem:$0xC670] =	vst v61  }
0x4c: {  	[tilespmem:$0xC680] =	vst v62  }
.LBB2_3:
0x4d: {  	s11 =	sadd.s32 s11, s0  }
0x4e: {  	s12 =	simm.s32 $0x0;
	s13 =	simm.s32 $0xC500;
	s31 =	simm.s32 $0x2  }
0x4f: {  	[tilespmem:s13], [sflag:$0x2] =	stream.linear.gather [hbm4b:s11+s12], $0x280, $0x38;
	[tilespmem:$0x15180] =	vst v63  }
0x50: {  	_ =	swait.ge [sflag:s31], $0x280  }
0x51: {  	[sflag:s31] =	ssyncset.done $0x0  }
0x52: {  	[sflag:s31] =	ssyncadd.s32 $0xFFFFFD80  }
.LBB2_5:
0x53: {  	s11 =	simm.s32 $0x1  }
0x54: {  	_ =	swait.ge [sflag:s11], $0x2710  }
0x55: {  	[sflag:s11] =	ssyncset.done $0x0  }
0x56: {  	[sflag:s11] =	ssyncadd.s32 $0xFFFFD8F0  }
0x57: {  	_ =	swait.ge [sflag:s11], $0x2710  }
0x58: {  	[sflag:s11] =	ssyncset.done $0x0  }
0x59: {  	s18 =	simm.s32 $0x27A0;
	[sflag:s11] =	ssyncadd.s32 $0xFFFFD8F0  }
0x5a: {  	s12 =	sadd.s32 $0x4E2, s17;
	v4 =	vld [tilespmem:s18+$0x10];
	[smem:$0x7F2] =	sst s17  }
0x5b: {  	s19 =	sadd.s32 $0x4B0, s16;
	[smem:$0x7F3] =	sst s12  }
0x5c: {  	[smem:$0x7F4] =	sst s19  }
0x5d: {  	s20 =	sadd.s32 $0x992, s16;
	[smem:$0x7F5] =	sst s16  }
0x5e: {  	s10 =	sadd.s32 s2, s10;
	[smem:$0x7F6] =	sst s20  }
0x5f: {  	s22 =	sadd.s32 s2, s6;
	[smem:$0x7F7] =	sst s10  }
0x60: {  	s23 =	sadd.s32 s15, s0;
	[smem:$0x7F8] =	sst s22  }
0x61: {  	[smem:$0x7F9] =	sst s23  }
0x62: {  	s24 =	sadd.s32 $0x4B0, s15;
	[smem:$0x7FA] =	sst s15  }
0x63: {  	s25 =	sadd.s32 s2, s7;
	[smem:$0x7FB] =	sst s24  }
0x64: {  	s26 =	sadd.s32 s3, s0;
	v0 =	vld [tilespmem:s18+$0xFFFFFFF0];
	[smem:$0x7FC] =	sst s25  }
0x65: {  	s28 =	sadd.s32 s3, s8;
	[smem:$0x7FD] =	sst s26  }
0x66: {  	s29 =	sadd.s32 s1, s5;
	[dreg:$0x1f] =	wrdreg s28  }
0x67: {  	v1 =	vld [tilespmem:s18+$0x0];
	[dreg:$0x1d] =	wrdreg s29  }
0x68: {  	s30 =	sadd.s32 $0x500, s14;
	[dreg:$0x1e] =	wrdreg s14  }
0x69: {  	[dreg:$0x1c] =	wrdreg s30  }
0x6a: {  	v3 =	vld [tilespmem:s18+$0xFFFFFFE0]  }
0x6b: {  	s31 =	sadd.s32 s21, s5  }
0x6c: {  	s9 =	sadd.s32 s4, s9;
	v2 =	vimm.f32 $1.000000000e+00;
	s0 =	simm.s32 $0xC780;
	[dreg:$0x1b] =	wrdreg s31  }
0x6d: {  	s4 =	sadd.s32 s4, s6;
	s1 =	simm.s32 $0x0;
	s2 =	simm.s32 $0x27E0;
	[tilespmem:v4+s0+$0x0] =	vst.idx.add.f32.msk $0xffff, v2  }
.LBB2_6:
0x6e: {  	v4 =	vld [tilespmem:s2+$0x10];
	s1 =	sadd.s32 $0x4, s1  }
0x6f: {  	v5 =	vld [tilespmem:s2+$0xFFFFFFF0];
	p1 =	slt.u32 s1, $0x26C  }
0x70: {  	v6 =	vld [tilespmem:s2+$0x0]  }
0x71: {  	v7 =	vld [tilespmem:s2+$0xFFFFFFE0]  }
.Ltmp3:
0x72: {  	[tilespmem:v3+s0+$0x0] =	vst.idx.add.f32.msk $0xffff, v2;
	(pc) =	sbr.rel @p1 .LBB2_6-.Ltmp3, $4  }
0x73: {  	[tilespmem:v0+s0+$0x0] =	vst.idx.add.f32.msk $0xffff, v2  }
0x74: {  	[tilespmem:v1+s0+$0x0] =	vst.idx.add.f32.msk $0xffff, v2;
	v0 =	vmov v5  }
0x75: {  	v1 =	vmov v6  }
0x76: {  	s2 =	sadd.s32 $0x40, s2;
	[tilespmem:v4+s0+$0x0] =	vst.idx.add.f32.msk $0xffff, v2;
	v3 =	vmov v7  }
0x77: {  	_ =	sdelay $0x3  }
0x78: {  	[tilespmem:v3+s0+$0x0] =	vst.idx.add.f32.msk $0xffff, v2  }
0x79: {  	[tilespmem:v0+s0+$0x0] =	vst.idx.add.f32.msk $0xffff, v2  }
0x7a: {  	[tilespmem:v1+s0+$0x0] =	vst.idx.add.f32.msk $0xffff, v2  }
0x7b: {  	v0 =	vld [tilespmem:$0x4E80];
	_ =	sdelay $0x6  }
0x7c: {  	v1 =	vimm.f32 $1.000000000e+00;
	s22 =	simm.s32 $0xC780;
	s1 =	simm.s32 $0x80  }
0x7d: {  	s2 =	simm.s32 $0x400;
	s23 =	simm.s32 $0x2;
	[smem:$0x7F0] =	sst s9;
	[tilespmem:v0+s22+$0x0] =	vst.idx.add.f32.msk $0xffff, v1  }
0x7e: {  	[hbm4b:s9+s1] =	stream.strided.scatter [tilespmem:s22], [sflag:$0x2], $0x2800, s2, s1, $0x38;
	[tilespmem:$0x15180] =	vst v63  }
0x7f: {  	_ =	swait.ge [sflag:s23], $0x2800  }
0x80: {  	[sflag:s23] =	ssyncset.done $0x0  }
0x81: {  	[sflag:s23] =	ssyncadd.s32 $0xFFFFD800  }
0x82: {  	s24 =	simm.s32 $0x1400;
	s25 =	simm.s32 $0x14000;
	[bflag:$0x0] =	sbarrier.arrive $0xFFFF  }
0x83: {  	s3 =	simm.s32 $0x11780;
	s22 =	simm.s32 $0x0;
	[smem:$0x7F1] =	sst s4  }
0x84: {  	[tilespmem:s3], [sflag:$0x2] =	stream.strided.gather [hbm4b:s4+s24], $0x2800, s25, s24, $0x38;
	[tilespmem:$0x15180] =	vst v63  }
0x85: {  	s0 =	sand.u32 $0x40, s22;
	s26 =	sand.u32 $0x1C00, s22;
	_ =	swait.ge [sflag:s23], $0x2800  }
0x86: {  	s28 =	sadd.s32 $0x11780, s26;
	s21 =	sor.u32 $0x30, s0;
	[sflag:s23] =	ssyncset.done $0x0  }
0x87: {  	s29 =	sor.u32 s21, s28;
	[sflag:s23] =	ssyncadd.s32 $0xFFFFD800  }
0x88: {  	v9 =	vld [tilespmem:s29+$0x0]  }
0x89: {  	s30 =	sor.u32 s0, s28;
	v10 =	vld [tilespmem:s29+$0x80]  }
0x8a: {  	v11 =	vld [tilespmem:s30+$0x0]  }
0x8b: {  	v12 =	vld [tilespmem:s29+$0x100]  }
0x8c: {  	v13 =	vld [tilespmem:s30+$0x80]  }
0x8d: {  	v14 =	vld [tilespmem:s29+$0x180]  }
0x8e: {  	s24 =	sor.u32 $0x20, s0;
	v16 =	vld [tilespmem:s29+$0x200]  }
0x8f: {  	s3 =	sor.u32 s24, s28;
	v18 =	vld [tilespmem:s29+$0x280]  }
0x90: {  	v19 =	vld [tilespmem:s3+$0x0]  }
0x91: {  	v20 =	vld [tilespmem:s29+$0x300]  }
0x92: {  	v21 =	vld [tilespmem:s3+$0x80]  }
0x93: {  	s6 =	sadd.s32 $0x12B80, s26;
	v8 =	vld [tilespmem:s29+$0x380]  }
0x94: {  	s7 =	sadd.s32 $0x12C00, s26;
	s10 =	sor.u32 s21, s6;
	v22 =	vld [tilespmem:s30+$0x100]  }
0x95: {  	s11 =	sor.u32 s21, s7;
	v7 =	vld [tilespmem:s10+$0x0]  }
0x96: {  	s8 =	sadd.s32 $0x12C80, s26;
	v2 =	vld [tilespmem:s11+$0x0]  }
0x97: {  	s12 =	sor.u32 s21, s8;
	v24 =	vld [tilespmem:s3+$0x100]  }
0x98: {  	s9 =	sadd.s32 $0x12D00, s26;
	v6 =	vld [tilespmem:s12+$0x0]  }
0x99: {  	s13 =	sor.u32 s21, s9;
	v25 =	vld [tilespmem:s30+$0x180]  }
0x9a: {  	v5 =	vld [tilespmem:s13+$0x0]  }
0x9b: {  	s23 =	sor.u32 $0x10, s0;
	v27 =	vld [tilespmem:s3+$0x180]  }
0x9c: {  	s5 =	sor.u32 s23, s28;
	s12 =	sadd.s32 $0x12E80, s26;
	v28 =	vld [tilespmem:s30+$0x200]  }
0x9d: {  	v15 =	vld [tilespmem:s5+$0x0];
	s13 =	sor.u32 s21, s12  }
0x9e: {  	v0 =	vld [tilespmem:s13+$0x0]  }
0x9f: {  	v17 =	vld [tilespmem:s5+$0x80]  }
0xa0: {  	s10 =	sadd.s32 $0x12D80, s26;
	v23 =	vld [tilespmem:s5+$0x100]  }
0xa1: {  	s11 =	sadd.s32 $0x12E00, s26;
	v26 =	vld [tilespmem:s5+$0x180];
	s14 =	sor.u32 s21, s10  }
0xa2: {  	s1 =	sadd.s32 $0x12F00, s26;
	s15 =	sor.u32 s21, s11;
	v4 =	vld [tilespmem:s14+$0x0]  }
0xa3: {  	s2 =	sor.u32 s21, s1;
	v3 =	vld [tilespmem:s15+$0x0];
	[tilespmem:$0x1FFE0] =	vst v0  }
0xa4: {  	v0 =	vld [tilespmem:s2+$0x0];
	_ =	sdelay $0x4  }
0xa5: {  	v29 =	vld [tilespmem:s5+$0x200];
	[tilespmem:$0x1FFF0] =	vst v0  }
0xa6: {  	v30 =	vld [tilespmem:s3+$0x200]  }
0xa7: {  	v31 =	vld [tilespmem:s30+$0x280]  }
0xa8: {  	v32 =	vld [tilespmem:s5+$0x280]  }
0xa9: {  	v33 =	vld [tilespmem:s3+$0x280]  }
0xaa: {  	v34 =	vld [tilespmem:s30+$0x300]  }
0xab: {  	v35 =	vld [tilespmem:s5+$0x300]  }
0xac: {  	v36 =	vld [tilespmem:s3+$0x300]  }
0xad: {  	v37 =	vld [tilespmem:s30+$0x380]  }
0xae: {  	v38 =	vld [tilespmem:s5+$0x380]  }
0xaf: {  	s16 =	sor.u32 s0, s6;
	v39 =	vld [tilespmem:s3+$0x380]  }
0xb0: {  	s17 =	sor.u32 s23, s6;
	v40 =	vld [tilespmem:s16+$0x0]  }
0xb1: {  	s18 =	sor.u32 s24, s6;
	v41 =	vld [tilespmem:s17+$0x0]  }
0xb2: {  	s19 =	sor.u32 s0, s7;
	v42 =	vld [tilespmem:s18+$0x0]  }
0xb3: {  	s20 =	sor.u32 s23, s7;
	v43 =	vld [tilespmem:s19+$0x0]  }
0xb4: {  	s25 =	sor.u32 s24, s7;
	v44 =	vld [tilespmem:s20+$0x0]  }
0xb5: {  	s26 =	sor.u32 s0, s8;
	v45 =	vld [tilespmem:s25+$0x0]  }
0xb6: {  	s28 =	sor.u32 s23, s8;
	v46 =	vld [tilespmem:s26+$0x0]  }
0xb7: {  	s29 =	sor.u32 s24, s8;
	v47 =	vld [tilespmem:s28+$0x0]  }
0xb8: {  	s4 =	sor.u32 s23, s9;
	v48 =	vld [tilespmem:s29+$0x0]  }
0xb9: {  	s6 =	sor.u32 s0, s10;
	v50 =	vld [tilespmem:s4+$0x0]  }
0xba: {  	s7 =	sor.u32 s23, s10;
	v52 =	vld [tilespmem:s6+$0x0]  }
0xbb: {  	s8 =	sor.u32 s24, s10;
	v53 =	vld [tilespmem:s7+$0x0]  }
0xbc: {  	s10 =	sor.u32 s23, s11;
	v54 =	vld [tilespmem:s8+$0x0]  }
0xbd: {  	s13 =	sor.u32 s0, s12;
	v56 =	vld [tilespmem:s10+$0x0]  }
0xbe: {  	s14 =	sor.u32 s23, s12;
	v58 =	vld [tilespmem:s13+$0x0]  }
0xbf: {  	s15 =	sor.u32 s24, s12;
	v59 =	vld [tilespmem:s14+$0x0]  }
0xc0: {  	s30 =	sor.u32 s0, s9;
	v60 =	vld [tilespmem:s15+$0x0]  }
0xc1: {  	s5 =	sor.u32 s24, s9;
	v49 =	vld [tilespmem:s30+$0x0]  }
0xc2: {  	s9 =	sor.u32 s0, s11;
	v51 =	vld [tilespmem:s5+$0x0]  }
0xc3: {  	s11 =	sor.u32 s24, s11;
	v55 =	vld [tilespmem:s9+$0x0]  }
0xc4: {  	s0 =	sor.u32 s0, s1;
	s16 =	simm.s32 $0x200;
	s26 =	simm.s32 $0x40;
	v57 =	vld [tilespmem:s11+$0x0]  }
0xc5: {  	s17 =	sor.u32 s23, s1;
	s28 =	sand.u32 $0x40, s26;
	s18 =	sand.u32 $0x1C00, s16;
	v61 =	vld [tilespmem:s0+$0x0]  }
0xc6: {  	s19 =	sor.u32 s24, s1;
	v62 =	vld [tilespmem:s17+$0x0];
	s20 =	sadd.s32 $0x11780, s18;
	s25 =	sor.u32 $0x30, s28  }
0xc7: {  	v9 =	vadd.f32 v10, v9;
	v63 =	vld [tilespmem:s19+$0x0];
	s3 =	sor.u32 s25, s20  }
0xc8: {  	v0 =	vld [tilespmem:s3+$0x0]  }
0xc9: {  	v9 =	vadd.f32 v12, v9;
	s4 =	sor.u32 s28, s20;
	v12 =	vld [tilespmem:s3+$0x80]  }
0xca: {  	v1 =	vld [tilespmem:s4+$0x0]  }
0xcb: {  	v9 =	vadd.f32 v14, v9;
	v14 =	vld [tilespmem:s3+$0x100]  }
0xcc: {  	v10 =	vld [tilespmem:s3+$0x180]  }
0xcd: {  	v9 =	vadd.f32 v16, v9;
	v16 =	vld [tilespmem:s3+$0x200]  }
0xce: {  	v11 =	vadd.f32 v13, v11;
	v13 =	vld [tilespmem:s3+$0x280]  }
0xcf: {  	v15 =	vadd.f32 v17, v15;
	v9 =	vadd.f32 v18, v9;
	s5 =	sadd.s32 $0x12B80, s18;
	v17 =	vld [tilespmem:s3+$0x300]  }
0xd0: {  	v11 =	vadd.f32 v22, v11;
	v18 =	vadd.f32 v21, v19;
	s10 =	sadd.s32 $0x12C00, s18;
	s9 =	sor.u32 s25, s5;
	v19 =	vld [tilespmem:s3+$0x380]  }
0xd1: {  	v15 =	vadd.f32 v23, v15;
	v9 =	vadd.f32 v20, v9;
	s12 =	sadd.s32 $0x12C80, s18;
	s11 =	sor.u32 s25, s10;
	v20 =	vld [tilespmem:s9+$0x0]  }
0xd2: {  	s2 =	sadd.s32 $0x12D80, s18;
	s13 =	sor.u32 s25, s12;
	v21 =	vld [tilespmem:s11+$0x0]  }
0xd3: {  	v11 =	vadd.f32 v25, v11;
	v26 =	vadd.f32 v26, v15;
	s15 =	sor.u32 s25, s2;
	v15 =	vld [tilespmem:s13+$0x0]  }
0xd4: {  	v18 =	vadd.f32 v24, v18;
	v8 =	vadd.f32 v8, v9;
	v9 =	vld [tilespmem:s15+$0x0]  }
0xd5: {  	v28 =	vadd.f32 v28, v11;
	v24 =	vld [tilespmem:s4+$0x80]  }
0xd6: {  	v29 =	vadd.f32 v29, v26;
	s1 =	sadd.s32 $0x12E00, s18;
	v18 =	vadd.f32 v27, v18;
	v26 =	vld [tilespmem:s4+$0x100]  }
0xd7: {  	s30 =	sadd.s32 $0x12E80, s18;
	s31 =	sor.u32 $0x10, s28;
	s16 =	sor.u32 s25, s1;
	v27 =	vld [tilespmem:s4+$0x180];
	v7 =	vadd.f32 v7, v8  }
0xd8: {  	s29 =	sadd.s32 $0x12F00, s18;
	s3 =	sadd.s32 $0x12D00, s18;
	s18 =	sor.u32 s31, s20;
	v18 =	vadd.f32 v30, v18;
	v22 =	vadd.f32 v31, v28;
	v8 =	vld [tilespmem:s16+$0x0]  }
0xd9: {  	v23 =	vadd.f32 v32, v29;
	v25 =	vld [tilespmem:s18+$0x0];
	v31 =	vadd.f32 v2, v7  }
0xda: {  	v28 =	vld [tilespmem:s4+$0x200];
	v18 =	vadd.f32 v33, v18;
	v22 =	vadd.f32 v34, v22  }
0xdb: {  	v29 =	vld [tilespmem:s18+$0x200];
	v23 =	vadd.f32 v35, v23;
	v6 =	vadd.f32 v6, v31  }
0xdc: {  	v30 =	vld [tilespmem:s4+$0x280];
	v18 =	vadd.f32 v36, v18;
	v22 =	vadd.f32 v37, v22  }
0xdd: {  	s14 =	sor.u32 s25, s3;
	v32 =	vld [tilespmem:s4+$0x300];
	v0 =	vadd.f32 v12, v0;
	v1 =	vadd.f32 v24, v1  }
0xde: {  	s17 =	sor.u32 s25, s30;
	v11 =	vld [tilespmem:s14+$0x0];
	v5 =	vadd.f32 v5, v6;
	v6 =	vadd.f32 v38, v23  }
0xdf: {  	s8 =	sor.u32 s25, s29;
	v7 =	vld [tilespmem:s17+$0x0];
	v18 =	vadd.f32 v39, v18;
	v22 =	vadd.f32 v40, v22  }
0xe0: {  	v2 =	vld [tilespmem:s8+$0x0];
	v0 =	vadd.f32 v14, v0;
	v1 =	vadd.f32 v26, v1  }
0xe1: {  	v34 =	vld [tilespmem:$0x1FFE0];
	v4 =	vadd.f32 v4, v5;
	v5 =	vadd.f32 v41, v6  }
0xe2: {  	s0 =	sor.u32 $0x20, s28;
	v23 =	vld [tilespmem:s18+$0x80];
	v18 =	vadd.f32 v42, v18;
	v22 =	vadd.f32 v43, v22  }
0xe3: {  	s7 =	sor.u32 s0, s20;
	v35 =	vld [tilespmem:$0x1FFF0];
	v0 =	vadd.f32 v10, v0;
	v1 =	vadd.f32 v27, v1  }
0xe4: {  	v41 =	vld [tilespmem:s7+$0x0];
	v3 =	vadd.f32 v3, v4;
	v4 =	vadd.f32 v44, v5  }
0xe5: {  	v42 =	vld [tilespmem:s7+$0x80];
	v18 =	vadd.f32 v45, v18;
	v22 =	vadd.f32 v46, v22  }
0xe6: {  	v6 =	vld [tilespmem:s18+$0x100];
	v0 =	vadd.f32 v16, v0;
	v1 =	vadd.f32 v28, v1  }
0xe7: {  	v31 =	vld [tilespmem:s18+$0x280];
	v23 =	vadd.f32 v23, v25;
	v3 =	vadd.f32 v34, v3  }
0xe8: {  	v36 =	vld [tilespmem:s4+$0x380];
	v4 =	vadd.f32 v47, v4;
	v18 =	vadd.f32 v48, v18  }
0xe9: {  	v43 =	vld [tilespmem:s7+$0x100];
	v22 =	vadd.f32 v49, v22;
	v0 =	vadd.f32 v13, v0  }
0xea: {  	v5 =	vld [tilespmem:s18+$0x180];
	v1 =	vadd.f32 v30, v1;
	v10 =	vadd.f32 v42, v41  }
0xeb: {  	v37 =	vld [tilespmem:s18+$0x300];
	v6 =	vadd.f32 v6, v23;
	v3 =	vadd.f32 v35, v3  }
0xec: {  	v38 =	vld [tilespmem:s18+$0x380];
	v4 =	vadd.f32 v50, v4;
	v18 =	vadd.f32 v51, v18  }
0xed: {  	v44 =	vld [tilespmem:s7+$0x180];
	v22 =	vadd.f32 v52, v22;
	v0 =	vadd.f32 v17, v0  }
0xee: {  	v45 =	vld [tilespmem:s7+$0x200];
	v1 =	vadd.f32 v32, v1;
	v10 =	vadd.f32 v43, v10  }
0xef: {  	s19 =	sor.u32 s28, s5;
	v46 =	vld [tilespmem:s7+$0x280];
	v5 =	vadd.f32 v5, v6;
	v4 =	vadd.f32 v53, v4  }
0xf0: {  	v49 =	vld [tilespmem:s19+$0x0];
	v18 =	vadd.f32 v54, v18;
	v22 =	vadd.f32 v55, v22  }
0xf1: {  	v47 =	vld [tilespmem:s7+$0x300];
	v0 =	vadd.f32 v19, v0;
	v1 =	vadd.f32 v36, v1  }
0xf2: {  	s20 =	sor.u32 s31, s5;
	v48 =	vld [tilespmem:s7+$0x380];
	v6 =	vadd.f32 v44, v10;
	v5 =	vadd.f32 v29, v5  }
0xf3: {  	s6 =	sor.u32 s0, s5;
	v50 =	vld [tilespmem:s20+$0x0];
	v4 =	vadd.f32 v56, v4;
	v39 =	vadd.f32 v57, v18  }
0xf4: {  	s8 =	sor.u32 s28, s10;
	v51 =	vld [tilespmem:s6+$0x0];
	v40 =	vadd.f32 v58, v22;
	v0 =	vadd.f32 v20, v0  }
0xf5: {  	s9 =	sor.u32 s31, s10;
	v52 =	vld [tilespmem:s8+$0x0];
	v1 =	vadd.f32 v49, v1;
	v6 =	vadd.f32 v45, v6  }
0xf6: {  	s5 =	sor.u32 s0, s10;
	v53 =	vld [tilespmem:s9+$0x0];
	v5 =	vadd.f32 v31, v5;
	v4 =	vadd.f32 v59, v4  }
0xf7: {  	s10 =	sor.u32 s28, s12;
	v54 =	vld [tilespmem:s5+$0x0];
	v14 =	vadd.f32 v60, v39;
	v0 =	vadd.f32 v21, v0  }
0xf8: {  	s11 =	sor.u32 s31, s12;
	v55 =	vld [tilespmem:s10+$0x0];
	v18 =	vadd.f32 v61, v40;
	v6 =	vadd.f32 v46, v6  }
0xf9: {  	s4 =	sor.u32 s0, s12;
	v56 =	vld [tilespmem:s11+$0x0];
	v5 =	vadd.f32 v37, v5;
	v0 =	vadd.f32 v15, v0  }
0xfa: {  	s12 =	sor.u32 s28, s3;
	v57 =	vld [tilespmem:s4+$0x0];
	v1 =	vadd.f32 v52, v1;
	v6 =	vadd.f32 v47, v6  }
0xfb: {  	s13 =	sor.u32 s31, s3;
	v58 =	vld [tilespmem:s12+$0x0];
	v5 =	vadd.f32 v38, v5;
	v0 =	vadd.f32 v11, v0  }
0xfc: {  	s3 =	sor.u32 s0, s3;
	v59 =	vld [tilespmem:s13+$0x0];
	v4 =	vadd.f32 v62, v4;
	v6 =	vadd.f32 v48, v6  }
0xfd: {  	s14 =	sor.u32 s28, s2;
	v60 =	vld [tilespmem:s3+$0x0];
	v5 =	vadd.f32 v50, v5;
	v0 =	vadd.f32 v9, v0  }
0xfe: {  	s15 =	sand.u32 $0x380, s22;
	s16 =	sor.u32 s31, s2;
	v61 =	vld [tilespmem:s14+$0x0];
	v14 =	vadd.f32 v63, v14;
	v6 =	vadd.f32 v51, v6  }
0xff: {  	s17 =	sadd.s32 $0x14700, s15;
	s19 =	sor.u32 s28, s1;
	v62 =	vld [tilespmem:s16+$0x0];
	v5 =	vadd.f32 v53, v5;
	v0 =	vadd.f32 v8, v0  }
0x100: {  	s22 =	sor.u32 s28, s30;
	s2 =	sor.u32 s0, s2;
	s18 =	sor.u32 s24, s17;
	v1 =	vadd.f32 v55, v1;
	v63 =	vld [tilespmem:s19+$0x0];
	v6 =	vadd.f32 v54, v6  }
0x101: {  	s20 =	sor.u32 s31, s1;
	s1 =	sor.u32 s0, s1;
	s3 =	sor.u32 s21, s17;
	v8 =	vld [tilespmem:s2+$0x0];
	v5 =	vadd.f32 v56, v5;
	v7 =	vadd.f32 v7, v0  }
0x102: {  	s24 =	sor.u32 s0, s30;
	s6 =	sor.u32 s28, s29;
	s4 =	sor.u32 s23, s17;
	[tilespmem:s3+$0x0] =	vst v3;
	v0 =	vld [tilespmem:s1+$0x0];
	v3 =	vadd.f32 v57, v6;
	v6 =	vadd.f32 v58, v1  }
0x103: {  	s28 =	sand.u32 $0x380, s26;
	s5 =	sor.u32 s31, s29;
	s21 =	simm.s32 $0x14700;
	[tilespmem:s4+$0x0] =	vst v4;
	v1 =	vld [tilespmem:s20+$0x0];
	v5 =	vadd.f32 v59, v5;
	v4 =	vadd.f32 v2, v7  }
0x104: {  	s23 =	sor.u32 s31, s30;
	[tilespmem:s21+$0x0] =	vst v18;
	s4 =	sor.u32 s0, s29;
	s29 =	sadd.s32 $0x14700, s28;
	v2 =	vld [tilespmem:s22+$0x0];
	v9 =	vadd.f32 v60, v3;
	v10 =	vadd.f32 v61, v6  }
0x105: {  	[tilespmem:s18+$0x0] =	vst v14;
	s31 =	sor.u32 s31, s29;
	s30 =	sor.u32 s25, s29;
	s2 =	sor.u32 s0, s29;
	v7 =	vadd.f32 v62, v5;
	v3 =	vld [tilespmem:s23+$0x0]  }
0x106: {  	s22 =	simm.s32 $0x4;
	s23 =	simm.s32 $0x400;
	[tilespmem:s30+$0x0] =	vst v4;
	v4 =	vld [tilespmem:s24+$0x0];
	s24 =	simm.s32 $0x80;
	v6 =	vadd.f32 v8, v9;
	v5 =	vadd.f32 v63, v10  }
.LBB2_8:
0x107: {  	s3 =	sand.u32 $0x40, s24;
	s9 =	sand.u32 $0x1C00, s23;
	v8 =	vld [tilespmem:s6+$0x0]  }
0x108: {  	s0 =	sadd.s32 $0x11780, s9;
	s25 =	sor.u32 $0x30, s3;
	v1 =	vadd.f32 v1, v7;
	v7 =	vld [tilespmem:s5+$0x0]  }
0x109: {  	s7 =	sor.u32 s25, s0;
	v2 =	vadd.f32 v2, v5;
	v5 =	vld [tilespmem:s4+$0x0]  }
0x10a: {  	v0 =	vadd.f32 v0, v6;
	v6 =	vld [tilespmem:s7+$0x0]  }
0x10b: {  	s28 =	sor.u32 s3, s0;
	v1 =	vadd.f32 v3, v1;
	v3 =	vld [tilespmem:s7+$0x80]  }
0x10c: {  	v0 =	vadd.f32 v4, v0;
	v4 =	vld [tilespmem:s28+$0x0]  }
0x10d: {  	v2 =	vadd.f32 v8, v2;
	v8 =	vld [tilespmem:s7+$0x100]  }
0x10e: {  	s21 =	sadd.s32 $0x40, s21;
	v1 =	vadd.f32 v7, v1;
	v7 =	vld [tilespmem:s28+$0x80]  }
0x10f: {  	[tilespmem:s21+$0x0] =	vst v2;
	v0 =	vadd.f32 v5, v0;
	v2 =	vld [tilespmem:s7+$0x180]  }
0x110: {  	v62 =	vld [tilespmem:s28+$0x300]  }
0x111: {  	s29 =	sor.u32 $0x10, s3;
	[tilespmem:s2+$0x0] =	vst v0;
	v0 =	vld [tilespmem:s7+$0x200]  }
0x112: {  	s1 =	sor.u32 s29, s0;
	[tilespmem:s31+$0x0] =	vst v1;
	v3 =	vadd.f32 v3, v6;
	v6 =	vld [tilespmem:s7+$0x280]  }
0x113: {  	v1 =	vld [tilespmem:s1+$0x0]  }
0x114: {  	s30 =	sor.u32 $0x20, s3;
	v5 =	vld [tilespmem:s1+$0x80]  }
0x115: {  	s26 =	sor.u32 s30, s0;
	v9 =	vld [tilespmem:s1+$0x100];
	v3 =	vadd.f32 v8, v3  }
0x116: {  	v8 =	vld [tilespmem:s26+$0x80]  }
0x117: {  	v4 =	vadd.f32 v7, v4;
	v7 =	vld [tilespmem:s26+$0x0];
	v2 =	vadd.f32 v2, v3  }
0x118: {  	v3 =	vld [tilespmem:s7+$0x300]  }
0x119: {  	v0 =	vadd.f32 v0, v2;
	v2 =	vld [tilespmem:s7+$0x380]  }
0x11a: {  	s8 =	sadd.s32 $0x12B80, s9;
	v1 =	vadd.f32 v5, v1;
	v5 =	vld [tilespmem:s28+$0x100]  }
0x11b: {  	s12 =	sor.u32 s25, s8;
	v60 =	vld [tilespmem:s1+$0x180];
	v0 =	vadd.f32 v6, v0  }
0x11c: {  	s13 =	sadd.s32 $0x12C00, s9;
	v6 =	vld [tilespmem:s12+$0x0]  }
0x11d: {  	s17 =	sadd.s32 $0x12C80, s9;
	s20 =	sadd.s32 $0x12D00, s9;
	s16 =	sor.u32 s25, s13;
	v0 =	vadd.f32 v3, v0;
	v3 =	vadd.f32 v8, v7;
	v8 =	vld [tilespmem:s26+$0x100]  }
0x11e: {  	s6 =	sadd.s32 $0x12D80, s9;
	s10 =	sor.u32 s3, s8;
	s11 =	sor.u32 s29, s8;
	v7 =	vld [tilespmem:s16+$0x0]  }
0x11f: {  	s0 =	sor.u32 s30, s8;
	s14 =	sor.u32 s3, s13;
	s19 =	sor.u32 s25, s17;
	v0 =	vadd.f32 v2, v0;
	v2 =	vadd.f32 v5, v4;
	v5 =	vld [tilespmem:s28+$0x180]  }
0x120: {  	s15 =	sor.u32 s29, s13;
	[dreg:$0x3] =	wrdreg s11;
	s5 =	sor.u32 s25, s20;
	v4 =	vld [tilespmem:s19+$0x0]  }
0x121: {  	s18 =	sor.u32 s29, s17;
	s8 =	sadd.s32 $0x12E00, s9;
	[dreg:$0x10] =	wrdreg s14;
	v0 =	vadd.f32 v6, v0;
	v6 =	vld [tilespmem:s5+$0x0]  }
0x122: {  	[dreg:$0x7] =	wrdreg s15;
	s14 =	sor.u32 s30, s13;
	s7 =	sor.u32 s25, s6;
	v3 =	vadd.f32 v8, v3;
	v8 =	vld [tilespmem:s26+$0x180]  }
0x123: {  	s15 =	sor.u32 s3, s17;
	[dreg:$0x11] =	wrdreg s18;
	s13 =	sor.u32 s30, s17;
	v0 =	vadd.f32 v7, v0;
	v7 =	vld [tilespmem:s7+$0x0]  }
0x124: {  	s18 =	sor.u32 s29, s20;
	s17 =	sor.u32 s30, s20;
	s11 =	sor.u32 s30, s6;
	v2 =	vadd.f32 v5, v2;
	v5 =	vld [tilespmem:s28+$0x200]  }
0x125: {  	s2 =	sor.u32 s25, s8;
	v61 =	vld [tilespmem:s1+$0x200];
	s16 =	sor.u32 s3, s6;
	s5 =	sadd.s32 $0x12E80, s9;
	v0 =	vadd.f32 v4, v0  }
0x126: {  	s19 =	sor.u32 s3, s20;
	s20 =	sor.u32 s29, s6;
	s6 =	sor.u32 s25, s5;
	v4 =	vld [tilespmem:s2+$0x0]  }
0x127: {  	[dreg:$0xf] =	wrdreg s10;
	v0 =	vadd.f32 v6, v0;
	v6 =	vld [tilespmem:s6+$0x0]  }
0x128: {  	[dreg:$0x8] =	wrdreg s0;
	s10 =	sor.u32 s3, s8;
	s31 =	sadd.s32 $0x12F00, s9;
	v1 =	vadd.f32 v9, v1;
	v3 =	vadd.f32 v8, v3;
	v8 =	vld [tilespmem:s26+$0x200]  }
0x129: {  	s0 =	sor.u32 s3, s5;
	s6 =	sor.u32 s3, s31;
	s3 =	sor.u32 s25, s31;
	v0 =	vadd.f32 v7, v0;
	v2 =	vadd.f32 v5, v2;
	v5 =	vld [tilespmem:s1+$0x280]  }
0x12a: {  	v1 =	vadd.f32 v60, v1;
	v7 =	vld [tilespmem:s3+$0x0]  }
0x12b: {  	v0 =	vadd.f32 v4, v0;
	v4 =	vld [tilespmem:s28+$0x280]  }
0x12c: {  	v63 =	vld [tilespmem:s10+$0x0];
	v1 =	vadd.f32 v61, v1  }
0x12d: {  	s4 =	sor.u32 s30, s31;
	s12 =	sor.u32 s29, s8;
	v0 =	vadd.f32 v6, v0;
	v6 =	vld [tilespmem:s26+$0x280]  }
0x12e: {  	s9 =	sor.u32 s30, s5;
	s7 =	sor.u32 s30, s8;
	s3 =	sand.u32 $0x380, s24;
	v1 =	vadd.f32 v5, v1;
	v5 =	vld [tilespmem:s1+$0x380]  }
0x12f: {  	s8 =	sor.u32 s29, s5;
	s5 =	sor.u32 s29, s31;
	s3 =	sadd.s32 $0x14700, s3;
	v0 =	vadd.f32 v7, v0;
	v7 =	vld [tilespmem:s1+$0x300]  }
0x130: {  	s31 =	sor.u32 s29, s3;
	s2 =	sor.u32 s30, s3;
	s3 =	sor.u32 s25, s3;
	v3 =	vadd.f32 v8, v3;
	v2 =	vadd.f32 v4, v2;
	v4 =	vld [tilespmem:s26+$0x300]  }
0x131: {  	[tilespmem:s3+$0x0] =	vst v0;
	v0 =	vld [tilespmem:s28+$0x380]  }
0x132: {  	s3 =	rddreg [dreg:$0xf];
	v3 =	vadd.f32 v6, v3;
	v6 =	vld [tilespmem:s26+$0x380]  }
0x133: {  	s25 =	rddreg [dreg:$0x3];
	v8 =	vld [tilespmem:s3+$0x0]  }
0x134: {  	s28 =	rddreg [dreg:$0x10];
	v2 =	vadd.f32 v62, v2;
	v1 =	vadd.f32 v7, v1;
	v7 =	vld [tilespmem:s25+$0x0]  }
0x135: {  	s26 =	rddreg [dreg:$0x8];
	v3 =	vadd.f32 v4, v3;
	v4 =	vld [tilespmem:s28+$0x0]  }
0x136: {  	s29 =	rddreg [dreg:$0x7];
	v0 =	vadd.f32 v0, v2;
	v2 =	vld [tilespmem:s26+$0x0]  }
0x137: {  	v1 =	vadd.f32 v5, v1;
	v5 =	vld [tilespmem:s29+$0x0]  }
0x138: {  	v3 =	vadd.f32 v6, v3;
	v6 =	vld [tilespmem:s14+$0x0]  }
0x139: {  	s30 =	rddreg [dreg:$0x11];
	v0 =	vadd.f32 v8, v0;
	v8 =	vld [tilespmem:s15+$0x0]  }
0x13a: {  	v1 =	vadd.f32 v7, v1;
	v7 =	vld [tilespmem:s30+$0x0]  }
0x13b: {  	v0 =	vadd.f32 v4, v0;
	v4 =	vld [tilespmem:s19+$0x0]  }
0x13c: {  	v2 =	vadd.f32 v2, v3;
	v3 =	vld [tilespmem:s13+$0x0]  }
0x13d: {  	v1 =	vadd.f32 v5, v1;
	v5 =	vld [tilespmem:s18+$0x0]  }
0x13e: {  	v0 =	vadd.f32 v8, v0;
	v8 =	vld [tilespmem:s16+$0x0]  }
0x13f: {  	v2 =	vadd.f32 v6, v2;
	v6 =	vld [tilespmem:s17+$0x0]  }
0x140: {  	s22 =	sadd.s32 $0x4, s22;
	v1 =	vadd.f32 v7, v1;
	v7 =	vld [tilespmem:s20+$0x0]  }
0x141: {  	p1 =	slt.u32 s22, $0x24;
	v0 =	vadd.f32 v4, v0;
	v4 =	vld [tilespmem:s11+$0x0]  }
.Ltmp4:
0x142: {  	v2 =	vadd.f32 v3, v2;
	v3 =	vadd.f32 v5, v1;
	v1 =	vld [tilespmem:s12+$0x0];
	(pc) =	sbr.rel @p1 .LBB2_8-.Ltmp4, $4  }
0x143: {  	v8 =	vadd.f32 v8, v0;
	v0 =	vld [tilespmem:s7+$0x0]  }
0x144: {  	v5 =	vadd.f32 v6, v2;
	v2 =	vld [tilespmem:s0+$0x0]  }
0x145: {  	v7 =	vadd.f32 v7, v3;
	v3 =	vld [tilespmem:s8+$0x0]  }
0x146: {  	s23 =	sadd.s32 $0x200, s23;
	s24 =	sadd.s32 $0x40, s24;
	v6 =	vadd.f32 v4, v5;
	v5 =	vadd.f32 v63, v8;
	v4 =	vld [tilespmem:s9+$0x0]  }
0x147: {  	v8 =	vld [tilespmem:s6+$0x0]  }
0x148: {  	v9 =	vld [tilespmem:s5+$0x0]  }
0x149: {  	v1 =	vadd.f32 v1, v7;
	v7 =	vld [tilespmem:s4+$0x0]  }
0x14a: {  	v0 =	vadd.f32 v0, v6;
	v2 =	vadd.f32 v2, v5  }
0x14b: {  	v1 =	vadd.f32 v3, v1  }
0x14c: {  	v0 =	vadd.f32 v4, v0;
	v2 =	vadd.f32 v8, v2  }
0x14d: {  	s0 =	sadd.s32 $0x40, s21;
	v1 =	vadd.f32 v9, v1  }
0x14e: {  	v0 =	vadd.f32 v7, v0;
	[tilespmem:s0+$0x0] =	vst v2  }
0x14f: {  	[tilespmem:s31+$0x0] =	vst v1  }
0x150: {  	s25 =	simm.s32 $0x14710;
	[tilespmem:s2+$0x0] =	vst v0  }
0x151: {  	v0 =	vld [tilespmem:s25+$0x0]  }
0x152: {  	v1 =	vld [tilespmem:s25+$0xFFFFFFF0];
	_ =	sdelay $0x3  }
0x153: {  	v0 =	vadd.f32 $1.000000000e+00, v0  }
0x154: {  	v1 =	vadd.f32 $1.000000000e+00, v1  }
0x155: {  	s26 =	simm.s32 $0x14730;
	v2 =	vshrl.u32 v0, $0x1;
	v0 =	vmul.f32 $5.000000000e-01, v0  }
0x156: {  	v5 =	vld [tilespmem:s26+$0x0];
	v3 =	vshrl.u32 v1, $0x1;
	v1 =	vmul.f32 $5.000000000e-01, v1;
	v2 =	vsub.s32 $0x5F3759DF, v2  }
0x157: {  	v3 =	vsub.s32 $0x5F3759DF, v3;
	v4 =	vmul.f32 v2, v0  }
0x158: {  	v7 =	vld [tilespmem:s26+$0xFFFFFFF0];
	v6 =	vmul.f32 v3, v1  }
0x159: {  	v4 =	vmul.f32 v2, v4  }
0x15a: {  	v6 =	vmul.f32 v3, v6  }
0x15b: {  	v5 =	vadd.f32 $1.000000000e+00, v5;
	v4 =	vsub.f32 $1.500000000e+00, v4  }
0x15c: {  	v6 =	vsub.f32 $1.500000000e+00, v6  }
0x15d: {  	v2 =	vmul.f32 v2, v4;
	v4 =	vadd.f32 $1.000000000e+00, v7;
	v7 =	vshrl.u32 v5, $0x1  }
0x15e: {  	v5 =	vmul.f32 $5.000000000e-01, v5;
	v3 =	vmul.f32 v3, v6;
	v7 =	vsub.s32 $0x5F3759DF, v7  }
0x15f: {  	v6 =	vmul.f32 v2, v0;
	v8 =	vshrl.u32 v4, $0x1;
	v4 =	vmul.f32 $5.000000000e-01, v4  }
0x160: {  	s28 =	simm.s32 $0x14750;
	v9 =	vmul.f32 v7, v5;
	v10 =	vmul.f32 v3, v1;
	v8 =	vsub.s32 $0x5F3759DF, v8  }
0x161: {  	v12 =	vld [tilespmem:s28+$0x0];
	v6 =	vmul.f32 v6, v2;
	v11 =	vmul.f32 v8, v4  }
0x162: {  	v13 =	vld [tilespmem:s28+$0xFFFFFFF0];
	v9 =	vmul.f32 v7, v9;
	v10 =	vmul.f32 v10, v3  }
0x163: {  	v6 =	vsub.f32 $1.500000000e+00, v6;
	v11 =	vmul.f32 v8, v11  }
0x164: {  	v9 =	vsub.f32 $1.500000000e+00, v9;
	v10 =	vsub.f32 $1.500000000e+00, v10  }
0x165: {  	v2 =	vmul.f32 v6, v2;
	v6 =	vsub.f32 $1.500000000e+00, v11  }
0x166: {  	v7 =	vmul.f32 v7, v9;
	v9 =	vmul.f32 v10, v3;
	v3 =	vadd.f32 $1.000000000e+00, v12  }
0x167: {  	v10 =	vadd.f32 $1.000000000e+00, v13;
	v0 =	vmul.f32 v2, v0;
	v6 =	vmul.f32 v8, v6  }
0x168: {  	v8 =	vmul.f32 v7, v5;
	v11 =	vmul.f32 $5.000000000e-01, v3;
	v3 =	vshrl.u32 v3, $0x1  }
0x169: {  	v13 =	vshrl.u32 v10, $0x1;
	v15 =	vmul.f32 $5.000000000e-01, v10;
	v1 =	vmul.f32 v9, v1  }
0x16a: {  	v3 =	vsub.s32 $0x5F3759DF, v3;
	v12 =	vmul.f32 v6, v4;
	v8 =	vmul.f32 v8, v7  }
0x16b: {  	v13 =	vsub.s32 $0x5F3759DF, v13;
	v0 =	vmul.f32 v0, v2;
	v10 =	vmul.f32 v3, v11  }
0x16c: {  	s29 =	simm.s32 $0x14770;
	v14 =	vmul.f32 v13, v15;
	v8 =	vsub.f32 $1.500000000e+00, v8;
	v12 =	vmul.f32 v12, v6  }
0x16d: {  	v16 =	vld [tilespmem:s29+$0x0];
	v1 =	vmul.f32 v1, v9;
	v10 =	vmul.f32 v3, v10;
	v0 =	vsub.f32 $1.500000000e+00, v0  }
0x16e: {  	v7 =	vmul.f32 v8, v7;
	v8 =	vsub.f32 $1.500000000e+00, v12;
	v12 =	vmul.f32 v13, v14;
	v14 =	vld [tilespmem:s29+$0xFFFFFFF0]  }
0x16f: {  	v10 =	vsub.f32 $1.500000000e+00, v10  }
0x170: {  	v1 =	vsub.f32 $1.500000000e+00, v1;
	v17 =	vmul.f32 v0, v2;
	v5 =	vmul.f32 v7, v5  }
0x171: {  	v0 =	vmul.f32 v8, v6;
	v2 =	vsub.f32 $1.500000000e+00, v12;
	v6 =	vmul.f32 v3, v10  }
0x172: {  	v1 =	vmul.f32 v1, v9;
	v3 =	vmul.f32 v5, v7;
	v5 =	vadd.f32 $1.000000000e+00, v16  }
0x173: {  	s30 =	simm.s32 $0x13F90;
	v8 =	vmul.f32 v13, v2;
	v10 =	vmul.f32 v6, v11;
	v12 =	vadd.f32 $1.000000000e+00, v14  }
0x174: {  	s3 =	simm.s32 $0xC510;
	[tilespmem:s30+$0x0] =	vst v17;
	v3 =	vsub.f32 $1.500000000e+00, v3;
	v2 =	vmul.f32 $5.000000000e-01, v5;
	v5 =	vshrl.u32 v5, $0x1  }
0x175: {  	v14 =	vld [tilespmem:s3+$0x0];
	v13 =	vmul.f32 v8, v15;
	v10 =	vmul.f32 v10, v6;
	v5 =	vsub.s32 $0x5F3759DF, v5  }
0x176: {  	v16 =	vshrl.u32 v12, $0x1;
	v7 =	vmul.f32 v3, v7;
	v3 =	vmul.f32 $5.000000000e-01, v12  }
0x177: {  	s21 =	simm.s32 $0x13FB0;
	s31 =	simm.s32 $0x14790;
	v12 =	vmul.f32 v5, v2;
	v16 =	vsub.s32 $0x5F3759DF, v16;
	v10 =	vsub.f32 $1.500000000e+00, v10  }
0x178: {  	s1 =	simm.s32 $0xC530;
	v20 =	vld [tilespmem:s31+$0x0];
	v13 =	vmul.f32 v13, v8;
	[tilespmem:s21+$0x0] =	vst v7;
	v18 =	vmul.f32 v16, v3  }
0x179: {  	v12 =	vmul.f32 v5, v12;
	v10 =	vmul.f32 v10, v6;
	v19 =	vld [tilespmem:s1+$0x0]  }
0x17a: {  	v4 =	vmul.f32 v0, v4;
	v14 =	vmul.f32 v17, v14;
	v6 =	vsub.f32 $1.500000000e+00, v13  }
0x17b: {  	v13 =	vld [tilespmem:s31+$0xFFFFFFF0];
	v17 =	vmul.f32 v16, v18;
	v12 =	vsub.f32 $1.500000000e+00, v12;
	v11 =	vmul.f32 v10, v11  }
0x17c: {  	v18 =	vmul.f32 v4, v0;
	v4 =	vmul.f32 v6, v8  }
0x17d: {  	v8 =	vsub.f32 $1.500000000e+00, v17;
	v9 =	vmul.f32 v5, v12;
	v5 =	vmul.f32 v11, v10  }
0x17e: {  	v12 =	vmul.f32 v7, v19;
	v7 =	vadd.f32 $1.000000000e+00, v20  }
0x17f: {  	v6 =	vsub.f32 $1.500000000e+00, v18;
	v8 =	vmul.f32 v16, v8;
	v5 =	vsub.f32 $1.500000000e+00, v5  }
0x180: {  	v13 =	vadd.f32 $1.000000000e+00, v13;
	v16 =	vmul.f32 v9, v2;
	v11 =	vmul.f32 $5.000000000e-01, v7  }
0x181: {  	s2 =	simm.s32 $0x14210;
	v17 =	vshrl.u32 v7, $0x1;
	v18 =	vmul.f32 v8, v3;
	v7 =	vmul.f32 v5, v10  }
0x182: {  	[tilespmem:s2+$0x0] =	vst v14;
	v10 =	vmul.f32 $5.000000000e-01, v13;
	v14 =	vsub.s32 $0x5F3759DF, v17;
	v17 =	vmul.f32 v16, v9  }
0x183: {  	s4 =	simm.s32 $0x13FD0;
	[tilespmem:s30+$0xFFFFFFF0] =	vst v1;
	v16 =	vshrl.u32 v13, $0x1;
	v13 =	vmul.f32 v4, v15;
	v19 =	vmul.f32 v14, v11  }
0x184: {  	s0 =	simm.s32 $0xC550;
	v5 =	vld [tilespmem:s3+$0xFFFFFFF0];
	s3 =	simm.s32 $0x14230;
	v15 =	vsub.s32 $0x5F3759DF, v16;
	v16 =	vmul.f32 v18, v8;
	[tilespmem:s4+$0x0] =	vst v7;
	v17 =	vsub.f32 $1.500000000e+00, v17  }
0x185: {  	s5 =	simm.s32 $0x8;
	s6 =	simm.s32 $0x147B0;
	[tilespmem:s3+$0x0] =	vst v12;
	v18 =	vmul.f32 v15, v10;
	v12 =	vld [tilespmem:s0+$0x0];
	v19 =	vmul.f32 v14, v19  }
.LBB2_10:
0x186: {  	v20 =	vld [tilespmem:s6+$0x0];
	v16 =	vsub.f32 $1.500000000e+00, v16;
	v17 =	vmul.f32 v17, v9;
	v9 =	vmul.f32 v13, v4  }
0x187: {  	s5 =	sadd.s32 $0x2, s5;
	v21 =	vld [tilespmem:s6+$0xFFFFFFF0];
	v13 =	vmul.f32 v15, v18;
	v18 =	vsub.f32 $1.500000000e+00, v19;
	v19 =	vmul.f32 v6, v0;
	v0 =	vmovc v4  }
0x188: {  	p1 =	slt.u32 s5, $0x26;
	v4 =	vmul.f32 v16, v8;
	v8 =	vmul.f32 v17, v2;
	v6 =	vsub.f32 $1.500000000e+00, v9;
	v2 =	vmovc v11  }
0x189: {  	v11 =	vsub.f32 $1.500000000e+00, v13;
	v9 =	vmul.f32 v14, v18;
	[tilespmem:s21+$0xFFFFFFF0] =	vst v19;
	v14 =	vmul.f32 v1, v5;
	v1 =	vmovc v19;
	s21 =	smov.u32 s4  }
0x18a: {  	v16 =	vmul.f32 v8, v17;
	v7 =	vmul.f32 v7, v12;
	v5 =	vld [tilespmem:s1+$0xFFFFFFF0];
	s1 =	smov.u32 s0  }
0x18b: {  	v13 =	vmul.f32 v4, v3;
	v3 =	vmovc v10;
	v12 =	vadd.f32 $1.000000000e+00, v20;
	v8 =	vmul.f32 v15, v11;
	[tilespmem:s2+$0xFFFFFFF0] =	vst v14;
	s2 =	smov.u32 s3;
	s3 =	sadd.s32 $0x20, s3  }
0x18c: {  	v15 =	vmul.f32 v9, v2;
	v10 =	vadd.f32 $1.000000000e+00, v21;
	v16 =	vsub.f32 $1.500000000e+00, v16;
	[tilespmem:s3+$0x0] =	vst v7  }
.Ltmp5:
0x18d: {  	v7 =	vshrl.u32 v12, $0x1;
	v11 =	vmul.f32 $5.000000000e-01, v12;
	v12 =	vmul.f32 v8, v3;
	(pc) =	sbr.rel @p1 .LBB2_10-.Ltmp5, $4  }
0x18e: {  	v18 =	vmul.f32 v15, v9;
	v14 =	vsub.s32 $0x5F3759DF, v7;
	v7 =	vmul.f32 v16, v17  }
0x18f: {  	s4 =	sadd.s32 $0x20, s4;
	v15 =	vshrl.u32 v10, $0x1;
	v10 =	vmul.f32 $5.000000000e-01, v10;
	v19 =	vmul.f32 v14, v11  }
0x190: {  	s0 =	sadd.s32 $0x20, s0;
	v15 =	vsub.s32 $0x5F3759DF, v15;
	v16 =	vmul.f32 v12, v8;
	v17 =	vsub.f32 $1.500000000e+00, v18;
	[tilespmem:s4+$0x0] =	vst v7  }
0x191: {  	s6 =	sadd.s32 $0x20, s6;
	v18 =	vmul.f32 v15, v10;
	v19 =	vmul.f32 v14, v19;
	v12 =	vld [tilespmem:s0+$0x0]  }
0x192: {  	_ = 	snop  }
0x193: {  	v18 =	vmul.f32 v15, v18  }
0x194: {  	v19 =	vsub.f32 $1.500000000e+00, v19  }
0x195: {  	v18 =	vsub.f32 $1.500000000e+00, v18  }
0x196: {  	v14 =	vmul.f32 v14, v19  }
0x197: {  	v50 =	vmul.f32 v15, v18  }
0x198: {  	v51 =	vmul.f32 v14, v11  }
0x199: {  	v52 =	vmul.f32 v50, v10  }
0x19a: {  	v18 =	vmul.f32 v51, v14  }
0x19b: {  	v16 =	vsub.f32 $1.500000000e+00, v16;
	v53 =	vmul.f32 v52, v50  }
0x19c: {  	v9 =	vmul.f32 v17, v9;
	v13 =	vmul.f32 v13, v4;
	v18 =	vsub.f32 $1.500000000e+00, v18  }
0x19d: {  	v0 =	vmul.f32 v6, v0;
	v8 =	vmul.f32 v16, v8;
	v17 =	vsub.f32 $1.500000000e+00, v53  }
0x19e: {  	v2 =	vmul.f32 v9, v2;
	v14 =	vmul.f32 v18, v14  }
0x19f: {  	v3 =	vmul.f32 v8, v3;
	v15 =	vmul.f32 v17, v50  }
0x1a0: {  	v2 =	vmul.f32 v2, v9;
	v54 =	vmul.f32 v14, v11  }
0x1a1: {  	v56 =	vsub.f32 $1.500000000e+00, v13;
	v3 =	vmul.f32 v3, v8;
	v55 =	vmul.f32 v15, v10  }
0x1a2: {  	v2 =	vsub.f32 $1.500000000e+00, v2;
	v11 =	vmul.f32 v54, v14  }
0x1a3: {  	[tilespmem:s21+$0xFFFFFFF0] =	vst v0;
	v58 =	vmul.f32 v56, v4;
	v3 =	vsub.f32 $1.500000000e+00, v3;
	v10 =	vmul.f32 v55, v15  }
0x1a4: {  	v59 =	vld [tilespmem:s1+$0xFFFFFFF0];
	v2 =	vmul.f32 v2, v9;
	v57 =	vsub.f32 $1.500000000e+00, v11  }
0x1a5: {  	s5 =	sadd.s32 $0x20, s4;
	[tilespmem:s4+$0xFFFFFFF0] =	vst v58;
	v3 =	vmul.f32 v3, v8;
	v10 =	vsub.f32 $1.500000000e+00, v10  }
0x1a6: {  	s22 =	sadd.s32 $0x20, s0;
	v61 =	vld [tilespmem:s0+$0xFFFFFFF0];
	[tilespmem:s5+$0x0] =	vst v2;
	v9 =	vmul.f32 v57, v14  }
0x1a7: {  	s23 =	sadd.s32 $0x20, s5;
	v60 =	vld [tilespmem:s22+$0x0];
	[tilespmem:s5+$0xFFFFFFF0] =	vst v3;
	v10 =	vmul.f32 v10, v15  }
0x1a8: {  	v1 =	vmul.f32 v1, v5;
	s24 =	sadd.s32 $0x20, s22;
	v63 =	vld [tilespmem:s22+$0xFFFFFFF0];
	[tilespmem:s23+$0x0] =	vst v9  }
0x1a9: {  	v0 =	vmul.f32 v0, v59;
	v62 =	vld [tilespmem:s24+$0x0];
	[tilespmem:s23+$0xFFFFFFF0] =	vst v10  }
0x1aa: {  	[tilespmem:s2+$0xFFFFFFF0] =	vst v1;
	v7 =	vmul.f32 v7, v12;
	v1 =	vld [tilespmem:s24+$0xFFFFFFF0]  }
0x1ab: {  	s25 =	sadd.s32 $0x20, s3;
	[tilespmem:s3+$0xFFFFFFF0] =	vst v0;
	v0 =	vmul.f32 v58, v61  }
0x1ac: {  	[tilespmem:s25+$0x0] =	vst v7;
	v2 =	vmul.f32 v2, v60  }
0x1ad: {  	s26 =	sadd.s32 $0x20, s25;
	[tilespmem:s25+$0xFFFFFFF0] =	vst v0;
	v0 =	vmul.f32 v3, v63  }
0x1ae: {  	[tilespmem:s26+$0x0] =	vst v2;
	v2 =	vmul.f32 v9, v62  }
0x1af: {  	s28 =	sadd.s32 $0x20, s26;
	[tilespmem:s26+$0xFFFFFFF0] =	vst v0;
	v1 =	vmul.f32 v10, v1  }
0x1b0: {  	[tilespmem:s28+$0x0] =	vst v2  }
0x1b1: {  	[tilespmem:s28+$0xFFFFFFF0] =	vst v1  }
0x1b2: {  	s2 =	sld [smem:$0x7F4];
	_ =	sdelay $0x1  }
0x1b3: {  	s1 =	simm.s32 @p0 $0x13F80;
	s0 =	simm.s32 @p0 $0x0  }
0x1b4: {  	[hbm4b:s2+s0] =	stream.linear.scatter @p0 [tilespmem:s1], [sflag:$0x2], $0x190, $0x38;
	[tilespmem:$0x15180] =	vst v63  }
0x1b5: {  	s1 =	simm.s32 @p0 $0x2  }
0x1b6: {  	_ =	swait.ge @p0 [sflag:s1], $0x190  }
0x1b7: {  	s3 =	sld [smem:$0x7F6]  }
0x1b8: {  	[sflag:s1] =	ssyncset.done @p0 $0x0  }
0x1b9: {  	s2 =	simm.s32 @p0 $0x14200;
	[sflag:s1] =	ssyncadd.s32 @p0 $0xFFFFFE70  }
0x1ba: {  	[hbm4b:s3+s0] =	stream.linear.scatter @p0 [tilespmem:s2], [sflag:$0x2], $0x190, $0x38;
	[tilespmem:$0x15180] =	vst v63  }
0x1bb: {  	_ =	swait.ge @p0 [sflag:s1], $0x190  }
0x1bc: {  	s2 =	sld [smem:$0x7F2]  }
0x1bd: {  	[sflag:s1] =	ssyncset.done @p0 $0x0  }
0x1be: {  	s0 =	simm.s32 @!p0 $0x0;
	[sflag:s1] =	ssyncadd.s32 @p0 $0xFFFFFE70;
	s1 =	simm.s32 @!p0 $0x13F80  }
0x1bf: {  	[hbm4b:s2+s0] =	stream.linear.scatter @!p0 [tilespmem:s1], [sflag:$0x2], $0x280, $0x38;
	[tilespmem:$0x15180] =	vst v63  }
0x1c0: {  	s1 =	simm.s32 @!p0 $0x2  }
0x1c1: {  	_ =	swait.ge @!p0 [sflag:s1], $0x280  }
0x1c2: {  	s3 =	sld [smem:$0x7F3]  }
0x1c3: {  	[sflag:s1] =	ssyncset.done @!p0 $0x0  }
0x1c4: {  	s2 =	simm.s32 @!p0 $0x14200;
	[sflag:s1] =	ssyncadd.s32 @!p0 $0xFFFFFD80  }
0x1c5: {  	[hbm4b:s3+s0] =	stream.linear.scatter @!p0 [tilespmem:s2], [sflag:$0x2], $0x280, $0x38;
	[tilespmem:$0x15180] =	vst v63  }
0x1c6: {  	_ =	swait.ge @!p0 [sflag:s1], $0x280  }
0x1c7: {  	[sflag:s1] =	ssyncset.done @!p0 $0x0  }
0x1c8: {  	[sflag:s1] =	ssyncadd.s32 @!p0 $0xFFFFFD80  }
0x1c9: {  	[bflag:$0x0] =	sbarrier.arrive $0xFFFF  }
0x1ca: {  	s31 =	sld [smem:$0x7F5];
	_ =	sdelay $0x1  }
0x1cb: {  	s29 =	simm.s32 $0x0;
	s30 =	simm.s32 $0x4F00;
	s0 =	simm.s32 $0xC7C0  }
0x1cc: {  	v0 =	vimm.f32 $0.0e+00;
	[tilespmem:s30], [sflag:$0x1] =	stream.linear.gather [hbm4b:s31+s29], $0x4E80, $0x38;
	[tilespmem:$0x15180] =	vst v63  }
0x1cd: {  	[tilespmem:s0+$0xFFFFFFC0] =	vst v0  }
0x1ce: {  	[tilespmem:s0+$0x30] =	vst v0  }
0x1cf: {  	[tilespmem:s0+$0x20] =	vst v0  }
0x1d0: {  	[tilespmem:s0+$0x10] =	vst v0  }
0x1d1: {  	[tilespmem:s0+$0x0] =	vst v0  }
0x1d2: {  	[tilespmem:s0+$0xFFFFFFF0] =	vst v0  }
0x1d3: {  	s1 =	simm.s32 $0x0;
	[tilespmem:s0+$0xFFFFFFE0] =	vst v0  }
.LBB2_12:
0x1d4: {  	s1 =	sadd.s32 $0x8, s1;
	[tilespmem:s0+$0xFFFFFFD0] =	vst v0;
	s0 =	sadd.s32 $0x80, s0  }
0x1d5: {  	[tilespmem:s0+$0xFFFFFFC0] =	vst v0;
	p1 =	slt.u32 s1, $0x4F8  }
0x1d6: {  	[tilespmem:s0+$0x30] =	vst v0  }
.Ltmp6:
0x1d7: {  	[tilespmem:s0+$0x20] =	vst v0;
	(pc) =	sbr.rel @p1 .LBB2_12-.Ltmp6, $4  }
0x1d8: {  	[tilespmem:s0+$0x10] =	vst v0  }
0x1d9: {  	[tilespmem:s0+$0x0] =	vst v0  }
0x1da: {  	[tilespmem:s0+$0xFFFFFFF0] =	vst v0  }
0x1db: {  	[tilespmem:s0+$0xFFFFFFE0] =	vst v0  }
0x1dc: {  	[tilespmem:s0+$0xFFFFFFD0] =	vst v0;
	s30 =	simm.s32 $0x1  }
0x1dd: {  	_ =	swait.ge [sflag:s30], $0x4E80  }
0x1de: {  	[sflag:s30] =	ssyncset.done $0x0  }
0x1df: {  	s31 =	simm.s32 $0x20;
	[sflag:s30] =	ssyncadd.s32 $0xFFFFB180  }
0x1e0: {  	v0 =	vld [tilespmem:s31+$0x10]  }
0x1e1: {  	v1 =	vld [tilespmem:s31+$0xFFFFFFE0]  }
0x1e2: {  	v2 =	vld [tilespmem:s31+$0xFFFFFFF0]  }
0x1e3: {  	v3 =	vld [tilespmem:s31+$0x0]  }
0x1e4: {  	s0 =	simm.s32 $0x27A0  }
0x1e5: {  	v5 =	vld [tilespmem:s0+$0x10];
	v4 =	vadd.s32 $0x2710, v0  }
0x1e6: {  	v6 =	vld [tilespmem:s0+$0xFFFFFFE0]  }
0x1e7: {  	v9 =	vld [tilespmem:s0+$0xFFFFFFF0];
	v7 =	vadd.s32 $0x2710, v1  }
0x1e8: {  	s1 =	simm.s32 $0x4F00;
	v11 =	vld [tilespmem:s0+$0x0];
	v8 =	vadd.s32 $0x2710, v2  }
0x1e9: {  	v10 =	vadd.s32 $0x2710, v3;
	v0 =	vld.idx.msk [tilespmem:v0+s1+$0x0], $0xffff  }
0x1ea: {  	v4 =	vld.idx.msk [tilespmem:v4+s1+$0x0], $0xffff  }
0x1eb: {  	v3 =	vld.idx.msk [tilespmem:v3+s1+$0x0], $0xffff  }
0x1ec: {  	v7 =	vld.idx.msk [tilespmem:v7+s1+$0x0], $0xffff  }
0x1ed: {  	v8 =	vld.idx.msk [tilespmem:v8+s1+$0x0], $0xffff  }
0x1ee: {  	s2 =	simm.s32 $0xC780;
	v10 =	vld.idx.msk [tilespmem:v10+s1+$0x0], $0xffff  }
0x1ef: {  	[tilespmem:v5+s2+$0x0] =	vst.idx.add.f32.msk $0xffff, v4  }
0x1f0: {  	v12 =	vadd.s32 $0x2800, v5;
	v5 =	vld.idx.msk [tilespmem:v1+s1+$0x0], $0xffff  }
0x1f1: {  	v4 =	vld.idx.msk [tilespmem:v2+s1+$0x0], $0xffff  }
0x1f2: {  	[tilespmem:v6+s2+$0x0] =	vst.idx.add.f32.msk $0xffff, v7  }
0x1f3: {  	[tilespmem:v9+s2+$0x0] =	vst.idx.add.f32.msk $0xffff, v8  }
0x1f4: {  	[tilespmem:v11+s2+$0x0] =	vst.idx.add.f32.msk $0xffff, v10  }
0x1f5: {  	s3 =	simm.s32 $0x0;
	s4 =	simm.s32 $0x60;
	v1 =	vadd.s32 $0x2800, v9;
	v2 =	vadd.s32 $0x2800, v11;
	[tilespmem:v12+s2+$0x0] =	vst.idx.add.f32.msk $0xffff, v0;
	v0 =	vadd.s32 $0x2800, v6  }
.LBB2_14:
0x1f6: {  	v6 =	vld [tilespmem:s4+$0x10]  }
0x1f7: {  	s3 =	sadd.s32 $0x4, s3;
	v7 =	vld [tilespmem:s4+$0xFFFFFFF0]  }
0x1f8: {  	p1 =	slt.u32 s3, $0x26C;
	v8 =	vld [tilespmem:s4+$0x0]  }
0x1f9: {  	v9 =	vld [tilespmem:s4+$0xFFFFFFE0]  }
0x1fa: {  	[tilespmem:v0+s2+$0x0] =	vst.idx.add.f32.msk $0xffff, v5  }
0x1fb: {  	v0 =	vadd.s32 $0x2710, v6;
	[tilespmem:v1+s2+$0x0] =	vst.idx.add.f32.msk $0xffff, v4  }
0x1fc: {  	s0 =	sadd.s32 $0x40, s0;
	v1 =	vadd.s32 $0x2710, v7;
	[tilespmem:v2+s2+$0x0] =	vst.idx.add.f32.msk $0xffff, v3  }
0x1fd: {  	v2 =	vadd.s32 $0x2710, v8;
	v3 =	vld [tilespmem:s0+$0x10]  }
0x1fe: {  	v10 =	vld [tilespmem:s0+$0xFFFFFFE0];
	v4 =	vadd.s32 $0x2710, v9  }
0x1ff: {  	v11 =	vld [tilespmem:s0+$0xFFFFFFF0]  }
0x200: {  	v5 =	vld.idx.msk [tilespmem:v0+s1+$0x0], $0xffff  }
0x201: {  	v6 =	vld.idx.msk [tilespmem:v6+s1+$0x0], $0xffff  }
0x202: {  	v12 =	vld [tilespmem:s0+$0x0];
	v13 =	vadd.s32 $0x2800, v3  }
0x203: {  	v14 =	vld.idx.msk [tilespmem:v4+s1+$0x0], $0xffff;
	v0 =	vadd.s32 $0x2800, v10  }
0x204: {  	v15 =	vld.idx.msk [tilespmem:v1+s1+$0x0], $0xffff;
	v1 =	vadd.s32 $0x2800, v11  }
0x205: {  	v16 =	vld.idx.msk [tilespmem:v2+s1+$0x0], $0xffff  }
0x206: {  	[tilespmem:v3+s2+$0x0] =	vst.idx.add.f32.msk $0xffff, v5  }
0x207: {  	v2 =	vadd.s32 $0x2800, v12;
	[tilespmem:v13+s2+$0x0] =	vst.idx.add.f32.msk $0xffff, v6  }
0x208: {  	v5 =	vld.idx.msk [tilespmem:v9+s1+$0x0], $0xffff  }
.Ltmp7:
0x209: {  	v4 =	vld.idx.msk [tilespmem:v7+s1+$0x0], $0xffff;
	(pc) =	sbr.rel @p1 .LBB2_14-.Ltmp7, $4  }
0x20a: {  	v3 =	vld.idx.msk [tilespmem:v8+s1+$0x0], $0xffff  }
0x20b: {  	[tilespmem:v10+s2+$0x0] =	vst.idx.add.f32.msk $0xffff, v14  }
0x20c: {  	[tilespmem:v11+s2+$0x0] =	vst.idx.add.f32.msk $0xffff, v15  }
0x20d: {  	s4 =	sadd.s32 $0x40, s4;
	[tilespmem:v12+s2+$0x0] =	vst.idx.add.f32.msk $0xffff, v16  }
0x20e: {  	_ =	sdelay $0x3  }
0x20f: {  	[tilespmem:v0+s2+$0x0] =	vst.idx.add.f32.msk $0xffff, v5  }
0x210: {  	[tilespmem:v1+s2+$0x0] =	vst.idx.add.f32.msk $0xffff, v4  }
0x211: {  	[tilespmem:v2+s2+$0x0] =	vst.idx.add.f32.msk $0xffff, v3  }
0x212: {  	v0 =	vld [tilespmem:$0x2700];
	_ =	sdelay $0x4  }
0x213: {  	v1 =	vadd.s32 $0x2710, v0  }
0x214: {  	v2 =	vld [tilespmem:$0x4E80];
	_ =	sdelay $0x2  }
0x215: {  	s0 =	simm.s32 $0x4F00  }
0x216: {  	v1 =	vld.idx.msk [tilespmem:v1+s0+$0x0], $0xffff  }
0x217: {  	v3 =	vadd.s32 $0x2800, v2;
	v0 =	vld.idx.msk [tilespmem:v0+s0+$0x0], $0xffff;
	_ =	sdelay $0x2  }
0x218: {  	s21 =	simm.s32 $0xC780;
	s3 =	sld [smem:$0x7F7]  }
0x219: {  	[tilespmem:v2+s21+$0x0] =	vst.idx.add.f32.msk $0xffff, v1  }
0x21a: {  	s1 =	simm.s32 $0x80;
	s22 =	simm.s32 $0x400;
	s23 =	simm.s32 $0x2;
	[tilespmem:v3+s21+$0x0] =	vst.idx.add.f32.msk $0xffff, v0  }
0x21b: {  	[hbm4b:s3+s1] =	stream.strided.scatter [tilespmem:s21], [sflag:$0x2], $0x5000, s22, s1, $0x38;
	[tilespmem:$0x15180] =	vst v63  }
0x21c: {  	_ =	swait.ge [sflag:s23], $0x5000  }
0x21d: {  	[sflag:s23] =	ssyncset.done $0x0  }
0x21e: {  	[sflag:s23] =	ssyncadd.s32 $0xFFFFB000  }
0x21f: {  	[bflag:$0x0] =	sbarrier.arrive $0xFFFF  }
0x220: {  	s4 =	sld [smem:$0x7F8]  }
0x221: {  	s24 =	simm.s32 $0x1400  }
0x222: {  	s25 =	simm.s32 $0x28000;
	s26 =	simm.s32 $0x11780;
	s15 =	simm.s32 $0x0  }
0x223: {  	[tilespmem:s26], [sflag:$0x2] =	stream.strided.gather [hbm4b:s4+s24], $0x2800, s25, s24, $0x38;
	[tilespmem:$0x15180] =	vst v63  }
0x224: {  	s28 =	sand.u32 $0x1C00, s15;
	s0 =	sand.u32 $0x40, s15;
	_ =	swait.ge [sflag:s23], $0x2800  }
0x225: {  	s29 =	sadd.s32 $0x11780, s28;
	s14 =	sor.u32 $0x30, s0;
	[sflag:s23] =	ssyncset.done $0x0  }
0x226: {  	s30 =	sor.u32 s14, s29;
	[sflag:s23] =	ssyncadd.s32 $0xFFFFD800  }
0x227: {  	v9 =	vld [tilespmem:s30+$0x0]  }
0x228: {  	s31 =	sor.u32 s0, s29;
	v10 =	vld [tilespmem:s30+$0x80]  }
0x229: {  	v11 =	vld [tilespmem:s31+$0x0]  }
0x22a: {  	v12 =	vld [tilespmem:s30+$0x100]  }
0x22b: {  	s16 =	sor.u32 $0x10, s0;
	v13 =	vld [tilespmem:s31+$0x80]  }
0x22c: {  	s5 =	sor.u32 s16, s29;
	v14 =	vld [tilespmem:s30+$0x180]  }
0x22d: {  	v15 =	vld [tilespmem:s5+$0x0]  }
0x22e: {  	v16 =	vld [tilespmem:s30+$0x200]  }
0x22f: {  	s17 =	sor.u32 $0x20, s0;
	v17 =	vld [tilespmem:s5+$0x80]  }
0x230: {  	s3 =	sor.u32 s17, s29;
	v18 =	vld [tilespmem:s30+$0x280]  }
0x231: {  	v19 =	vld [tilespmem:s3+$0x0]  }
0x232: {  	v20 =	vld [tilespmem:s30+$0x300]  }
0x233: {  	v21 =	vld [tilespmem:s3+$0x80]  }
0x234: {  	s6 =	sadd.s32 $0x12B80, s28;
	v8 =	vld [tilespmem:s30+$0x380]  }
0x235: {  	s8 =	sor.u32 s14, s6;
	v22 =	vld [tilespmem:s31+$0x100]  }
0x236: {  	s7 =	sadd.s32 $0x12C00, s28;
	v7 =	vld [tilespmem:s8+$0x0]  }
0x237: {  	s9 =	sor.u32 s14, s7;
	v23 =	vld [tilespmem:s5+$0x100];
	s8 =	sadd.s32 $0x12C80, s28  }
0x238: {  	v2 =	vld [tilespmem:s9+$0x0];
	s9 =	sadd.s32 $0x12D00, s28;
	s10 =	sor.u32 s14, s8  }
0x239: {  	s11 =	sor.u32 s14, s9;
	v6 =	vld [tilespmem:s10+$0x0];
	s10 =	sadd.s32 $0x12D80, s28  }
0x23a: {  	v5 =	vld [tilespmem:s11+$0x0];
	s11 =	sadd.s32 $0x12E00, s28;
	s12 =	sor.u32 s14, s10  }
0x23b: {  	s13 =	sor.u32 s14, s11;
	v4 =	vld [tilespmem:s12+$0x0];
	s12 =	sadd.s32 $0x12E80, s28  }
0x23c: {  	v3 =	vld [tilespmem:s13+$0x0];
	s13 =	sor.u32 s14, s12  }
0x23d: {  	v0 =	vld [tilespmem:s13+$0x0]  }
0x23e: {  	v24 =	vld [tilespmem:s3+$0x100]  }
0x23f: {  	v25 =	vld [tilespmem:s31+$0x180]  }
0x240: {  	v26 =	vld [tilespmem:s5+$0x180]  }
0x241: {  	s1 =	sadd.s32 $0x12F00, s28;
	v27 =	vld [tilespmem:s3+$0x180]  }
0x242: {  	s2 =	sor.u32 s14, s1;
	v28 =	vld [tilespmem:s31+$0x200];
	[tilespmem:$0x1FFC0] =	vst v0  }
0x243: {  	v0 =	vld [tilespmem:s2+$0x0];
	_ =	sdelay $0x4  }
0x244: {  	v29 =	vld [tilespmem:s5+$0x200];
	[tilespmem:$0x1FFD0] =	vst v0  }
0x245: {  	v30 =	vld [tilespmem:s3+$0x200]  }
0x246: {  	v31 =	vld [tilespmem:s31+$0x280]  }
0x247: {  	v32 =	vld [tilespmem:s5+$0x280]  }
0x248: {  	v33 =	vld [tilespmem:s3+$0x280]  }
0x249: {  	v34 =	vld [tilespmem:s31+$0x300]  }
0x24a: {  	v35 =	vld [tilespmem:s5+$0x300]  }
0x24b: {  	v36 =	vld [tilespmem:s3+$0x300]  }
0x24c: {  	v37 =	vld [tilespmem:s31+$0x380]  }
0x24d: {  	v38 =	vld [tilespmem:s5+$0x380]  }
0x24e: {  	s18 =	sor.u32 s0, s6;
	v39 =	vld [tilespmem:s3+$0x380]  }
0x24f: {  	s19 =	sor.u32 s16, s6;
	v40 =	vld [tilespmem:s18+$0x0]  }
0x250: {  	s20 =	sor.u32 s17, s6;
	v41 =	vld [tilespmem:s19+$0x0]  }
0x251: {  	s21 =	sor.u32 s0, s7;
	v42 =	vld [tilespmem:s20+$0x0]  }
0x252: {  	s22 =	sor.u32 s16, s7;
	v43 =	vld [tilespmem:s21+$0x0]  }
0x253: {  	s23 =	sor.u32 s17, s7;
	v44 =	vld [tilespmem:s22+$0x0]  }
0x254: {  	s24 =	sor.u32 s0, s8;
	v45 =	vld [tilespmem:s23+$0x0]  }
0x255: {  	s25 =	sor.u32 s16, s8;
	v46 =	vld [tilespmem:s24+$0x0]  }
0x256: {  	s26 =	sor.u32 s17, s8;
	v47 =	vld [tilespmem:s25+$0x0]  }
0x257: {  	s28 =	sor.u32 s0, s9;
	v48 =	vld [tilespmem:s26+$0x0]  }
0x258: {  	s29 =	sor.u32 s16, s9;
	v49 =	vld [tilespmem:s28+$0x0]  }
0x259: {  	s30 =	sor.u32 s17, s9;
	v50 =	vld [tilespmem:s29+$0x0]  }
0x25a: {  	s4 =	sor.u32 s16, s10;
	v51 =	vld [tilespmem:s30+$0x0]  }
0x25b: {  	s6 =	sor.u32 s0, s11;
	v53 =	vld [tilespmem:s4+$0x0]  }
0x25c: {  	s7 =	sor.u32 s16, s11;
	v55 =	vld [tilespmem:s6+$0x0]  }
0x25d: {  	s8 =	sor.u32 s17, s11;
	v56 =	vld [tilespmem:s7+$0x0]  }
0x25e: {  	s9 =	sor.u32 s0, s12;
	v57 =	vld [tilespmem:s8+$0x0]  }
0x25f: {  	s11 =	sor.u32 s17, s12;
	v58 =	vld [tilespmem:s9+$0x0]  }
0x260: {  	s13 =	sor.u32 s16, s1;
	v60 =	vld [tilespmem:s11+$0x0]  }
0x261: {  	s31 =	sor.u32 s0, s10;
	v62 =	vld [tilespmem:s13+$0x0]  }
0x262: {  	s5 =	sor.u32 s17, s10;
	v52 =	vld [tilespmem:s31+$0x0]  }
0x263: {  	s10 =	sor.u32 s16, s12;
	s12 =	simm.s32 $0x200;
	s19 =	simm.s32 $0x40;
	v54 =	vld [tilespmem:s5+$0x0]  }
0x264: {  	s0 =	sor.u32 s0, s1;
	v59 =	vld [tilespmem:s10+$0x0];
	s20 =	sand.u32 $0x40, s19;
	s21 =	sand.u32 $0x1C00, s12  }
0x265: {  	s26 =	sor.u32 s17, s1;
	v61 =	vld [tilespmem:s0+$0x0];
	s28 =	sadd.s32 $0x11780, s21;
	s18 =	sor.u32 $0x30, s20  }
0x266: {  	v9 =	vadd.f32 v10, v9;
	v63 =	vld [tilespmem:s26+$0x0];
	s29 =	sor.u32 s18, s28  }
0x267: {  	v0 =	vld [tilespmem:s29+$0x0]  }
0x268: {  	v9 =	vadd.f32 v12, v9;
	s30 =	sor.u32 s20, s28;
	v12 =	vld [tilespmem:s29+$0x80]  }
0x269: {  	v1 =	vld [tilespmem:s30+$0x0]  }
0x26a: {  	v9 =	vadd.f32 v14, v9;
	v14 =	vld [tilespmem:s29+$0x100]  }
0x26b: {  	v10 =	vld [tilespmem:s29+$0x180]  }
0x26c: {  	v11 =	vadd.f32 v13, v11;
	v9 =	vadd.f32 v16, v9;
	v16 =	vld [tilespmem:s29+$0x200]  }
0x26d: {  	v15 =	vadd.f32 v17, v15;
	v13 =	vld [tilespmem:s29+$0x280]  }
0x26e: {  	v11 =	vadd.f32 v22, v11;
	v9 =	vadd.f32 v18, v9;
	s31 =	sadd.s32 $0x12B80, s21;
	v17 =	vld [tilespmem:s29+$0x300]  }
0x26f: {  	v15 =	vadd.f32 v23, v15;
	v18 =	vadd.f32 v21, v19;
	s4 =	sadd.s32 $0x12C00, s21;
	s3 =	sor.u32 s18, s31;
	v19 =	vld [tilespmem:s29+$0x380]  }
0x270: {  	v11 =	vadd.f32 v25, v11;
	v9 =	vadd.f32 v20, v9;
	s11 =	sadd.s32 $0x12C80, s21;
	s10 =	sor.u32 s18, s4;
	v20 =	vld [tilespmem:s3+$0x0]  }
0x271: {  	s13 =	sadd.s32 $0x12D00, s21;
	s12 =	sor.u32 s18, s11;
	v21 =	vld [tilespmem:s10+$0x0]  }
0x272: {  	v26 =	vadd.f32 v26, v15;
	v28 =	vadd.f32 v28, v11;
	s2 =	sadd.s32 $0x12D80, s21;
	s22 =	sor.u32 s18, s13;
	v15 =	vld [tilespmem:s12+$0x0]  }
0x273: {  	v18 =	vadd.f32 v24, v18;
	v8 =	vadd.f32 v8, v9;
	s1 =	sadd.s32 $0x12E00, s21;
	s23 =	sor.u32 s18, s2;
	v11 =	vld [tilespmem:s22+$0x0]  }
0x274: {  	s24 =	sor.u32 s18, s1;
	v9 =	vld [tilespmem:s23+$0x0]  }
0x275: {  	v18 =	vadd.f32 v27, v18;
	v7 =	vadd.f32 v7, v8;
	v8 =	vld [tilespmem:s24+$0x0]  }
0x276: {  	v29 =	vadd.f32 v29, v26;
	v24 =	vld [tilespmem:s30+$0x80]  }
0x277: {  	v26 =	vld [tilespmem:s30+$0x100];
	v18 =	vadd.f32 v30, v18;
	v22 =	vadd.f32 v31, v28  }
0x278: {  	v27 =	vld [tilespmem:s30+$0x180];
	v31 =	vadd.f32 v2, v7;
	v23 =	vadd.f32 v32, v29  }
0x279: {  	v28 =	vld [tilespmem:s30+$0x200];
	v18 =	vadd.f32 v33, v18;
	v22 =	vadd.f32 v34, v22  }
0x27a: {  	s22 =	sadd.s32 $0x12E80, s21;
	v30 =	vld [tilespmem:s30+$0x280];
	v6 =	vadd.f32 v6, v31;
	v23 =	vadd.f32 v35, v23  }
0x27b: {  	s21 =	sadd.s32 $0x12F00, s21;
	s25 =	sor.u32 s18, s22;
	v32 =	vld [tilespmem:s30+$0x300];
	v18 =	vadd.f32 v36, v18;
	v22 =	vadd.f32 v37, v22  }
0x27c: {  	s23 =	sor.u32 $0x10, s20;
	s8 =	sor.u32 s18, s21;
	v7 =	vld [tilespmem:s25+$0x0];
	v5 =	vadd.f32 v5, v6;
	v6 =	vadd.f32 v38, v23  }
0x27d: {  	s26 =	sor.u32 s23, s28;
	v2 =	vld [tilespmem:s8+$0x0];
	v0 =	vadd.f32 v12, v0;
	v1 =	vadd.f32 v24, v1  }
0x27e: {  	v25 =	vld [tilespmem:s26+$0x0];
	v18 =	vadd.f32 v39, v18;
	v22 =	vadd.f32 v40, v22  }
0x27f: {  	v23 =	vld [tilespmem:s26+$0x80];
	v4 =	vadd.f32 v4, v5;
	v5 =	vadd.f32 v41, v6  }
0x280: {  	v34 =	vld [tilespmem:$0x1FFC0];
	v0 =	vadd.f32 v14, v0;
	v1 =	vadd.f32 v26, v1  }
0x281: {  	v29 =	vld [tilespmem:s26+$0x200];
	v18 =	vadd.f32 v42, v18;
	v22 =	vadd.f32 v43, v22  }
0x282: {  	s0 =	sor.u32 $0x20, s20;
	v6 =	vld [tilespmem:s26+$0x100];
	v3 =	vadd.f32 v3, v4;
	v4 =	vadd.f32 v44, v5  }
0x283: {  	s7 =	sor.u32 s0, s28;
	v35 =	vld [tilespmem:$0x1FFD0];
	v0 =	vadd.f32 v10, v0;
	v1 =	vadd.f32 v27, v1  }
0x284: {  	v41 =	vld [tilespmem:s7+$0x0];
	v23 =	vadd.f32 v23, v25;
	v18 =	vadd.f32 v45, v18  }
0x285: {  	v5 =	vld [tilespmem:s26+$0x180];
	v22 =	vadd.f32 v46, v22;
	v3 =	vadd.f32 v34, v3  }
0x286: {  	v42 =	vld [tilespmem:s7+$0x80];
	v4 =	vadd.f32 v47, v4;
	v0 =	vadd.f32 v16, v0  }
0x287: {  	v31 =	vld [tilespmem:s26+$0x280];
	v1 =	vadd.f32 v28, v1;
	v6 =	vadd.f32 v6, v23  }
0x288: {  	v36 =	vld [tilespmem:s30+$0x380];
	v18 =	vadd.f32 v48, v18;
	v22 =	vadd.f32 v49, v22  }
0x289: {  	v43 =	vld [tilespmem:s7+$0x100];
	v3 =	vadd.f32 v35, v3;
	v4 =	vadd.f32 v50, v4  }
0x28a: {  	v37 =	vld [tilespmem:s26+$0x300];
	v0 =	vadd.f32 v13, v0;
	v1 =	vadd.f32 v30, v1  }
0x28b: {  	v38 =	vld [tilespmem:s26+$0x380];
	v10 =	vadd.f32 v42, v41;
	v5 =	vadd.f32 v5, v6  }
0x28c: {  	v44 =	vld [tilespmem:s7+$0x180];
	v18 =	vadd.f32 v51, v18;
	v22 =	vadd.f32 v52, v22  }
0x28d: {  	v45 =	vld [tilespmem:s7+$0x200];
	v4 =	vadd.f32 v53, v4;
	v0 =	vadd.f32 v17, v0  }
0x28e: {  	v46 =	vld [tilespmem:s7+$0x280];
	v1 =	vadd.f32 v32, v1;
	v10 =	vadd.f32 v43, v10  }
0x28f: {  	s28 =	sor.u32 s20, s31;
	v47 =	vld [tilespmem:s7+$0x300];
	v5 =	vadd.f32 v29, v5;
	v18 =	vadd.f32 v54, v18  }
0x290: {  	v49 =	vld [tilespmem:s28+$0x0];
	v22 =	vadd.f32 v55, v22;
	v4 =	vadd.f32 v56, v4  }
0x291: {  	s29 =	sor.u32 s23, s31;
	v48 =	vld [tilespmem:s7+$0x380];
	v0 =	vadd.f32 v19, v0;
	v1 =	vadd.f32 v36, v1  }
0x292: {  	s6 =	sor.u32 s0, s31;
	v50 =	vld [tilespmem:s29+$0x0];
	v6 =	vadd.f32 v44, v10;
	v5 =	vadd.f32 v31, v5  }
0x293: {  	s30 =	sor.u32 s20, s4;
	v51 =	vld [tilespmem:s6+$0x0];
	v39 =	vadd.f32 v57, v18;
	v40 =	vadd.f32 v58, v22  }
0x294: {  	s31 =	sor.u32 s23, s4;
	v52 =	vld [tilespmem:s30+$0x0];
	v4 =	vadd.f32 v59, v4;
	v0 =	vadd.f32 v20, v0  }
0x295: {  	s5 =	sor.u32 s0, s4;
	v53 =	vld [tilespmem:s31+$0x0];
	v1 =	vadd.f32 v49, v1;
	v6 =	vadd.f32 v45, v6  }
0x296: {  	s7 =	sor.u32 s20, s11;
	v54 =	vld [tilespmem:s5+$0x0];
	v5 =	vadd.f32 v37, v5;
	v0 =	vadd.f32 v21, v0  }
0x297: {  	s8 =	sor.u32 s23, s11;
	v55 =	vld [tilespmem:s7+$0x0];
	v14 =	vadd.f32 v60, v39;
	v6 =	vadd.f32 v46, v6  }
0x298: {  	s4 =	sor.u32 s0, s11;
	v56 =	vld [tilespmem:s8+$0x0];
	v18 =	vadd.f32 v61, v40;
	v0 =	vadd.f32 v15, v0  }
0x299: {  	s9 =	sor.u32 s20, s13;
	v57 =	vld [tilespmem:s4+$0x0];
	v4 =	vadd.f32 v62, v4;
	v6 =	vadd.f32 v47, v6  }
0x29a: {  	s10 =	sor.u32 s23, s13;
	v58 =	vld [tilespmem:s9+$0x0];
	v5 =	vadd.f32 v38, v5;
	v0 =	vadd.f32 v11, v0  }
0x29b: {  	s3 =	sor.u32 s0, s13;
	v59 =	vld [tilespmem:s10+$0x0];
	v1 =	vadd.f32 v52, v1;
	v6 =	vadd.f32 v48, v6  }
0x29c: {  	s12 =	sand.u32 $0x380, s15;
	s11 =	sor.u32 s20, s2;
	v60 =	vld [tilespmem:s3+$0x0];
	v5 =	vadd.f32 v50, v5;
	v0 =	vadd.f32 v9, v0  }
0x29d: {  	s13 =	sor.u32 s23, s2;
	s15 =	sadd.s32 $0x14700, s12;
	v61 =	vld [tilespmem:s11+$0x0];
	v14 =	vadd.f32 v63, v14;
	v6 =	vadd.f32 v51, v6  }
0x29e: {  	s4 =	sor.u32 s16, s15;
	s16 =	sor.u32 s17, s15;
	s17 =	sor.u32 s20, s1;
	v62 =	vld [tilespmem:s13+$0x0];
	v5 =	vadd.f32 v53, v5;
	v0 =	vadd.f32 v8, v0  }
0x29f: {  	s2 =	sor.u32 s0, s2;
	v1 =	vadd.f32 v55, v1;
	v63 =	vld [tilespmem:s17+$0x0];
	v6 =	vadd.f32 v54, v6  }
0x2a0: {  	s24 =	sor.u32 s23, s1;
	s1 =	sor.u32 s0, s1;
	s3 =	sor.u32 s14, s15;
	v5 =	vadd.f32 v56, v5;
	v8 =	vld [tilespmem:s2+$0x0];
	v7 =	vadd.f32 v7, v0  }
0x2a1: {  	s25 =	sor.u32 s20, s22;
	s26 =	sor.u32 s23, s22;
	s29 =	sand.u32 $0x380, s19;
	[tilespmem:s3+$0x0] =	vst v3;
	v0 =	vld [tilespmem:s1+$0x0];
	v3 =	vadd.f32 v57, v6;
	v6 =	vadd.f32 v58, v1  }
0x2a2: {  	s28 =	sor.u32 s0, s22;
	s30 =	sadd.s32 $0x14700, s29;
	s14 =	simm.s32 $0x14700;
	[tilespmem:s4+$0x0] =	vst v4;
	v5 =	vadd.f32 v59, v5;
	v1 =	vld [tilespmem:s24+$0x0];
	v4 =	vadd.f32 v2, v7  }
0x2a3: {  	s6 =	sor.u32 s20, s21;
	s31 =	sor.u32 s18, s30;
	s5 =	sor.u32 s23, s21;
	[tilespmem:s14+$0x0] =	vst v18;
	v2 =	vld [tilespmem:s25+$0x0];
	v9 =	vadd.f32 v60, v3;
	v10 =	vadd.f32 v61, v6  }
0x2a4: {  	s23 =	sor.u32 s23, s30;
	s15 =	simm.s32 $0x4;
	s4 =	sor.u32 s0, s21;
	[tilespmem:s16+$0x0] =	vst v14;
	v7 =	vadd.f32 v62, v5;
	v3 =	vld [tilespmem:s26+$0x0]  }
0x2a5: {  	s17 =	simm.s32 $0x80;
	s16 =	simm.s32 $0x400;
	s2 =	sor.u32 s0, s30;
	[tilespmem:s31+$0x0] =	vst v4;
	v4 =	vld [tilespmem:s28+$0x0];
	v6 =	vadd.f32 v8, v9;
	v5 =	vadd.f32 v63, v10  }
.LBB2_16:
0x2a6: {  	s3 =	sand.u32 $0x40, s17;
	s9 =	sand.u32 $0x1C00, s16;
	v8 =	vld [tilespmem:s6+$0x0]  }
0x2a7: {  	s0 =	sadd.s32 $0x11780, s9;
	s18 =	sor.u32 $0x30, s3;
	v1 =	vadd.f32 v1, v7;
	v7 =	vld [tilespmem:s5+$0x0]  }
0x2a8: {  	s13 =	sor.u32 s18, s0;
	v2 =	vadd.f32 v2, v5;
	v5 =	vld [tilespmem:s4+$0x0]  }
0x2a9: {  	v0 =	vadd.f32 v0, v6;
	v6 =	vld [tilespmem:s13+$0x0]  }
0x2aa: {  	s20 =	sor.u32 s3, s0;
	v1 =	vadd.f32 v3, v1;
	v3 =	vld [tilespmem:s13+$0x80]  }
0x2ab: {  	v0 =	vadd.f32 v4, v0;
	v4 =	vld [tilespmem:s20+$0x0]  }
0x2ac: {  	v2 =	vadd.f32 v8, v2;
	v8 =	vld [tilespmem:s13+$0x100]  }
0x2ad: {  	s14 =	sadd.s32 $0x40, s14;
	v1 =	vadd.f32 v7, v1;
	v7 =	vld [tilespmem:s20+$0x80]  }
0x2ae: {  	[tilespmem:s14+$0x0] =	vst v2;
	v0 =	vadd.f32 v5, v0;
	v2 =	vld [tilespmem:s13+$0x180]  }
0x2af: {  	v62 =	vld [tilespmem:s20+$0x300]  }
0x2b0: {  	s21 =	sor.u32 $0x10, s3;
	[tilespmem:s2+$0x0] =	vst v0;
	v0 =	vld [tilespmem:s13+$0x200]  }
0x2b1: {  	s1 =	sor.u32 s21, s0;
	[tilespmem:s23+$0x0] =	vst v1;
	v3 =	vadd.f32 v3, v6;
	v6 =	vld [tilespmem:s13+$0x280]  }
0x2b2: {  	v1 =	vld [tilespmem:s1+$0x0]  }
0x2b3: {  	s22 =	sor.u32 $0x20, s3;
	v5 =	vld [tilespmem:s1+$0x80]  }
0x2b4: {  	s19 =	sor.u32 s22, s0;
	v9 =	vld [tilespmem:s1+$0x100];
	v3 =	vadd.f32 v8, v3  }
0x2b5: {  	v8 =	vld [tilespmem:s19+$0x80]  }
0x2b6: {  	v4 =	vadd.f32 v7, v4;
	v7 =	vld [tilespmem:s19+$0x0];
	v2 =	vadd.f32 v2, v3  }
0x2b7: {  	v3 =	vld [tilespmem:s13+$0x300]  }
0x2b8: {  	v0 =	vadd.f32 v0, v2;
	v2 =	vld [tilespmem:s13+$0x380]  }
0x2b9: {  	s24 =	sadd.s32 $0x12B80, s9;
	v1 =	vadd.f32 v5, v1;
	v5 =	vld [tilespmem:s20+$0x100]  }
0x2ba: {  	s29 =	sadd.s32 $0x12C00, s9;
	s28 =	sor.u32 s18, s24;
	v60 =	vld [tilespmem:s1+$0x180];
	v0 =	vadd.f32 v6, v0  }
0x2bb: {  	s2 =	sor.u32 s18, s29;
	v6 =	vld [tilespmem:s28+$0x0]  }
0x2bc: {  	s5 =	sadd.s32 $0x12C80, s9;
	v0 =	vadd.f32 v3, v0;
	v3 =	vadd.f32 v8, v7;
	v7 =	vld [tilespmem:s2+$0x0]  }
0x2bd: {  	s25 =	sor.u32 s3, s24;
	s7 =	sor.u32 s18, s5;
	v8 =	vld [tilespmem:s19+$0x100]  }
0x2be: {  	s8 =	sadd.s32 $0x12D00, s9;
	s26 =	sor.u32 s21, s24;
	[dreg:$0x12] =	wrdreg s25;
	v0 =	vadd.f32 v2, v0;
	v2 =	vadd.f32 v5, v4;
	v4 =	vld [tilespmem:s7+$0x0]  }
0x2bf: {  	s11 =	sadd.s32 $0x12D80, s9;
	s0 =	sor.u32 s22, s24;
	[dreg:$0x4] =	wrdreg s26;
	v5 =	vld [tilespmem:s20+$0x180]  }
0x2c0: {  	s30 =	sor.u32 s3, s29;
	s10 =	sor.u32 s18, s8;
	[dreg:$0xa] =	wrdreg s0;
	v61 =	vld [tilespmem:s1+$0x200];
	v0 =	vadd.f32 v6, v0  }
0x2c1: {  	s31 =	sor.u32 s21, s29;
	s12 =	sor.u32 s18, s11;
	[dreg:$0x13] =	wrdreg s30;
	v6 =	vld [tilespmem:s10+$0x0]  }
0x2c2: {  	[dreg:$0x9] =	wrdreg s31;
	s31 =	sor.u32 s3, s11;
	s25 =	sor.u32 s3, s5;
	v3 =	vadd.f32 v8, v3;
	v8 =	vld [tilespmem:s19+$0x180];
	v0 =	vadd.f32 v7, v0  }
0x2c3: {  	s6 =	sor.u32 s21, s5;
	s26 =	sor.u32 s22, s5;
	s23 =	sadd.s32 $0x12E00, s9;
	v7 =	vld [tilespmem:s12+$0x0]  }
0x2c4: {  	s5 =	sadd.s32 $0x12E80, s9;
	[dreg:$0x14] =	wrdreg s6;
	s2 =	sor.u32 s18, s23;
	v2 =	vadd.f32 v5, v2;
	v5 =	vld [tilespmem:s20+$0x200];
	v0 =	vadd.f32 v4, v0  }
0x2c5: {  	s0 =	sor.u32 s3, s5;
	s6 =	sor.u32 s18, s5;
	s7 =	sor.u32 s22, s23;
	v4 =	vld [tilespmem:s2+$0x0]  }
0x2c6: {  	s10 =	sor.u32 s3, s23;
	s12 =	sor.u32 s21, s23;
	s23 =	sadd.s32 $0x12F00, s9;
	v0 =	vadd.f32 v6, v0;
	v6 =	vld [tilespmem:s6+$0x0]  }
0x2c7: {  	s28 =	sor.u32 s3, s8;
	s6 =	sor.u32 s3, s23;
	s3 =	sor.u32 s18, s23;
	v3 =	vadd.f32 v8, v3;
	v8 =	vld [tilespmem:s19+$0x200]  }
0x2c8: {  	s30 =	sor.u32 s22, s8;
	s13 =	sor.u32 s21, s8;
	v0 =	vadd.f32 v7, v0;
	v7 =	vld [tilespmem:s3+$0x0];
	s3 =	sand.u32 $0x380, s17  }
0x2c9: {  	s8 =	sor.u32 s21, s5;
	v63 =	vld [tilespmem:s10+$0x0];
	s9 =	sor.u32 s22, s5;
	s3 =	sadd.s32 $0x14700, s3  }
0x2ca: {  	s5 =	sor.u32 s21, s23;
	s4 =	sor.u32 s22, s23;
	v0 =	vadd.f32 v4, v0;
	v4 =	vld [tilespmem:s20+$0x280];
	s23 =	sor.u32 s21, s3  }
0x2cb: {  	v1 =	vadd.f32 v9, v1;
	v2 =	vadd.f32 v5, v2;
	v5 =	vld [tilespmem:s1+$0x280];
	s2 =	sor.u32 s22, s3;
	s3 =	sor.u32 s18, s3;
	s18 =	rddreg [dreg:$0x12]  }
0x2cc: {  	v3 =	vadd.f32 v8, v3;
	v8 =	vld [tilespmem:s18+$0x0];
	v0 =	vadd.f32 v6, v0  }
0x2cd: {  	v1 =	vadd.f32 v60, v1;
	v6 =	vld [tilespmem:s19+$0x280]  }
0x2ce: {  	v0 =	vadd.f32 v7, v0;
	v7 =	vld [tilespmem:s1+$0x300]  }
0x2cf: {  	v1 =	vadd.f32 v61, v1;
	v2 =	vadd.f32 v4, v2;
	v4 =	vld [tilespmem:s19+$0x300]  }
0x2d0: {  	[tilespmem:s3+$0x0] =	vst v0;
	v0 =	vld [tilespmem:s20+$0x380]  }
0x2d1: {  	v1 =	vadd.f32 v5, v1;
	v5 =	vld [tilespmem:s1+$0x380]  }
0x2d2: {  	v3 =	vadd.f32 v6, v3;
	v6 =	vld [tilespmem:s19+$0x380];
	s19 =	rddreg [dreg:$0x4]  }
0x2d3: {  	s24 =	sor.u32 s22, s29;
	s29 =	sor.u32 s21, s11;
	s21 =	rddreg [dreg:$0x13];
	v2 =	vadd.f32 v62, v2;
	v1 =	vadd.f32 v7, v1;
	v7 =	vld [tilespmem:s19+$0x0]  }
0x2d4: {  	s20 =	rddreg [dreg:$0xa];
	v3 =	vadd.f32 v4, v3;
	v4 =	vld [tilespmem:s21+$0x0]  }
0x2d5: {  	s11 =	sor.u32 s22, s11;
	s22 =	rddreg [dreg:$0x9];
	v0 =	vadd.f32 v0, v2;
	v2 =	vld [tilespmem:s20+$0x0]  }
0x2d6: {  	v1 =	vadd.f32 v5, v1;
	v5 =	vld [tilespmem:s22+$0x0]  }
0x2d7: {  	v3 =	vadd.f32 v6, v3;
	v6 =	vld [tilespmem:s24+$0x0]  }
0x2d8: {  	v0 =	vadd.f32 v8, v0;
	v8 =	vld [tilespmem:s25+$0x0];
	s25 =	rddreg [dreg:$0x14]  }
0x2d9: {  	v1 =	vadd.f32 v7, v1;
	v7 =	vld [tilespmem:s25+$0x0]  }
0x2da: {  	v0 =	vadd.f32 v4, v0;
	v4 =	vld [tilespmem:s28+$0x0]  }
0x2db: {  	v2 =	vadd.f32 v2, v3;
	v3 =	vld [tilespmem:s26+$0x0]  }
0x2dc: {  	v1 =	vadd.f32 v5, v1;
	v5 =	vld [tilespmem:s13+$0x0]  }
0x2dd: {  	v0 =	vadd.f32 v8, v0;
	v8 =	vld [tilespmem:s31+$0x0]  }
0x2de: {  	v2 =	vadd.f32 v6, v2;
	v6 =	vld [tilespmem:s30+$0x0]  }
0x2df: {  	s15 =	sadd.s32 $0x4, s15;
	v1 =	vadd.f32 v7, v1;
	v7 =	vld [tilespmem:s29+$0x0]  }
0x2e0: {  	p1 =	slt.u32 s15, $0x24;
	v0 =	vadd.f32 v4, v0;
	v4 =	vld [tilespmem:s11+$0x0]  }
.Ltmp8:
0x2e1: {  	v2 =	vadd.f32 v3, v2;
	v3 =	vadd.f32 v5, v1;
	v1 =	vld [tilespmem:s12+$0x0];
	(pc) =	sbr.rel @p1 .LBB2_16-.Ltmp8, $4  }
0x2e2: {  	v8 =	vadd.f32 v8, v0;
	v0 =	vld [tilespmem:s7+$0x0]  }
0x2e3: {  	v5 =	vadd.f32 v6, v2;
	v2 =	vld [tilespmem:s0+$0x0]  }
0x2e4: {  	v7 =	vadd.f32 v7, v3;
	v3 =	vld [tilespmem:s8+$0x0]  }
0x2e5: {  	s16 =	sadd.s32 $0x200, s16;
	s17 =	sadd.s32 $0x40, s17;
	v6 =	vadd.f32 v4, v5;
	v5 =	vadd.f32 v63, v8;
	v4 =	vld [tilespmem:s9+$0x0]  }
0x2e6: {  	v8 =	vld [tilespmem:s6+$0x0]  }
0x2e7: {  	v9 =	vld [tilespmem:s5+$0x0]  }
0x2e8: {  	v1 =	vadd.f32 v1, v7;
	v7 =	vld [tilespmem:s4+$0x0]  }
0x2e9: {  	v0 =	vadd.f32 v0, v6;
	v2 =	vadd.f32 v2, v5  }
0x2ea: {  	v1 =	vadd.f32 v3, v1  }
0x2eb: {  	v0 =	vadd.f32 v4, v0;
	v2 =	vadd.f32 v8, v2  }
0x2ec: {  	s0 =	sadd.s32 $0x40, s14;
	v1 =	vadd.f32 v9, v1  }
0x2ed: {  	v0 =	vadd.f32 v7, v0;
	[tilespmem:s0+$0x0] =	vst v2  }
0x2ee: {  	[tilespmem:s23+$0x0] =	vst v1  }
0x2ef: {  	s29 =	simm.s32 $0x14210;
	[tilespmem:s2+$0x0] =	vst v0  }
0x2f0: {  	v1 =	vld [tilespmem:s29+$0xFFFFFFF0]  }
0x2f1: {  	s1 =	simm.s32 $0x14710;
	v2 =	vld [tilespmem:s29+$0x0]  }
0x2f2: {  	v3 =	vld [tilespmem:s1+$0xFFFFFFF0]  }
0x2f3: {  	s30 =	simm.s32 $0x13F90;
	v4 =	vld [tilespmem:s1+$0x0]  }
0x2f4: {  	v7 =	vld [tilespmem:s30+$0xFFFFFFF0]  }
0x2f5: {  	s31 =	simm.s32 $0x14230;
	v5 =	vld [tilespmem:s30+$0x0]  }
0x2f6: {  	v6 =	vld [tilespmem:s31+$0xFFFFFFF0]  }
0x2f7: {  	s1 =	simm.s32 $0x14730;
	v0 =	vld [tilespmem:s31+$0x0];
	v1 =	vadd.f32 v1, v3  }
0x2f8: {  	v3 =	vld [tilespmem:s1+$0xFFFFFFF0]  }
0x2f9: {  	s2 =	simm.s32 $0x13FB0;
	v2 =	vadd.f32 v2, v4;
	v4 =	vld [tilespmem:s1+$0x0];
	v9 =	vmul.f32 v1, v7  }
0x2fa: {  	s4 =	simm.s32 $0x2;
	v1 =	vld [tilespmem:s2+$0xFFFFFFF0]  }
0x2fb: {  	s5 =	simm.s32 $0x14250;
	s3 =	simm.s32 $0x14490;
	s0 =	simm.s32 $0x14490;
	v8 =	vmul.f32 v2, v5;
	v2 =	vld [tilespmem:s2+$0x0];
	v7 =	vmul.f32 v9, v7  }
.LBB2_18:
0x2fc: {  	s4 =	sadd.s32 $0x2, s4  }
0x2fd: {  	v9 =	vld [tilespmem:s5+$0xFFFFFFF0];
	s1 =	sadd.s32 $0x20, s1;
	v5 =	vmul.f32 v8, v5;
	s0 =	sadd.s32 $0x20, s0;
	v8 =	vmov v0;
	p1 =	slt.u32 s4, $0x26  }
.Ltmp9:
0x2fe: {  	v0 =	vld [tilespmem:s5+$0x0];
	v6 =	vadd.f32 v6, v3;
	[tilespmem:s3+$0xFFFFFFF0] =	vst v7;
	(pc) =	sbr.rel @p1 .LBB2_18-.Ltmp9, $4  }
0x2ff: {  	s2 =	sadd.s32 $0x20, s2;
	v3 =	vld [tilespmem:s1+$0xFFFFFFF0];
	v7 =	vadd.f32 v8, v4;
	[tilespmem:s3+$0x0] =	vst v5;
	s3 =	smov.u32 s0  }
0x300: {  	v4 =	vld [tilespmem:s1+$0x0];
	v11 =	vmul.f32 v6, v1;
	v10 =	vmov v1  }
0x301: {  	v1 =	vld [tilespmem:s2+$0xFFFFFFF0];
	v8 =	vmul.f32 v7, v2;
	v5 =	vmov v2  }
0x302: {  	s5 =	sadd.s32 $0x20, s5;
	v2 =	vld [tilespmem:s2+$0x0];
	v7 =	vmul.f32 v11, v10;
	v6 =	vmov v9  }
0x303: {  	_ = 	snop  }
0x304: {  	v3 =	vadd.f32 v6, v3  }
0x305: {  	v0 =	vadd.f32 v0, v4  }
0x306: {  	v3 =	vmul.f32 v3, v1  }
0x307: {  	v63 =	vmul.f32 v8, v5;
	v0 =	vmul.f32 v0, v2  }
0x308: {  	[tilespmem:s3+$0xFFFFFFF0] =	vst v7;
	v1 =	vmul.f32 v3, v1  }
0x309: {  	s0 =	sadd.s32 $0x20, s0;
	[tilespmem:s3+$0x0] =	vst v63;
	v0 =	vmul.f32 v0, v2  }
0x30a: {  	[tilespmem:s0+$0xFFFFFFF0] =	vst v1  }
0x30b: {  	[tilespmem:s0+$0x0] =	vst v0  }
0x30c: {  	s2 =	sld [smem:$0x7FB];
	_ =	sdelay $0x1  }
0x30d: {  	s1 =	simm.s32 @p0 $0x14480;
	s0 =	simm.s32 @p0 $0x0  }
0x30e: {  	[hbm4b:s2+s0] =	stream.linear.scatter @p0 [tilespmem:s1], [sflag:$0x2], $0x190, $0x38;
	[tilespmem:$0x15180] =	vst v63  }
0x30f: {  	s0 =	simm.s32 @p0 $0x2  }
0x310: {  	_ =	swait.ge @p0 [sflag:s0], $0x190  }
0x311: {  	s2 =	sld [smem:$0x7F9]  }
0x312: {  	[sflag:s0] =	ssyncset.done @p0 $0x0  }
0x313: {  	s1 =	simm.s32 @!p0 $0x14480;
	[sflag:s0] =	ssyncadd.s32 @p0 $0xFFFFFE70;
	s0 =	simm.s32 @!p0 $0x0  }
0x314: {  	[hbm4b:s2+s0] =	stream.linear.scatter @!p0 [tilespmem:s1], [sflag:$0x2], $0x280, $0x38;
	[tilespmem:$0x15180] =	vst v63  }
0x315: {  	s0 =	simm.s32 @!p0 $0x2  }
0x316: {  	_ =	swait.ge @!p0 [sflag:s0], $0x280  }
0x317: {  	[sflag:s0] =	ssyncset.done @!p0 $0x0  }
0x318: {  	[sflag:s0] =	ssyncadd.s32 @!p0 $0xFFFFFD80  }
0x319: {  	[bflag:$0x0] =	sbarrier.arrive $0xFFFF  }
0x31a: {  	s26 =	sld [smem:$0x7FA]  }
0x31b: {  	s24 =	simm.s32 $0x0  }
0x31c: {  	s25 =	simm.s32 $0x9D80;
	s28 =	simm.s32 $0x1400;
	s31 =	sld [smem:$0x7FC]  }
0x31d: {  	[tilespmem:s25], [sflag:$0x1] =	stream.linear.gather [hbm4b:s26+s24], $0x2780, $0x38;
	[tilespmem:$0x15180] =	vst v63  }
0x31e: {  	s29 =	simm.s32 $0x28000;
	s30 =	simm.s32 $0x11780;
	s0 =	simm.s32 $0xC7C0  }
0x31f: {  	v0 =	vimm.f32 $0.0e+00;
	[tilespmem:s30], [sflag:$0x1] =	stream.strided.gather [hbm4b:s31+s28], $0x2800, s29, s28, $0x38;
	[tilespmem:$0x15180] =	vst v63  }
0x320: {  	[tilespmem:s0+$0xFFFFFFC0] =	vst v0  }
0x321: {  	[tilespmem:s0+$0x30] =	vst v0  }
0x322: {  	[tilespmem:s0+$0x20] =	vst v0  }
0x323: {  	[tilespmem:s0+$0x10] =	vst v0  }
0x324: {  	[tilespmem:s0+$0x0] =	vst v0  }
0x325: {  	[tilespmem:s0+$0xFFFFFFF0] =	vst v0  }
0x326: {  	s1 =	simm.s32 $0x0;
	[tilespmem:s0+$0xFFFFFFE0] =	vst v0  }
.LBB2_20:
0x327: {  	s1 =	sadd.s32 $0x8, s1;
	[tilespmem:s0+$0xFFFFFFD0] =	vst v0;
	s0 =	sadd.s32 $0x80, s0  }
0x328: {  	[tilespmem:s0+$0xFFFFFFC0] =	vst v0;
	p0 =	slt.u32 s1, $0x278  }
0x329: {  	[tilespmem:s0+$0x30] =	vst v0  }
.Ltmp10:
0x32a: {  	[tilespmem:s0+$0x20] =	vst v0;
	(pc) =	sbr.rel @p0 .LBB2_20-.Ltmp10, $4  }
0x32b: {  	[tilespmem:s0+$0x10] =	vst v0  }
0x32c: {  	[tilespmem:s0+$0x0] =	vst v0  }
0x32d: {  	[tilespmem:s0+$0xFFFFFFF0] =	vst v0  }
0x32e: {  	[tilespmem:s0+$0xFFFFFFE0] =	vst v0  }
0x32f: {  	[tilespmem:s0+$0xFFFFFFD0] =	vst v0;
	s1 =	simm.s32 $0x1;
	s11 =	simm.s32 $0x0  }
0x330: {  	_ =	swait.ge [sflag:s1], $0x2800;
	s0 =	sand.u32 $0x40, s11;
	s2 =	sand.u32 $0x1C00, s11  }
0x331: {  	[sflag:s1] =	ssyncset.done $0x0;
	s3 =	sadd.s32 $0x11780, s2;
	s10 =	sor.u32 $0x30, s0  }
0x332: {  	[sflag:s1] =	ssyncadd.s32 $0xFFFFD800;
	s20 =	sor.u32 s10, s3  }
0x333: {  	v9 =	vld [tilespmem:s20+$0x0]  }
0x334: {  	s4 =	sor.u32 s0, s3;
	v10 =	vld [tilespmem:s20+$0x80]  }
0x335: {  	v11 =	vld [tilespmem:s4+$0x0]  }
0x336: {  	v12 =	vld [tilespmem:s20+$0x100]  }
0x337: {  	s12 =	sor.u32 $0x10, s0;
	v13 =	vld [tilespmem:s4+$0x80]  }
0x338: {  	s5 =	sor.u32 s12, s3;
	v14 =	vld [tilespmem:s20+$0x180]  }
0x339: {  	v15 =	vld [tilespmem:s5+$0x0]  }
0x33a: {  	v16 =	vld [tilespmem:s20+$0x200]  }
0x33b: {  	s13 =	sor.u32 $0x20, s0;
	v17 =	vld [tilespmem:s5+$0x80]  }
0x33c: {  	s3 =	sor.u32 s13, s3;
	v18 =	vld [tilespmem:s20+$0x280]  }
0x33d: {  	v19 =	vld [tilespmem:s3+$0x0]  }
0x33e: {  	v20 =	vld [tilespmem:s20+$0x300]  }
0x33f: {  	v21 =	vld [tilespmem:s3+$0x80]  }
0x340: {  	s6 =	sadd.s32 $0x12B80, s2;
	v8 =	vld [tilespmem:s20+$0x380]  }
0x341: {  	s21 =	sor.u32 s10, s6;
	v22 =	vld [tilespmem:s4+$0x100]  }
0x342: {  	s7 =	sadd.s32 $0x12C00, s2;
	v7 =	vld [tilespmem:s21+$0x0]  }
0x343: {  	s22 =	sor.u32 s10, s7;
	v23 =	vld [tilespmem:s5+$0x100]  }
0x344: {  	s8 =	sadd.s32 $0x12C80, s2;
	v2 =	vld [tilespmem:s22+$0x0]  }
0x345: {  	s23 =	sor.u32 s10, s8;
	v24 =	vld [tilespmem:s3+$0x100]  }
0x346: {  	s9 =	sadd.s32 $0x12D00, s2;
	v6 =	vld [tilespmem:s23+$0x0]  }
0x347: {  	s16 =	sadd.s32 $0x12E80, s2;
	s24 =	sor.u32 s10, s9;
	v25 =	vld [tilespmem:s4+$0x180]  }
0x348: {  	s17 =	sor.u32 s10, s16;
	v5 =	vld [tilespmem:s24+$0x0]  }
0x349: {  	s14 =	sadd.s32 $0x12D80, s2;
	v0 =	vld [tilespmem:s17+$0x0]  }
0x34a: {  	s25 =	sor.u32 s10, s14;
	v26 =	vld [tilespmem:s5+$0x180]  }
0x34b: {  	s15 =	sadd.s32 $0x12E00, s2;
	v4 =	vld [tilespmem:s25+$0x0]  }
0x34c: {  	s26 =	sor.u32 s10, s15;
	v27 =	vld [tilespmem:s3+$0x180]  }
0x34d: {  	s1 =	sadd.s32 $0x12F00, s2;
	v3 =	vld [tilespmem:s26+$0x0]  }
0x34e: {  	v28 =	vld [tilespmem:s4+$0x200];
	s2 =	sor.u32 s10, s1;
	[tilespmem:$0x1FFA0] =	vst v0  }
0x34f: {  	v0 =	vld [tilespmem:s2+$0x0];
	_ =	sdelay $0x4  }
0x350: {  	v29 =	vld [tilespmem:s5+$0x200];
	[tilespmem:$0x1FFB0] =	vst v0  }
0x351: {  	v30 =	vld [tilespmem:s3+$0x200]  }
0x352: {  	v31 =	vld [tilespmem:s4+$0x280]  }
0x353: {  	v32 =	vld [tilespmem:s5+$0x280]  }
0x354: {  	v33 =	vld [tilespmem:s3+$0x280]  }
0x355: {  	v34 =	vld [tilespmem:s4+$0x300]  }
0x356: {  	v35 =	vld [tilespmem:s5+$0x300]  }
0x357: {  	v36 =	vld [tilespmem:s3+$0x300]  }
0x358: {  	v37 =	vld [tilespmem:s4+$0x380]  }
0x359: {  	v38 =	vld [tilespmem:s5+$0x380]  }
0x35a: {  	s28 =	sor.u32 s0, s6;
	v39 =	vld [tilespmem:s3+$0x380]  }
0x35b: {  	s29 =	sor.u32 s12, s6;
	v40 =	vld [tilespmem:s28+$0x0]  }
0x35c: {  	s30 =	sor.u32 s13, s6;
	v41 =	vld [tilespmem:s29+$0x0]  }
0x35d: {  	s31 =	sor.u32 s0, s7;
	v42 =	vld [tilespmem:s30+$0x0]  }
0x35e: {  	s6 =	sor.u32 s0, s8;
	v43 =	vld [tilespmem:s31+$0x0]  }
0x35f: {  	s17 =	sor.u32 s0, s9;
	v46 =	vld [tilespmem:s6+$0x0]  }
0x360: {  	s18 =	sor.u32 s12, s9;
	v49 =	vld [tilespmem:s17+$0x0]  }
0x361: {  	s19 =	sor.u32 s13, s9;
	v50 =	vld [tilespmem:s18+$0x0]  }
0x362: {  	s20 =	sor.u32 s0, s14;
	v51 =	vld [tilespmem:s19+$0x0]  }
0x363: {  	s21 =	sor.u32 s12, s14;
	v52 =	vld [tilespmem:s20+$0x0]  }
0x364: {  	s22 =	sor.u32 s13, s14;
	v53 =	vld [tilespmem:s21+$0x0]  }
0x365: {  	s23 =	sor.u32 s0, s15;
	v54 =	vld [tilespmem:s22+$0x0]  }
0x366: {  	s24 =	sor.u32 s12, s15;
	v55 =	vld [tilespmem:s23+$0x0]  }
0x367: {  	s25 =	sor.u32 s13, s15;
	v56 =	vld [tilespmem:s24+$0x0]  }
0x368: {  	s26 =	sor.u32 s0, s16;
	v57 =	vld [tilespmem:s25+$0x0]  }
0x369: {  	s0 =	sor.u32 s0, s1;
	v58 =	vld [tilespmem:s26+$0x0]  }
0x36a: {  	s4 =	sor.u32 s12, s7;
	v61 =	vld [tilespmem:s0+$0x0]  }
0x36b: {  	s5 =	sor.u32 s13, s7;
	v44 =	vld [tilespmem:s4+$0x0]  }
0x36c: {  	s7 =	sor.u32 s12, s8;
	v45 =	vld [tilespmem:s5+$0x0]  }
0x36d: {  	s8 =	sor.u32 s13, s8;
	v47 =	vld [tilespmem:s7+$0x0]  }
0x36e: {  	s28 =	sor.u32 s12, s16;
	v48 =	vld [tilespmem:s8+$0x0]  }
0x36f: {  	s15 =	simm.s32 $0x40;
	s29 =	sor.u32 s13, s16;
	s30 =	simm.s32 $0x200;
	v59 =	vld [tilespmem:s28+$0x0]  }
0x370: {  	s31 =	sor.u32 s12, s1;
	s16 =	sand.u32 $0x40, s15;
	v60 =	vld [tilespmem:s29+$0x0];
	s4 =	sand.u32 $0x1C00, s30  }
0x371: {  	s5 =	sor.u32 s13, s1;
	s14 =	sor.u32 $0x30, s16;
	v62 =	vld [tilespmem:s31+$0x0];
	s6 =	sadd.s32 $0x11780, s4  }
0x372: {  	v9 =	vadd.f32 v10, v9;
	v63 =	vld [tilespmem:s5+$0x0];
	s26 =	sor.u32 s14, s6  }
0x373: {  	v0 =	vld [tilespmem:s26+$0x0]  }
0x374: {  	v9 =	vadd.f32 v12, v9;
	s28 =	sor.u32 s16, s6;
	v12 =	vld [tilespmem:s26+$0x80]  }
0x375: {  	v1 =	vld [tilespmem:s28+$0x0]  }
0x376: {  	v9 =	vadd.f32 v14, v9;
	v14 =	vld [tilespmem:s26+$0x100]  }
0x377: {  	v10 =	vld [tilespmem:s26+$0x180]  }
0x378: {  	v9 =	vadd.f32 v16, v9;
	v16 =	vld [tilespmem:s26+$0x200]  }
0x379: {  	v11 =	vadd.f32 v13, v11;
	v13 =	vld [tilespmem:s26+$0x280]  }
0x37a: {  	v15 =	vadd.f32 v17, v15;
	v9 =	vadd.f32 v18, v9;
	s29 =	sadd.s32 $0x12B80, s4;
	v17 =	vld [tilespmem:s26+$0x300]  }
0x37b: {  	v11 =	vadd.f32 v22, v11;
	v18 =	vadd.f32 v21, v19;
	s31 =	sadd.s32 $0x12C00, s4;
	s30 =	sor.u32 s14, s29;
	v19 =	vld [tilespmem:s26+$0x380]  }
0x37c: {  	v15 =	vadd.f32 v23, v15;
	s3 =	sadd.s32 $0x12C80, s4;
	v9 =	vadd.f32 v20, v9;
	s2 =	sor.u32 s14, s31;
	v20 =	vld [tilespmem:s30+$0x0]  }
0x37d: {  	v11 =	vadd.f32 v25, v11;
	s20 =	sadd.s32 $0x12D00, s4;
	s19 =	sor.u32 s14, s3;
	v21 =	vld [tilespmem:s2+$0x0]  }
0x37e: {  	v26 =	vadd.f32 v26, v15;
	s21 =	sor.u32 s14, s20;
	v15 =	vld [tilespmem:s19+$0x0]  }
0x37f: {  	v28 =	vadd.f32 v28, v11;
	v11 =	vld [tilespmem:s21+$0x0]  }
0x380: {  	v18 =	vadd.f32 v24, v18;
	v24 =	vld [tilespmem:s28+$0x80]  }
0x381: {  	v29 =	vadd.f32 v29, v26;
	v26 =	vld [tilespmem:s28+$0x100];
	v8 =	vadd.f32 v8, v9  }
0x382: {  	v18 =	vadd.f32 v27, v18;
	v22 =	vadd.f32 v31, v28;
	v27 =	vld [tilespmem:s28+$0x180]  }
0x383: {  	s2 =	sadd.s32 $0x12D80, s4;
	v23 =	vadd.f32 v32, v29;
	v28 =	vld [tilespmem:s28+$0x200];
	v7 =	vadd.f32 v7, v8  }
0x384: {  	s19 =	sor.u32 $0x10, s16;
	s22 =	sor.u32 s14, s2;
	v32 =	vld [tilespmem:s28+$0x300];
	v18 =	vadd.f32 v30, v18;
	v22 =	vadd.f32 v34, v22  }
0x385: {  	s25 =	sor.u32 s19, s6;
	v9 =	vld [tilespmem:s22+$0x0];
	v23 =	vadd.f32 v35, v23;
	v31 =	vadd.f32 v2, v7  }
0x386: {  	s1 =	sadd.s32 $0x12E00, s4;
	v25 =	vld [tilespmem:s25+$0x0];
	v18 =	vadd.f32 v33, v18;
	v22 =	vadd.f32 v37, v22  }
0x387: {  	s23 =	sor.u32 s14, s1;
	v29 =	vld [tilespmem:s25+$0x200];
	v0 =	vadd.f32 v12, v0;
	v1 =	vadd.f32 v24, v1  }
0x388: {  	v8 =	vld [tilespmem:s23+$0x0];
	v6 =	vadd.f32 v6, v31;
	v18 =	vadd.f32 v36, v18  }
0x389: {  	v34 =	vld [tilespmem:$0x1FFA0];
	v22 =	vadd.f32 v40, v22;
	v0 =	vadd.f32 v14, v0  }
0x38a: {  	s18 =	sadd.s32 $0x12E80, s4;
	v30 =	vld [tilespmem:s28+$0x280];
	v1 =	vadd.f32 v26, v1;
	v5 =	vadd.f32 v5, v6  }
0x38b: {  	s17 =	sadd.s32 $0x12F00, s4;
	s24 =	sor.u32 s14, s18;
	v35 =	vld [tilespmem:$0x1FFB0];
	v6 =	vadd.f32 v38, v23;
	v18 =	vadd.f32 v39, v18  }
0x38c: {  	s8 =	sor.u32 s14, s17;
	v7 =	vld [tilespmem:s24+$0x0];
	v22 =	vadd.f32 v43, v22;
	v0 =	vadd.f32 v10, v0  }
0x38d: {  	v2 =	vld [tilespmem:s8+$0x0];
	v1 =	vadd.f32 v27, v1;
	v4 =	vadd.f32 v4, v5  }
0x38e: {  	v23 =	vld [tilespmem:s25+$0x80];
	v5 =	vadd.f32 v41, v6;
	v18 =	vadd.f32 v42, v18  }
0x38f: {  	s0 =	sor.u32 $0x20, s16;
	v37 =	vld [tilespmem:s25+$0x300];
	v22 =	vadd.f32 v46, v22;
	v0 =	vadd.f32 v16, v0  }
0x390: {  	s7 =	sor.u32 s0, s6;
	v6 =	vld [tilespmem:s25+$0x100];
	v1 =	vadd.f32 v28, v1;
	v3 =	vadd.f32 v3, v4  }
0x391: {  	v41 =	vld [tilespmem:s7+$0x0];
	v4 =	vadd.f32 v44, v5;
	v18 =	vadd.f32 v45, v18  }
0x392: {  	v42 =	vld [tilespmem:s7+$0x80];
	v22 =	vadd.f32 v49, v22;
	v0 =	vadd.f32 v13, v0  }
0x393: {  	v31 =	vld [tilespmem:s25+$0x280];
	v1 =	vadd.f32 v30, v1;
	v23 =	vadd.f32 v23, v25  }
0x394: {  	v36 =	vld [tilespmem:s28+$0x380];
	v3 =	vadd.f32 v34, v3;
	v4 =	vadd.f32 v47, v4  }
0x395: {  	v43 =	vld [tilespmem:s7+$0x100];
	v18 =	vadd.f32 v48, v18;
	v22 =	vadd.f32 v52, v22  }
0x396: {  	v5 =	vld [tilespmem:s25+$0x180];
	v0 =	vadd.f32 v17, v0;
	v1 =	vadd.f32 v32, v1  }
0x397: {  	v38 =	vld [tilespmem:s25+$0x380];
	v10 =	vadd.f32 v42, v41;
	v6 =	vadd.f32 v6, v23  }
0x398: {  	s26 =	sor.u32 s16, s29;
	v44 =	vld [tilespmem:s7+$0x180];
	v3 =	vadd.f32 v35, v3;
	v4 =	vadd.f32 v50, v4  }
0x399: {  	v49 =	vld [tilespmem:s26+$0x0];
	v18 =	vadd.f32 v51, v18;
	v22 =	vadd.f32 v55, v22  }
0x39a: {  	v46 =	vld [tilespmem:s7+$0x280];
	v0 =	vadd.f32 v19, v0;
	v1 =	vadd.f32 v36, v1  }
0x39b: {  	v45 =	vld [tilespmem:s7+$0x200];
	v10 =	vadd.f32 v43, v10;
	v5 =	vadd.f32 v5, v6  }
0x39c: {  	s6 =	sor.u32 s0, s29;
	s28 =	sor.u32 s19, s29;
	s29 =	sor.u32 s16, s31;
	v47 =	vld [tilespmem:s7+$0x300];
	v4 =	vadd.f32 v53, v4;
	v18 =	vadd.f32 v54, v18  }
0x39d: {  	v52 =	vld [tilespmem:s29+$0x0];
	v40 =	vadd.f32 v58, v22;
	v0 =	vadd.f32 v20, v0  }
0x39e: {  	v48 =	vld [tilespmem:s7+$0x380];
	v1 =	vadd.f32 v49, v1;
	v6 =	vadd.f32 v44, v10  }
0x39f: {  	v50 =	vld [tilespmem:s28+$0x0];
	v5 =	vadd.f32 v29, v5;
	v4 =	vadd.f32 v56, v4  }
0x3a0: {  	s5 =	sor.u32 s0, s31;
	s30 =	sor.u32 s19, s31;
	s31 =	sor.u32 s16, s3;
	v51 =	vld [tilespmem:s6+$0x0];
	v39 =	vadd.f32 v57, v18;
	v18 =	vadd.f32 v61, v40  }
0x3a1: {  	v55 =	vld [tilespmem:s31+$0x0];
	v0 =	vadd.f32 v21, v0;
	v6 =	vadd.f32 v45, v6  }
0x3a2: {  	v53 =	vld [tilespmem:s30+$0x0];
	v1 =	vadd.f32 v52, v1;
	v5 =	vadd.f32 v31, v5  }
0x3a3: {  	s7 =	sor.u32 s16, s20;
	v54 =	vld [tilespmem:s5+$0x0];
	v4 =	vadd.f32 v59, v4;
	v6 =	vadd.f32 v46, v6  }
0x3a4: {  	s6 =	sor.u32 s19, s3;
	v58 =	vld [tilespmem:s7+$0x0];
	v0 =	vadd.f32 v15, v0;
	v5 =	vadd.f32 v37, v5  }
0x3a5: {  	s4 =	sor.u32 s0, s3;
	v56 =	vld [tilespmem:s6+$0x0];
	v14 =	vadd.f32 v60, v39;
	v6 =	vadd.f32 v47, v6  }
0x3a6: {  	s9 =	sor.u32 s16, s2;
	v57 =	vld [tilespmem:s4+$0x0];
	v0 =	vadd.f32 v11, v0;
	v5 =	vadd.f32 v38, v5  }
0x3a7: {  	s8 =	sor.u32 s19, s20;
	v61 =	vld [tilespmem:s9+$0x0];
	v1 =	vadd.f32 v55, v1;
	v6 =	vadd.f32 v48, v6  }
0x3a8: {  	s3 =	sor.u32 s0, s20;
	v59 =	vld [tilespmem:s8+$0x0];
	v0 =	vadd.f32 v9, v0;
	v5 =	vadd.f32 v50, v5  }
0x3a9: {  	s11 =	sand.u32 $0x380, s11;
	s20 =	sor.u32 s19, s2;
	v60 =	vld [tilespmem:s3+$0x0];
	v4 =	vadd.f32 v62, v4;
	v6 =	vadd.f32 v51, v6  }
0x3aa: {  	s21 =	sadd.s32 $0x14700, s11;
	s23 =	sor.u32 s16, s1;
	v62 =	vld [tilespmem:s20+$0x0];
	v0 =	vadd.f32 v8, v0;
	v5 =	vadd.f32 v53, v5  }
0x3ab: {  	s11 =	simm.s32 $0x4;
	s22 =	sor.u32 s13, s21;
	s2 =	sor.u32 s0, s2;
	v14 =	vadd.f32 v63, v14;
	v63 =	vld [tilespmem:s23+$0x0];
	v6 =	vadd.f32 v54, v6  }
0x3ac: {  	s24 =	sor.u32 s19, s1;
	s1 =	sor.u32 s0, s1;
	s3 =	sor.u32 s10, s21;
	v8 =	vld [tilespmem:s2+$0x0];
	v7 =	vadd.f32 v7, v0;
	v5 =	vadd.f32 v56, v5  }
0x3ad: {  	s13 =	simm.s32 $0x80;
	s29 =	sand.u32 $0x380, s15;
	s4 =	sor.u32 s12, s21;
	[tilespmem:s3+$0x0] =	vst v3;
	v0 =	vld [tilespmem:s1+$0x0];
	v3 =	vadd.f32 v57, v6;
	v6 =	vadd.f32 v58, v1  }
0x3ae: {  	s25 =	sor.u32 s16, s18;
	s30 =	sadd.s32 $0x14700, s29;
	s10 =	simm.s32 $0x14700;
	[tilespmem:s4+$0x0] =	vst v4;
	v4 =	vadd.f32 v2, v7;
	v1 =	vld [tilespmem:s24+$0x0];
	v5 =	vadd.f32 v59, v5  }
0x3af: {  	s26 =	sor.u32 s19, s18;
	s28 =	sor.u32 s0, s18;
	s31 =	sor.u32 s14, s30;
	[tilespmem:s10+$0x0] =	vst v18;
	v2 =	vld [tilespmem:s25+$0x0];
	v9 =	vadd.f32 v60, v3;
	v10 =	vadd.f32 v61, v6  }
0x3b0: {  	s5 =	sor.u32 s19, s17;
	s19 =	sor.u32 s19, s30;
	s6 =	sor.u32 s16, s17;
	[tilespmem:s31+$0x0] =	vst v4;
	v4 =	vld [tilespmem:s28+$0x0];
	v7 =	vadd.f32 v62, v5  }
0x3b1: {  	s12 =	simm.s32 $0x400;
	[tilespmem:s22+$0x0] =	vst v14;
	s4 =	sor.u32 s0, s17;
	s2 =	sor.u32 s0, s30;
	v3 =	vld [tilespmem:s26+$0x0];
	v6 =	vadd.f32 v8, v9;
	v5 =	vadd.f32 v63, v10  }
.LBB2_22:
0x3b2: {  	s3 =	sand.u32 $0x40, s13;
	s9 =	sand.u32 $0x1C00, s12;
	v8 =	vld [tilespmem:s6+$0x0]  }
0x3b3: {  	s0 =	sadd.s32 $0x11780, s9;
	s14 =	sor.u32 $0x30, s3;
	v1 =	vadd.f32 v1, v7;
	v7 =	vld [tilespmem:s5+$0x0]  }
0x3b4: {  	s20 =	sor.u32 s14, s0;
	v2 =	vadd.f32 v2, v5;
	v5 =	vld [tilespmem:s4+$0x0]  }
0x3b5: {  	v0 =	vadd.f32 v0, v6;
	v6 =	vld [tilespmem:s20+$0x0]  }
0x3b6: {  	s16 =	sor.u32 s3, s0;
	v1 =	vadd.f32 v3, v1;
	v3 =	vld [tilespmem:s20+$0x80]  }
0x3b7: {  	v0 =	vadd.f32 v4, v0;
	v4 =	vld [tilespmem:s16+$0x0]  }
0x3b8: {  	v2 =	vadd.f32 v8, v2;
	v8 =	vld [tilespmem:s20+$0x100]  }
0x3b9: {  	s10 =	sadd.s32 $0x40, s10;
	v1 =	vadd.f32 v7, v1;
	v7 =	vld [tilespmem:s16+$0x80]  }
0x3ba: {  	[tilespmem:s10+$0x0] =	vst v2;
	v0 =	vadd.f32 v5, v0;
	v2 =	vld [tilespmem:s20+$0x180]  }
0x3bb: {  	v62 =	vld [tilespmem:s16+$0x300]  }
0x3bc: {  	s17 =	sor.u32 $0x10, s3;
	[tilespmem:s2+$0x0] =	vst v0;
	v0 =	vld [tilespmem:s20+$0x200]  }
0x3bd: {  	s1 =	sor.u32 s17, s0;
	[tilespmem:s19+$0x0] =	vst v1;
	v3 =	vadd.f32 v3, v6;
	v6 =	vld [tilespmem:s20+$0x280]  }
0x3be: {  	v1 =	vld [tilespmem:s1+$0x0]  }
0x3bf: {  	s18 =	sor.u32 $0x20, s3;
	v5 =	vld [tilespmem:s1+$0x80]  }
0x3c0: {  	s15 =	sor.u32 s18, s0;
	v9 =	vld [tilespmem:s1+$0x100];
	v3 =	vadd.f32 v8, v3  }
0x3c1: {  	v8 =	vld [tilespmem:s15+$0x80]  }
0x3c2: {  	v4 =	vadd.f32 v7, v4;
	v7 =	vld [tilespmem:s15+$0x0];
	v2 =	vadd.f32 v2, v3  }
0x3c3: {  	v3 =	vld [tilespmem:s20+$0x300]  }
0x3c4: {  	v0 =	vadd.f32 v0, v2;
	v2 =	vld [tilespmem:s20+$0x380]  }
0x3c5: {  	s21 =	sadd.s32 $0x12B80, s9;
	v1 =	vadd.f32 v5, v1;
	v5 =	vld [tilespmem:s16+$0x100]  }
0x3c6: {  	s25 =	sadd.s32 $0x12C00, s9;
	s24 =	sor.u32 s14, s21;
	v60 =	vld [tilespmem:s1+$0x180];
	v0 =	vadd.f32 v6, v0  }
0x3c7: {  	s30 =	sadd.s32 $0x12C80, s9;
	s22 =	sor.u32 s3, s21;
	s29 =	sor.u32 s14, s25;
	v6 =	vld [tilespmem:s24+$0x0]  }
0x3c8: {  	s7 =	sadd.s32 $0x12D80, s9;
	s23 =	sor.u32 s17, s21;
	[dreg:$0x15] =	wrdreg s22;
	v0 =	vadd.f32 v3, v0;
	v3 =	vadd.f32 v8, v7;
	v7 =	vld [tilespmem:s29+$0x0]  }
0x3c9: {  	s0 =	sor.u32 s18, s21;
	[dreg:$0x5] =	wrdreg s23;
	s4 =	sor.u32 s14, s30;
	v8 =	vld [tilespmem:s15+$0x100]  }
0x3ca: {  	s26 =	sor.u32 s3, s25;
	s28 =	sor.u32 s17, s25;
	[dreg:$0xc] =	wrdreg s0;
	v0 =	vadd.f32 v2, v0;
	v2 =	vadd.f32 v5, v4;
	v4 =	vld [tilespmem:s4+$0x0]  }
0x3cb: {  	s31 =	sor.u32 s17, s30;
	[dreg:$0x16] =	wrdreg s26;
	s5 =	sadd.s32 $0x12D00, s9;
	v5 =	vld [tilespmem:s16+$0x180]  }
0x3cc: {  	s8 =	sor.u32 s14, s7;
	[dreg:$0xb] =	wrdreg s28;
	s6 =	sor.u32 s14, s5;
	v61 =	vld [tilespmem:s1+$0x200];
	v0 =	vadd.f32 v6, v0  }
0x3cd: {  	s21 =	sor.u32 s18, s7;
	s23 =	sor.u32 s18, s25;
	[dreg:$0x17] =	wrdreg s31;
	v6 =	vld [tilespmem:s6+$0x0]  }
0x3ce: {  	s26 =	sor.u32 s18, s30;
	s31 =	sor.u32 s3, s7;
	s19 =	sadd.s32 $0x12E00, s9;
	v3 =	vadd.f32 v8, v3;
	v8 =	vld [tilespmem:s15+$0x180];
	v0 =	vadd.f32 v7, v0  }
0x3cf: {  	s28 =	sor.u32 s3, s5;
	s25 =	sor.u32 s17, s5;
	s2 =	sor.u32 s14, s19;
	v7 =	vld [tilespmem:s8+$0x0]  }
0x3d0: {  	s24 =	sor.u32 s3, s30;
	s30 =	sor.u32 s18, s5;
	s5 =	sadd.s32 $0x12E80, s9;
	v2 =	vadd.f32 v5, v2;
	v5 =	vld [tilespmem:s16+$0x200];
	v0 =	vadd.f32 v4, v0  }
0x3d1: {  	s22 =	sor.u32 s17, s19;
	s20 =	sor.u32 s3, s19;
	s6 =	sor.u32 s14, s5;
	v4 =	vld [tilespmem:s2+$0x0]  }
0x3d2: {  	s29 =	sor.u32 s17, s7;
	s7 =	sor.u32 s18, s19;
	s19 =	sadd.s32 $0x12F00, s9;
	v0 =	vadd.f32 v6, v0;
	v6 =	vld [tilespmem:s6+$0x0]  }
0x3d3: {  	s0 =	sor.u32 s3, s5;
	s6 =	sor.u32 s3, s19;
	s3 =	sor.u32 s14, s19;
	v3 =	vadd.f32 v8, v3;
	v8 =	vld [tilespmem:s15+$0x200]  }
0x3d4: {  	v0 =	vadd.f32 v7, v0;
	v7 =	vld [tilespmem:s3+$0x0];
	s3 =	sand.u32 $0x380, s13  }
0x3d5: {  	v63 =	vld [tilespmem:s20+$0x0];
	s9 =	sor.u32 s18, s5;
	s4 =	sor.u32 s18, s19;
	s3 =	sadd.s32 $0x14700, s3  }
0x3d6: {  	s8 =	sor.u32 s17, s5;
	s5 =	sor.u32 s17, s19;
	v0 =	vadd.f32 v4, v0;
	v4 =	vld [tilespmem:s16+$0x280];
	s19 =	sor.u32 s17, s3  }
0x3d7: {  	v1 =	vadd.f32 v9, v1;
	v2 =	vadd.f32 v5, v2;
	v5 =	vld [tilespmem:s1+$0x280];
	s2 =	sor.u32 s18, s3;
	s3 =	sor.u32 s14, s3;
	s14 =	rddreg [dreg:$0x15]  }
0x3d8: {  	v3 =	vadd.f32 v8, v3;
	v8 =	vld [tilespmem:s14+$0x0];
	v0 =	vadd.f32 v6, v0  }
0x3d9: {  	v1 =	vadd.f32 v60, v1;
	v6 =	vld [tilespmem:s15+$0x280]  }
0x3da: {  	v0 =	vadd.f32 v7, v0;
	v7 =	vld [tilespmem:s1+$0x300]  }
0x3db: {  	v1 =	vadd.f32 v61, v1;
	v2 =	vadd.f32 v4, v2;
	v4 =	vld [tilespmem:s15+$0x300]  }
0x3dc: {  	[tilespmem:s3+$0x0] =	vst v0;
	v0 =	vld [tilespmem:s16+$0x380]  }
0x3dd: {  	v1 =	vadd.f32 v5, v1;
	v5 =	vld [tilespmem:s1+$0x380]  }
0x3de: {  	v3 =	vadd.f32 v6, v3;
	v6 =	vld [tilespmem:s15+$0x380];
	s15 =	rddreg [dreg:$0x5]  }
0x3df: {  	s17 =	rddreg [dreg:$0x16];
	v2 =	vadd.f32 v62, v2;
	v1 =	vadd.f32 v7, v1;
	v7 =	vld [tilespmem:s15+$0x0]  }
0x3e0: {  	s16 =	rddreg [dreg:$0xc];
	v3 =	vadd.f32 v4, v3;
	v4 =	vld [tilespmem:s17+$0x0]  }
0x3e1: {  	s18 =	rddreg [dreg:$0xb];
	v0 =	vadd.f32 v0, v2;
	v2 =	vld [tilespmem:s16+$0x0]  }
0x3e2: {  	v1 =	vadd.f32 v5, v1;
	v5 =	vld [tilespmem:s18+$0x0]  }
0x3e3: {  	v3 =	vadd.f32 v6, v3;
	v6 =	vld [tilespmem:s23+$0x0]  }
0x3e4: {  	v0 =	vadd.f32 v8, v0;
	v8 =	vld [tilespmem:s24+$0x0];
	s24 =	rddreg [dreg:$0x17]  }
0x3e5: {  	v1 =	vadd.f32 v7, v1;
	v7 =	vld [tilespmem:s24+$0x0]  }
0x3e6: {  	v0 =	vadd.f32 v4, v0;
	v4 =	vld [tilespmem:s28+$0x0]  }
0x3e7: {  	v2 =	vadd.f32 v2, v3;
	v3 =	vld [tilespmem:s26+$0x0]  }
0x3e8: {  	v1 =	vadd.f32 v5, v1;
	v5 =	vld [tilespmem:s25+$0x0]  }
0x3e9: {  	v0 =	vadd.f32 v8, v0;
	v8 =	vld [tilespmem:s31+$0x0]  }
0x3ea: {  	v2 =	vadd.f32 v6, v2;
	v6 =	vld [tilespmem:s30+$0x0]  }
0x3eb: {  	s11 =	sadd.s32 $0x4, s11;
	v1 =	vadd.f32 v7, v1;
	v7 =	vld [tilespmem:s29+$0x0]  }
0x3ec: {  	p0 =	slt.u32 s11, $0x24;
	v0 =	vadd.f32 v4, v0;
	v4 =	vld [tilespmem:s21+$0x0]  }
.Ltmp11:
0x3ed: {  	v2 =	vadd.f32 v3, v2;
	v3 =	vadd.f32 v5, v1;
	v1 =	vld [tilespmem:s22+$0x0];
	(pc) =	sbr.rel @p0 .LBB2_22-.Ltmp11, $4  }
0x3ee: {  	v8 =	vadd.f32 v8, v0;
	v0 =	vld [tilespmem:s7+$0x0]  }
0x3ef: {  	v5 =	vadd.f32 v6, v2;
	v2 =	vld [tilespmem:s0+$0x0]  }
0x3f0: {  	v7 =	vadd.f32 v7, v3;
	v3 =	vld [tilespmem:s8+$0x0]  }
0x3f1: {  	s12 =	sadd.s32 $0x200, s12;
	s13 =	sadd.s32 $0x40, s13;
	v6 =	vadd.f32 v4, v5;
	v5 =	vadd.f32 v63, v8;
	v4 =	vld [tilespmem:s9+$0x0]  }
0x3f2: {  	v8 =	vld [tilespmem:s6+$0x0]  }
0x3f3: {  	v9 =	vld [tilespmem:s5+$0x0]  }
0x3f4: {  	v1 =	vadd.f32 v1, v7;
	v7 =	vld [tilespmem:s4+$0x0]  }
0x3f5: {  	v0 =	vadd.f32 v0, v6;
	v2 =	vadd.f32 v2, v5  }
0x3f6: {  	v1 =	vadd.f32 v3, v1  }
0x3f7: {  	v0 =	vadd.f32 v4, v0;
	v2 =	vadd.f32 v8, v2  }
0x3f8: {  	s0 =	sadd.s32 $0x40, s10;
	v1 =	vadd.f32 v9, v1  }
0x3f9: {  	v0 =	vadd.f32 v7, v0;
	[tilespmem:s0+$0x0] =	vst v2  }
0x3fa: {  	[tilespmem:s19+$0x0] =	vst v1  }
0x3fb: {  	s0 =	simm.s32 $0x14710;
	[tilespmem:s2+$0x0] =	vst v0  }
0x3fc: {  	s1 =	simm.s32 $0x13F90;
	v0 =	vld [tilespmem:s0+$0x0]  }
0x3fd: {  	v2 =	vld [tilespmem:s1+$0x0]  }
0x3fe: {  	v4 =	vld [tilespmem:s1+$0xFFFFFFF0]  }
0x3ff: {  	v3 =	vld [tilespmem:s0+$0xFFFFFFF0];
	_ =	sdelay $0x1  }
0x400: {  	s1 =	simm.s32 $0x14730  }
0x401: {  	s31 =	simm.s32 $0x13FB0;
	v1 =	vld [tilespmem:s1+$0x0];
	v5 =	vadd.f32 v0, v2  }
0x402: {  	v0 =	vld [tilespmem:s31+$0xFFFFFFF0]  }
0x403: {  	v6 =	vadd.f32 v3, v4;
	v5 =	vmul.f32 v5, v2;
	v2 =	vld [tilespmem:s31+$0x0]  }
0x404: {  	v3 =	vld [tilespmem:s1+$0xFFFFFFF0]  }
0x405: {  	s3 =	simm.s32 $0x13FD0;
	s2 =	simm.s32 $0x2;
	v4 =	vmul.f32 v6, v4;
	[tilespmem:s0+$0x0] =	vst v5  }
.LBB2_24:
0x406: {  	s2 =	sadd.s32 $0x2, s2  }
0x407: {  	v5 =	vld [tilespmem:s3+$0xFFFFFFF0];
	[tilespmem:s0+$0xFFFFFFF0] =	vst v4;
	s0 =	smov.u32 s1;
	s1 =	sadd.s32 $0x20, s1;
	p0 =	slt.u32 s2, $0x26  }
.Ltmp12:
0x408: {  	v4 =	vadd.f32 v1, v2;
	v1 =	vld [tilespmem:s1+$0x0];
	v6 =	vmov v2;
	(pc) =	sbr.rel @p0 .LBB2_24-.Ltmp12, $4  }
0x409: {  	v2 =	vld [tilespmem:s3+$0x0];
	v7 =	vadd.f32 v3, v0  }
0x40a: {  	v3 =	vld [tilespmem:s1+$0xFFFFFFF0];
	v6 =	vmul.f32 v4, v6  }
0x40b: {  	v4 =	vmul.f32 v7, v0  }
0x40c: {  	s3 =	sadd.s32 $0x20, s3;
	[tilespmem:s0+$0x0] =	vst v6;
	v0 =	vmov v5  }
0x40d: {  	_ = 	snop  }
0x40e: {  	v1 =	vadd.f32 v1, v2  }
0x40f: {  	v3 =	vadd.f32 v3, v0  }
0x410: {  	v1 =	vmul.f32 v1, v2  }
0x411: {  	[tilespmem:s0+$0xFFFFFFF0] =	vst v4;
	v0 =	vmul.f32 v3, v0  }
0x412: {  	[tilespmem:s1+$0x0] =	vst v1  }
0x413: {  	[tilespmem:s1+$0xFFFFFFF0] =	vst v0  }
0x414: {  	s2 =	sld [smem:$0x7FD];
	_ =	sdelay $0x1  }
0x415: {  	s26 =	simm.s32 $0x0;
	s28 =	simm.s32 $0x14700;
	s29 =	simm.s32 $0x2  }
0x416: {  	[hbm4b:s2+s26] =	stream.linear.scatter [tilespmem:s28], [sflag:$0x2], $0x280, $0x38;
	[tilespmem:$0x15180] =	vst v63  }
0x417: {  	_ =	swait.ge [sflag:s29], $0x280  }
0x418: {  	[sflag:s29] =	ssyncset.done $0x0  }
0x419: {  	s30 =	simm.s32 $0x1;
	[sflag:s29] =	ssyncadd.s32 $0xFFFFFD80  }
0x41a: {  	_ =	swait.ge [sflag:s30], $0x2780  }
0x41b: {  	[sflag:s30] =	ssyncset.done $0x0  }
0x41c: {  	s31 =	simm.s32 $0x20;
	[sflag:s30] =	ssyncadd.s32 $0xFFFFD880  }
0x41d: {  	v1 =	vld [tilespmem:s31+$0x10]  }
0x41e: {  	v2 =	vld [tilespmem:s31+$0xFFFFFFF0]  }
0x41f: {  	v3 =	vld [tilespmem:s31+$0x0]  }
0x420: {  	v5 =	vld [tilespmem:s31+$0xFFFFFFE0];
	_ =	sdelay $0x1  }
0x421: {  	s0 =	simm.s32 $0x27A0  }
0x422: {  	v6 =	vld [tilespmem:s0+$0x10]  }
0x423: {  	s1 =	simm.s32 $0x9D80;
	v0 =	vld [tilespmem:s0+$0xFFFFFFE0]  }
0x424: {  	v7 =	vld.idx.msk [tilespmem:v1+s1+$0x0], $0xffff  }
0x425: {  	v1 =	vld.idx.msk [tilespmem:v2+s1+$0x0], $0xffff  }
0x426: {  	v4 =	vld.idx.msk [tilespmem:v3+s1+$0x0], $0xffff  }
0x427: {  	v2 =	vld.idx.msk [tilespmem:v5+s1+$0x0], $0xffff  }
0x428: {  	v3 =	vld [tilespmem:s0+$0xFFFFFFF0]  }
0x429: {  	s2 =	simm.s32 $0xC780;
	v5 =	vld [tilespmem:s0+$0x0]  }
0x42a: {  	[tilespmem:v6+s2+$0x0] =	vst.idx.add.f32.msk $0xffff, v7  }
0x42b: {  	s3 =	simm.s32 $0x0;
	s4 =	simm.s32 $0x60;
	s5 =	sld [smem:$0x7F0]  }
.LBB2_26:
0x42c: {  	v6 =	vld [tilespmem:s4+$0x10];
	s3 =	sadd.s32 $0x4, s3;
	v7 =	vmov v4  }
0x42d: {  	v4 =	vld [tilespmem:s4+$0xFFFFFFF0];
	p0 =	slt.u32 s3, $0x26C  }
0x42e: {  	v8 =	vld [tilespmem:s4+$0x0];
	v9 =	vmov v5  }
0x42f: {  	v5 =	vld [tilespmem:s4+$0xFFFFFFE0]  }
0x430: {  	[tilespmem:v0+s2+$0x0] =	vst.idx.add.f32.msk $0xffff, v2  }
0x431: {  	s0 =	sadd.s32 $0x40, s0;
	[tilespmem:v3+s2+$0x0] =	vst.idx.add.f32.msk $0xffff, v1  }
0x432: {  	v10 =	vld [tilespmem:s0+$0x10]  }
0x433: {  	v0 =	vld [tilespmem:s0+$0xFFFFFFE0]  }
0x434: {  	v6 =	vld.idx.msk [tilespmem:v6+s1+$0x0], $0xffff  }
0x435: {  	v1 =	vld.idx.msk [tilespmem:v4+s1+$0x0], $0xffff  }
0x436: {  	v4 =	vld.idx.msk [tilespmem:v8+s1+$0x0], $0xffff  }
.Ltmp13:
0x437: {  	v2 =	vld.idx.msk [tilespmem:v5+s1+$0x0], $0xffff;
	(pc) =	sbr.rel @p0 .LBB2_26-.Ltmp13, $4  }
0x438: {  	v3 =	vld [tilespmem:s0+$0xFFFFFFF0]  }
0x439: {  	v5 =	vld [tilespmem:s0+$0x0]  }
0x43a: {  	[tilespmem:v10+s2+$0x0] =	vst.idx.add.f32.msk $0xffff, v6  }
0x43b: {  	s4 =	sadd.s32 $0x40, s4;
	[tilespmem:v9+s2+$0x0] =	vst.idx.add.f32.msk $0xffff, v7  }
0x43c: {  	_ =	sdelay $0x3  }
0x43d: {  	[tilespmem:v0+s2+$0x0] =	vst.idx.add.f32.msk $0xffff, v2  }
0x43e: {  	[tilespmem:v3+s2+$0x0] =	vst.idx.add.f32.msk $0xffff, v1  }
0x43f: {  	[tilespmem:v5+s2+$0x0] =	vst.idx.add.f32.msk $0xffff, v4  }
0x440: {  	v0 =	vld [tilespmem:$0x2700];
	_ =	sdelay $0x4  }
0x441: {  	v1 =	vld [tilespmem:$0x4E80];
	_ =	sdelay $0x1  }
0x442: {  	s0 =	simm.s32 $0x9D80  }
0x443: {  	v0 =	vld.idx.msk [tilespmem:v0+s0+$0x0], $0xffff;
	_ =	sdelay $0x3  }
0x444: {  	s15 =	simm.s32 $0xC780  }
0x445: {  	s1 =	simm.s32 $0x80;
	s16 =	simm.s32 $0x400;
	s17 =	simm.s32 $0x2;
	[tilespmem:v1+s15+$0x0] =	vst.idx.add.f32.msk $0xffff, v0  }
0x446: {  	[hbm4b:s5+s1] =	stream.strided.scatter [tilespmem:s15], [sflag:$0x2], $0x2800, s16, s1, $0x38;
	[tilespmem:$0x15180] =	vst v63  }
0x447: {  	_ =	swait.ge [sflag:s17], $0x2800  }
0x448: {  	[sflag:s17] =	ssyncset.done $0x0  }
0x449: {  	[sflag:s17] =	ssyncadd.s32 $0xFFFFD800  }
0x44a: {  	[bflag:$0x0] =	sbarrier.arrive $0xFFFF  }
0x44b: {  	s4 =	sld [smem:$0x7F1]  }
0x44c: {  	s18 =	simm.s32 $0x1400  }
0x44d: {  	s19 =	simm.s32 $0x14000;
	s3 =	simm.s32 $0x11780;
	s8 =	simm.s32 $0x0  }
0x44e: {  	[tilespmem:s3], [sflag:$0x2] =	stream.strided.gather [hbm4b:s4+s18], $0x2800, s19, s18, $0x38;
	[tilespmem:$0x15180] =	vst v63  }
0x44f: {  	s20 =	sand.u32 $0x1C00, s8;
	s0 =	sand.u32 $0x40, s8;
	_ =	swait.ge [sflag:s17], $0x2800  }
0x450: {  	s21 =	sadd.s32 $0x11780, s20;
	s7 =	sor.u32 $0x30, s0;
	[sflag:s17] =	ssyncset.done $0x0  }
0x451: {  	s22 =	sor.u32 s7, s21;
	[sflag:s17] =	ssyncadd.s32 $0xFFFFD800  }
0x452: {  	v9 =	vld [tilespmem:s22+$0x0]  }
0x453: {  	s23 =	sor.u32 s0, s21;
	v10 =	vld [tilespmem:s22+$0x80]  }
0x454: {  	v11 =	vld [tilespmem:s23+$0x0]  }
0x455: {  	v12 =	vld [tilespmem:s22+$0x100]  }
0x456: {  	s9 =	sor.u32 $0x10, s0;
	v13 =	vld [tilespmem:s23+$0x80]  }
0x457: {  	s24 =	sor.u32 s9, s21;
	v14 =	vld [tilespmem:s22+$0x180]  }
0x458: {  	v15 =	vld [tilespmem:s24+$0x0]  }
0x459: {  	v16 =	vld [tilespmem:s22+$0x200]  }
0x45a: {  	s10 =	sor.u32 $0x20, s0;
	v17 =	vld [tilespmem:s24+$0x80]  }
0x45b: {  	s3 =	sor.u32 s10, s21;
	v18 =	vld [tilespmem:s22+$0x280]  }
0x45c: {  	v19 =	vld [tilespmem:s3+$0x0]  }
0x45d: {  	v20 =	vld [tilespmem:s22+$0x300]  }
0x45e: {  	v21 =	vld [tilespmem:s3+$0x80]  }
0x45f: {  	s6 =	sadd.s32 $0x12B80, s20;
	v8 =	vld [tilespmem:s22+$0x380]  }
0x460: {  	s25 =	sor.u32 s7, s6;
	v22 =	vld [tilespmem:s23+$0x100]  }
0x461: {  	s11 =	sadd.s32 $0x12C00, s20;
	v7 =	vld [tilespmem:s25+$0x0]  }
0x462: {  	s26 =	sor.u32 s7, s11;
	v23 =	vld [tilespmem:s24+$0x100]  }
0x463: {  	s12 =	sadd.s32 $0x12C80, s20;
	v2 =	vld [tilespmem:s26+$0x0]  }
0x464: {  	s28 =	sor.u32 s7, s12;
	v24 =	vld [tilespmem:s3+$0x100]  }
0x465: {  	s13 =	sadd.s32 $0x12D00, s20;
	v6 =	vld [tilespmem:s28+$0x0]  }
0x466: {  	s29 =	sor.u32 s7, s13;
	s16 =	sadd.s32 $0x12E80, s20;
	v25 =	vld [tilespmem:s23+$0x180]  }
0x467: {  	s17 =	sor.u32 s7, s16;
	v5 =	vld [tilespmem:s29+$0x0]  }
0x468: {  	s14 =	sadd.s32 $0x12D80, s20;
	v0 =	vld [tilespmem:s17+$0x0]  }
0x469: {  	s30 =	sor.u32 s7, s14;
	v26 =	vld [tilespmem:s24+$0x180]  }
0x46a: {  	s15 =	sadd.s32 $0x12E00, s20;
	v4 =	vld [tilespmem:s30+$0x0]  }
0x46b: {  	s31 =	sor.u32 s7, s15;
	v27 =	vld [tilespmem:s3+$0x180]  }
0x46c: {  	s1 =	sadd.s32 $0x12F00, s20;
	v3 =	vld [tilespmem:s31+$0x0]  }
0x46d: {  	s2 =	sor.u32 s7, s1;
	v28 =	vld [tilespmem:s23+$0x200];
	[tilespmem:$0x1FF80] =	vst v0  }
0x46e: {  	v0 =	vld [tilespmem:s2+$0x0];
	_ =	sdelay $0x4  }
0x46f: {  	v29 =	vld [tilespmem:s24+$0x200];
	[tilespmem:$0x1FF90] =	vst v0  }
0x470: {  	v30 =	vld [tilespmem:s3+$0x200]  }
0x471: {  	v31 =	vld [tilespmem:s23+$0x280]  }
0x472: {  	v32 =	vld [tilespmem:s24+$0x280]  }
0x473: {  	v33 =	vld [tilespmem:s3+$0x280]  }
0x474: {  	v34 =	vld [tilespmem:s23+$0x300]  }
0x475: {  	v35 =	vld [tilespmem:s24+$0x300]  }
0x476: {  	v36 =	vld [tilespmem:s3+$0x300]  }
0x477: {  	v37 =	vld [tilespmem:s23+$0x380]  }
0x478: {  	v38 =	vld [tilespmem:s24+$0x380]  }
0x479: {  	s17 =	sor.u32 s0, s6;
	v39 =	vld [tilespmem:s3+$0x380]  }
0x47a: {  	s18 =	sor.u32 s9, s6;
	v40 =	vld [tilespmem:s17+$0x0]  }
0x47b: {  	s19 =	sor.u32 s10, s6;
	v41 =	vld [tilespmem:s18+$0x0]  }
0x47c: {  	s20 =	sor.u32 s0, s11;
	v42 =	vld [tilespmem:s19+$0x0]  }
0x47d: {  	s21 =	sor.u32 s9, s11;
	v43 =	vld [tilespmem:s20+$0x0]  }
0x47e: {  	s22 =	sor.u32 s10, s11;
	v44 =	vld [tilespmem:s21+$0x0]  }
0x47f: {  	s25 =	sor.u32 s10, s12;
	v45 =	vld [tilespmem:s22+$0x0]  }
0x480: {  	s26 =	sor.u32 s0, s13;
	v48 =	vld [tilespmem:s25+$0x0]  }
0x481: {  	s28 =	sor.u32 s9, s13;
	v49 =	vld [tilespmem:s26+$0x0]  }
0x482: {  	s29 =	sor.u32 s10, s13;
	v50 =	vld [tilespmem:s28+$0x0]  }
0x483: {  	s30 =	sor.u32 s0, s14;
	v51 =	vld [tilespmem:s29+$0x0]  }
0x484: {  	s31 =	sor.u32 s9, s14;
	v52 =	vld [tilespmem:s30+$0x0]  }
0x485: {  	s4 =	sor.u32 s10, s14;
	v53 =	vld [tilespmem:s31+$0x0]  }
0x486: {  	s5 =	sor.u32 s0, s15;
	v54 =	vld [tilespmem:s4+$0x0]  }
0x487: {  	s6 =	sor.u32 s9, s15;
	v55 =	vld [tilespmem:s5+$0x0]  }
0x488: {  	s11 =	sor.u32 s10, s15;
	v56 =	vld [tilespmem:s6+$0x0]  }
0x489: {  	s13 =	sor.u32 s9, s16;
	v9 =	vadd.f32 v10, v9;
	v57 =	vld [tilespmem:s11+$0x0]  }
0x48a: {  	s14 =	sor.u32 s10, s16;
	v59 =	vld [tilespmem:s13+$0x0]  }
0x48b: {  	v9 =	vadd.f32 v12, v9;
	s23 =	sor.u32 s0, s12;
	v60 =	vld [tilespmem:s14+$0x0]  }
0x48c: {  	s24 =	sor.u32 s9, s12;
	v46 =	vld [tilespmem:s23+$0x0]  }
0x48d: {  	v9 =	vadd.f32 v14, v9;
	s12 =	sor.u32 s0, s16;
	v47 =	vld [tilespmem:s24+$0x0]  }
0x48e: {  	s15 =	simm.s32 $0x200;
	v15 =	vadd.f32 v17, v15;
	s0 =	sor.u32 s0, s1;
	v58 =	vld [tilespmem:s12+$0x0]  }
0x48f: {  	v9 =	vadd.f32 v16, v9;
	s16 =	sor.u32 s9, s1;
	s17 =	sand.u32 $0x1C00, s15;
	s12 =	simm.s32 $0x40;
	v61 =	vld [tilespmem:s0+$0x0]  }
0x490: {  	v15 =	vadd.f32 v23, v15;
	s24 =	sor.u32 s10, s1;
	s25 =	sadd.s32 $0x11780, s17;
	v62 =	vld [tilespmem:s16+$0x0];
	s13 =	sand.u32 $0x40, s12  }
0x491: {  	v9 =	vadd.f32 v18, v9;
	v18 =	vadd.f32 v21, v19;
	v63 =	vld [tilespmem:s24+$0x0];
	s28 =	sor.u32 s13, s25  }
0x492: {  	v26 =	vadd.f32 v26, v15;
	v1 =	vld [tilespmem:s28+$0x0]  }
0x493: {  	s11 =	sor.u32 $0x30, s13;
	v18 =	vadd.f32 v24, v18;
	v24 =	vld [tilespmem:s28+$0x80]  }
0x494: {  	v29 =	vadd.f32 v29, v26;
	s26 =	sor.u32 s11, s25;
	v26 =	vld [tilespmem:s28+$0x100]  }
0x495: {  	v0 =	vld [tilespmem:s26+$0x0]  }
0x496: {  	v12 =	vld [tilespmem:s26+$0x80]  }
0x497: {  	v14 =	vld [tilespmem:s26+$0x100]  }
0x498: {  	v10 =	vld [tilespmem:s26+$0x180]  }
0x499: {  	v11 =	vadd.f32 v13, v11;
	v16 =	vld [tilespmem:s26+$0x200]  }
0x49a: {  	v13 =	vld [tilespmem:s26+$0x280]  }
0x49b: {  	v11 =	vadd.f32 v22, v11;
	s29 =	sadd.s32 $0x12B80, s17;
	v17 =	vld [tilespmem:s26+$0x300]  }
0x49c: {  	s31 =	sadd.s32 $0x12C00, s17;
	s30 =	sor.u32 s11, s29;
	v19 =	vld [tilespmem:s26+$0x380]  }
0x49d: {  	v11 =	vadd.f32 v25, v11;
	s3 =	sadd.s32 $0x12C80, s17;
	v9 =	vadd.f32 v20, v9;
	s2 =	sor.u32 s11, s31;
	v20 =	vld [tilespmem:s30+$0x0]  }
0x49e: {  	s19 =	sadd.s32 $0x12D00, s17;
	s18 =	sor.u32 s11, s3;
	v21 =	vld [tilespmem:s2+$0x0]  }
0x49f: {  	v28 =	vadd.f32 v28, v11;
	s16 =	sor.u32 $0x10, s13;
	s20 =	sor.u32 s11, s19;
	v15 =	vld [tilespmem:s18+$0x0]  }
0x4a0: {  	s24 =	sor.u32 s16, s25;
	v8 =	vadd.f32 v8, v9;
	v11 =	vld [tilespmem:s20+$0x0]  }
0x4a1: {  	v18 =	vadd.f32 v27, v18;
	v22 =	vadd.f32 v31, v28;
	v25 =	vld [tilespmem:s24+$0x0]  }
0x4a2: {  	v23 =	vadd.f32 v32, v29;
	v27 =	vld [tilespmem:s28+$0x180];
	v7 =	vadd.f32 v7, v8  }
0x4a3: {  	v28 =	vld [tilespmem:s28+$0x200];
	v18 =	vadd.f32 v30, v18;
	v22 =	vadd.f32 v34, v22  }
0x4a4: {  	s2 =	sadd.s32 $0x12D80, s17;
	v29 =	vld [tilespmem:s24+$0x200];
	v23 =	vadd.f32 v35, v23;
	v31 =	vadd.f32 v2, v7  }
0x4a5: {  	s1 =	sadd.s32 $0x12E00, s17;
	v32 =	vld [tilespmem:s28+$0x300];
	s21 =	sor.u32 s11, s2;
	v18 =	vadd.f32 v33, v18;
	v22 =	vadd.f32 v37, v22  }
0x4a6: {  	s22 =	sor.u32 s11, s1;
	v9 =	vld [tilespmem:s21+$0x0];
	v1 =	vadd.f32 v24, v1;
	v0 =	vadd.f32 v12, v0  }
0x4a7: {  	v8 =	vld [tilespmem:s22+$0x0];
	v6 =	vadd.f32 v6, v31;
	v18 =	vadd.f32 v36, v18  }
0x4a8: {  	v34 =	vld [tilespmem:$0x1FF80];
	v22 =	vadd.f32 v40, v22;
	v1 =	vadd.f32 v26, v1  }
0x4a9: {  	s15 =	sadd.s32 $0x12E80, s17;
	v30 =	vld [tilespmem:s28+$0x280];
	v0 =	vadd.f32 v14, v0;
	v5 =	vadd.f32 v5, v6  }
0x4aa: {  	s14 =	sadd.s32 $0x12F00, s17;
	s23 =	sor.u32 s11, s15;
	v35 =	vld [tilespmem:$0x1FF90];
	v6 =	vadd.f32 v38, v23;
	v18 =	vadd.f32 v39, v18  }
0x4ab: {  	s18 =	sor.u32 s11, s14;
	v7 =	vld [tilespmem:s23+$0x0];
	v22 =	vadd.f32 v43, v22;
	v1 =	vadd.f32 v27, v1  }
0x4ac: {  	v2 =	vld [tilespmem:s18+$0x0];
	v0 =	vadd.f32 v10, v0;
	v4 =	vadd.f32 v4, v5  }
0x4ad: {  	s0 =	sor.u32 $0x20, s13;
	v23 =	vld [tilespmem:s24+$0x80];
	v5 =	vadd.f32 v41, v6;
	v18 =	vadd.f32 v42, v18  }
0x4ae: {  	s17 =	sor.u32 s0, s25;
	v37 =	vld [tilespmem:s24+$0x300];
	v22 =	vadd.f32 v46, v22;
	v1 =	vadd.f32 v28, v1  }
0x4af: {  	v41 =	vld [tilespmem:s17+$0x0];
	v0 =	vadd.f32 v16, v0;
	v3 =	vadd.f32 v3, v4  }
0x4b0: {  	v42 =	vld [tilespmem:s17+$0x80];
	v4 =	vadd.f32 v44, v5;
	v18 =	vadd.f32 v45, v18  }
0x4b1: {  	v6 =	vld [tilespmem:s24+$0x100];
	v22 =	vadd.f32 v49, v22;
	v1 =	vadd.f32 v30, v1  }
0x4b2: {  	v31 =	vld [tilespmem:s24+$0x280];
	v23 =	vadd.f32 v23, v25;
	v0 =	vadd.f32 v13, v0  }
0x4b3: {  	v36 =	vld [tilespmem:s28+$0x380];
	v3 =	vadd.f32 v34, v3;
	v4 =	vadd.f32 v47, v4  }
0x4b4: {  	v43 =	vld [tilespmem:s17+$0x100];
	v18 =	vadd.f32 v48, v18;
	v22 =	vadd.f32 v52, v22  }
0x4b5: {  	v5 =	vld [tilespmem:s24+$0x180];
	v1 =	vadd.f32 v32, v1;
	v10 =	vadd.f32 v42, v41  }
0x4b6: {  	s25 =	sor.u32 s13, s29;
	v38 =	vld [tilespmem:s24+$0x380];
	v0 =	vadd.f32 v17, v0;
	v6 =	vadd.f32 v6, v23  }
0x4b7: {  	v49 =	vld [tilespmem:s25+$0x0];
	v3 =	vadd.f32 v35, v3;
	v4 =	vadd.f32 v50, v4  }
0x4b8: {  	v44 =	vld [tilespmem:s17+$0x180];
	v18 =	vadd.f32 v51, v18;
	v22 =	vadd.f32 v55, v22  }
0x4b9: {  	v46 =	vld [tilespmem:s17+$0x280];
	v1 =	vadd.f32 v36, v1;
	v10 =	vadd.f32 v43, v10  }
0x4ba: {  	s28 =	sor.u32 s13, s31;
	v45 =	vld [tilespmem:s17+$0x200];
	v0 =	vadd.f32 v19, v0;
	v5 =	vadd.f32 v5, v6  }
0x4bb: {  	v52 =	vld [tilespmem:s28+$0x0];
	v4 =	vadd.f32 v53, v4;
	v18 =	vadd.f32 v54, v18  }
0x4bc: {  	v47 =	vld [tilespmem:s17+$0x300];
	v40 =	vadd.f32 v58, v22;
	v1 =	vadd.f32 v49, v1  }
0x4bd: {  	s26 =	sor.u32 s16, s29;
	v48 =	vld [tilespmem:s17+$0x380];
	v6 =	vadd.f32 v44, v10;
	v0 =	vadd.f32 v20, v0  }
0x4be: {  	s6 =	sor.u32 s0, s29;
	v50 =	vld [tilespmem:s26+$0x0];
	v5 =	vadd.f32 v29, v5;
	v4 =	vadd.f32 v56, v4  }
0x4bf: {  	s30 =	sor.u32 s13, s3;
	v51 =	vld [tilespmem:s6+$0x0];
	v39 =	vadd.f32 v57, v18;
	v18 =	vadd.f32 v61, v40  }
0x4c0: {  	s29 =	sor.u32 s16, s31;
	v55 =	vld [tilespmem:s30+$0x0];
	v1 =	vadd.f32 v52, v1;
	v6 =	vadd.f32 v45, v6  }
0x4c1: {  	s5 =	sor.u32 s0, s31;
	v53 =	vld [tilespmem:s29+$0x0];
	v0 =	vadd.f32 v21, v0;
	v5 =	vadd.f32 v31, v5  }
0x4c2: {  	s6 =	sor.u32 s13, s19;
	v54 =	vld [tilespmem:s5+$0x0];
	v4 =	vadd.f32 v59, v4;
	v6 =	vadd.f32 v46, v6  }
0x4c3: {  	s31 =	sor.u32 s16, s3;
	v58 =	vld [tilespmem:s6+$0x0];
	v0 =	vadd.f32 v15, v0;
	v5 =	vadd.f32 v37, v5  }
0x4c4: {  	s4 =	sor.u32 s0, s3;
	v56 =	vld [tilespmem:s31+$0x0];
	v14 =	vadd.f32 v60, v39;
	v6 =	vadd.f32 v47, v6  }
0x4c5: {  	s18 =	sor.u32 s13, s2;
	v57 =	vld [tilespmem:s4+$0x0];
	v0 =	vadd.f32 v11, v0;
	v5 =	vadd.f32 v38, v5  }
0x4c6: {  	s17 =	sor.u32 s16, s19;
	v61 =	vld [tilespmem:s18+$0x0];
	v1 =	vadd.f32 v55, v1;
	v6 =	vadd.f32 v48, v6  }
0x4c7: {  	s3 =	sor.u32 s0, s19;
	v59 =	vld [tilespmem:s17+$0x0];
	v0 =	vadd.f32 v9, v0;
	v5 =	vadd.f32 v50, v5  }
0x4c8: {  	s20 =	sor.u32 s16, s2;
	v60 =	vld [tilespmem:s3+$0x0];
	v4 =	vadd.f32 v62, v4;
	v6 =	vadd.f32 v51, v6  }
0x4c9: {  	s2 =	sor.u32 s0, s2;
	s23 =	sor.u32 s13, s1;
	s19 =	sand.u32 $0x380, s8;
	v62 =	vld [tilespmem:s20+$0x0];
	v0 =	vadd.f32 v8, v0;
	v5 =	vadd.f32 v53, v5  }
0x4ca: {  	s24 =	sor.u32 s16, s1;
	s1 =	sor.u32 s0, s1;
	s21 =	sadd.s32 $0x14700, s19;
	v14 =	vadd.f32 v63, v14;
	v63 =	vld [tilespmem:s23+$0x0];
	v6 =	vadd.f32 v54, v6  }
0x4cb: {  	s25 =	sor.u32 s13, s15;
	s28 =	sor.u32 s0, s15;
	s3 =	sor.u32 s7, s21;
	v8 =	vld [tilespmem:s2+$0x0];
	v7 =	vadd.f32 v7, v0;
	v5 =	vadd.f32 v56, v5  }
0x4cc: {  	s26 =	sor.u32 s16, s15;
	s8 =	simm.s32 $0x4;
	s4 =	sor.u32 s9, s21;
	[tilespmem:s3+$0x0] =	vst v3;
	v0 =	vld [tilespmem:s1+$0x0];
	v3 =	vadd.f32 v57, v6;
	v6 =	vadd.f32 v58, v1  }
0x4cd: {  	s22 =	sor.u32 s10, s21;
	s29 =	sand.u32 $0x380, s12;
	s7 =	simm.s32 $0x14700;
	[tilespmem:s4+$0x0] =	vst v4;
	v1 =	vld [tilespmem:s24+$0x0];
	v4 =	vadd.f32 v2, v7;
	v5 =	vadd.f32 v59, v5  }
0x4ce: {  	s6 =	sor.u32 s13, s14;
	s5 =	sor.u32 s16, s14;
	s30 =	sadd.s32 $0x14700, s29;
	[tilespmem:s7+$0x0] =	vst v18;
	v2 =	vld [tilespmem:s25+$0x0];
	v9 =	vadd.f32 v60, v3;
	v10 =	vadd.f32 v61, v6  }
0x4cf: {  	s10 =	simm.s32 $0x80;
	s16 =	sor.u32 s16, s30;
	s31 =	sor.u32 s11, s30;
	[tilespmem:s22+$0x0] =	vst v14;
	v7 =	vadd.f32 v62, v5;
	v3 =	vld [tilespmem:s26+$0x0]  }
0x4d0: {  	s9 =	simm.s32 $0x400;
	s4 =	sor.u32 s0, s14;
	s2 =	sor.u32 s0, s30;
	[tilespmem:s31+$0x0] =	vst v4;
	v4 =	vld [tilespmem:s28+$0x0];
	v6 =	vadd.f32 v8, v9;
	v5 =	vadd.f32 v63, v10  }
.LBB2_28:
0x4d1: {  	s3 =	sand.u32 $0x40, s10;
	s17 =	sand.u32 $0x1C00, s9;
	v8 =	vld [tilespmem:s6+$0x0]  }
0x4d2: {  	s0 =	sadd.s32 $0x11780, s17;
	s11 =	sor.u32 $0x30, s3;
	v1 =	vadd.f32 v1, v7;
	v7 =	vld [tilespmem:s5+$0x0]  }
0x4d3: {  	s20 =	sor.u32 s11, s0;
	v2 =	vadd.f32 v2, v5;
	v5 =	vld [tilespmem:s4+$0x0]  }
0x4d4: {  	v0 =	vadd.f32 v0, v6;
	v6 =	vld [tilespmem:s20+$0x0]  }
0x4d5: {  	s13 =	sor.u32 s3, s0;
	v1 =	vadd.f32 v3, v1;
	v3 =	vld [tilespmem:s20+$0x80]  }
0x4d6: {  	v0 =	vadd.f32 v4, v0;
	v4 =	vld [tilespmem:s13+$0x0]  }
0x4d7: {  	v2 =	vadd.f32 v8, v2;
	v8 =	vld [tilespmem:s20+$0x100]  }
0x4d8: {  	s7 =	sadd.s32 $0x40, s7;
	v1 =	vadd.f32 v7, v1;
	v7 =	vld [tilespmem:s13+$0x80]  }
0x4d9: {  	[tilespmem:s7+$0x0] =	vst v2;
	v0 =	vadd.f32 v5, v0;
	v2 =	vld [tilespmem:s20+$0x180]  }
0x4da: {  	v62 =	vld [tilespmem:s13+$0x300]  }
0x4db: {  	s14 =	sor.u32 $0x10, s3;
	[tilespmem:s2+$0x0] =	vst v0;
	v0 =	vld [tilespmem:s20+$0x200]  }
0x4dc: {  	s1 =	sor.u32 s14, s0;
	[tilespmem:s16+$0x0] =	vst v1;
	v3 =	vadd.f32 v3, v6;
	v6 =	vld [tilespmem:s20+$0x280]  }
0x4dd: {  	v1 =	vld [tilespmem:s1+$0x0]  }
0x4de: {  	s15 =	sor.u32 $0x20, s3;
	v5 =	vld [tilespmem:s1+$0x80]  }
0x4df: {  	s12 =	sor.u32 s15, s0;
	v9 =	vld [tilespmem:s1+$0x100];
	v3 =	vadd.f32 v8, v3  }
0x4e0: {  	v8 =	vld [tilespmem:s12+$0x80]  }
0x4e1: {  	v4 =	vadd.f32 v7, v4;
	v7 =	vld [tilespmem:s12+$0x0];
	v2 =	vadd.f32 v2, v3  }
0x4e2: {  	v3 =	vld [tilespmem:s20+$0x300]  }
0x4e3: {  	v0 =	vadd.f32 v0, v2;
	v2 =	vld [tilespmem:s20+$0x380]  }
0x4e4: {  	s21 =	sadd.s32 $0x12B80, s17;
	v1 =	vadd.f32 v5, v1;
	v5 =	vld [tilespmem:s13+$0x100]  }
0x4e5: {  	s25 =	sadd.s32 $0x12C00, s17;
	s24 =	sor.u32 s11, s21;
	v60 =	vld [tilespmem:s1+$0x180];
	v0 =	vadd.f32 v6, v0  }
0x4e6: {  	s29 =	sor.u32 s11, s25;
	v6 =	vld [tilespmem:s24+$0x0]  }
0x4e7: {  	s30 =	sadd.s32 $0x12C80, s17;
	s19 =	sadd.s32 $0x12E00, s17;
	s22 =	sor.u32 s3, s21;
	v0 =	vadd.f32 v3, v0;
	v3 =	vadd.f32 v8, v7;
	v7 =	vld [tilespmem:s29+$0x0]  }
0x4e8: {  	s23 =	sor.u32 s14, s21;
	[dreg:$0x18] =	wrdreg s22;
	s4 =	sor.u32 s11, s30;
	v8 =	vld [tilespmem:s12+$0x100]  }
0x4e9: {  	s0 =	sor.u32 s15, s21;
	s26 =	sor.u32 s3, s25;
	[dreg:$0x6] =	wrdreg s23;
	v0 =	vadd.f32 v2, v0;
	v2 =	vadd.f32 v5, v4;
	v4 =	vld [tilespmem:s4+$0x0]  }
0x4ea: {  	s28 =	sor.u32 s14, s25;
	[dreg:$0xe] =	wrdreg s0;
	s5 =	sadd.s32 $0x12D00, s17;
	v5 =	vld [tilespmem:s13+$0x180]  }
0x4eb: {  	s31 =	sor.u32 s14, s30;
	[dreg:$0x19] =	wrdreg s26;
	s6 =	sor.u32 s11, s5;
	v61 =	vld [tilespmem:s1+$0x200];
	v0 =	vadd.f32 v6, v0  }
0x4ec: {  	[dreg:$0xd] =	wrdreg s28;
	s23 =	sor.u32 s15, s25;
	s16 =	sadd.s32 $0x12D80, s17;
	v6 =	vld [tilespmem:s6+$0x0]  }
0x4ed: {  	[dreg:$0x1a] =	wrdreg s31;
	s26 =	sor.u32 s15, s30;
	s18 =	sor.u32 s11, s16;
	v3 =	vadd.f32 v8, v3;
	v8 =	vld [tilespmem:s12+$0x180];
	v0 =	vadd.f32 v7, v0  }
0x4ee: {  	s28 =	sor.u32 s3, s5;
	s25 =	sor.u32 s14, s5;
	s2 =	sor.u32 s11, s19;
	v7 =	vld [tilespmem:s18+$0x0]  }
0x4ef: {  	s24 =	sor.u32 s3, s30;
	s30 =	sor.u32 s15, s5;
	s5 =	sadd.s32 $0x12E80, s17;
	v2 =	vadd.f32 v5, v2;
	v5 =	vld [tilespmem:s13+$0x200];
	v0 =	vadd.f32 v4, v0  }
0x4f0: {  	s31 =	sor.u32 s3, s16;
	s21 =	sor.u32 s15, s16;
	s6 =	sor.u32 s11, s5;
	v4 =	vld [tilespmem:s2+$0x0]  }
0x4f1: {  	s20 =	sor.u32 s3, s19;
	s29 =	sor.u32 s14, s16;
	s16 =	sadd.s32 $0x12F00, s17;
	v0 =	vadd.f32 v6, v0;
	v6 =	vld [tilespmem:s6+$0x0]  }
0x4f2: {  	s0 =	sor.u32 s3, s5;
	s6 =	sor.u32 s3, s16;
	s3 =	sor.u32 s11, s16;
	v3 =	vadd.f32 v8, v3;
	v8 =	vld [tilespmem:s12+$0x200]  }
0x4f3: {  	s22 =	sor.u32 s14, s19;
	s17 =	sor.u32 s15, s5;
	v0 =	vadd.f32 v7, v0;
	v7 =	vld [tilespmem:s3+$0x0];
	s3 =	sand.u32 $0x380, s10  }
0x4f4: {  	v63 =	vld [tilespmem:s20+$0x0];
	s4 =	sor.u32 s15, s16;
	s18 =	sor.u32 s15, s19;
	s3 =	sadd.s32 $0x14700, s3  }
0x4f5: {  	s19 =	sor.u32 s14, s5;
	s5 =	sor.u32 s14, s16;
	v0 =	vadd.f32 v4, v0;
	v4 =	vld [tilespmem:s13+$0x280];
	s16 =	sor.u32 s14, s3  }
0x4f6: {  	v1 =	vadd.f32 v9, v1;
	v2 =	vadd.f32 v5, v2;
	v5 =	vld [tilespmem:s1+$0x280];
	s2 =	sor.u32 s15, s3;
	s3 =	sor.u32 s11, s3;
	s11 =	rddreg [dreg:$0x18]  }
0x4f7: {  	v3 =	vadd.f32 v8, v3;
	v8 =	vld [tilespmem:s11+$0x0];
	v0 =	vadd.f32 v6, v0  }
0x4f8: {  	v1 =	vadd.f32 v60, v1;
	v6 =	vld [tilespmem:s12+$0x280]  }
0x4f9: {  	v0 =	vadd.f32 v7, v0;
	v7 =	vld [tilespmem:s1+$0x300]  }
0x4fa: {  	v1 =	vadd.f32 v61, v1;
	v2 =	vadd.f32 v4, v2;
	v4 =	vld [tilespmem:s12+$0x300]  }
0x4fb: {  	[tilespmem:s3+$0x0] =	vst v0;
	v0 =	vld [tilespmem:s13+$0x380]  }
0x4fc: {  	v1 =	vadd.f32 v5, v1;
	v5 =	vld [tilespmem:s1+$0x380]  }
0x4fd: {  	v3 =	vadd.f32 v6, v3;
	v6 =	vld [tilespmem:s12+$0x380];
	s12 =	rddreg [dreg:$0x6]  }
0x4fe: {  	s14 =	rddreg [dreg:$0x19];
	v2 =	vadd.f32 v62, v2;
	v1 =	vadd.f32 v7, v1;
	v7 =	vld [tilespmem:s12+$0x0]  }
0x4ff: {  	s13 =	rddreg [dreg:$0xe];
	v3 =	vadd.f32 v4, v3;
	v4 =	vld [tilespmem:s14+$0x0]  }
0x500: {  	s15 =	rddreg [dreg:$0xd];
	v0 =	vadd.f32 v0, v2;
	v2 =	vld [tilespmem:s13+$0x0]  }
0x501: {  	v1 =	vadd.f32 v5, v1;
	v5 =	vld [tilespmem:s15+$0x0]  }
0x502: {  	v3 =	vadd.f32 v6, v3;
	v6 =	vld [tilespmem:s23+$0x0]  }
0x503: {  	v0 =	vadd.f32 v8, v0;
	v8 =	vld [tilespmem:s24+$0x0];
	s24 =	rddreg [dreg:$0x1a]  }
0x504: {  	v1 =	vadd.f32 v7, v1;
	v7 =	vld [tilespmem:s24+$0x0]  }
0x505: {  	v0 =	vadd.f32 v4, v0;
	v4 =	vld [tilespmem:s28+$0x0]  }
0x506: {  	v2 =	vadd.f32 v2, v3;
	v3 =	vld [tilespmem:s26+$0x0]  }
0x507: {  	v1 =	vadd.f32 v5, v1;
	v5 =	vld [tilespmem:s25+$0x0]  }
0x508: {  	v0 =	vadd.f32 v8, v0;
	v8 =	vld [tilespmem:s31+$0x0]  }
0x509: {  	v2 =	vadd.f32 v6, v2;
	v6 =	vld [tilespmem:s30+$0x0]  }
0x50a: {  	s8 =	sadd.s32 $0x4, s8;
	v1 =	vadd.f32 v7, v1;
	v7 =	vld [tilespmem:s29+$0x0]  }
0x50b: {  	p0 =	slt.u32 s8, $0x24;
	v0 =	vadd.f32 v4, v0;
	v4 =	vld [tilespmem:s21+$0x0]  }
.Ltmp14:
0x50c: {  	v2 =	vadd.f32 v3, v2;
	v3 =	vadd.f32 v5, v1;
	v1 =	vld [tilespmem:s22+$0x0];
	(pc) =	sbr.rel @p0 .LBB2_28-.Ltmp14, $4  }
0x50d: {  	v8 =	vadd.f32 v8, v0;
	v0 =	vld [tilespmem:s18+$0x0]  }
0x50e: {  	v5 =	vadd.f32 v6, v2;
	v2 =	vld [tilespmem:s0+$0x0]  }
0x50f: {  	v7 =	vadd.f32 v7, v3;
	v3 =	vld [tilespmem:s19+$0x0]  }
0x510: {  	s9 =	sadd.s32 $0x200, s9;
	s10 =	sadd.s32 $0x40, s10;
	v6 =	vadd.f32 v4, v5;
	v5 =	vadd.f32 v63, v8;
	v4 =	vld [tilespmem:s17+$0x0]  }
0x511: {  	v8 =	vld [tilespmem:s6+$0x0]  }
0x512: {  	v9 =	vld [tilespmem:s5+$0x0]  }
0x513: {  	v1 =	vadd.f32 v1, v7;
	v7 =	vld [tilespmem:s4+$0x0]  }
0x514: {  	v0 =	vadd.f32 v0, v6;
	v2 =	vadd.f32 v2, v5  }
0x515: {  	v1 =	vadd.f32 v3, v1  }
0x516: {  	v0 =	vadd.f32 v4, v0;
	v2 =	vadd.f32 v8, v2  }
0x517: {  	s0 =	sadd.s32 $0x40, s7;
	v1 =	vadd.f32 v9, v1  }
0x518: {  	v0 =	vadd.f32 v7, v0;
	[tilespmem:s0+$0x0] =	vst v2  }
0x519: {  	[tilespmem:s16+$0x0] =	vst v1  }
0x51a: {  	s1 =	simm.s32 $0x14490;
	[tilespmem:s2+$0x0] =	vst v0  }
0x51b: {  	s0 =	simm.s32 $0x14710;
	v2 =	vld [tilespmem:s1+$0x0]  }
0x51c: {  	v3 =	vld [tilespmem:s0+$0x0]  }
0x51d: {  	v5 =	vld [tilespmem:s1+$0xFFFFFFF0]  }
0x51e: {  	s30 =	simm.s32 $0x13F90;
	v6 =	vld [tilespmem:s0+$0xFFFFFFF0]  }
0x51f: {  	v7 =	vld [tilespmem:s30+$0xFFFFFFF0]  }
0x520: {  	s31 =	simm.s32 $0x144B0;
	v8 =	vld [tilespmem:s30+$0x0]  }
0x521: {  	v4 =	vld [tilespmem:s31+$0x0]  }
0x522: {  	s1 =	simm.s32 $0x14730;
	v1 =	vld [tilespmem:s31+$0xFFFFFFF0]  }
0x523: {  	v0 =	vld [tilespmem:s1+$0x0]  }
0x524: {  	s2 =	simm.s32 $0x13FB0;
	v6 =	vadd.f32 v5, v6;
	v3 =	vadd.f32 v2, v3;
	v5 =	vld [tilespmem:s1+$0xFFFFFFF0]  }
0x525: {  	v2 =	vld [tilespmem:s2+$0xFFFFFFF0]  }
0x526: {  	s3 =	simm.s32 $0x2;
	s5 =	simm.s32 $0x144D0;
	s4 =	simm.s32 $0x14730;
	v7 =	vmul.f32 v6, v7;
	v6 =	vmul.f32 v3, v8;
	v3 =	vld [tilespmem:s2+$0x0]  }
.LBB2_30:
0x527: {  	s3 =	sadd.s32 $0x2, s3  }
0x528: {  	v8 =	vld [tilespmem:s5+$0x0];
	s1 =	sadd.s32 $0x20, s1;
	[tilespmem:s0+$0xFFFFFFF0] =	vst v7;
	v7 =	vmov v0;
	p0 =	slt.u32 s3, $0x26  }
.Ltmp15:
0x529: {  	v0 =	vld [tilespmem:s1+$0x0];
	[tilespmem:s0+$0x0] =	vst v6;
	s0 =	smov.u32 s4;
	(pc) =	sbr.rel @p0 .LBB2_30-.Ltmp15, $4  }
0x52a: {  	v9 =	vadd.f32 v4, v7;
	s4 =	smov.u32 s1;
	v6 =	vadd.f32 v1, v5;
	v1 =	vld [tilespmem:s5+$0xFFFFFFF0]  }
0x52b: {  	s2 =	sadd.s32 $0x20, s2;
	v5 =	vld [tilespmem:s1+$0xFFFFFFF0]  }
0x52c: {  	v7 =	vmul.f32 v6, v2;
	v2 =	vld [tilespmem:s2+$0xFFFFFFF0];
	v6 =	vmul.f32 v9, v3  }
0x52d: {  	s5 =	sadd.s32 $0x20, s5;
	v3 =	vld [tilespmem:s2+$0x0];
	v4 =	vmov v8  }
0x52e: {  	_ =	sdelay $0x1  }
0x52f: {  	v1 =	vadd.f32 v1, v5  }
0x530: {  	v0 =	vadd.f32 v4, v0  }
0x531: {  	[tilespmem:s0+$0xFFFFFFF0] =	vst v7;
	v1 =	vmul.f32 v1, v2  }
0x532: {  	[tilespmem:s0+$0x0] =	vst v6;
	v0 =	vmul.f32 v0, v3  }
0x533: {  	[tilespmem:s4+$0xFFFFFFF0] =	vst v1  }
0x534: {  	s7 =	simm.s32 $0x0;
	s31 =	simm.s32 $0x14700;
	s0 =	stileid.u32;
	[tilespmem:s4+$0x0] =	vst v0  }
0x535: {  	s6 =	simm.s32 $0x2;
	p0 =	sgt.u32 s0, $0x9;
	s1 =	rddreg [dreg:$0x1f]  }
0x536: {  	[hbm4b:s1+s7] =	stream.linear.scatter [tilespmem:s31], [sflag:$0x2], $0x280, $0x38;
	[tilespmem:$0x15180] =	vst v63  }
.Ltmp16:
0x537: {  	_ =	swait.ge [sflag:s6], $0x280;
	(pc) =	sbr.rel @p0 .LBB2_33-.Ltmp16, $4  }
0x538: {  	[sflag:s6] =	ssyncset.done $0x0  }
0x539: {  	[sflag:s6] =	ssyncadd.s32 $0xFFFFFD80  }
0x53a: {  	[bflag:$0x0] =	sbarrier.arrive $0xFFFF  }
0x53b: {  	s2 =	rddreg [dreg:$0x1e]  }
0x53c: {  	s1 =	simm.s32 $0x14D80  }
0x53d: {  	[tilespmem:s1], [sflag:$0x2] =	stream.linear.gather [hbm4b:s2+s7], $0x400, $0x38;
	[tilespmem:$0x15180] =	vst v63  }
0x53e: {  	_ =	swait.ge [sflag:s6], $0x400  }
0x53f: {  	[sflag:s6] =	ssyncset.done $0x0  }
0x540: {  	[sflag:s6] =	ssyncadd.s32 $0xFFFFFC00  }
0x541: {  	v0 =	vld [tilespmem:$0x14D80]  }
0x542: {  	v1 =	vld [tilespmem:$0x14D90]  }
0x543: {  	v2 =	vld [tilespmem:$0x14DA0]  }
0x544: {  	v3 =	vld [tilespmem:$0x14DB0]  }
0x545: {  	v4 =	vld [tilespmem:$0x14DC0]  }
0x546: {  	v53 =	vld [tilespmem:$0x14DD0];
	[tilespmem:$0x14980] =	vst v0  }
0x547: {  	v54 =	vld [tilespmem:$0x14DE0];
	[tilespmem:$0x14990] =	vst v1  }
0x548: {  	v55 =	vld [tilespmem:$0x14DF0];
	[tilespmem:$0x149A0] =	vst v2  }
0x549: {  	v56 =	vld [tilespmem:$0x14E00];
	[tilespmem:$0x149B0] =	vst v3  }
0x54a: {  	v57 =	vld [tilespmem:$0x14E10];
	[tilespmem:$0x149C0] =	vst v4  }
0x54b: {  	v58 =	vld [tilespmem:$0x14E20];
	[tilespmem:$0x149D0] =	vst v53  }
0x54c: {  	v59 =	vld [tilespmem:$0x14E30];
	[tilespmem:$0x149E0] =	vst v54  }
0x54d: {  	v60 =	vld [tilespmem:$0x14E40];
	[tilespmem:$0x149F0] =	vst v55  }
0x54e: {  	v61 =	vld [tilespmem:$0x14E50];
	[tilespmem:$0x14A00] =	vst v56  }
0x54f: {  	v62 =	vld [tilespmem:$0x14E60];
	[tilespmem:$0x14A10] =	vst v57  }
0x550: {  	v63 =	vld [tilespmem:$0x14E70];
	[tilespmem:$0x14A20] =	vst v58  }
0x551: {  	v8 =	vld [tilespmem:$0x14E80];
	[tilespmem:$0x14A30] =	vst v59  }
0x552: {  	v9 =	vld [tilespmem:$0x14E90];
	[tilespmem:$0x14A40] =	vst v60  }
0x553: {  	v10 =	vld [tilespmem:$0x14EA0];
	[tilespmem:$0x14A50] =	vst v61  }
0x554: {  	v11 =	vld [tilespmem:$0x14EB0];
	[tilespmem:$0x14A60] =	vst v62  }
0x555: {  	v12 =	vld [tilespmem:$0x14EC0];
	[tilespmem:$0x14A70] =	vst v63  }
0x556: {  	v13 =	vld [tilespmem:$0x14ED0];
	[tilespmem:$0x14A80] =	vst v8  }
0x557: {  	v14 =	vld [tilespmem:$0x14EE0];
	[tilespmem:$0x14A90] =	vst v9  }
0x558: {  	v15 =	vld [tilespmem:$0x14EF0];
	[tilespmem:$0x14AA0] =	vst v10  }
0x559: {  	v16 =	vld [tilespmem:$0x14F00];
	[tilespmem:$0x14AB0] =	vst v11  }
0x55a: {  	v17 =	vld [tilespmem:$0x14F10];
	[tilespmem:$0x14AC0] =	vst v12  }
0x55b: {  	v18 =	vld [tilespmem:$0x14F20];
	[tilespmem:$0x14AD0] =	vst v13  }
0x55c: {  	v19 =	vld [tilespmem:$0x14F30];
	[tilespmem:$0x14AE0] =	vst v14  }
0x55d: {  	v20 =	vld [tilespmem:$0x14F40];
	[tilespmem:$0x14AF0] =	vst v15  }
0x55e: {  	v21 =	vld [tilespmem:$0x14F50];
	[tilespmem:$0x14B00] =	vst v16  }
0x55f: {  	v22 =	vld [tilespmem:$0x14F60];
	[tilespmem:$0x14B10] =	vst v17  }
0x560: {  	v23 =	vld [tilespmem:$0x14F70];
	[tilespmem:$0x14B20] =	vst v18  }
0x561: {  	v24 =	vld [tilespmem:$0x14F80];
	[tilespmem:$0x14B30] =	vst v19  }
0x562: {  	v25 =	vld [tilespmem:$0x14F90];
	[tilespmem:$0x14B40] =	vst v20  }
0x563: {  	v26 =	vld [tilespmem:$0x14FA0];
	[tilespmem:$0x14B50] =	vst v21  }
0x564: {  	v27 =	vld [tilespmem:$0x14FB0];
	[tilespmem:$0x14B60] =	vst v22  }
0x565: {  	v28 =	vld [tilespmem:$0x14FC0];
	[tilespmem:$0x14B70] =	vst v23  }
0x566: {  	v29 =	vld [tilespmem:$0x14FD0];
	[tilespmem:$0x14B80] =	vst v24  }
0x567: {  	v30 =	vld [tilespmem:$0x14FE0];
	[tilespmem:$0x14B90] =	vst v25  }
0x568: {  	v31 =	vld [tilespmem:$0x14FF0];
	[tilespmem:$0x14BA0] =	vst v26  }
0x569: {  	v32 =	vld [tilespmem:$0x15000];
	[tilespmem:$0x14BB0] =	vst v27  }
0x56a: {  	v33 =	vld [tilespmem:$0x15010];
	[tilespmem:$0x14BC0] =	vst v28  }
0x56b: {  	v34 =	vld [tilespmem:$0x15020];
	[tilespmem:$0x14BD0] =	vst v29  }
0x56c: {  	v35 =	vld [tilespmem:$0x15030];
	[tilespmem:$0x14BE0] =	vst v30  }
0x56d: {  	v36 =	vld [tilespmem:$0x15040];
	[tilespmem:$0x14BF0] =	vst v31  }
0x56e: {  	v37 =	vld [tilespmem:$0x15050];
	[tilespmem:$0x14C00] =	vst v32  }
0x56f: {  	v38 =	vld [tilespmem:$0x15060];
	[tilespmem:$0x14C10] =	vst v33  }
0x570: {  	v39 =	vld [tilespmem:$0x15070];
	[tilespmem:$0x14C20] =	vst v34  }
0x571: {  	v40 =	vld [tilespmem:$0x15080];
	[tilespmem:$0x14C30] =	vst v35  }
0x572: {  	v41 =	vld [tilespmem:$0x15090];
	[tilespmem:$0x14C40] =	vst v36  }
0x573: {  	v42 =	vld [tilespmem:$0x150A0];
	[tilespmem:$0x14C50] =	vst v37  }
0x574: {  	v43 =	vld [tilespmem:$0x150B0];
	[tilespmem:$0x14C60] =	vst v38  }
0x575: {  	v44 =	vld [tilespmem:$0x150C0];
	[tilespmem:$0x14C70] =	vst v39  }
0x576: {  	v45 =	vld [tilespmem:$0x150D0];
	[tilespmem:$0x14C80] =	vst v40  }
0x577: {  	v46 =	vld [tilespmem:$0x150E0];
	[tilespmem:$0x14C90] =	vst v41  }
0x578: {  	v47 =	vld [tilespmem:$0x150F0];
	[tilespmem:$0x14CA0] =	vst v42  }
0x579: {  	v48 =	vld [tilespmem:$0x15100];
	[tilespmem:$0x14CB0] =	vst v43  }
0x57a: {  	v49 =	vld [tilespmem:$0x15110];
	[tilespmem:$0x14CC0] =	vst v44  }
0x57b: {  	v50 =	vld [tilespmem:$0x15120];
	[tilespmem:$0x14CD0] =	vst v45  }
0x57c: {  	v51 =	vld [tilespmem:$0x15130];
	[tilespmem:$0x14CE0] =	vst v46  }
0x57d: {  	v52 =	vld [tilespmem:$0x15140];
	[tilespmem:$0x14CF0] =	vst v47  }
0x57e: {  	[tilespmem:$0x14D00] =	vst v48;
	v53 =	vld [tilespmem:$0x15150]  }
0x57f: {  	[tilespmem:$0x14D10] =	vst v49;
	v54 =	vld [tilespmem:$0x15160]  }
0x580: {  	[tilespmem:$0x14D20] =	vst v50;
	v55 =	vld [tilespmem:$0x15170]  }
0x581: {  	[tilespmem:$0x14D30] =	vst v51  }
0x582: {  	[tilespmem:$0x14D40] =	vst v52  }
0x583: {  	[tilespmem:$0x14D50] =	vst v53  }
0x584: {  	[tilespmem:$0x14D60] =	vst v54  }
0x585: {  	s29 =	simm.s32 $0x14980;
	s3 =	rddreg [dreg:$0x1d];
	[tilespmem:$0x14D70] =	vst v55  }
0x586: {  	[hbm4b:s3+s7] =	stream.linear.scatter [tilespmem:s29], [sflag:$0x2], $0x400, $0x38;
	[tilespmem:$0x15180] =	vst v63  }
0x587: {  	_ =	swait.ge [sflag:s6], $0x400  }
0x588: {  	[sflag:s6] =	ssyncset.done $0x0  }
0x589: {  	s30 =	rddreg [dreg:$0x1c];
	[sflag:s6] =	ssyncadd.s32 $0xFFFFFC00  }
0x58a: {  	[tilespmem:s1], [sflag:$0x2] =	stream.linear.gather [hbm4b:s30+s7], $0x400, $0x38;
	[tilespmem:$0x15180] =	vst v63  }
0x58b: {  	_ =	swait.ge [sflag:s6], $0x400  }
0x58c: {  	[sflag:s6] =	ssyncset.done $0x0  }
0x58d: {  	[sflag:s6] =	ssyncadd.s32 $0xFFFFFC00  }
0x58e: {  	v56 =	vld [tilespmem:$0x14D80]  }
0x58f: {  	v57 =	vld [tilespmem:$0x14D90]  }
0x590: {  	v58 =	vld [tilespmem:$0x14DA0]  }
0x591: {  	v59 =	vld [tilespmem:$0x14DB0]  }
0x592: {  	v60 =	vld [tilespmem:$0x14DC0]  }
0x593: {  	v61 =	vld [tilespmem:$0x14DD0];
	[tilespmem:$0x14980] =	vst v56  }
0x594: {  	v62 =	vld [tilespmem:$0x14DE0];
	[tilespmem:$0x14990] =	vst v57  }
0x595: {  	v63 =	vld [tilespmem:$0x14DF0];
	[tilespmem:$0x149A0] =	vst v58  }
0x596: {  	v8 =	vld [tilespmem:$0x14E00];
	[tilespmem:$0x149B0] =	vst v59  }
0x597: {  	v9 =	vld [tilespmem:$0x14E10];
	[tilespmem:$0x149C0] =	vst v60  }
0x598: {  	v10 =	vld [tilespmem:$0x14E20];
	[tilespmem:$0x149D0] =	vst v61  }
0x599: {  	v11 =	vld [tilespmem:$0x14E30];
	[tilespmem:$0x149E0] =	vst v62  }
0x59a: {  	v12 =	vld [tilespmem:$0x14E40];
	[tilespmem:$0x149F0] =	vst v63  }
0x59b: {  	v13 =	vld [tilespmem:$0x14E50];
	[tilespmem:$0x14A00] =	vst v8  }
0x59c: {  	v14 =	vld [tilespmem:$0x14E60];
	[tilespmem:$0x14A10] =	vst v9  }
0x59d: {  	v15 =	vld [tilespmem:$0x14E70];
	[tilespmem:$0x14A20] =	vst v10  }
0x59e: {  	v16 =	vld [tilespmem:$0x14E80];
	[tilespmem:$0x14A30] =	vst v11  }
0x59f: {  	v17 =	vld [tilespmem:$0x14E90];
	[tilespmem:$0x14A40] =	vst v12  }
0x5a0: {  	v18 =	vld [tilespmem:$0x14EA0];
	[tilespmem:$0x14A50] =	vst v13  }
0x5a1: {  	v19 =	vld [tilespmem:$0x14EB0];
	[tilespmem:$0x14A60] =	vst v14  }
0x5a2: {  	v20 =	vld [tilespmem:$0x14EC0];
	[tilespmem:$0x14A70] =	vst v15  }
0x5a3: {  	v21 =	vld [tilespmem:$0x14ED0];
	[tilespmem:$0x14A80] =	vst v16  }
0x5a4: {  	v22 =	vld [tilespmem:$0x14EE0];
	[tilespmem:$0x14A90] =	vst v17  }
0x5a5: {  	v23 =	vld [tilespmem:$0x14EF0];
	[tilespmem:$0x14AA0] =	vst v18  }
0x5a6: {  	v24 =	vld [tilespmem:$0x14F00];
	[tilespmem:$0x14AB0] =	vst v19  }
0x5a7: {  	v25 =	vld [tilespmem:$0x14F10];
	[tilespmem:$0x14AC0] =	vst v20  }
0x5a8: {  	v26 =	vld [tilespmem:$0x14F20];
	[tilespmem:$0x14AD0] =	vst v21  }
0x5a9: {  	v27 =	vld [tilespmem:$0x14F30];
	[tilespmem:$0x14AE0] =	vst v22  }
0x5aa: {  	v28 =	vld [tilespmem:$0x14F40];
	[tilespmem:$0x14AF0] =	vst v23  }
0x5ab: {  	v29 =	vld [tilespmem:$0x14F50];
	[tilespmem:$0x14B00] =	vst v24  }
0x5ac: {  	v30 =	vld [tilespmem:$0x14F60];
	[tilespmem:$0x14B10] =	vst v25  }
0x5ad: {  	v31 =	vld [tilespmem:$0x14F70];
	[tilespmem:$0x14B20] =	vst v26  }
0x5ae: {  	v32 =	vld [tilespmem:$0x14F80];
	[tilespmem:$0x14B30] =	vst v27  }
0x5af: {  	v33 =	vld [tilespmem:$0x14F90];
	[tilespmem:$0x14B40] =	vst v28  }
0x5b0: {  	v34 =	vld [tilespmem:$0x14FA0];
	[tilespmem:$0x14B50] =	vst v29  }
0x5b1: {  	v35 =	vld [tilespmem:$0x14FB0];
	[tilespmem:$0x14B60] =	vst v30  }
0x5b2: {  	v36 =	vld [tilespmem:$0x14FC0];
	[tilespmem:$0x14B70] =	vst v31  }
0x5b3: {  	v37 =	vld [tilespmem:$0x14FD0];
	[tilespmem:$0x14B80] =	vst v32  }
0x5b4: {  	v38 =	vld [tilespmem:$0x14FE0];
	[tilespmem:$0x14B90] =	vst v33  }
0x5b5: {  	v39 =	vld [tilespmem:$0x14FF0];
	[tilespmem:$0x14BA0] =	vst v34  }
0x5b6: {  	v40 =	vld [tilespmem:$0x15000];
	[tilespmem:$0x14BB0] =	vst v35  }
0x5b7: {  	v41 =	vld [tilespmem:$0x15010];
	[tilespmem:$0x14BC0] =	vst v36  }
0x5b8: {  	v42 =	vld [tilespmem:$0x15020];
	[tilespmem:$0x14BD0] =	vst v37  }
0x5b9: {  	v43 =	vld [tilespmem:$0x15030];
	[tilespmem:$0x14BE0] =	vst v38  }
0x5ba: {  	v44 =	vld [tilespmem:$0x15040];
	[tilespmem:$0x14BF0] =	vst v39  }
0x5bb: {  	v45 =	vld [tilespmem:$0x15050];
	[tilespmem:$0x14C00] =	vst v40  }
0x5bc: {  	v46 =	vld [tilespmem:$0x15060];
	[tilespmem:$0x14C10] =	vst v41  }
0x5bd: {  	v47 =	vld [tilespmem:$0x15070];
	[tilespmem:$0x14C20] =	vst v42  }
0x5be: {  	v48 =	vld [tilespmem:$0x15080];
	[tilespmem:$0x14C30] =	vst v43  }
0x5bf: {  	v49 =	vld [tilespmem:$0x15090];
	[tilespmem:$0x14C40] =	vst v44  }
0x5c0: {  	v50 =	vld [tilespmem:$0x150A0];
	[tilespmem:$0x14C50] =	vst v45  }
0x5c1: {  	v51 =	vld [tilespmem:$0x150B0];
	[tilespmem:$0x14C60] =	vst v46  }
0x5c2: {  	v52 =	vld [tilespmem:$0x150C0];
	[tilespmem:$0x14C70] =	vst v47  }
0x5c3: {  	v53 =	vld [tilespmem:$0x150D0];
	[tilespmem:$0x14C80] =	vst v48  }
0x5c4: {  	v54 =	vld [tilespmem:$0x150E0];
	[tilespmem:$0x14C90] =	vst v49  }
0x5c5: {  	v55 =	vld [tilespmem:$0x150F0];
	[tilespmem:$0x14CA0] =	vst v50  }
0x5c6: {  	[tilespmem:$0x14CB0] =	vst v51;
	v56 =	vld [tilespmem:$0x15100]  }
0x5c7: {  	[tilespmem:$0x14CC0] =	vst v52;
	v57 =	vld [tilespmem:$0x15110]  }
0x5c8: {  	[tilespmem:$0x14CD0] =	vst v53;
	v58 =	vld [tilespmem:$0x15120]  }
0x5c9: {  	[tilespmem:$0x14CE0] =	vst v54;
	v59 =	vld [tilespmem:$0x15130]  }
0x5ca: {  	[tilespmem:$0x14CF0] =	vst v55;
	v60 =	vld [tilespmem:$0x15140]  }
0x5cb: {  	v61 =	vld [tilespmem:$0x15150];
	[tilespmem:$0x14D00] =	vst v56  }
0x5cc: {  	v62 =	vld [tilespmem:$0x15160];
	[tilespmem:$0x14D10] =	vst v57  }
0x5cd: {  	v63 =	vld [tilespmem:$0x15170];
	[tilespmem:$0x14D20] =	vst v58  }
0x5ce: {  	[tilespmem:$0x14D30] =	vst v59  }
0x5cf: {  	[tilespmem:$0x14D40] =	vst v60  }
0x5d0: {  	[tilespmem:$0x14D50] =	vst v61  }
0x5d1: {  	[tilespmem:$0x14D60] =	vst v62  }
0x5d2: {  	s31 =	rddreg [dreg:$0x1b];
	[tilespmem:$0x14D70] =	vst v63  }
0x5d3: {  	[hbm4b:s31+s7] =	stream.linear.scatter [tilespmem:s29], [sflag:$0x2], $0x400, $0x38;
	[tilespmem:$0x15180] =	vst v63  }
0x5d4: {  	_ =	swait.ge [sflag:s6], $0x400  }
0x5d5: {  	[sflag:s6] =	ssyncset.done $0x0  }
0x5d6: {  	[sflag:s6] =	ssyncadd.s32 $0xFFFFFC00  }
.LBB2_33:
0x5d7: {  	_ =	sfence.sel $0x180000  }
0x5d8: {  	[bflag:$0x0] =	sbarrier.arrive $0xFFFF  }
0x5d9: {  	_ =	strace $0x90000047  }
0x5da: {  	[bflag:$0x2] =	sbarrier.arrive $0xFFFF  }
0x5db: {  	p0 =	sne.s32 s0, $0x0;
	s0 =	rddreg [dreg:$0x2]  }
0x5dc: {  	s0 =	sadd.s32 @!p0 $0x100000, s0  }
0x5dd: {  	[sflag:s0] =	ssyncadd.tile.s32 @!p0 $0x1;
	_ =	shalt  }
.Lfunc_end2:
_tile_overlayer_lowered:
.L_overlay_start_2:
0x5de: {  	(tag) =	ssettag $0x2  }
0x5df: {  	s0 =	rddreg [dreg:$0x0];
	s2 =	stileid.u32  }
0x5e0: {  	s1 =	rddreg [dreg:$0x1];
	p0 =	sne.s32 s2, $0x0  }
0x5e1: {  	s3 =	rddreg [dreg:$0x2];
	[bflag:$0x3] =	sbarrier.arrive $0xFFFF;
	s2 =	simm.s32 @!p0 $0x1C02  }
0x5e2: {  	[timem:s3], [sflag:s2] =	dma.local @!p0 [hbm:s0], s1  }
0x5e3: {  	s0 =	simm.s32 @!p0 $0x2  }
0x5e4: {  	_ =	swait.ge @!p0 [sflag:s0], s1  }
0x5e5: {  	s1 =	ssub.s32 @!p0 $0x0, s1;
	[sflag:s0] =	ssyncset.done @!p0 $0x0  }
0x5e6: {  	[sflag:s0] =	ssyncadd.s32 @!p0 s1  }
0x5e7: {  	[bflag:$0x3] =	sbarrier.arrive $0xFFFF  }
0x5e8: {  	_ =	shalt  }

</sc_bundles>
